<compile_context>
chip_gen: v7x
topology: tpu7x:2x2x1
jax: 0.10.2.dev20260603
libtpu: 0.0.44.dev20260713+nightly
codegen_flags: <defaults>
</compile_context>

<pallas_src>
import math

import jax
import jax.numpy as jnp
import numpy as np
from jax import lax
from jax.experimental import pallas as pl
from jax.experimental.pallas import tpu as pltpu
from jax.experimental.pallas import tpu_sc as plsc

D_MODEL = 128
SEQ = 50
BATCH = 4096
NUM_WORKERS = 32
BPW = BATCH // NUM_WORKERS
NVEC = D_MODEL // 16


def _pe_table(seq_len: int, d_model: int) -> np.ndarray:
    position = np.arange(seq_len, dtype=np.float32)[:, None]
    div_term = np.exp(
        np.arange(0, d_model, 2, dtype=np.float32) * (-math.log(10000.0) / d_model)
    )
    pe = np.zeros((seq_len, d_model), dtype=np.float32)
    pe[:, 0::2] = np.sin(position * div_term)
    pe[:, 1::2] = np.cos(position * div_term)
    return pe


_PE = _pe_table(SEQ, D_MODEL)

_MESH = plsc.VectorSubcoreMesh(core_axis_name="c", subcore_axis_name="s")

NGB = 4
NSB = 2

_SCRATCH = [
    pltpu.VMEM((SEQ, D_MODEL), jnp.float32),
    pltpu.VMEM((SEQ, BPW), jnp.int32),
    *[pltpu.VMEM((BPW, D_MODEL), jnp.float32) for _ in range(NGB)],
    *[pltpu.VMEM((BPW, D_MODEL), jnp.float32) for _ in range(NSB)],
    *[pltpu.SemaphoreType.DMA for _ in range(NGB + NSB)],
]


def _sc_body(xT_hbm, table_hbm, pe_hbm, out_hbm,
                 pe_v, idx_v, g0, g1, g2, g3, s0, s1,
                 sem_g0, sem_g1, sem_g2, sem_g3, sem_s0, sem_s1):
    wid = lax.axis_index("s") * 2 + lax.axis_index("c")
    b0 = wid * BPW

    gbuf = (g0, g1, g2, g3)
    sbuf = (s0, s1)
    sem_g = (sem_g0, sem_g1, sem_g2, sem_g3)
    sem_s = (sem_s0, sem_s1)

    IDX_HEAD = 8
    pltpu.sync_copy(xT_hbm.at[pl.ds(0, IDX_HEAD), pl.ds(b0, BPW)],
                    idx_v.at[pl.ds(0, IDX_HEAD)])
    pe_copy = pltpu.async_copy(pe_hbm, pe_v, sem_s0)
    idx_rest = pltpu.async_copy(
        xT_hbm.at[pl.ds(IDX_HEAD, SEQ - IDX_HEAD), pl.ds(b0, BPW)],
        idx_v.at[pl.ds(IDX_HEAD, SEQ - IDX_HEAD)], sem_s1)

    def start_gather(l, b):
        pltpu.async_copy(table_hbm.at[idx_v.at[l]], gbuf[b], sem_g[b])

    def wait_gather(l, b):
        pltpu.make_async_copy(table_hbm.at[idx_v.at[l]], gbuf[b], sem_g[b]).wait()

    def start_scatter(l, b):
        pltpu.async_copy(sbuf[b], out_hbm.at[l, pl.ds(b0, BPW)], sem_s[b])

    def wait_scatter(l, b):
        pltpu.make_async_copy(sbuf[b], out_hbm.at[l, pl.ds(b0, BPW)], sem_s[b]).wait()

    def compute(l, b, bs):
        gb, sb = gbuf[b], sbuf[bs]
        pe_row = [pe_v[l, pl.ds(c * 16, 16)] for c in range(NVEC)]

        @plsc.parallel_loop(0, BPW, unroll=4)
        def _(r):
            for c in range(NVEC):
                sl = pl.ds(c * 16, 16)
                sb[r, sl] = gb[r, sl] + pe_row[c]

    def step(l, bg, bs, first, last):
        wait_gather(l, bg)
        if not first:
            wait_scatter(l - NSB, bs)
        compute(l, bg, bs)
        start_scatter(l, bs)
        if not last:
            start_gather(l + NGB, bg)

    for b in range(NGB):
        start_gather(b, b)
    pe_copy.wait()
    idx_rest.wait()

    for l in range(NSB):
        step(l, l % NGB, l % NSB, True, False)

    @pl.loop(NSB, SEQ - NGB, step=NGB)
    def _(l):
        for j in range(NGB):
            step(l + j, (NSB + j) % NGB, j % NSB, False, False)

    for l in range(SEQ - NGB, SEQ):
        step(l, l % NGB, l % NSB, False, True)

    for l in range(SEQ - NSB, SEQ):
        wait_scatter(l, l % NSB)


_sc_embed_pe = pl.kernel(
    _sc_body,
    out_type=jax.ShapeDtypeStruct((SEQ, BATCH, D_MODEL), jnp.float32),
    mesh=_MESH,
    scratch_types=_SCRATCH,
)


def kernel(x, table):
    pe = jnp.asarray(_PE)
    xT = x.T
    return _sc_embed_pe(xT, table, pe).transpose(1, 0, 2)

# --- scband reference (transcript-rebuilt; emitter-appended) ---
"""Pipeline reference for scband-positional-encoding-24876450578812 (READ-ONLY COPY).

The authoritative reference and input builder live on the scoring server;
editing this copy changes nothing except your own understanding.
"""

import jax, jax.numpy as jnp
import numpy as np

D_MODEL = 128
VOCAB = 100000
BATCH = 4096
SEQ = 50


def positional_encoding(seq_len, d_model):
    position = jnp.arange(seq_len, dtype=jnp.float32)[:, None]
    div_term = jnp.exp(jnp.arange(0, d_model, 2, dtype=jnp.float32) * (-np.log(10000.0) / d_model))
    pe = jnp.zeros((seq_len, d_model), dtype=jnp.float32)
    pe = pe.at[:, 0::2].set(jnp.sin(position * div_term))
    pe = pe.at[:, 1::2].set(jnp.cos(position * div_term))
    return pe


def setup_inputs(seed: int = 0) -> dict:
    key = jax.random.key(seed)
    k1, k2 = jax.random.split(key)
    x = jax.random.randint(k1, (BATCH, SEQ), 0, VOCAB, dtype=jnp.int32)
    table = jax.random.normal(k2, (VOCAB, D_MODEL), dtype=jnp.float32)
    return {"x": x, "table": table}


def reference(x, table):
    # embedding lookup (gather)
    embed = jnp.take(table, x, axis=0)  # [B, L, d_model]
    # sinusoidal positional encoding over sequence positions (module intent)
    pe = positional_encoding(x.shape[1], table.shape[1])  # [L, d_model]
    return embed + pe[None, :, :]

if __name__ == "__main__":
    import jax
    _d = setup_inputs()
    print(jax.jit(kernel)(*tuple(_d.values())))

</pallas_src>

<mosaic_0001>
#map = affine_map<(d0, d1) -> (0, 0)>
#map1 = affine_map<(d0, d1) -> (0, 0, 0)>
module attributes {stable_mosaic.version = 14 : i64} {
  func.func @_sc_body(%arg0: i32, %arg1: i32, %arg2: memref<50x4096xi32, #tpu.memory_space<hbm>>, %arg3: memref<100000x128xf32, #tpu.memory_space<hbm>>, %arg4: memref<50x128xf32, #tpu.memory_space<hbm>>, %arg5: memref<50x4096x128xf32, #tpu.memory_space<hbm>>, %arg6: memref<50x128xf32, #tpu.memory_space<vmem>>, %arg7: memref<50x128xi32, #tpu.memory_space<vmem>>, %arg8: memref<128x128xf32, #tpu.memory_space<vmem>>, %arg9: memref<128x128xf32, #tpu.memory_space<vmem>>, %arg10: memref<128x128xf32, #tpu.memory_space<vmem>>, %arg11: memref<128x128xf32, #tpu.memory_space<vmem>>, %arg12: memref<128x128xf32, #tpu.memory_space<vmem>>, %arg13: memref<128x128xf32, #tpu.memory_space<vmem>>, %arg14: memref<!tpu.dma_semaphore, #tpu.memory_space<semaphore_mem>>, %arg15: memref<!tpu.dma_semaphore, #tpu.memory_space<semaphore_mem>>, %arg16: memref<!tpu.dma_semaphore, #tpu.memory_space<semaphore_mem>>, %arg17: memref<!tpu.dma_semaphore, #tpu.memory_space<semaphore_mem>>, %arg18: memref<!tpu.dma_semaphore, #tpu.memory_space<semaphore_mem>>, %arg19: memref<!tpu.dma_semaphore, #tpu.memory_space<semaphore_mem>>) attributes {dimension_semantics = [#tpu.dimension_semantics<core_parallel>, #tpu.dimension_semantics<subcore_parallel>], iteration_bounds = array<i64: 2, 16>, scalar_prefetch = 0 : i64, scratch_operands = 14 : i64, tpu.core_type = #tpu.core_type<sc_vector_subcore>, window_params = [{transform_indices = #map}, {transform_indices = #map}, {transform_indices = #map}, {transform_indices = #map1}]} {
    %mul3A = arith.constant 2 : i32
    %mul3A_0 = arith.muli %arg1, %mul3A : i32
    %add3A = arith.addi %mul3A_0, %arg0 : i32
    %mul3A_1 = arith.constant 128 : i32
    %mul3A_2 = arith.muli %add3A, %mul3A_1 : i32
    "tpu.region"() ({
      %run_scoped3A = tpu.sem_alloc : memref<!tpu.dma_semaphore, #tpu.memory_space<semaphore_mem>>
      %dma_start3A_449 = arith.constant 0 : i32
      %dma_start3A_450 = arith.constant 0 : i32
      %dma_start3A_451 = tpu.memref_slice %arg7[%dma_start3A_449, %dma_start3A_450] : memref<50x128xi32, #tpu.memory_space<vmem>> -> memref<8x128xi32, #tpu.memory_space<vmem>>
      %dma_start3A_452 = arith.constant 0 : i32
      %dma_start3A_453 = tpu.memref_slice %arg2[%dma_start3A_452, %mul3A_2] : memref<50x4096xi32, #tpu.memory_space<hbm>> -> memref<8x128xi32, #tpu.memory_space<hbm>>
      %dma_start3A_454 = arith.constant 0 : i32
      %dma_start3A_455 = arith.constant 0 : i32
      %dma_start3A_456 = tpu.memref_slice %arg7[%dma_start3A_454, %dma_start3A_455] : memref<50x128xi32, #tpu.memory_space<vmem>> -> memref<8x128xi32, #tpu.memory_space<vmem>>
      %dma_start3A_457 = arith.constant 0 : i32
      %dma_start3A_458 = tpu.memref_slice %arg2[%dma_start3A_457, %mul3A_2] : memref<50x4096xi32, #tpu.memory_space<hbm>> -> memref<8x128xi32, #tpu.memory_space<hbm>>
      tpu.enqueue_dma source(%dma_start3A_458 : memref<8x128xi32, #tpu.memory_space<hbm>>) target(%dma_start3A_456 : memref<8x128xi32, #tpu.memory_space<vmem>>) target_semaphore(%run_scoped3A : memref<!tpu.dma_semaphore, #tpu.memory_space<semaphore_mem>>)
      %dma_wait3A_459 = arith.constant 0 : i32
      %dma_wait3A_460 = arith.constant 0 : i32
      %dma_wait3A_461 = tpu.memref_slice %arg7[%dma_wait3A_459, %dma_wait3A_460] : memref<50x128xi32, #tpu.memory_space<vmem>> -> memref<8x128xi32, #tpu.memory_space<vmem>>
      %dma_wait3A_462 = arith.constant 0 : i32
      %dma_wait3A_463 = tpu.memref_slice %arg2[%dma_wait3A_462, %mul3A_2] : memref<50x4096xi32, #tpu.memory_space<hbm>> -> memref<8x128xi32, #tpu.memory_space<hbm>>
      %dma_wait3A_464 = arith.constant 0 : i32
      %dma_wait3A_465 = arith.constant 0 : i32
      %dma_wait3A_466 = tpu.memref_slice %arg7[%dma_wait3A_464, %dma_wait3A_465] : memref<50x128xi32, #tpu.memory_space<vmem>> -> memref<8x128xi32, #tpu.memory_space<vmem>>
      %dma_wait3A_467 = arith.constant 0 : i32
      %dma_wait3A_468 = tpu.memref_slice %arg2[%dma_wait3A_467, %mul3A_2] : memref<50x4096xi32, #tpu.memory_space<hbm>> -> memref<8x128xi32, #tpu.memory_space<hbm>>
      tpu.wait_dma2 semaphore(%run_scoped3A : memref<!tpu.dma_semaphore, #tpu.memory_space<semaphore_mem>>) src(%dma_wait3A_468 : memref<8x128xi32, #tpu.memory_space<hbm>>) dst(%dma_wait3A_466 : memref<8x128xi32, #tpu.memory_space<vmem>>)
      tpu.yield
    }) : () -> ()
    tpu.enqueue_dma source(%arg4 : memref<50x128xf32, #tpu.memory_space<hbm>>) target(%arg6 : memref<50x128xf32, #tpu.memory_space<vmem>>) target_semaphore(%arg18 : memref<!tpu.dma_semaphore, #tpu.memory_space<semaphore_mem>>)
    %dma_start3A = arith.constant 8 : i32
    %dma_start3A_3 = arith.constant 0 : i32
    %dma_start3A_4 = tpu.memref_slice %arg7[%dma_start3A, %dma_start3A_3] : memref<50x128xi32, #tpu.memory_space<vmem>> -> memref<42x128xi32, #tpu.memory_space<vmem>>
    %dma_start3A_5 = arith.constant 8 : i32
    %dma_start3A_6 = tpu.memref_slice %arg2[%dma_start3A_5, %mul3A_2] : memref<50x4096xi32, #tpu.memory_space<hbm>> -> memref<42x128xi32, #tpu.memory_space<hbm>>
    %dma_start3A_7 = arith.constant 8 : i32
    %dma_start3A_8 = arith.constant 0 : i32
    %dma_start3A_9 = tpu.memref_slice %arg7[%dma_start3A_7, %dma_start3A_8] : memref<50x128xi32, #tpu.memory_space<vmem>> -> memref<42x128xi32, #tpu.memory_space<vmem>>
    %dma_start3A_10 = arith.constant 8 : i32
    %dma_start3A_11 = tpu.memref_slice %arg2[%dma_start3A_10, %mul3A_2] : memref<50x4096xi32, #tpu.memory_space<hbm>> -> memref<42x128xi32, #tpu.memory_space<hbm>>
    tpu.enqueue_dma source(%dma_start3A_11 : memref<42x128xi32, #tpu.memory_space<hbm>>) target(%dma_start3A_9 : memref<42x128xi32, #tpu.memory_space<vmem>>) target_semaphore(%arg19 : memref<!tpu.dma_semaphore, #tpu.memory_space<semaphore_mem>>)
    %dma_start3A_12 = arith.constant 0 : i32
    %dma_start3A_13 = arith.constant 0 : i32
    %dma_start3A_14 = tpu.memref_slice %arg7[%dma_start3A_12, %dma_start3A_13] : memref<50x128xi32, #tpu.memory_space<vmem>> -> memref<1x128xi32, #tpu.memory_space<vmem>>
    %dma_start3A_15 = tpu.memref_squeeze %dma_start3A_14 : memref<1x128xi32, #tpu.memory_space<vmem>> -> memref<128xi32, #tpu.memory_space<vmem>>
    %dma_start3A_16 = arith.constant 0 : i32
    %dma_start3A_17 = arith.constant 0 : i32
    %dma_start3A_18 = tpu.memref_slice %arg3[%dma_start3A_16, %dma_start3A_17] : memref<100000x128xf32, #tpu.memory_space<hbm>> -> memref<100000x128xf32, #tpu.memory_space<hbm>>
    tpu.enqueue_indirect_dma source(%dma_start3A_18 : memref<100000x128xf32, #tpu.memory_space<hbm>>) target(%arg8 : memref<128x128xf32, #tpu.memory_space<vmem>>) offsets(%dma_start3A_15 : memref<128xi32, #tpu.memory_space<vmem>>) semaphore(%arg14 : memref<!tpu.dma_semaphore, #tpu.memory_space<semaphore_mem>>)
    %dma_start3A_19 = arith.constant 1 : i32
    %dma_start3A_20 = arith.constant 0 : i32
    %dma_start3A_21 = tpu.memref_slice %arg7[%dma_start3A_19, %dma_start3A_20] : memref<50x128xi32, #tpu.memory_space<vmem>> -> memref<1x128xi32, #tpu.memory_space<vmem>>
    %dma_start3A_22 = tpu.memref_squeeze %dma_start3A_21 : memref<1x128xi32, #tpu.memory_space<vmem>> -> memref<128xi32, #tpu.memory_space<vmem>>
    %dma_start3A_23 = arith.constant 0 : i32
    %dma_start3A_24 = arith.constant 0 : i32
    %dma_start3A_25 = tpu.memref_slice %arg3[%dma_start3A_23, %dma_start3A_24] : memref<100000x128xf32, #tpu.memory_space<hbm>> -> memref<100000x128xf32, #tpu.memory_space<hbm>>
    tpu.enqueue_indirect_dma source(%dma_start3A_25 : memref<100000x128xf32, #tpu.memory_space<hbm>>) target(%arg9 : memref<128x128xf32, #tpu.memory_space<vmem>>) offsets(%dma_start3A_22 : memref<128xi32, #tpu.memory_space<vmem>>) semaphore(%arg15 : memref<!tpu.dma_semaphore, #tpu.memory_space<semaphore_mem>>)
    %dma_start3A_26 = arith.constant 2 : i32
    %dma_start3A_27 = arith.constant 0 : i32
    %dma_start3A_28 = tpu.memref_slice %arg7[%dma_start3A_26, %dma_start3A_27] : memref<50x128xi32, #tpu.memory_space<vmem>> -> memref<1x128xi32, #tpu.memory_space<vmem>>
    %dma_start3A_29 = tpu.memref_squeeze %dma_start3A_28 : memref<1x128xi32, #tpu.memory_space<vmem>> -> memref<128xi32, #tpu.memory_space<vmem>>
    %dma_start3A_30 = arith.constant 0 : i32
    %dma_start3A_31 = arith.constant 0 : i32
    %dma_start3A_32 = tpu.memref_slice %arg3[%dma_start3A_30, %dma_start3A_31] : memref<100000x128xf32, #tpu.memory_space<hbm>> -> memref<100000x128xf32, #tpu.memory_space<hbm>>
    tpu.enqueue_indirect_dma source(%dma_start3A_32 : memref<100000x128xf32, #tpu.memory_space<hbm>>) target(%arg10 : memref<128x128xf32, #tpu.memory_space<vmem>>) offsets(%dma_start3A_29 : memref<128xi32, #tpu.memory_space<vmem>>) semaphore(%arg16 : memref<!tpu.dma_semaphore, #tpu.memory_space<semaphore_mem>>)
    %dma_start3A_33 = arith.constant 3 : i32
    %dma_start3A_34 = arith.constant 0 : i32
    %dma_start3A_35 = tpu.memref_slice %arg7[%dma_start3A_33, %dma_start3A_34] : memref<50x128xi32, #tpu.memory_space<vmem>> -> memref<1x128xi32, #tpu.memory_space<vmem>>
    %dma_start3A_36 = tpu.memref_squeeze %dma_start3A_35 : memref<1x128xi32, #tpu.memory_space<vmem>> -> memref<128xi32, #tpu.memory_space<vmem>>
    %dma_start3A_37 = arith.constant 0 : i32
    %dma_start3A_38 = arith.constant 0 : i32
    %dma_start3A_39 = tpu.memref_slice %arg3[%dma_start3A_37, %dma_start3A_38] : memref<100000x128xf32, #tpu.memory_space<hbm>> -> memref<100000x128xf32, #tpu.memory_space<hbm>>
    tpu.enqueue_indirect_dma source(%dma_start3A_39 : memref<100000x128xf32, #tpu.memory_space<hbm>>) target(%arg11 : memref<128x128xf32, #tpu.memory_space<vmem>>) offsets(%dma_start3A_36 : memref<128xi32, #tpu.memory_space<vmem>>) semaphore(%arg17 : memref<!tpu.dma_semaphore, #tpu.memory_space<semaphore_mem>>)
    tpu.wait_dma2 semaphore(%arg18 : memref<!tpu.dma_semaphore, #tpu.memory_space<semaphore_mem>>) src(%arg4 : memref<50x128xf32, #tpu.memory_space<hbm>>) dst(%arg6 : memref<50x128xf32, #tpu.memory_space<vmem>>)
    %dma_wait3A = arith.constant 8 : i32
    %dma_wait3A_40 = arith.constant 0 : i32
    %dma_wait3A_41 = tpu.memref_slice %arg7[%dma_wait3A, %dma_wait3A_40] : memref<50x128xi32, #tpu.memory_space<vmem>> -> memref<42x128xi32, #tpu.memory_space<vmem>>
    %dma_wait3A_42 = arith.constant 8 : i32
    %dma_wait3A_43 = tpu.memref_slice %arg2[%dma_wait3A_42, %mul3A_2] : memref<50x4096xi32, #tpu.memory_space<hbm>> -> memref<42x128xi32, #tpu.memory_space<hbm>>
    %dma_wait3A_44 = arith.constant 8 : i32
    %dma_wait3A_45 = arith.constant 0 : i32
    %dma_wait3A_46 = tpu.memref_slice %arg7[%dma_wait3A_44, %dma_wait3A_45] : memref<50x128xi32, #tpu.memory_space<vmem>> -> memref<42x128xi32, #tpu.memory_space<vmem>>
    %dma_wait3A_47 = arith.constant 8 : i32
    %dma_wait3A_48 = tpu.memref_slice %arg2[%dma_wait3A_47, %mul3A_2] : memref<50x4096xi32, #tpu.memory_space<hbm>> -> memref<42x128xi32, #tpu.memory_space<hbm>>
    tpu.wait_dma2 semaphore(%arg19 : memref<!tpu.dma_semaphore, #tpu.memory_space<semaphore_mem>>) src(%dma_wait3A_48 : memref<42x128xi32, #tpu.memory_space<hbm>>) dst(%dma_wait3A_46 : memref<42x128xi32, #tpu.memory_space<vmem>>)
    %dma_wait3A_49 = arith.constant 0 : i32
    %dma_wait3A_50 = arith.constant 0 : i32
    %dma_wait3A_51 = tpu.memref_slice %arg7[%dma_wait3A_49, %dma_wait3A_50] : memref<50x128xi32, #tpu.memory_space<vmem>> -> memref<1x128xi32, #tpu.memory_space<vmem>>
    %dma_wait3A_52 = tpu.memref_squeeze %dma_wait3A_51 : memref<1x128xi32, #tpu.memory_space<vmem>> -> memref<128xi32, #tpu.memory_space<vmem>>
    %dma_wait3A_53 = arith.constant 0 : i32
    %dma_wait3A_54 = arith.constant 0 : i32
    %dma_wait3A_55 = tpu.memref_slice %arg3[%dma_wait3A_53, %dma_wait3A_54] : memref<100000x128xf32, #tpu.memory_space<hbm>> -> memref<100000x128xf32, #tpu.memory_space<hbm>>
    tpu.wait_indirect_dma semaphore(%arg14 : memref<!tpu.dma_semaphore, #tpu.memory_space<semaphore_mem>>) src(%dma_wait3A_55 : memref<100000x128xf32, #tpu.memory_space<hbm>>) dst(%arg8 : memref<128x128xf32, #tpu.memory_space<vmem>>)
    %get3A = arith.constant 0 : i32
    %get3A_56 = arith.index_cast %get3A : i32 to index
    %get3A_57 = arith.constant 0 : index
    %get3A_58 = tpu.vector_load %arg6[%get3A_56, %get3A_57] {strides = array<i32>} : memref<50x128xf32, #tpu.memory_space<vmem>>, vector<1x16xf32>,
    %get3A_59 = vector.shape_cast %get3A_58 : vector<1x16xf32> to vector<16xf32>
    %get3A_60 = arith.constant 0 : i32
    %get3A_61 = arith.index_cast %get3A_60 : i32 to index
    %get3A_62 = arith.constant 16 : index
    %get3A_63 = tpu.vector_load %arg6[%get3A_61, %get3A_62] {strides = array<i32>} : memref<50x128xf32, #tpu.memory_space<vmem>>, vector<1x16xf32>,
    %get3A_64 = vector.shape_cast %get3A_63 : vector<1x16xf32> to vector<16xf32>
    %get3A_65 = arith.constant 0 : i32
    %get3A_66 = arith.index_cast %get3A_65 : i32 to index
    %get3A_67 = arith.constant 32 : index
    %get3A_68 = tpu.vector_load %arg6[%get3A_66, %get3A_67] {strides = array<i32>} : memref<50x128xf32, #tpu.memory_space<vmem>>, vector<1x16xf32>,
    %get3A_69 = vector.shape_cast %get3A_68 : vector<1x16xf32> to vector<16xf32>
    %get3A_70 = arith.constant 0 : i32
    %get3A_71 = arith.index_cast %get3A_70 : i32 to index
    %get3A_72 = arith.constant 48 : index
    %get3A_73 = tpu.vector_load %arg6[%get3A_71, %get3A_72] {strides = array<i32>} : memref<50x128xf32, #tpu.memory_space<vmem>>, vector<1x16xf32>,
    %get3A_74 = vector.shape_cast %get3A_73 : vector<1x16xf32> to vector<16xf32>
    %get3A_75 = arith.constant 0 : i32
    %get3A_76 = arith.index_cast %get3A_75 : i32 to index
    %get3A_77 = arith.constant 64 : index
    %get3A_78 = tpu.vector_load %arg6[%get3A_76, %get3A_77] {strides = array<i32>} : memref<50x128xf32, #tpu.memory_space<vmem>>, vector<1x16xf32>,
    %get3A_79 = vector.shape_cast %get3A_78 : vector<1x16xf32> to vector<16xf32>
    %get3A_80 = arith.constant 0 : i32
    %get3A_81 = arith.index_cast %get3A_80 : i32 to index
    %get3A_82 = arith.constant 80 : index
    %get3A_83 = tpu.vector_load %arg6[%get3A_81, %get3A_82] {strides = array<i32>} : memref<50x128xf32, #tpu.memory_space<vmem>>, vector<1x16xf32>,
    %get3A_84 = vector.shape_cast %get3A_83 : vector<1x16xf32> to vector<16xf32>
    %get3A_85 = arith.constant 0 : i32
    %get3A_86 = arith.index_cast %get3A_85 : i32 to index
    %get3A_87 = arith.constant 96 : index
    %get3A_88 = tpu.vector_load %arg6[%get3A_86, %get3A_87] {strides = array<i32>} : memref<50x128xf32, #tpu.memory_space<vmem>>, vector<1x16xf32>,
    %get3A_89 = vector.shape_cast %get3A_88 : vector<1x16xf32> to vector<16xf32>
    %get3A_90 = arith.constant 0 : i32
    %get3A_91 = arith.index_cast %get3A_90 : i32 to index
    %get3A_92 = arith.constant 112 : index
    %get3A_93 = tpu.vector_load %arg6[%get3A_91, %get3A_92] {strides = array<i32>} : memref<50x128xf32, #tpu.memory_space<vmem>>, vector<1x16xf32>,
    %get3A_94 = vector.shape_cast %get3A_93 : vector<1x16xf32> to vector<16xf32>
    %parallel_loop3A = arith.constant 0 : i32
    %parallel_loop3A_95 = arith.constant 128 : i32
    %parallel_loop3A_96 = arith.constant 1 : i32
    scf.for %parallel_loop3A_449 = %parallel_loop3A to %parallel_loop3A_95 step %parallel_loop3A_96  : i32 {
      %parallel_loop3A_450 = arith.index_cast %parallel_loop3A_449 : i32 to index
      %parallel_loop3A_451 = arith.constant 0 : index
      %parallel_loop3A_452 = tpu.vector_load %arg8[%parallel_loop3A_450, %parallel_loop3A_451] {strides = array<i32>} : memref<128x128xf32, #tpu.memory_space<vmem>>, vector<1x16xf32>,
      %parallel_loop3A_453 = vector.shape_cast %parallel_loop3A_452 : vector<1x16xf32> to vector<16xf32>
      %parallel_loop3A_454 = arith.addf %parallel_loop3A_453, %get3A_59 : vector<16xf32>
      %parallel_loop3A_455 = arith.index_cast %parallel_loop3A_449 : i32 to index
      %parallel_loop3A_456 = arith.constant 0 : index
      %parallel_loop3A_457 = tpu.vector_load %arg12[%parallel_loop3A_455, %parallel_loop3A_456] {strides = array<i32>} : memref<128x128xf32, #tpu.memory_space<vmem>>, vector<1x16xf32>,
      %parallel_loop3A_458 = vector.shape_cast %parallel_loop3A_457 : vector<1x16xf32> to vector<16xf32>
      %parallel_loop3A_459 = vector.shape_cast %parallel_loop3A_454 : vector<16xf32> to vector<1x16xf32>
      tpu.vector_store %arg12[%parallel_loop3A_455, %parallel_loop3A_456], %parallel_loop3A_459 {strides = array<i32>} : memref<128x128xf32, #tpu.memory_space<vmem>>, vector<1x16xf32>,
      %parallel_loop3A_460 = arith.index_cast %parallel_loop3A_449 : i32 to index
      %parallel_loop3A_461 = arith.constant 16 : index
      %parallel_loop3A_462 = tpu.vector_load %arg8[%parallel_loop3A_460, %parallel_loop3A_461] {strides = array<i32>} : memref<128x128xf32, #tpu.memory_space<vmem>>, vector<1x16xf32>,
      %parallel_loop3A_463 = vector.shape_cast %parallel_loop3A_462 : vector<1x16xf32> to vector<16xf32>
      %parallel_loop3A_464 = arith.addf %parallel_loop3A_463, %get3A_64 : vector<16xf32>
      %parallel_loop3A_465 = arith.index_cast %parallel_loop3A_449 : i32 to index
      %parallel_loop3A_466 = arith.constant 16 : index
      %parallel_loop3A_467 = tpu.vector_load %arg12[%parallel_loop3A_465, %parallel_loop3A_466] {strides = array<i32>} : memref<128x128xf32, #tpu.memory_space<vmem>>, vector<1x16xf32>,
      %parallel_loop3A_468 = vector.shape_cast %parallel_loop3A_467 : vector<1x16xf32> to vector<16xf32>
      %parallel_loop3A_469 = vector.shape_cast %parallel_loop3A_464 : vector<16xf32> to vector<1x16xf32>
      tpu.vector_store %arg12[%parallel_loop3A_465, %parallel_loop3A_466], %parallel_loop3A_469 {strides = array<i32>} : memref<128x128xf32, #tpu.memory_space<vmem>>, vector<1x16xf32>,
      %parallel_loop3A_470 = arith.index_cast %parallel_loop3A_449 : i32 to index
      %parallel_loop3A_471 = arith.constant 32 : index
      %parallel_loop3A_472 = tpu.vector_load %arg8[%parallel_loop3A_470, %parallel_loop3A_471] {strides = array<i32>} : memref<128x128xf32, #tpu.memory_space<vmem>>, vector<1x16xf32>,
      %parallel_loop3A_473 = vector.shape_cast %parallel_loop3A_472 : vector<1x16xf32> to vector<16xf32>
      %parallel_loop3A_474 = arith.addf %parallel_loop3A_473, %get3A_69 : vector<16xf32>
      %parallel_loop3A_475 = arith.index_cast %parallel_loop3A_449 : i32 to index
      %parallel_loop3A_476 = arith.constant 32 : index
      %parallel_loop3A_477 = tpu.vector_load %arg12[%parallel_loop3A_475, %parallel_loop3A_476] {strides = array<i32>} : memref<128x128xf32, #tpu.memory_space<vmem>>, vector<1x16xf32>,
      %parallel_loop3A_478 = vector.shape_cast %parallel_loop3A_477 : vector<1x16xf32> to vector<16xf32>
      %parallel_loop3A_479 = vector.shape_cast %parallel_loop3A_474 : vector<16xf32> to vector<1x16xf32>
      tpu.vector_store %arg12[%parallel_loop3A_475, %parallel_loop3A_476], %parallel_loop3A_479 {strides = array<i32>} : memref<128x128xf32, #tpu.memory_space<vmem>>, vector<1x16xf32>,
      %parallel_loop3A_480 = arith.index_cast %parallel_loop3A_449 : i32 to index
      %parallel_loop3A_481 = arith.constant 48 : index
      %parallel_loop3A_482 = tpu.vector_load %arg8[%parallel_loop3A_480, %parallel_loop3A_481] {strides = array<i32>} : memref<128x128xf32, #tpu.memory_space<vmem>>, vector<1x16xf32>,
      %parallel_loop3A_483 = vector.shape_cast %parallel_loop3A_482 : vector<1x16xf32> to vector<16xf32>
      %parallel_loop3A_484 = arith.addf %parallel_loop3A_483, %get3A_74 : vector<16xf32>
      %parallel_loop3A_485 = arith.index_cast %parallel_loop3A_449 : i32 to index
      %parallel_loop3A_486 = arith.constant 48 : index
      %parallel_loop3A_487 = tpu.vector_load %arg12[%parallel_loop3A_485, %parallel_loop3A_486] {strides = array<i32>} : memref<128x128xf32, #tpu.memory_space<vmem>>, vector<1x16xf32>,
      %parallel_loop3A_488 = vector.shape_cast %parallel_loop3A_487 : vector<1x16xf32> to vector<16xf32>
      %parallel_loop3A_489 = vector.shape_cast %parallel_loop3A_484 : vector<16xf32> to vector<1x16xf32>
      tpu.vector_store %arg12[%parallel_loop3A_485, %parallel_loop3A_486], %parallel_loop3A_489 {strides = array<i32>} : memref<128x128xf32, #tpu.memory_space<vmem>>, vector<1x16xf32>,
      %parallel_loop3A_490 = arith.index_cast %parallel_loop3A_449 : i32 to index
      %parallel_loop3A_491 = arith.constant 64 : index
      %parallel_loop3A_492 = tpu.vector_load %arg8[%parallel_loop3A_490, %parallel_loop3A_491] {strides = array<i32>} : memref<128x128xf32, #tpu.memory_space<vmem>>, vector<1x16xf32>,
      %parallel_loop3A_493 = vector.shape_cast %parallel_loop3A_492 : vector<1x16xf32> to vector<16xf32>
      %parallel_loop3A_494 = arith.addf %parallel_loop3A_493, %get3A_79 : vector<16xf32>
      %parallel_loop3A_495 = arith.index_cast %parallel_loop3A_449 : i32 to index
      %parallel_loop3A_496 = arith.constant 64 : index
      %parallel_loop3A_497 = tpu.vector_load %arg12[%parallel_loop3A_495, %parallel_loop3A_496] {strides = array<i32>} : memref<128x128xf32, #tpu.memory_space<vmem>>, vector<1x16xf32>,
      %parallel_loop3A_498 = vector.shape_cast %parallel_loop3A_497 : vector<1x16xf32> to vector<16xf32>
      %parallel_loop3A_499 = vector.shape_cast %parallel_loop3A_494 : vector<16xf32> to vector<1x16xf32>
      tpu.vector_store %arg12[%parallel_loop3A_495, %parallel_loop3A_496], %parallel_loop3A_499 {strides = array<i32>} : memref<128x128xf32, #tpu.memory_space<vmem>>, vector<1x16xf32>,
      %parallel_loop3A_500 = arith.index_cast %parallel_loop3A_449 : i32 to index
      %parallel_loop3A_501 = arith.constant 80 : index
      %parallel_loop3A_502 = tpu.vector_load %arg8[%parallel_loop3A_500, %parallel_loop3A_501] {strides = array<i32>} : memref<128x128xf32, #tpu.memory_space<vmem>>, vector<1x16xf32>,
      %parallel_loop3A_503 = vector.shape_cast %parallel_loop3A_502 : vector<1x16xf32> to vector<16xf32>
      %parallel_loop3A_504 = arith.addf %parallel_loop3A_503, %get3A_84 : vector<16xf32>
      %parallel_loop3A_505 = arith.index_cast %parallel_loop3A_449 : i32 to index
      %parallel_loop3A_506 = arith.constant 80 : index
      %parallel_loop3A_507 = tpu.vector_load %arg12[%parallel_loop3A_505, %parallel_loop3A_506] {strides = array<i32>} : memref<128x128xf32, #tpu.memory_space<vmem>>, vector<1x16xf32>,
      %parallel_loop3A_508 = vector.shape_cast %parallel_loop3A_507 : vector<1x16xf32> to vector<16xf32>
      %parallel_loop3A_509 = vector.shape_cast %parallel_loop3A_504 : vector<16xf32> to vector<1x16xf32>
      tpu.vector_store %arg12[%parallel_loop3A_505, %parallel_loop3A_506], %parallel_loop3A_509 {strides = array<i32>} : memref<128x128xf32, #tpu.memory_space<vmem>>, vector<1x16xf32>,
      %parallel_loop3A_510 = arith.index_cast %parallel_loop3A_449 : i32 to index
      %parallel_loop3A_511 = arith.constant 96 : index
      %parallel_loop3A_512 = tpu.vector_load %arg8[%parallel_loop3A_510, %parallel_loop3A_511] {strides = array<i32>} : memref<128x128xf32, #tpu.memory_space<vmem>>, vector<1x16xf32>,
      %parallel_loop3A_513 = vector.shape_cast %parallel_loop3A_512 : vector<1x16xf32> to vector<16xf32>
      %parallel_loop3A_514 = arith.addf %parallel_loop3A_513, %get3A_89 : vector<16xf32>
      %parallel_loop3A_515 = arith.index_cast %parallel_loop3A_449 : i32 to index
      %parallel_loop3A_516 = arith.constant 96 : index
      %parallel_loop3A_517 = tpu.vector_load %arg12[%parallel_loop3A_515, %parallel_loop3A_516] {strides = array<i32>} : memref<128x128xf32, #tpu.memory_space<vmem>>, vector<1x16xf32>,
      %parallel_loop3A_518 = vector.shape_cast %parallel_loop3A_517 : vector<1x16xf32> to vector<16xf32>
      %parallel_loop3A_519 = vector.shape_cast %parallel_loop3A_514 : vector<16xf32> to vector<1x16xf32>
      tpu.vector_store %arg12[%parallel_loop3A_515, %parallel_loop3A_516], %parallel_loop3A_519 {strides = array<i32>} : memref<128x128xf32, #tpu.memory_space<vmem>>, vector<1x16xf32>,
      %parallel_loop3A_520 = arith.index_cast %parallel_loop3A_449 : i32 to index
      %parallel_loop3A_521 = arith.constant 112 : index
      %parallel_loop3A_522 = tpu.vector_load %arg8[%parallel_loop3A_520, %parallel_loop3A_521] {strides = array<i32>} : memref<128x128xf32, #tpu.memory_space<vmem>>, vector<1x16xf32>,
      %parallel_loop3A_523 = vector.shape_cast %parallel_loop3A_522 : vector<1x16xf32> to vector<16xf32>
      %parallel_loop3A_524 = arith.addf %parallel_loop3A_523, %get3A_94 : vector<16xf32>
      %parallel_loop3A_525 = arith.index_cast %parallel_loop3A_449 : i32 to index
      %parallel_loop3A_526 = arith.constant 112 : index
      %parallel_loop3A_527 = tpu.vector_load %arg12[%parallel_loop3A_525, %parallel_loop3A_526] {strides = array<i32>} : memref<128x128xf32, #tpu.memory_space<vmem>>, vector<1x16xf32>,
      %parallel_loop3A_528 = vector.shape_cast %parallel_loop3A_527 : vector<1x16xf32> to vector<16xf32>
      %parallel_loop3A_529 = vector.shape_cast %parallel_loop3A_524 : vector<16xf32> to vector<1x16xf32>
      tpu.vector_store %arg12[%parallel_loop3A_525, %parallel_loop3A_526], %parallel_loop3A_529 {strides = array<i32>} : memref<128x128xf32, #tpu.memory_space<vmem>>, vector<1x16xf32>,
    } {sc.loop_unroll_factor = 4 : i64, sc.parallel_access}
    %dma_start3A_97 = arith.constant 0 : i32
    %dma_start3A_98 = arith.constant 0 : i32
    %dma_start3A_99 = tpu.memref_slice %arg5[%dma_start3A_97, %mul3A_2, %dma_start3A_98] : memref<50x4096x128xf32, #tpu.memory_space<hbm>> -> memref<1x128x128xf32, #tpu.memory_space<hbm>>
    %dma_start3A_100 = tpu.memref_squeeze %dma_start3A_99 : memref<1x128x128xf32, #tpu.memory_space<hbm>> -> memref<128x128xf32, #tpu.memory_space<hbm>>
    %dma_start3A_101 = arith.constant 0 : i32
    %dma_start3A_102 = tpu.memref_slice %arg5[%dma_start3A_97, %mul3A_2, %dma_start3A_101] : memref<50x4096x128xf32, #tpu.memory_space<hbm>> -> memref<1x128x128xf32, #tpu.memory_space<hbm>>
    %dma_start3A_103 = tpu.memref_squeeze %dma_start3A_102 : memref<1x128x128xf32, #tpu.memory_space<hbm>> -> memref<128x128xf32, #tpu.memory_space<hbm>>
    tpu.enqueue_dma source(%arg12 : memref<128x128xf32, #tpu.memory_space<vmem>>) target(%dma_start3A_103 : memref<128x128xf32, #tpu.memory_space<hbm>>) target_semaphore(%arg18 : memref<!tpu.dma_semaphore, #tpu.memory_space<semaphore_mem>>)
    %dma_start3A_104 = arith.constant 4 : i32
    %dma_start3A_105 = arith.constant 0 : i32
    %dma_start3A_106 = tpu.memref_slice %arg7[%dma_start3A_104, %dma_start3A_105] : memref<50x128xi32, #tpu.memory_space<vmem>> -> memref<1x128xi32, #tpu.memory_space<vmem>>
    %dma_start3A_107 = tpu.memref_squeeze %dma_start3A_106 : memref<1x128xi32, #tpu.memory_space<vmem>> -> memref<128xi32, #tpu.memory_space<vmem>>
    %dma_start3A_108 = arith.constant 0 : i32
    %dma_start3A_109 = arith.constant 0 : i32
    %dma_start3A_110 = tpu.memref_slice %arg3[%dma_start3A_108, %dma_start3A_109] : memref<100000x128xf32, #tpu.memory_space<hbm>> -> memref<100000x128xf32, #tpu.memory_space<hbm>>
    tpu.enqueue_indirect_dma source(%dma_start3A_110 : memref<100000x128xf32, #tpu.memory_space<hbm>>) target(%arg8 : memref<128x128xf32, #tpu.memory_space<vmem>>) offsets(%dma_start3A_107 : memref<128xi32, #tpu.memory_space<vmem>>) semaphore(%arg14 : memref<!tpu.dma_semaphore, #tpu.memory_space<semaphore_mem>>)
    %dma_wait3A_111 = arith.constant 1 : i32
    %dma_wait3A_112 = arith.constant 0 : i32
    %dma_wait3A_113 = tpu.memref_slice %arg7[%dma_wait3A_111, %dma_wait3A_112] : memref<50x128xi32, #tpu.memory_space<vmem>> -> memref<1x128xi32, #tpu.memory_space<vmem>>
    %dma_wait3A_114 = tpu.memref_squeeze %dma_wait3A_113 : memref<1x128xi32, #tpu.memory_space<vmem>> -> memref<128xi32, #tpu.memory_space<vmem>>
    %dma_wait3A_115 = arith.constant 0 : i32
    %dma_wait3A_116 = arith.constant 0 : i32
    %dma_wait3A_117 = tpu.memref_slice %arg3[%dma_wait3A_115, %dma_wait3A_116] : memref<100000x128xf32, #tpu.memory_space<hbm>> -> memref<100000x128xf32, #tpu.memory_space<hbm>>
    tpu.wait_indirect_dma semaphore(%arg15 : memref<!tpu.dma_semaphore, #tpu.memory_space<semaphore_mem>>) src(%dma_wait3A_117 : memref<100000x128xf32, #tpu.memory_space<hbm>>) dst(%arg9 : memref<128x128xf32, #tpu.memory_space<vmem>>)
    %get3A_118 = arith.constant 1 : i32
    %get3A_119 = arith.index_cast %get3A_118 : i32 to index
    %get3A_120 = arith.constant 0 : index
    %get3A_121 = tpu.vector_load %arg6[%get3A_119, %get3A_120] {strides = array<i32>} : memref<50x128xf32, #tpu.memory_space<vmem>>, vector<1x16xf32>,
    %get3A_122 = vector.shape_cast %get3A_121 : vector<1x16xf32> to vector<16xf32>
    %get3A_123 = arith.constant 1 : i32
    %get3A_124 = arith.index_cast %get3A_123 : i32 to index
    %get3A_125 = arith.constant 16 : index
    %get3A_126 = tpu.vector_load %arg6[%get3A_124, %get3A_125] {strides = array<i32>} : memref<50x128xf32, #tpu.memory_space<vmem>>, vector<1x16xf32>,
    %get3A_127 = vector.shape_cast %get3A_126 : vector<1x16xf32> to vector<16xf32>
    %get3A_128 = arith.constant 1 : i32
    %get3A_129 = arith.index_cast %get3A_128 : i32 to index
    %get3A_130 = arith.constant 32 : index
    %get3A_131 = tpu.vector_load %arg6[%get3A_129, %get3A_130] {strides = array<i32>} : memref<50x128xf32, #tpu.memory_space<vmem>>, vector<1x16xf32>,
    %get3A_132 = vector.shape_cast %get3A_131 : vector<1x16xf32> to vector<16xf32>
    %get3A_133 = arith.constant 1 : i32
    %get3A_134 = arith.index_cast %get3A_133 : i32 to index
    %get3A_135 = arith.constant 48 : index
    %get3A_136 = tpu.vector_load %arg6[%get3A_134, %get3A_135] {strides = array<i32>} : memref<50x128xf32, #tpu.memory_space<vmem>>, vector<1x16xf32>,
    %get3A_137 = vector.shape_cast %get3A_136 : vector<1x16xf32> to vector<16xf32>
    %get3A_138 = arith.constant 1 : i32
    %get3A_139 = arith.index_cast %get3A_138 : i32 to index
    %get3A_140 = arith.constant 64 : index
    %get3A_141 = tpu.vector_load %arg6[%get3A_139, %get3A_140] {strides = array<i32>} : memref<50x128xf32, #tpu.memory_space<vmem>>, vector<1x16xf32>,
    %get3A_142 = vector.shape_cast %get3A_141 : vector<1x16xf32> to vector<16xf32>
    %get3A_143 = arith.constant 1 : i32
    %get3A_144 = arith.index_cast %get3A_143 : i32 to index
    %get3A_145 = arith.constant 80 : index
    %get3A_146 = tpu.vector_load %arg6[%get3A_144, %get3A_145] {strides = array<i32>} : memref<50x128xf32, #tpu.memory_space<vmem>>, vector<1x16xf32>,
    %get3A_147 = vector.shape_cast %get3A_146 : vector<1x16xf32> to vector<16xf32>
    %get3A_148 = arith.constant 1 : i32
    %get3A_149 = arith.index_cast %get3A_148 : i32 to index
    %get3A_150 = arith.constant 96 : index
    %get3A_151 = tpu.vector_load %arg6[%get3A_149, %get3A_150] {strides = array<i32>} : memref<50x128xf32, #tpu.memory_space<vmem>>, vector<1x16xf32>,
    %get3A_152 = vector.shape_cast %get3A_151 : vector<1x16xf32> to vector<16xf32>
    %get3A_153 = arith.constant 1 : i32
    %get3A_154 = arith.index_cast %get3A_153 : i32 to index
    %get3A_155 = arith.constant 112 : index
    %get3A_156 = tpu.vector_load %arg6[%get3A_154, %get3A_155] {strides = array<i32>} : memref<50x128xf32, #tpu.memory_space<vmem>>, vector<1x16xf32>,
    %get3A_157 = vector.shape_cast %get3A_156 : vector<1x16xf32> to vector<16xf32>
    %parallel_loop3A_158 = arith.constant 0 : i32
    %parallel_loop3A_159 = arith.constant 128 : i32
    %parallel_loop3A_160 = arith.constant 1 : i32
    scf.for %parallel_loop3A_449 = %parallel_loop3A_158 to %parallel_loop3A_159 step %parallel_loop3A_160  : i32 {
      %parallel_loop3A_450 = arith.index_cast %parallel_loop3A_449 : i32 to index
      %parallel_loop3A_451 = arith.constant 0 : index
      %parallel_loop3A_452 = tpu.vector_load %arg9[%parallel_loop3A_450, %parallel_loop3A_451] {strides = array<i32>} : memref<128x128xf32, #tpu.memory_space<vmem>>, vector<1x16xf32>,
      %parallel_loop3A_453 = vector.shape_cast %parallel_loop3A_452 : vector<1x16xf32> to vector<16xf32>
      %parallel_loop3A_454 = arith.addf %parallel_loop3A_453, %get3A_122 : vector<16xf32>
      %parallel_loop3A_455 = arith.index_cast %parallel_loop3A_449 : i32 to index
      %parallel_loop3A_456 = arith.constant 0 : index
      %parallel_loop3A_457 = tpu.vector_load %arg13[%parallel_loop3A_455, %parallel_loop3A_456] {strides = array<i32>} : memref<128x128xf32, #tpu.memory_space<vmem>>, vector<1x16xf32>,
      %parallel_loop3A_458 = vector.shape_cast %parallel_loop3A_457 : vector<1x16xf32> to vector<16xf32>
      %parallel_loop3A_459 = vector.shape_cast %parallel_loop3A_454 : vector<16xf32> to vector<1x16xf32>
      tpu.vector_store %arg13[%parallel_loop3A_455, %parallel_loop3A_456], %parallel_loop3A_459 {strides = array<i32>} : memref<128x128xf32, #tpu.memory_space<vmem>>, vector<1x16xf32>,
      %parallel_loop3A_460 = arith.index_cast %parallel_loop3A_449 : i32 to index
      %parallel_loop3A_461 = arith.constant 16 : index
      %parallel_loop3A_462 = tpu.vector_load %arg9[%parallel_loop3A_460, %parallel_loop3A_461] {strides = array<i32>} : memref<128x128xf32, #tpu.memory_space<vmem>>, vector<1x16xf32>,
      %parallel_loop3A_463 = vector.shape_cast %parallel_loop3A_462 : vector<1x16xf32> to vector<16xf32>
      %parallel_loop3A_464 = arith.addf %parallel_loop3A_463, %get3A_127 : vector<16xf32>
      %parallel_loop3A_465 = arith.index_cast %parallel_loop3A_449 : i32 to index
      %parallel_loop3A_466 = arith.constant 16 : index
      %parallel_loop3A_467 = tpu.vector_load %arg13[%parallel_loop3A_465, %parallel_loop3A_466] {strides = array<i32>} : memref<128x128xf32, #tpu.memory_space<vmem>>, vector<1x16xf32>,
      %parallel_loop3A_468 = vector.shape_cast %parallel_loop3A_467 : vector<1x16xf32> to vector<16xf32>
      %parallel_loop3A_469 = vector.shape_cast %parallel_loop3A_464 : vector<16xf32> to vector<1x16xf32>
      tpu.vector_store %arg13[%parallel_loop3A_465, %parallel_loop3A_466], %parallel_loop3A_469 {strides = array<i32>} : memref<128x128xf32, #tpu.memory_space<vmem>>, vector<1x16xf32>,
      %parallel_loop3A_470 = arith.index_cast %parallel_loop3A_449 : i32 to index
      %parallel_loop3A_471 = arith.constant 32 : index
      %parallel_loop3A_472 = tpu.vector_load %arg9[%parallel_loop3A_470, %parallel_loop3A_471] {strides = array<i32>} : memref<128x128xf32, #tpu.memory_space<vmem>>, vector<1x16xf32>,
      %parallel_loop3A_473 = vector.shape_cast %parallel_loop3A_472 : vector<1x16xf32> to vector<16xf32>
      %parallel_loop3A_474 = arith.addf %parallel_loop3A_473, %get3A_132 : vector<16xf32>
      %parallel_loop3A_475 = arith.index_cast %parallel_loop3A_449 : i32 to index
      %parallel_loop3A_476 = arith.constant 32 : index
      %parallel_loop3A_477 = tpu.vector_load %arg13[%parallel_loop3A_475, %parallel_loop3A_476] {strides = array<i32>} : memref<128x128xf32, #tpu.memory_space<vmem>>, vector<1x16xf32>,
      %parallel_loop3A_478 = vector.shape_cast %parallel_loop3A_477 : vector<1x16xf32> to vector<16xf32>
      %parallel_loop3A_479 = vector.shape_cast %parallel_loop3A_474 : vector<16xf32> to vector<1x16xf32>
      tpu.vector_store %arg13[%parallel_loop3A_475, %parallel_loop3A_476], %parallel_loop3A_479 {strides = array<i32>} : memref<128x128xf32, #tpu.memory_space<vmem>>, vector<1x16xf32>,
      %parallel_loop3A_480 = arith.index_cast %parallel_loop3A_449 : i32 to index
      %parallel_loop3A_481 = arith.constant 48 : index
      %parallel_loop3A_482 = tpu.vector_load %arg9[%parallel_loop3A_480, %parallel_loop3A_481] {strides = array<i32>} : memref<128x128xf32, #tpu.memory_space<vmem>>, vector<1x16xf32>,
      %parallel_loop3A_483 = vector.shape_cast %parallel_loop3A_482 : vector<1x16xf32> to vector<16xf32>
      %parallel_loop3A_484 = arith.addf %parallel_loop3A_483, %get3A_137 : vector<16xf32>
      %parallel_loop3A_485 = arith.index_cast %parallel_loop3A_449 : i32 to index
      %parallel_loop3A_486 = arith.constant 48 : index
      %parallel_loop3A_487 = tpu.vector_load %arg13[%parallel_loop3A_485, %parallel_loop3A_486] {strides = array<i32>} : memref<128x128xf32, #tpu.memory_space<vmem>>, vector<1x16xf32>,
      %parallel_loop3A_488 = vector.shape_cast %parallel_loop3A_487 : vector<1x16xf32> to vector<16xf32>
      %parallel_loop3A_489 = vector.shape_cast %parallel_loop3A_484 : vector<16xf32> to vector<1x16xf32>
      tpu.vector_store %arg13[%parallel_loop3A_485, %parallel_loop3A_486], %parallel_loop3A_489 {strides = array<i32>} : memref<128x128xf32, #tpu.memory_space<vmem>>, vector<1x16xf32>,
      %parallel_loop3A_490 = arith.index_cast %parallel_loop3A_449 : i32 to index
      %parallel_loop3A_491 = arith.constant 64 : index
      %parallel_loop3A_492 = tpu.vector_load %arg9[%parallel_loop3A_490, %parallel_loop3A_491] {strides = array<i32>} : memref<128x128xf32, #tpu.memory_space<vmem>>, vector<1x16xf32>,
      %parallel_loop3A_493 = vector.shape_cast %parallel_loop3A_492 : vector<1x16xf32> to vector<16xf32>
      %parallel_loop3A_494 = arith.addf %parallel_loop3A_493, %get3A_142 : vector<16xf32>
      %parallel_loop3A_495 = arith.index_cast %parallel_loop3A_449 : i32 to index
      %parallel_loop3A_496 = arith.constant 64 : index
      %parallel_loop3A_497 = tpu.vector_load %arg13[%parallel_loop3A_495, %parallel_loop3A_496] {strides = array<i32>} : memref<128x128xf32, #tpu.memory_space<vmem>>, vector<1x16xf32>,
      %parallel_loop3A_498 = vector.shape_cast %parallel_loop3A_497 : vector<1x16xf32> to vector<16xf32>
      %parallel_loop3A_499 = vector.shape_cast %parallel_loop3A_494 : vector<16xf32> to vector<1x16xf32>
      tpu.vector_store %arg13[%parallel_loop3A_495, %parallel_loop3A_496], %parallel_loop3A_499 {strides = array<i32>} : memref<128x128xf32, #tpu.memory_space<vmem>>, vector<1x16xf32>,
      %parallel_loop3A_500 = arith.index_cast %parallel_loop3A_449 : i32 to index
      %parallel_loop3A_501 = arith.constant 80 : index
      %parallel_loop3A_502 = tpu.vector_load %arg9[%parallel_loop3A_500, %parallel_loop3A_501] {strides = array<i32>} : memref<128x128xf32, #tpu.memory_space<vmem>>, vector<1x16xf32>,
      %parallel_loop3A_503 = vector.shape_cast %parallel_loop3A_502 : vector<1x16xf32> to vector<16xf32>
      %parallel_loop3A_504 = arith.addf %parallel_loop3A_503, %get3A_147 : vector<16xf32>
      %parallel_loop3A_505 = arith.index_cast %parallel_loop3A_449 : i32 to index
      %parallel_loop3A_506 = arith.constant 80 : index
      %parallel_loop3A_507 = tpu.vector_load %arg13[%parallel_loop3A_505, %parallel_loop3A_506] {strides = array<i32>} : memref<128x128xf32, #tpu.memory_space<vmem>>, vector<1x16xf32>,
      %parallel_loop3A_508 = vector.shape_cast %parallel_loop3A_507 : vector<1x16xf32> to vector<16xf32>
      %parallel_loop3A_509 = vector.shape_cast %parallel_loop3A_504 : vector<16xf32> to vector<1x16xf32>
      tpu.vector_store %arg13[%parallel_loop3A_505, %parallel_loop3A_506], %parallel_loop3A_509 {strides = array<i32>} : memref<128x128xf32, #tpu.memory_space<vmem>>, vector<1x16xf32>,
      %parallel_loop3A_510 = arith.index_cast %parallel_loop3A_449 : i32 to index
      %parallel_loop3A_511 = arith.constant 96 : index
      %parallel_loop3A_512 = tpu.vector_load %arg9[%parallel_loop3A_510, %parallel_loop3A_511] {strides = array<i32>} : memref<128x128xf32, #tpu.memory_space<vmem>>, vector<1x16xf32>,
      %parallel_loop3A_513 = vector.shape_cast %parallel_loop3A_512 : vector<1x16xf32> to vector<16xf32>
      %parallel_loop3A_514 = arith.addf %parallel_loop3A_513, %get3A_152 : vector<16xf32>
      %parallel_loop3A_515 = arith.index_cast %parallel_loop3A_449 : i32 to index
      %parallel_loop3A_516 = arith.constant 96 : index
      %parallel_loop3A_517 = tpu.vector_load %arg13[%parallel_loop3A_515, %parallel_loop3A_516] {strides = array<i32>} : memref<128x128xf32, #tpu.memory_space<vmem>>, vector<1x16xf32>,
      %parallel_loop3A_518 = vector.shape_cast %parallel_loop3A_517 : vector<1x16xf32> to vector<16xf32>
      %parallel_loop3A_519 = vector.shape_cast %parallel_loop3A_514 : vector<16xf32> to vector<1x16xf32>
      tpu.vector_store %arg13[%parallel_loop3A_515, %parallel_loop3A_516], %parallel_loop3A_519 {strides = array<i32>} : memref<128x128xf32, #tpu.memory_space<vmem>>, vector<1x16xf32>,
      %parallel_loop3A_520 = arith.index_cast %parallel_loop3A_449 : i32 to index
      %parallel_loop3A_521 = arith.constant 112 : index
      %parallel_loop3A_522 = tpu.vector_load %arg9[%parallel_loop3A_520, %parallel_loop3A_521] {strides = array<i32>} : memref<128x128xf32, #tpu.memory_space<vmem>>, vector<1x16xf32>,
      %parallel_loop3A_523 = vector.shape_cast %parallel_loop3A_522 : vector<1x16xf32> to vector<16xf32>
      %parallel_loop3A_524 = arith.addf %parallel_loop3A_523, %get3A_157 : vector<16xf32>
      %parallel_loop3A_525 = arith.index_cast %parallel_loop3A_449 : i32 to index
      %parallel_loop3A_526 = arith.constant 112 : index
      %parallel_loop3A_527 = tpu.vector_load %arg13[%parallel_loop3A_525, %parallel_loop3A_526] {strides = array<i32>} : memref<128x128xf32, #tpu.memory_space<vmem>>, vector<1x16xf32>,
      %parallel_loop3A_528 = vector.shape_cast %parallel_loop3A_527 : vector<1x16xf32> to vector<16xf32>
      %parallel_loop3A_529 = vector.shape_cast %parallel_loop3A_524 : vector<16xf32> to vector<1x16xf32>
      tpu.vector_store %arg13[%parallel_loop3A_525, %parallel_loop3A_526], %parallel_loop3A_529 {strides = array<i32>} : memref<128x128xf32, #tpu.memory_space<vmem>>, vector<1x16xf32>,
    } {sc.loop_unroll_factor = 4 : i64, sc.parallel_access}
    %dma_start3A_161 = arith.constant 1 : i32
    %dma_start3A_162 = arith.constant 0 : i32
    %dma_start3A_163 = tpu.memref_slice %arg5[%dma_start3A_161, %mul3A_2, %dma_start3A_162] : memref<50x4096x128xf32, #tpu.memory_space<hbm>> -> memref<1x128x128xf32, #tpu.memory_space<hbm>>
    %dma_start3A_164 = tpu.memref_squeeze %dma_start3A_163 : memref<1x128x128xf32, #tpu.memory_space<hbm>> -> memref<128x128xf32, #tpu.memory_space<hbm>>
    %dma_start3A_165 = arith.constant 0 : i32
    %dma_start3A_166 = tpu.memref_slice %arg5[%dma_start3A_161, %mul3A_2, %dma_start3A_165] : memref<50x4096x128xf32, #tpu.memory_space<hbm>> -> memref<1x128x128xf32, #tpu.memory_space<hbm>>
    %dma_start3A_167 = tpu.memref_squeeze %dma_start3A_166 : memref<1x128x128xf32, #tpu.memory_space<hbm>> -> memref<128x128xf32, #tpu.memory_space<hbm>>
    tpu.enqueue_dma source(%arg13 : memref<128x128xf32, #tpu.memory_space<vmem>>) target(%dma_start3A_167 : memref<128x128xf32, #tpu.memory_space<hbm>>) target_semaphore(%arg19 : memref<!tpu.dma_semaphore, #tpu.memory_space<semaphore_mem>>)
    %dma_start3A_168 = arith.constant 5 : i32
    %dma_start3A_169 = arith.constant 0 : i32
    %dma_start3A_170 = tpu.memref_slice %arg7[%dma_start3A_168, %dma_start3A_169] : memref<50x128xi32, #tpu.memory_space<vmem>> -> memref<1x128xi32, #tpu.memory_space<vmem>>
    %dma_start3A_171 = tpu.memref_squeeze %dma_start3A_170 : memref<1x128xi32, #tpu.memory_space<vmem>> -> memref<128xi32, #tpu.memory_space<vmem>>
    %dma_start3A_172 = arith.constant 0 : i32
    %dma_start3A_173 = arith.constant 0 : i32
    %dma_start3A_174 = tpu.memref_slice %arg3[%dma_start3A_172, %dma_start3A_173] : memref<100000x128xf32, #tpu.memory_space<hbm>> -> memref<100000x128xf32, #tpu.memory_space<hbm>>
    tpu.enqueue_indirect_dma source(%dma_start3A_174 : memref<100000x128xf32, #tpu.memory_space<hbm>>) target(%arg9 : memref<128x128xf32, #tpu.memory_space<vmem>>) offsets(%dma_start3A_171 : memref<128xi32, #tpu.memory_space<vmem>>) semaphore(%arg15 : memref<!tpu.dma_semaphore, #tpu.memory_space<semaphore_mem>>)
    %scan3A = arith.constant 0 : i32
    %scan3A_175 = arith.constant 11 : i32
    %scan3A_176 = arith.addi %scan3A, %scan3A_175 : i32
    %scan3A_177 = arith.constant 1 : i32
    scf.for %scan3A_449 = %scan3A to %scan3A_176 step %scan3A_177  : i32 {
      %mul3A_450 = arith.constant 4 : i32
      %mul3A_451 = arith.muli %scan3A_449, %mul3A_450 : i32
      %add3A_452 = arith.constant 2 : i32
      %add3A_453 = arith.addi %add3A_452, %mul3A_451 : i32
      %add3A_454 = arith.constant 0 : i32
      %add3A_455 = arith.addi %add3A_453, %add3A_454 : i32
      %dma_wait3A_456 = arith.constant 0 : i32
      %dma_wait3A_457 = tpu.memref_slice %arg7[%add3A_455, %dma_wait3A_456] : memref<50x128xi32, #tpu.memory_space<vmem>> -> memref<1x128xi32, #tpu.memory_space<vmem>>
      %dma_wait3A_458 = tpu.memref_squeeze %dma_wait3A_457 : memref<1x128xi32, #tpu.memory_space<vmem>> -> memref<128xi32, #tpu.memory_space<vmem>>
      %dma_wait3A_459 = arith.constant 0 : i32
      %dma_wait3A_460 = arith.constant 0 : i32
      %dma_wait3A_461 = tpu.memref_slice %arg3[%dma_wait3A_459, %dma_wait3A_460] : memref<100000x128xf32, #tpu.memory_space<hbm>> -> memref<100000x128xf32, #tpu.memory_space<hbm>>
      tpu.wait_indirect_dma semaphore(%arg16 : memref<!tpu.dma_semaphore, #tpu.memory_space<semaphore_mem>>) src(%dma_wait3A_461 : memref<100000x128xf32, #tpu.memory_space<hbm>>) dst(%arg10 : memref<128x128xf32, #tpu.memory_space<vmem>>)
      %sub3A = arith.constant 2 : i32
      %sub3A_462 = arith.subi %add3A_455, %sub3A : i32
      %dma_wait3A_463 = arith.constant 0 : i32
      %dma_wait3A_464 = tpu.memref_slice %arg5[%sub3A_462, %mul3A_2, %dma_wait3A_463] : memref<50x4096x128xf32, #tpu.memory_space<hbm>> -> memref<1x128x128xf32, #tpu.memory_space<hbm>>
      %dma_wait3A_465 = tpu.memref_squeeze %dma_wait3A_464 : memref<1x128x128xf32, #tpu.memory_space<hbm>> -> memref<128x128xf32, #tpu.memory_space<hbm>>
      %dma_wait3A_466 = arith.constant 0 : i32
      %dma_wait3A_467 = tpu.memref_slice %arg5[%sub3A_462, %mul3A_2, %dma_wait3A_466] : memref<50x4096x128xf32, #tpu.memory_space<hbm>> -> memref<1x128x128xf32, #tpu.memory_space<hbm>>
      %dma_wait3A_468 = tpu.memref_squeeze %dma_wait3A_467 : memref<1x128x128xf32, #tpu.memory_space<hbm>> -> memref<128x128xf32, #tpu.memory_space<hbm>>
      tpu.wait_dma2 semaphore(%arg18 : memref<!tpu.dma_semaphore, #tpu.memory_space<semaphore_mem>>) src(%arg12 : memref<128x128xf32, #tpu.memory_space<vmem>>) dst(%dma_wait3A_468 : memref<128x128xf32, #tpu.memory_space<hbm>>)
      %get3A_469 = arith.index_cast %add3A_455 : i32 to index
      %get3A_470 = arith.constant 0 : index
      %get3A_471 = tpu.vector_load %arg6[%get3A_469, %get3A_470] {strides = array<i32>} : memref<50x128xf32, #tpu.memory_space<vmem>>, vector<1x16xf32>,
      %get3A_472 = vector.shape_cast %get3A_471 : vector<1x16xf32> to vector<16xf32>
      %get3A_473 = arith.index_cast %add3A_455 : i32 to index
      %get3A_474 = arith.constant 16 : index
      %get3A_475 = tpu.vector_load %arg6[%get3A_473, %get3A_474] {strides = array<i32>} : memref<50x128xf32, #tpu.memory_space<vmem>>, vector<1x16xf32>,
      %get3A_476 = vector.shape_cast %get3A_475 : vector<1x16xf32> to vector<16xf32>
      %get3A_477 = arith.index_cast %add3A_455 : i32 to index
      %get3A_478 = arith.constant 32 : index
      %get3A_479 = tpu.vector_load %arg6[%get3A_477, %get3A_478] {strides = array<i32>} : memref<50x128xf32, #tpu.memory_space<vmem>>, vector<1x16xf32>,
      %get3A_480 = vector.shape_cast %get3A_479 : vector<1x16xf32> to vector<16xf32>
      %get3A_481 = arith.index_cast %add3A_455 : i32 to index
      %get3A_482 = arith.constant 48 : index
      %get3A_483 = tpu.vector_load %arg6[%get3A_481, %get3A_482] {strides = array<i32>} : memref<50x128xf32, #tpu.memory_space<vmem>>, vector<1x16xf32>,
      %get3A_484 = vector.shape_cast %get3A_483 : vector<1x16xf32> to vector<16xf32>
      %get3A_485 = arith.index_cast %add3A_455 : i32 to index
      %get3A_486 = arith.constant 64 : index
      %get3A_487 = tpu.vector_load %arg6[%get3A_485, %get3A_486] {strides = array<i32>} : memref<50x128xf32, #tpu.memory_space<vmem>>, vector<1x16xf32>,
      %get3A_488 = vector.shape_cast %get3A_487 : vector<1x16xf32> to vector<16xf32>
      %get3A_489 = arith.index_cast %add3A_455 : i32 to index
      %get3A_490 = arith.constant 80 : index
      %get3A_491 = tpu.vector_load %arg6[%get3A_489, %get3A_490] {strides = array<i32>} : memref<50x128xf32, #tpu.memory_space<vmem>>, vector<1x16xf32>,
      %get3A_492 = vector.shape_cast %get3A_491 : vector<1x16xf32> to vector<16xf32>
      %get3A_493 = arith.index_cast %add3A_455 : i32 to index
      %get3A_494 = arith.constant 96 : index
      %get3A_495 = tpu.vector_load %arg6[%get3A_493, %get3A_494] {strides = array<i32>} : memref<50x128xf32, #tpu.memory_space<vmem>>, vector<1x16xf32>,
      %get3A_496 = vector.shape_cast %get3A_495 : vector<1x16xf32> to vector<16xf32>
      %get3A_497 = arith.index_cast %add3A_455 : i32 to index
      %get3A_498 = arith.constant 112 : index
      %get3A_499 = tpu.vector_load %arg6[%get3A_497, %get3A_498] {strides = array<i32>} : memref<50x128xf32, #tpu.memory_space<vmem>>, vector<1x16xf32>,
      %get3A_500 = vector.shape_cast %get3A_499 : vector<1x16xf32> to vector<16xf32>
      %parallel_loop3A_501 = arith.constant 0 : i32
      %parallel_loop3A_502 = arith.constant 128 : i32
      %parallel_loop3A_503 = arith.constant 1 : i32
      scf.for %parallel_loop3A_713 = %parallel_loop3A_501 to %parallel_loop3A_502 step %parallel_loop3A_503  : i32 {
        %parallel_loop3A_714 = arith.index_cast %parallel_loop3A_713 : i32 to index
        %parallel_loop3A_715 = arith.constant 0 : index
        %parallel_loop3A_716 = tpu.vector_load %arg10[%parallel_loop3A_714, %parallel_loop3A_715] {strides = array<i32>} : memref<128x128xf32, #tpu.memory_space<vmem>>, vector<1x16xf32>,
        %parallel_loop3A_717 = vector.shape_cast %parallel_loop3A_716 : vector<1x16xf32> to vector<16xf32>
        %parallel_loop3A_718 = arith.addf %parallel_loop3A_717, %get3A_472 : vector<16xf32>
        %parallel_loop3A_719 = arith.index_cast %parallel_loop3A_713 : i32 to index
        %parallel_loop3A_720 = arith.constant 0 : index
        %parallel_loop3A_721 = tpu.vector_load %arg12[%parallel_loop3A_719, %parallel_loop3A_720] {strides = array<i32>} : memref<128x128xf32, #tpu.memory_space<vmem>>, vector<1x16xf32>,
        %parallel_loop3A_722 = vector.shape_cast %parallel_loop3A_721 : vector<1x16xf32> to vector<16xf32>
        %parallel_loop3A_723 = vector.shape_cast %parallel_loop3A_718 : vector<16xf32> to vector<1x16xf32>
        tpu.vector_store %arg12[%parallel_loop3A_719, %parallel_loop3A_720], %parallel_loop3A_723 {strides = array<i32>} : memref<128x128xf32, #tpu.memory_space<vmem>>, vector<1x16xf32>,
        %parallel_loop3A_724 = arith.index_cast %parallel_loop3A_713 : i32 to index
        %parallel_loop3A_725 = arith.constant 16 : index
        %parallel_loop3A_726 = tpu.vector_load %arg10[%parallel_loop3A_724, %parallel_loop3A_725] {strides = array<i32>} : memref<128x128xf32, #tpu.memory_space<vmem>>, vector<1x16xf32>,
        %parallel_loop3A_727 = vector.shape_cast %parallel_loop3A_726 : vector<1x16xf32> to vector<16xf32>
        %parallel_loop3A_728 = arith.addf %parallel_loop3A_727, %get3A_476 : vector<16xf32>
        %parallel_loop3A_729 = arith.index_cast %parallel_loop3A_713 : i32 to index
        %parallel_loop3A_730 = arith.constant 16 : index
        %parallel_loop3A_731 = tpu.vector_load %arg12[%parallel_loop3A_729, %parallel_loop3A_730] {strides = array<i32>} : memref<128x128xf32, #tpu.memory_space<vmem>>, vector<1x16xf32>,
        %parallel_loop3A_732 = vector.shape_cast %parallel_loop3A_731 : vector<1x16xf32> to vector<16xf32>
        %parallel_loop3A_733 = vector.shape_cast %parallel_loop3A_728 : vector<16xf32> to vector<1x16xf32>
        tpu.vector_store %arg12[%parallel_loop3A_729, %parallel_loop3A_730], %parallel_loop3A_733 {strides = array<i32>} : memref<128x128xf32, #tpu.memory_space<vmem>>, vector<1x16xf32>,
        %parallel_loop3A_734 = arith.index_cast %parallel_loop3A_713 : i32 to index
        %parallel_loop3A_735 = arith.constant 32 : index
        %parallel_loop3A_736 = tpu.vector_load %arg10[%parallel_loop3A_734, %parallel_loop3A_735] {strides = array<i32>} : memref<128x128xf32, #tpu.memory_space<vmem>>, vector<1x16xf32>,
        %parallel_loop3A_737 = vector.shape_cast %parallel_loop3A_736 : vector<1x16xf32> to vector<16xf32>
        %parallel_loop3A_738 = arith.addf %parallel_loop3A_737, %get3A_480 : vector<16xf32>
        %parallel_loop3A_739 = arith.index_cast %parallel_loop3A_713 : i32 to index
        %parallel_loop3A_740 = arith.constant 32 : index
        %parallel_loop3A_741 = tpu.vector_load %arg12[%parallel_loop3A_739, %parallel_loop3A_740] {strides = array<i32>} : memref<128x128xf32, #tpu.memory_space<vmem>>, vector<1x16xf32>,
        %parallel_loop3A_742 = vector.shape_cast %parallel_loop3A_741 : vector<1x16xf32> to vector<16xf32>
        %parallel_loop3A_743 = vector.shape_cast %parallel_loop3A_738 : vector<16xf32> to vector<1x16xf32>
        tpu.vector_store %arg12[%parallel_loop3A_739, %parallel_loop3A_740], %parallel_loop3A_743 {strides = array<i32>} : memref<128x128xf32, #tpu.memory_space<vmem>>, vector<1x16xf32>,
        %parallel_loop3A_744 = arith.index_cast %parallel_loop3A_713 : i32 to index
        %parallel_loop3A_745 = arith.constant 48 : index
        %parallel_loop3A_746 = tpu.vector_load %arg10[%parallel_loop3A_744, %parallel_loop3A_745] {strides = array<i32>} : memref<128x128xf32, #tpu.memory_space<vmem>>, vector<1x16xf32>,
        %parallel_loop3A_747 = vector.shape_cast %parallel_loop3A_746 : vector<1x16xf32> to vector<16xf32>
        %parallel_loop3A_748 = arith.addf %parallel_loop3A_747, %get3A_484 : vector<16xf32>
        %parallel_loop3A_749 = arith.index_cast %parallel_loop3A_713 : i32 to index
        %parallel_loop3A_750 = arith.constant 48 : index
        %parallel_loop3A_751 = tpu.vector_load %arg12[%parallel_loop3A_749, %parallel_loop3A_750] {strides = array<i32>} : memref<128x128xf32, #tpu.memory_space<vmem>>, vector<1x16xf32>,
        %parallel_loop3A_752 = vector.shape_cast %parallel_loop3A_751 : vector<1x16xf32> to vector<16xf32>
        %parallel_loop3A_753 = vector.shape_cast %parallel_loop3A_748 : vector<16xf32> to vector<1x16xf32>
        tpu.vector_store %arg12[%parallel_loop3A_749, %parallel_loop3A_750], %parallel_loop3A_753 {strides = array<i32>} : memref<128x128xf32, #tpu.memory_space<vmem>>, vector<1x16xf32>,
        %parallel_loop3A_754 = arith.index_cast %parallel_loop3A_713 : i32 to index
        %parallel_loop3A_755 = arith.constant 64 : index
        %parallel_loop3A_756 = tpu.vector_load %arg10[%parallel_loop3A_754, %parallel_loop3A_755] {strides = array<i32>} : memref<128x128xf32, #tpu.memory_space<vmem>>, vector<1x16xf32>,
        %parallel_loop3A_757 = vector.shape_cast %parallel_loop3A_756 : vector<1x16xf32> to vector<16xf32>
        %parallel_loop3A_758 = arith.addf %parallel_loop3A_757, %get3A_488 : vector<16xf32>
        %parallel_loop3A_759 = arith.index_cast %parallel_loop3A_713 : i32 to index
        %parallel_loop3A_760 = arith.constant 64 : index
        %parallel_loop3A_761 = tpu.vector_load %arg12[%parallel_loop3A_759, %parallel_loop3A_760] {strides = array<i32>} : memref<128x128xf32, #tpu.memory_space<vmem>>, vector<1x16xf32>,
        %parallel_loop3A_762 = vector.shape_cast %parallel_loop3A_761 : vector<1x16xf32> to vector<16xf32>
        %parallel_loop3A_763 = vector.shape_cast %parallel_loop3A_758 : vector<16xf32> to vector<1x16xf32>
        tpu.vector_store %arg12[%parallel_loop3A_759, %parallel_loop3A_760], %parallel_loop3A_763 {strides = array<i32>} : memref<128x128xf32, #tpu.memory_space<vmem>>, vector<1x16xf32>,
        %parallel_loop3A_764 = arith.index_cast %parallel_loop3A_713 : i32 to index
        %parallel_loop3A_765 = arith.constant 80 : index
        %parallel_loop3A_766 = tpu.vector_load %arg10[%parallel_loop3A_764, %parallel_loop3A_765] {strides = array<i32>} : memref<128x128xf32, #tpu.memory_space<vmem>>, vector<1x16xf32>,
        %parallel_loop3A_767 = vector.shape_cast %parallel_loop3A_766 : vector<1x16xf32> to vector<16xf32>
        %parallel_loop3A_768 = arith.addf %parallel_loop3A_767, %get3A_492 : vector<16xf32>
        %parallel_loop3A_769 = arith.index_cast %parallel_loop3A_713 : i32 to index
        %parallel_loop3A_770 = arith.constant 80 : index
        %parallel_loop3A_771 = tpu.vector_load %arg12[%parallel_loop3A_769, %parallel_loop3A_770] {strides = array<i32>} : memref<128x128xf32, #tpu.memory_space<vmem>>, vector<1x16xf32>,
        %parallel_loop3A_772 = vector.shape_cast %parallel_loop3A_771 : vector<1x16xf32> to vector<16xf32>
        %parallel_loop3A_773 = vector.shape_cast %parallel_loop3A_768 : vector<16xf32> to vector<1x16xf32>
        tpu.vector_store %arg12[%parallel_loop3A_769, %parallel_loop3A_770], %parallel_loop3A_773 {strides = array<i32>} : memref<128x128xf32, #tpu.memory_space<vmem>>, vector<1x16xf32>,
        %parallel_loop3A_774 = arith.index_cast %parallel_loop3A_713 : i32 to index
        %parallel_loop3A_775 = arith.constant 96 : index
        %parallel_loop3A_776 = tpu.vector_load %arg10[%parallel_loop3A_774, %parallel_loop3A_775] {strides = array<i32>} : memref<128x128xf32, #tpu.memory_space<vmem>>, vector<1x16xf32>,
        %parallel_loop3A_777 = vector.shape_cast %parallel_loop3A_776 : vector<1x16xf32> to vector<16xf32>
        %parallel_loop3A_778 = arith.addf %parallel_loop3A_777, %get3A_496 : vector<16xf32>
        %parallel_loop3A_779 = arith.index_cast %parallel_loop3A_713 : i32 to index
        %parallel_loop3A_780 = arith.constant 96 : index
        %parallel_loop3A_781 = tpu.vector_load %arg12[%parallel_loop3A_779, %parallel_loop3A_780] {strides = array<i32>} : memref<128x128xf32, #tpu.memory_space<vmem>>, vector<1x16xf32>,
        %parallel_loop3A_782 = vector.shape_cast %parallel_loop3A_781 : vector<1x16xf32> to vector<16xf32>
        %parallel_loop3A_783 = vector.shape_cast %parallel_loop3A_778 : vector<16xf32> to vector<1x16xf32>
        tpu.vector_store %arg12[%parallel_loop3A_779, %parallel_loop3A_780], %parallel_loop3A_783 {strides = array<i32>} : memref<128x128xf32, #tpu.memory_space<vmem>>, vector<1x16xf32>,
        %parallel_loop3A_784 = arith.index_cast %parallel_loop3A_713 : i32 to index
        %parallel_loop3A_785 = arith.constant 112 : index
        %parallel_loop3A_786 = tpu.vector_load %arg10[%parallel_loop3A_784, %parallel_loop3A_785] {strides = array<i32>} : memref<128x128xf32, #tpu.memory_space<vmem>>, vector<1x16xf32>,
        %parallel_loop3A_787 = vector.shape_cast %parallel_loop3A_786 : vector<1x16xf32> to vector<16xf32>
        %parallel_loop3A_788 = arith.addf %parallel_loop3A_787, %get3A_500 : vector<16xf32>
        %parallel_loop3A_789 = arith.index_cast %parallel_loop3A_713 : i32 to index
        %parallel_loop3A_790 = arith.constant 112 : index
        %parallel_loop3A_791 = tpu.vector_load %arg12[%parallel_loop3A_789, %parallel_loop3A_790] {strides = array<i32>} : memref<128x128xf32, #tpu.memory_space<vmem>>, vector<1x16xf32>,
        %parallel_loop3A_792 = vector.shape_cast %parallel_loop3A_791 : vector<1x16xf32> to vector<16xf32>
        %parallel_loop3A_793 = vector.shape_cast %parallel_loop3A_788 : vector<16xf32> to vector<1x16xf32>
        tpu.vector_store %arg12[%parallel_loop3A_789, %parallel_loop3A_790], %parallel_loop3A_793 {strides = array<i32>} : memref<128x128xf32, #tpu.memory_space<vmem>>, vector<1x16xf32>,
      } {sc.loop_unroll_factor = 4 : i64, sc.parallel_access}
      %dma_start3A_504 = arith.constant 0 : i32
      %dma_start3A_505 = tpu.memref_slice %arg5[%add3A_455, %mul3A_2, %dma_start3A_504] : memref<50x4096x128xf32, #tpu.memory_space<hbm>> -> memref<1x128x128xf32, #tpu.memory_space<hbm>>
      %dma_start3A_506 = tpu.memref_squeeze %dma_start3A_505 : memref<1x128x128xf32, #tpu.memory_space<hbm>> -> memref<128x128xf32, #tpu.memory_space<hbm>>
      %dma_start3A_507 = arith.constant 0 : i32
      %dma_start3A_508 = tpu.memref_slice %arg5[%add3A_455, %mul3A_2, %dma_start3A_507] : memref<50x4096x128xf32, #tpu.memory_space<hbm>> -> memref<1x128x128xf32, #tpu.memory_space<hbm>>
      %dma_start3A_509 = tpu.memref_squeeze %dma_start3A_508 : memref<1x128x128xf32, #tpu.memory_space<hbm>> -> memref<128x128xf32, #tpu.memory_space<hbm>>
      tpu.enqueue_dma source(%arg12 : memref<128x128xf32, #tpu.memory_space<vmem>>) target(%dma_start3A_509 : memref<128x128xf32, #tpu.memory_space<hbm>>) target_semaphore(%arg18 : memref<!tpu.dma_semaphore, #tpu.memory_space<semaphore_mem>>)
      %add3A_510 = arith.constant 4 : i32
      %add3A_511 = arith.addi %add3A_455, %add3A_510 : i32
      %dma_start3A_512 = arith.constant 0 : i32
      %dma_start3A_513 = tpu.memref_slice %arg7[%add3A_511, %dma_start3A_512] : memref<50x128xi32, #tpu.memory_space<vmem>> -> memref<1x128xi32, #tpu.memory_space<vmem>>
      %dma_start3A_514 = tpu.memref_squeeze %dma_start3A_513 : memref<1x128xi32, #tpu.memory_space<vmem>> -> memref<128xi32, #tpu.memory_space<vmem>>
      %dma_start3A_515 = arith.constant 0 : i32
      %dma_start3A_516 = arith.constant 0 : i32
      %dma_start3A_517 = tpu.memref_slice %arg3[%dma_start3A_515, %dma_start3A_516] : memref<100000x128xf32, #tpu.memory_space<hbm>> -> memref<100000x128xf32, #tpu.memory_space<hbm>>
      tpu.enqueue_indirect_dma source(%dma_start3A_517 : memref<100000x128xf32, #tpu.memory_space<hbm>>) target(%arg10 : memref<128x128xf32, #tpu.memory_space<vmem>>) offsets(%dma_start3A_514 : memref<128xi32, #tpu.memory_space<vmem>>) semaphore(%arg16 : memref<!tpu.dma_semaphore, #tpu.memory_space<semaphore_mem>>)
      %add3A_518 = arith.constant 1 : i32
      %add3A_519 = arith.addi %add3A_453, %add3A_518 : i32
      %dma_wait3A_520 = arith.constant 0 : i32
      %dma_wait3A_521 = tpu.memref_slice %arg7[%add3A_519, %dma_wait3A_520] : memref<50x128xi32, #tpu.memory_space<vmem>> -> memref<1x128xi32, #tpu.memory_space<vmem>>
      %dma_wait3A_522 = tpu.memref_squeeze %dma_wait3A_521 : memref<1x128xi32, #tpu.memory_space<vmem>> -> memref<128xi32, #tpu.memory_space<vmem>>
      %dma_wait3A_523 = arith.constant 0 : i32
      %dma_wait3A_524 = arith.constant 0 : i32
      %dma_wait3A_525 = tpu.memref_slice %arg3[%dma_wait3A_523, %dma_wait3A_524] : memref<100000x128xf32, #tpu.memory_space<hbm>> -> memref<100000x128xf32, #tpu.memory_space<hbm>>
      tpu.wait_indirect_dma semaphore(%arg17 : memref<!tpu.dma_semaphore, #tpu.memory_space<semaphore_mem>>) src(%dma_wait3A_525 : memref<100000x128xf32, #tpu.memory_space<hbm>>) dst(%arg11 : memref<128x128xf32, #tpu.memory_space<vmem>>)
      %sub3A_526 = arith.constant 2 : i32
      %sub3A_527 = arith.subi %add3A_519, %sub3A_526 : i32
      %dma_wait3A_528 = arith.constant 0 : i32
      %dma_wait3A_529 = tpu.memref_slice %arg5[%sub3A_527, %mul3A_2, %dma_wait3A_528] : memref<50x4096x128xf32, #tpu.memory_space<hbm>> -> memref<1x128x128xf32, #tpu.memory_space<hbm>>
      %dma_wait3A_530 = tpu.memref_squeeze %dma_wait3A_529 : memref<1x128x128xf32, #tpu.memory_space<hbm>> -> memref<128x128xf32, #tpu.memory_space<hbm>>
      %dma_wait3A_531 = arith.constant 0 : i32
      %dma_wait3A_532 = tpu.memref_slice %arg5[%sub3A_527, %mul3A_2, %dma_wait3A_531] : memref<50x4096x128xf32, #tpu.memory_space<hbm>> -> memref<1x128x128xf32, #tpu.memory_space<hbm>>
      %dma_wait3A_533 = tpu.memref_squeeze %dma_wait3A_532 : memref<1x128x128xf32, #tpu.memory_space<hbm>> -> memref<128x128xf32, #tpu.memory_space<hbm>>
      tpu.wait_dma2 semaphore(%arg19 : memref<!tpu.dma_semaphore, #tpu.memory_space<semaphore_mem>>) src(%arg13 : memref<128x128xf32, #tpu.memory_space<vmem>>) dst(%dma_wait3A_533 : memref<128x128xf32, #tpu.memory_space<hbm>>)
      %get3A_534 = arith.index_cast %add3A_519 : i32 to index
      %get3A_535 = arith.constant 0 : index
      %get3A_536 = tpu.vector_load %arg6[%get3A_534, %get3A_535] {strides = array<i32>} : memref<50x128xf32, #tpu.memory_space<vmem>>, vector<1x16xf32>,
      %get3A_537 = vector.shape_cast %get3A_536 : vector<1x16xf32> to vector<16xf32>
      %get3A_538 = arith.index_cast %add3A_519 : i32 to index
      %get3A_539 = arith.constant 16 : index
      %get3A_540 = tpu.vector_load %arg6[%get3A_538, %get3A_539] {strides = array<i32>} : memref<50x128xf32, #tpu.memory_space<vmem>>, vector<1x16xf32>,
      %get3A_541 = vector.shape_cast %get3A_540 : vector<1x16xf32> to vector<16xf32>
      %get3A_542 = arith.index_cast %add3A_519 : i32 to index
      %get3A_543 = arith.constant 32 : index
      %get3A_544 = tpu.vector_load %arg6[%get3A_542, %get3A_543] {strides = array<i32>} : memref<50x128xf32, #tpu.memory_space<vmem>>, vector<1x16xf32>,
      %get3A_545 = vector.shape_cast %get3A_544 : vector<1x16xf32> to vector<16xf32>
      %get3A_546 = arith.index_cast %add3A_519 : i32 to index
      %get3A_547 = arith.constant 48 : index
      %get3A_548 = tpu.vector_load %arg6[%get3A_546, %get3A_547] {strides = array<i32>} : memref<50x128xf32, #tpu.memory_space<vmem>>, vector<1x16xf32>,
      %get3A_549 = vector.shape_cast %get3A_548 : vector<1x16xf32> to vector<16xf32>
      %get3A_550 = arith.index_cast %add3A_519 : i32 to index
      %get3A_551 = arith.constant 64 : index
      %get3A_552 = tpu.vector_load %arg6[%get3A_550, %get3A_551] {strides = array<i32>} : memref<50x128xf32, #tpu.memory_space<vmem>>, vector<1x16xf32>,
      %get3A_553 = vector.shape_cast %get3A_552 : vector<1x16xf32> to vector<16xf32>
      %get3A_554 = arith.index_cast %add3A_519 : i32 to index
      %get3A_555 = arith.constant 80 : index
      %get3A_556 = tpu.vector_load %arg6[%get3A_554, %get3A_555] {strides = array<i32>} : memref<50x128xf32, #tpu.memory_space<vmem>>, vector<1x16xf32>,
      %get3A_557 = vector.shape_cast %get3A_556 : vector<1x16xf32> to vector<16xf32>
      %get3A_558 = arith.index_cast %add3A_519 : i32 to index
      %get3A_559 = arith.constant 96 : index
      %get3A_560 = tpu.vector_load %arg6[%get3A_558, %get3A_559] {strides = array<i32>} : memref<50x128xf32, #tpu.memory_space<vmem>>, vector<1x16xf32>,
      %get3A_561 = vector.shape_cast %get3A_560 : vector<1x16xf32> to vector<16xf32>
      %get3A_562 = arith.index_cast %add3A_519 : i32 to index
      %get3A_563 = arith.constant 112 : index
      %get3A_564 = tpu.vector_load %arg6[%get3A_562, %get3A_563] {strides = array<i32>} : memref<50x128xf32, #tpu.memory_space<vmem>>, vector<1x16xf32>,
      %get3A_565 = vector.shape_cast %get3A_564 : vector<1x16xf32> to vector<16xf32>
      %parallel_loop3A_566 = arith.constant 0 : i32
      %parallel_loop3A_567 = arith.constant 128 : i32
      %parallel_loop3A_568 = arith.constant 1 : i32
      scf.for %parallel_loop3A_713 = %parallel_loop3A_566 to %parallel_loop3A_567 step %parallel_loop3A_568  : i32 {
        %parallel_loop3A_714 = arith.index_cast %parallel_loop3A_713 : i32 to index
        %parallel_loop3A_715 = arith.constant 0 : index
        %parallel_loop3A_716 = tpu.vector_load %arg11[%parallel_loop3A_714, %parallel_loop3A_715] {strides = array<i32>} : memref<128x128xf32, #tpu.memory_space<vmem>>, vector<1x16xf32>,
        %parallel_loop3A_717 = vector.shape_cast %parallel_loop3A_716 : vector<1x16xf32> to vector<16xf32>
        %parallel_loop3A_718 = arith.addf %parallel_loop3A_717, %get3A_537 : vector<16xf32>
        %parallel_loop3A_719 = arith.index_cast %parallel_loop3A_713 : i32 to index
        %parallel_loop3A_720 = arith.constant 0 : index
        %parallel_loop3A_721 = tpu.vector_load %arg13[%parallel_loop3A_719, %parallel_loop3A_720] {strides = array<i32>} : memref<128x128xf32, #tpu.memory_space<vmem>>, vector<1x16xf32>,
        %parallel_loop3A_722 = vector.shape_cast %parallel_loop3A_721 : vector<1x16xf32> to vector<16xf32>
        %parallel_loop3A_723 = vector.shape_cast %parallel_loop3A_718 : vector<16xf32> to vector<1x16xf32>
        tpu.vector_store %arg13[%parallel_loop3A_719, %parallel_loop3A_720], %parallel_loop3A_723 {strides = array<i32>} : memref<128x128xf32, #tpu.memory_space<vmem>>, vector<1x16xf32>,
        %parallel_loop3A_724 = arith.index_cast %parallel_loop3A_713 : i32 to index
        %parallel_loop3A_725 = arith.constant 16 : index
        %parallel_loop3A_726 = tpu.vector_load %arg11[%parallel_loop3A_724, %parallel_loop3A_725] {strides = array<i32>} : memref<128x128xf32, #tpu.memory_space<vmem>>, vector<1x16xf32>,
        %parallel_loop3A_727 = vector.shape_cast %parallel_loop3A_726 : vector<1x16xf32> to vector<16xf32>
        %parallel_loop3A_728 = arith.addf %parallel_loop3A_727, %get3A_541 : vector<16xf32>
        %parallel_loop3A_729 = arith.index_cast %parallel_loop3A_713 : i32 to index
        %parallel_loop3A_730 = arith.constant 16 : index
        %parallel_loop3A_731 = tpu.vector_load %arg13[%parallel_loop3A_729, %parallel_loop3A_730] {strides = array<i32>} : memref<128x128xf32, #tpu.memory_space<vmem>>, vector<1x16xf32>,
        %parallel_loop3A_732 = vector.shape_cast %parallel_loop3A_731 : vector<1x16xf32> to vector<16xf32>
        %parallel_loop3A_733 = vector.shape_cast %parallel_loop3A_728 : vector<16xf32> to vector<1x16xf32>
        tpu.vector_store %arg13[%parallel_loop3A_729, %parallel_loop3A_730], %parallel_loop3A_733 {strides = array<i32>} : memref<128x128xf32, #tpu.memory_space<vmem>>, vector<1x16xf32>,
        %parallel_loop3A_734 = arith.index_cast %parallel_loop3A_713 : i32 to index
        %parallel_loop3A_735 = arith.constant 32 : index
        %parallel_loop3A_736 = tpu.vector_load %arg11[%parallel_loop3A_734, %parallel_loop3A_735] {strides = array<i32>} : memref<128x128xf32, #tpu.memory_space<vmem>>, vector<1x16xf32>,
        %parallel_loop3A_737 = vector.shape_cast %parallel_loop3A_736 : vector<1x16xf32> to vector<16xf32>
        %parallel_loop3A_738 = arith.addf %parallel_loop3A_737, %get3A_545 : vector<16xf32>
        %parallel_loop3A_739 = arith.index_cast %parallel_loop3A_713 : i32 to index
        %parallel_loop3A_740 = arith.constant 32 : index
        %parallel_loop3A_741 = tpu.vector_load %arg13[%parallel_loop3A_739, %parallel_loop3A_740] {strides = array<i32>} : memref<128x128xf32, #tpu.memory_space<vmem>>, vector<1x16xf32>,
        %parallel_loop3A_742 = vector.shape_cast %parallel_loop3A_741 : vector<1x16xf32> to vector<16xf32>
        %parallel_loop3A_743 = vector.shape_cast %parallel_loop3A_738 : vector<16xf32> to vector<1x16xf32>
        tpu.vector_store %arg13[%parallel_loop3A_739, %parallel_loop3A_740], %parallel_loop3A_743 {strides = array<i32>} : memref<128x128xf32, #tpu.memory_space<vmem>>, vector<1x16xf32>,
        %parallel_loop3A_744 = arith.index_cast %parallel_loop3A_713 : i32 to index
        %parallel_loop3A_745 = arith.constant 48 : index
        %parallel_loop3A_746 = tpu.vector_load %arg11[%parallel_loop3A_744, %parallel_loop3A_745] {strides = array<i32>} : memref<128x128xf32, #tpu.memory_space<vmem>>, vector<1x16xf32>,
        %parallel_loop3A_747 = vector.shape_cast %parallel_loop3A_746 : vector<1x16xf32> to vector<16xf32>
        %parallel_loop3A_748 = arith.addf %parallel_loop3A_747, %get3A_549 : vector<16xf32>
        %parallel_loop3A_749 = arith.index_cast %parallel_loop3A_713 : i32 to index
        %parallel_loop3A_750 = arith.constant 48 : index
        %parallel_loop3A_751 = tpu.vector_load %arg13[%parallel_loop3A_749, %parallel_loop3A_750] {strides = array<i32>} : memref<128x128xf32, #tpu.memory_space<vmem>>, vector<1x16xf32>,
        %parallel_loop3A_752 = vector.shape_cast %parallel_loop3A_751 : vector<1x16xf32> to vector<16xf32>
        %parallel_loop3A_753 = vector.shape_cast %parallel_loop3A_748 : vector<16xf32> to vector<1x16xf32>
        tpu.vector_store %arg13[%parallel_loop3A_749, %parallel_loop3A_750], %parallel_loop3A_753 {strides = array<i32>} : memref<128x128xf32, #tpu.memory_space<vmem>>, vector<1x16xf32>,
        %parallel_loop3A_754 = arith.index_cast %parallel_loop3A_713 : i32 to index
        %parallel_loop3A_755 = arith.constant 64 : index
        %parallel_loop3A_756 = tpu.vector_load %arg11[%parallel_loop3A_754, %parallel_loop3A_755] {strides = array<i32>} : memref<128x128xf32, #tpu.memory_space<vmem>>, vector<1x16xf32>,
        %parallel_loop3A_757 = vector.shape_cast %parallel_loop3A_756 : vector<1x16xf32> to vector<16xf32>
        %parallel_loop3A_758 = arith.addf %parallel_loop3A_757, %get3A_553 : vector<16xf32>
        %parallel_loop3A_759 = arith.index_cast %parallel_loop3A_713 : i32 to index
        %parallel_loop3A_760 = arith.constant 64 : index
        %parallel_loop3A_761 = tpu.vector_load %arg13[%parallel_loop3A_759, %parallel_loop3A_760] {strides = array<i32>} : memref<128x128xf32, #tpu.memory_space<vmem>>, vector<1x16xf32>,
        %parallel_loop3A_762 = vector.shape_cast %parallel_loop3A_761 : vector<1x16xf32> to vector<16xf32>
        %parallel_loop3A_763 = vector.shape_cast %parallel_loop3A_758 : vector<16xf32> to vector<1x16xf32>
        tpu.vector_store %arg13[%parallel_loop3A_759, %parallel_loop3A_760], %parallel_loop3A_763 {strides = array<i32>} : memref<128x128xf32, #tpu.memory_space<vmem>>, vector<1x16xf32>,
        %parallel_loop3A_764 = arith.index_cast %parallel_loop3A_713 : i32 to index
        %parallel_loop3A_765 = arith.constant 80 : index
        %parallel_loop3A_766 = tpu.vector_load %arg11[%parallel_loop3A_764, %parallel_loop3A_765] {strides = array<i32>} : memref<128x128xf32, #tpu.memory_space<vmem>>, vector<1x16xf32>,
        %parallel_loop3A_767 = vector.shape_cast %parallel_loop3A_766 : vector<1x16xf32> to vector<16xf32>
        %parallel_loop3A_768 = arith.addf %parallel_loop3A_767, %get3A_557 : vector<16xf32>
        %parallel_loop3A_769 = arith.index_cast %parallel_loop3A_713 : i32 to index
        %parallel_loop3A_770 = arith.constant 80 : index
        %parallel_loop3A_771 = tpu.vector_load %arg13[%parallel_loop3A_769, %parallel_loop3A_770] {strides = array<i32>} : memref<128x128xf32, #tpu.memory_space<vmem>>, vector<1x16xf32>,
        %parallel_loop3A_772 = vector.shape_cast %parallel_loop3A_771 : vector<1x16xf32> to vector<16xf32>
        %parallel_loop3A_773 = vector.shape_cast %parallel_loop3A_768 : vector<16xf32> to vector<1x16xf32>
        tpu.vector_store %arg13[%parallel_loop3A_769, %parallel_loop3A_770], %parallel_loop3A_773 {strides = array<i32>} : memref<128x128xf32, #tpu.memory_space<vmem>>, vector<1x16xf32>,
        %parallel_loop3A_774 = arith.index_cast %parallel_loop3A_713 : i32 to index
        %parallel_loop3A_775 = arith.constant 96 : index
        %parallel_loop3A_776 = tpu.vector_load %arg11[%parallel_loop3A_774, %parallel_loop3A_775] {strides = array<i32>} : memref<128x128xf32, #tpu.memory_space<vmem>>, vector<1x16xf32>,
        %parallel_loop3A_777 = vector.shape_cast %parallel_loop3A_776 : vector<1x16xf32> to vector<16xf32>
        %parallel_loop3A_778 = arith.addf %parallel_loop3A_777, %get3A_561 : vector<16xf32>
        %parallel_loop3A_779 = arith.index_cast %parallel_loop3A_713 : i32 to index
        %parallel_loop3A_780 = arith.constant 96 : index
        %parallel_loop3A_781 = tpu.vector_load %arg13[%parallel_loop3A_779, %parallel_loop3A_780] {strides = array<i32>} : memref<128x128xf32, #tpu.memory_space<vmem>>, vector<1x16xf32>,
        %parallel_loop3A_782 = vector.shape_cast %parallel_loop3A_781 : vector<1x16xf32> to vector<16xf32>
        %parallel_loop3A_783 = vector.shape_cast %parallel_loop3A_778 : vector<16xf32> to vector<1x16xf32>
        tpu.vector_store %arg13[%parallel_loop3A_779, %parallel_loop3A_780], %parallel_loop3A_783 {strides = array<i32>} : memref<128x128xf32, #tpu.memory_space<vmem>>, vector<1x16xf32>,
        %parallel_loop3A_784 = arith.index_cast %parallel_loop3A_713 : i32 to index
        %parallel_loop3A_785 = arith.constant 112 : index
        %parallel_loop3A_786 = tpu.vector_load %arg11[%parallel_loop3A_784, %parallel_loop3A_785] {strides = array<i32>} : memref<128x128xf32, #tpu.memory_space<vmem>>, vector<1x16xf32>,
        %parallel_loop3A_787 = vector.shape_cast %parallel_loop3A_786 : vector<1x16xf32> to vector<16xf32>
        %parallel_loop3A_788 = arith.addf %parallel_loop3A_787, %get3A_565 : vector<16xf32>
        %parallel_loop3A_789 = arith.index_cast %parallel_loop3A_713 : i32 to index
        %parallel_loop3A_790 = arith.constant 112 : index
        %parallel_loop3A_791 = tpu.vector_load %arg13[%parallel_loop3A_789, %parallel_loop3A_790] {strides = array<i32>} : memref<128x128xf32, #tpu.memory_space<vmem>>, vector<1x16xf32>,
        %parallel_loop3A_792 = vector.shape_cast %parallel_loop3A_791 : vector<1x16xf32> to vector<16xf32>
        %parallel_loop3A_793 = vector.shape_cast %parallel_loop3A_788 : vector<16xf32> to vector<1x16xf32>
        tpu.vector_store %arg13[%parallel_loop3A_789, %parallel_loop3A_790], %parallel_loop3A_793 {strides = array<i32>} : memref<128x128xf32, #tpu.memory_space<vmem>>, vector<1x16xf32>,
      } {sc.loop_unroll_factor = 4 : i64, sc.parallel_access}
      %dma_start3A_569 = arith.constant 0 : i32
      %dma_start3A_570 = tpu.memref_slice %arg5[%add3A_519, %mul3A_2, %dma_start3A_569] : memref<50x4096x128xf32, #tpu.memory_space<hbm>> -> memref<1x128x128xf32, #tpu.memory_space<hbm>>
      %dma_start3A_571 = tpu.memref_squeeze %dma_start3A_570 : memref<1x128x128xf32, #tpu.memory_space<hbm>> -> memref<128x128xf32, #tpu.memory_space<hbm>>
      %dma_start3A_572 = arith.constant 0 : i32
      %dma_start3A_573 = tpu.memref_slice %arg5[%add3A_519, %mul3A_2, %dma_start3A_572] : memref<50x4096x128xf32, #tpu.memory_space<hbm>> -> memref<1x128x128xf32, #tpu.memory_space<hbm>>
      %dma_start3A_574 = tpu.memref_squeeze %dma_start3A_573 : memref<1x128x128xf32, #tpu.memory_space<hbm>> -> memref<128x128xf32, #tpu.memory_space<hbm>>
      tpu.enqueue_dma source(%arg13 : memref<128x128xf32, #tpu.memory_space<vmem>>) target(%dma_start3A_574 : memref<128x128xf32, #tpu.memory_space<hbm>>) target_semaphore(%arg19 : memref<!tpu.dma_semaphore, #tpu.memory_space<semaphore_mem>>)
      %add3A_575 = arith.constant 4 : i32
      %add3A_576 = arith.addi %add3A_519, %add3A_575 : i32
      %dma_start3A_577 = arith.constant 0 : i32
      %dma_start3A_578 = tpu.memref_slice %arg7[%add3A_576, %dma_start3A_577] : memref<50x128xi32, #tpu.memory_space<vmem>> -> memref<1x128xi32, #tpu.memory_space<vmem>>
      %dma_start3A_579 = tpu.memref_squeeze %dma_start3A_578 : memref<1x128xi32, #tpu.memory_space<vmem>> -> memref<128xi32, #tpu.memory_space<vmem>>
      %dma_start3A_580 = arith.constant 0 : i32
      %dma_start3A_581 = arith.constant 0 : i32
      %dma_start3A_582 = tpu.memref_slice %arg3[%dma_start3A_580, %dma_start3A_581] : memref<100000x128xf32, #tpu.memory_space<hbm>> -> memref<100000x128xf32, #tpu.memory_space<hbm>>
      tpu.enqueue_indirect_dma source(%dma_start3A_582 : memref<100000x128xf32, #tpu.memory_space<hbm>>) target(%arg11 : memref<128x128xf32, #tpu.memory_space<vmem>>) offsets(%dma_start3A_579 : memref<128xi32, #tpu.memory_space<vmem>>) semaphore(%arg17 : memref<!tpu.dma_semaphore, #tpu.memory_space<semaphore_mem>>)
      %add3A_583 = arith.constant 2 : i32
      %add3A_584 = arith.addi %add3A_453, %add3A_583 : i32
      %dma_wait3A_585 = arith.constant 0 : i32
      %dma_wait3A_586 = tpu.memref_slice %arg7[%add3A_584, %dma_wait3A_585] : memref<50x128xi32, #tpu.memory_space<vmem>> -> memref<1x128xi32, #tpu.memory_space<vmem>>
      %dma_wait3A_587 = tpu.memref_squeeze %dma_wait3A_586 : memref<1x128xi32, #tpu.memory_space<vmem>> -> memref<128xi32, #tpu.memory_space<vmem>>
      %dma_wait3A_588 = arith.constant 0 : i32
      %dma_wait3A_589 = arith.constant 0 : i32
      %dma_wait3A_590 = tpu.memref_slice %arg3[%dma_wait3A_588, %dma_wait3A_589] : memref<100000x128xf32, #tpu.memory_space<hbm>> -> memref<100000x128xf32, #tpu.memory_space<hbm>>
      tpu.wait_indirect_dma semaphore(%arg14 : memref<!tpu.dma_semaphore, #tpu.memory_space<semaphore_mem>>) src(%dma_wait3A_590 : memref<100000x128xf32, #tpu.memory_space<hbm>>) dst(%arg8 : memref<128x128xf32, #tpu.memory_space<vmem>>)
      %sub3A_591 = arith.constant 2 : i32
      %sub3A_592 = arith.subi %add3A_584, %sub3A_591 : i32
      %dma_wait3A_593 = arith.constant 0 : i32
      %dma_wait3A_594 = tpu.memref_slice %arg5[%sub3A_592, %mul3A_2, %dma_wait3A_593] : memref<50x4096x128xf32, #tpu.memory_space<hbm>> -> memref<1x128x128xf32, #tpu.memory_space<hbm>>
      %dma_wait3A_595 = tpu.memref_squeeze %dma_wait3A_594 : memref<1x128x128xf32, #tpu.memory_space<hbm>> -> memref<128x128xf32, #tpu.memory_space<hbm>>
      %dma_wait3A_596 = arith.constant 0 : i32
      %dma_wait3A_597 = tpu.memref_slice %arg5[%sub3A_592, %mul3A_2, %dma_wait3A_596] : memref<50x4096x128xf32, #tpu.memory_space<hbm>> -> memref<1x128x128xf32, #tpu.memory_space<hbm>>
      %dma_wait3A_598 = tpu.memref_squeeze %dma_wait3A_597 : memref<1x128x128xf32, #tpu.memory_space<hbm>> -> memref<128x128xf32, #tpu.memory_space<hbm>>
      tpu.wait_dma2 semaphore(%arg18 : memref<!tpu.dma_semaphore, #tpu.memory_space<semaphore_mem>>) src(%arg12 : memref<128x128xf32, #tpu.memory_space<vmem>>) dst(%dma_wait3A_598 : memref<128x128xf32, #tpu.memory_space<hbm>>)
      %get3A_599 = arith.index_cast %add3A_584 : i32 to index
      %get3A_600 = arith.constant 0 : index
      %get3A_601 = tpu.vector_load %arg6[%get3A_599, %get3A_600] {strides = array<i32>} : memref<50x128xf32, #tpu.memory_space<vmem>>, vector<1x16xf32>,
      %get3A_602 = vector.shape_cast %get3A_601 : vector<1x16xf32> to vector<16xf32>
      %get3A_603 = arith.index_cast %add3A_584 : i32 to index
      %get3A_604 = arith.constant 16 : index
      %get3A_605 = tpu.vector_load %arg6[%get3A_603, %get3A_604] {strides = array<i32>} : memref<50x128xf32, #tpu.memory_space<vmem>>, vector<1x16xf32>,
      %get3A_606 = vector.shape_cast %get3A_605 : vector<1x16xf32> to vector<16xf32>
      %get3A_607 = arith.index_cast %add3A_584 : i32 to index
      %get3A_608 = arith.constant 32 : index
      %get3A_609 = tpu.vector_load %arg6[%get3A_607, %get3A_608] {strides = array<i32>} : memref<50x128xf32, #tpu.memory_space<vmem>>, vector<1x16xf32>,
      %get3A_610 = vector.shape_cast %get3A_609 : vector<1x16xf32> to vector<16xf32>
      %get3A_611 = arith.index_cast %add3A_584 : i32 to index
      %get3A_612 = arith.constant 48 : index
      %get3A_613 = tpu.vector_load %arg6[%get3A_611, %get3A_612] {strides = array<i32>} : memref<50x128xf32, #tpu.memory_space<vmem>>, vector<1x16xf32>,
      %get3A_614 = vector.shape_cast %get3A_613 : vector<1x16xf32> to vector<16xf32>
      %get3A_615 = arith.index_cast %add3A_584 : i32 to index
      %get3A_616 = arith.constant 64 : index
      %get3A_617 = tpu.vector_load %arg6[%get3A_615, %get3A_616] {strides = array<i32>} : memref<50x128xf32, #tpu.memory_space<vmem>>, vector<1x16xf32>,
      %get3A_618 = vector.shape_cast %get3A_617 : vector<1x16xf32> to vector<16xf32>
      %get3A_619 = arith.index_cast %add3A_584 : i32 to index
      %get3A_620 = arith.constant 80 : index
      %get3A_621 = tpu.vector_load %arg6[%get3A_619, %get3A_620] {strides = array<i32>} : memref<50x128xf32, #tpu.memory_space<vmem>>, vector<1x16xf32>,
      %get3A_622 = vector.shape_cast %get3A_621 : vector<1x16xf32> to vector<16xf32>
      %get3A_623 = arith.index_cast %add3A_584 : i32 to index
      %get3A_624 = arith.constant 96 : index
      %get3A_625 = tpu.vector_load %arg6[%get3A_623, %get3A_624] {strides = array<i32>} : memref<50x128xf32, #tpu.memory_space<vmem>>, vector<1x16xf32>,
      %get3A_626 = vector.shape_cast %get3A_625 : vector<1x16xf32> to vector<16xf32>
      %get3A_627 = arith.index_cast %add3A_584 : i32 to index
      %get3A_628 = arith.constant 112 : index
      %get3A_629 = tpu.vector_load %arg6[%get3A_627, %get3A_628] {strides = array<i32>} : memref<50x128xf32, #tpu.memory_space<vmem>>, vector<1x16xf32>,
      %get3A_630 = vector.shape_cast %get3A_629 : vector<1x16xf32> to vector<16xf32>
      %parallel_loop3A_631 = arith.constant 0 : i32
      %parallel_loop3A_632 = arith.constant 128 : i32
      %parallel_loop3A_633 = arith.constant 1 : i32
      scf.for %parallel_loop3A_713 = %parallel_loop3A_631 to %parallel_loop3A_632 step %parallel_loop3A_633  : i32 {
        %parallel_loop3A_714 = arith.index_cast %parallel_loop3A_713 : i32 to index
        %parallel_loop3A_715 = arith.constant 0 : index
        %parallel_loop3A_716 = tpu.vector_load %arg8[%parallel_loop3A_714, %parallel_loop3A_715] {strides = array<i32>} : memref<128x128xf32, #tpu.memory_space<vmem>>, vector<1x16xf32>,
        %parallel_loop3A_717 = vector.shape_cast %parallel_loop3A_716 : vector<1x16xf32> to vector<16xf32>
        %parallel_loop3A_718 = arith.addf %parallel_loop3A_717, %get3A_602 : vector<16xf32>
        %parallel_loop3A_719 = arith.index_cast %parallel_loop3A_713 : i32 to index
        %parallel_loop3A_720 = arith.constant 0 : index
        %parallel_loop3A_721 = tpu.vector_load %arg12[%parallel_loop3A_719, %parallel_loop3A_720] {strides = array<i32>} : memref<128x128xf32, #tpu.memory_space<vmem>>, vector<1x16xf32>,
        %parallel_loop3A_722 = vector.shape_cast %parallel_loop3A_721 : vector<1x16xf32> to vector<16xf32>
        %parallel_loop3A_723 = vector.shape_cast %parallel_loop3A_718 : vector<16xf32> to vector<1x16xf32>
        tpu.vector_store %arg12[%parallel_loop3A_719, %parallel_loop3A_720], %parallel_loop3A_723 {strides = array<i32>} : memref<128x128xf32, #tpu.memory_space<vmem>>, vector<1x16xf32>,
        %parallel_loop3A_724 = arith.index_cast %parallel_loop3A_713 : i32 to index
        %parallel_loop3A_725 = arith.constant 16 : index
        %parallel_loop3A_726 = tpu.vector_load %arg8[%parallel_loop3A_724, %parallel_loop3A_725] {strides = array<i32>} : memref<128x128xf32, #tpu.memory_space<vmem>>, vector<1x16xf32>,
        %parallel_loop3A_727 = vector.shape_cast %parallel_loop3A_726 : vector<1x16xf32> to vector<16xf32>
        %parallel_loop3A_728 = arith.addf %parallel_loop3A_727, %get3A_606 : vector<16xf32>
        %parallel_loop3A_729 = arith.index_cast %parallel_loop3A_713 : i32 to index
        %parallel_loop3A_730 = arith.constant 16 : index
        %parallel_loop3A_731 = tpu.vector_load %arg12[%parallel_loop3A_729, %parallel_loop3A_730] {strides = array<i32>} : memref<128x128xf32, #tpu.memory_space<vmem>>, vector<1x16xf32>,
        %parallel_loop3A_732 = vector.shape_cast %parallel_loop3A_731 : vector<1x16xf32> to vector<16xf32>
        %parallel_loop3A_733 = vector.shape_cast %parallel_loop3A_728 : vector<16xf32> to vector<1x16xf32>
        tpu.vector_store %arg12[%parallel_loop3A_729, %parallel_loop3A_730], %parallel_loop3A_733 {strides = array<i32>} : memref<128x128xf32, #tpu.memory_space<vmem>>, vector<1x16xf32>,
        %parallel_loop3A_734 = arith.index_cast %parallel_loop3A_713 : i32 to index
        %parallel_loop3A_735 = arith.constant 32 : index
        %parallel_loop3A_736 = tpu.vector_load %arg8[%parallel_loop3A_734, %parallel_loop3A_735] {strides = array<i32>} : memref<128x128xf32, #tpu.memory_space<vmem>>, vector<1x16xf32>,
        %parallel_loop3A_737 = vector.shape_cast %parallel_loop3A_736 : vector<1x16xf32> to vector<16xf32>
        %parallel_loop3A_738 = arith.addf %parallel_loop3A_737, %get3A_610 : vector<16xf32>
        %parallel_loop3A_739 = arith.index_cast %parallel_loop3A_713 : i32 to index
        %parallel_loop3A_740 = arith.constant 32 : index
        %parallel_loop3A_741 = tpu.vector_load %arg12[%parallel_loop3A_739, %parallel_loop3A_740] {strides = array<i32>} : memref<128x128xf32, #tpu.memory_space<vmem>>, vector<1x16xf32>,
        %parallel_loop3A_742 = vector.shape_cast %parallel_loop3A_741 : vector<1x16xf32> to vector<16xf32>
        %parallel_loop3A_743 = vector.shape_cast %parallel_loop3A_738 : vector<16xf32> to vector<1x16xf32>
        tpu.vector_store %arg12[%parallel_loop3A_739, %parallel_loop3A_740], %parallel_loop3A_743 {strides = array<i32>} : memref<128x128xf32, #tpu.memory_space<vmem>>, vector<1x16xf32>,
        %parallel_loop3A_744 = arith.index_cast %parallel_loop3A_713 : i32 to index
        %parallel_loop3A_745 = arith.constant 48 : index
        %parallel_loop3A_746 = tpu.vector_load %arg8[%parallel_loop3A_744, %parallel_loop3A_745] {strides = array<i32>} : memref<128x128xf32, #tpu.memory_space<vmem>>, vector<1x16xf32>,
        %parallel_loop3A_747 = vector.shape_cast %parallel_loop3A_746 : vector<1x16xf32> to vector<16xf32>
        %parallel_loop3A_748 = arith.addf %parallel_loop3A_747, %get3A_614 : vector<16xf32>
        %parallel_loop3A_749 = arith.index_cast %parallel_loop3A_713 : i32 to index
        %parallel_loop3A_750 = arith.constant 48 : index
        %parallel_loop3A_751 = tpu.vector_load %arg12[%parallel_loop3A_749, %parallel_loop3A_750] {strides = array<i32>} : memref<128x128xf32, #tpu.memory_space<vmem>>, vector<1x16xf32>,
        %parallel_loop3A_752 = vector.shape_cast %parallel_loop3A_751 : vector<1x16xf32> to vector<16xf32>
        %parallel_loop3A_753 = vector.shape_cast %parallel_loop3A_748 : vector<16xf32> to vector<1x16xf32>
        tpu.vector_store %arg12[%parallel_loop3A_749, %parallel_loop3A_750], %parallel_loop3A_753 {strides = array<i32>} : memref<128x128xf32, #tpu.memory_space<vmem>>, vector<1x16xf32>,
        %parallel_loop3A_754 = arith.index_cast %parallel_loop3A_713 : i32 to index
        %parallel_loop3A_755 = arith.constant 64 : index
        %parallel_loop3A_756 = tpu.vector_load %arg8[%parallel_loop3A_754, %parallel_loop3A_755] {strides = array<i32>} : memref<128x128xf32, #tpu.memory_space<vmem>>, vector<1x16xf32>,
        %parallel_loop3A_757 = vector.shape_cast %parallel_loop3A_756 : vector<1x16xf32> to vector<16xf32>
        %parallel_loop3A_758 = arith.addf %parallel_loop3A_757, %get3A_618 : vector<16xf32>
        %parallel_loop3A_759 = arith.index_cast %parallel_loop3A_713 : i32 to index
        %parallel_loop3A_760 = arith.constant 64 : index
        %parallel_loop3A_761 = tpu.vector_load %arg12[%parallel_loop3A_759, %parallel_loop3A_760] {strides = array<i32>} : memref<128x128xf32, #tpu.memory_space<vmem>>, vector<1x16xf32>,
        %parallel_loop3A_762 = vector.shape_cast %parallel_loop3A_761 : vector<1x16xf32> to vector<16xf32>
        %parallel_loop3A_763 = vector.shape_cast %parallel_loop3A_758 : vector<16xf32> to vector<1x16xf32>
        tpu.vector_store %arg12[%parallel_loop3A_759, %parallel_loop3A_760], %parallel_loop3A_763 {strides = array<i32>} : memref<128x128xf32, #tpu.memory_space<vmem>>, vector<1x16xf32>,
        %parallel_loop3A_764 = arith.index_cast %parallel_loop3A_713 : i32 to index
        %parallel_loop3A_765 = arith.constant 80 : index
        %parallel_loop3A_766 = tpu.vector_load %arg8[%parallel_loop3A_764, %parallel_loop3A_765] {strides = array<i32>} : memref<128x128xf32, #tpu.memory_space<vmem>>, vector<1x16xf32>,
        %parallel_loop3A_767 = vector.shape_cast %parallel_loop3A_766 : vector<1x16xf32> to vector<16xf32>
        %parallel_loop3A_768 = arith.addf %parallel_loop3A_767, %get3A_622 : vector<16xf32>
        %parallel_loop3A_769 = arith.index_cast %parallel_loop3A_713 : i32 to index
        %parallel_loop3A_770 = arith.constant 80 : index
        %parallel_loop3A_771 = tpu.vector_load %arg12[%parallel_loop3A_769, %parallel_loop3A_770] {strides = array<i32>} : memref<128x128xf32, #tpu.memory_space<vmem>>, vector<1x16xf32>,
        %parallel_loop3A_772 = vector.shape_cast %parallel_loop3A_771 : vector<1x16xf32> to vector<16xf32>
        %parallel_loop3A_773 = vector.shape_cast %parallel_loop3A_768 : vector<16xf32> to vector<1x16xf32>
        tpu.vector_store %arg12[%parallel_loop3A_769, %parallel_loop3A_770], %parallel_loop3A_773 {strides = array<i32>} : memref<128x128xf32, #tpu.memory_space<vmem>>, vector<1x16xf32>,
        %parallel_loop3A_774 = arith.index_cast %parallel_loop3A_713 : i32 to index
        %parallel_loop3A_775 = arith.constant 96 : index
        %parallel_loop3A_776 = tpu.vector_load %arg8[%parallel_loop3A_774, %parallel_loop3A_775] {strides = array<i32>} : memref<128x128xf32, #tpu.memory_space<vmem>>, vector<1x16xf32>,
        %parallel_loop3A_777 = vector.shape_cast %parallel_loop3A_776 : vector<1x16xf32> to vector<16xf32>
        %parallel_loop3A_778 = arith.addf %parallel_loop3A_777, %get3A_626 : vector<16xf32>
        %parallel_loop3A_779 = arith.index_cast %parallel_loop3A_713 : i32 to index
        %parallel_loop3A_780 = arith.constant 96 : index
        %parallel_loop3A_781 = tpu.vector_load %arg12[%parallel_loop3A_779, %parallel_loop3A_780] {strides = array<i32>} : memref<128x128xf32, #tpu.memory_space<vmem>>, vector<1x16xf32>,
        %parallel_loop3A_782 = vector.shape_cast %parallel_loop3A_781 : vector<1x16xf32> to vector<16xf32>
        %parallel_loop3A_783 = vector.shape_cast %parallel_loop3A_778 : vector<16xf32> to vector<1x16xf32>
        tpu.vector_store %arg12[%parallel_loop3A_779, %parallel_loop3A_780], %parallel_loop3A_783 {strides = array<i32>} : memref<128x128xf32, #tpu.memory_space<vmem>>, vector<1x16xf32>,
        %parallel_loop3A_784 = arith.index_cast %parallel_loop3A_713 : i32 to index
        %parallel_loop3A_785 = arith.constant 112 : index
        %parallel_loop3A_786 = tpu.vector_load %arg8[%parallel_loop3A_784, %parallel_loop3A_785] {strides = array<i32>} : memref<128x128xf32, #tpu.memory_space<vmem>>, vector<1x16xf32>,
        %parallel_loop3A_787 = vector.shape_cast %parallel_loop3A_786 : vector<1x16xf32> to vector<16xf32>
        %parallel_loop3A_788 = arith.addf %parallel_loop3A_787, %get3A_630 : vector<16xf32>
        %parallel_loop3A_789 = arith.index_cast %parallel_loop3A_713 : i32 to index
        %parallel_loop3A_790 = arith.constant 112 : index
        %parallel_loop3A_791 = tpu.vector_load %arg12[%parallel_loop3A_789, %parallel_loop3A_790] {strides = array<i32>} : memref<128x128xf32, #tpu.memory_space<vmem>>, vector<1x16xf32>,
        %parallel_loop3A_792 = vector.shape_cast %parallel_loop3A_791 : vector<1x16xf32> to vector<16xf32>
        %parallel_loop3A_793 = vector.shape_cast %parallel_loop3A_788 : vector<16xf32> to vector<1x16xf32>
        tpu.vector_store %arg12[%parallel_loop3A_789, %parallel_loop3A_790], %parallel_loop3A_793 {strides = array<i32>} : memref<128x128xf32, #tpu.memory_space<vmem>>, vector<1x16xf32>,
      } {sc.loop_unroll_factor = 4 : i64, sc.parallel_access}
      %dma_start3A_634 = arith.constant 0 : i32
      %dma_start3A_635 = tpu.memref_slice %arg5[%add3A_584, %mul3A_2, %dma_start3A_634] : memref<50x4096x128xf32, #tpu.memory_space<hbm>> -> memref<1x128x128xf32, #tpu.memory_space<hbm>>
      %dma_start3A_636 = tpu.memref_squeeze %dma_start3A_635 : memref<1x128x128xf32, #tpu.memory_space<hbm>> -> memref<128x128xf32, #tpu.memory_space<hbm>>
      %dma_start3A_637 = arith.constant 0 : i32
      %dma_start3A_638 = tpu.memref_slice %arg5[%add3A_584, %mul3A_2, %dma_start3A_637] : memref<50x4096x128xf32, #tpu.memory_space<hbm>> -> memref<1x128x128xf32, #tpu.memory_space<hbm>>
      %dma_start3A_639 = tpu.memref_squeeze %dma_start3A_638 : memref<1x128x128xf32, #tpu.memory_space<hbm>> -> memref<128x128xf32, #tpu.memory_space<hbm>>
      tpu.enqueue_dma source(%arg12 : memref<128x128xf32, #tpu.memory_space<vmem>>) target(%dma_start3A_639 : memref<128x128xf32, #tpu.memory_space<hbm>>) target_semaphore(%arg18 : memref<!tpu.dma_semaphore, #tpu.memory_space<semaphore_mem>>)
      %add3A_640 = arith.constant 4 : i32
      %add3A_641 = arith.addi %add3A_584, %add3A_640 : i32
      %dma_start3A_642 = arith.constant 0 : i32
      %dma_start3A_643 = tpu.memref_slice %arg7[%add3A_641, %dma_start3A_642] : memref<50x128xi32, #tpu.memory_space<vmem>> -> memref<1x128xi32, #tpu.memory_space<vmem>>
      %dma_start3A_644 = tpu.memref_squeeze %dma_start3A_643 : memref<1x128xi32, #tpu.memory_space<vmem>> -> memref<128xi32, #tpu.memory_space<vmem>>
      %dma_start3A_645 = arith.constant 0 : i32
      %dma_start3A_646 = arith.constant 0 : i32
      %dma_start3A_647 = tpu.memref_slice %arg3[%dma_start3A_645, %dma_start3A_646] : memref<100000x128xf32, #tpu.memory_space<hbm>> -> memref<100000x128xf32, #tpu.memory_space<hbm>>
      tpu.enqueue_indirect_dma source(%dma_start3A_647 : memref<100000x128xf32, #tpu.memory_space<hbm>>) target(%arg8 : memref<128x128xf32, #tpu.memory_space<vmem>>) offsets(%dma_start3A_644 : memref<128xi32, #tpu.memory_space<vmem>>) semaphore(%arg14 : memref<!tpu.dma_semaphore, #tpu.memory_space<semaphore_mem>>)
      %add3A_648 = arith.constant 3 : i32
      %add3A_649 = arith.addi %add3A_453, %add3A_648 : i32
      %dma_wait3A_650 = arith.constant 0 : i32
      %dma_wait3A_651 = tpu.memref_slice %arg7[%add3A_649, %dma_wait3A_650] : memref<50x128xi32, #tpu.memory_space<vmem>> -> memref<1x128xi32, #tpu.memory_space<vmem>>
      %dma_wait3A_652 = tpu.memref_squeeze %dma_wait3A_651 : memref<1x128xi32, #tpu.memory_space<vmem>> -> memref<128xi32, #tpu.memory_space<vmem>>
      %dma_wait3A_653 = arith.constant 0 : i32
      %dma_wait3A_654 = arith.constant 0 : i32
      %dma_wait3A_655 = tpu.memref_slice %arg3[%dma_wait3A_653, %dma_wait3A_654] : memref<100000x128xf32, #tpu.memory_space<hbm>> -> memref<100000x128xf32, #tpu.memory_space<hbm>>
      tpu.wait_indirect_dma semaphore(%arg15 : memref<!tpu.dma_semaphore, #tpu.memory_space<semaphore_mem>>) src(%dma_wait3A_655 : memref<100000x128xf32, #tpu.memory_space<hbm>>) dst(%arg9 : memref<128x128xf32, #tpu.memory_space<vmem>>)
      %sub3A_656 = arith.constant 2 : i32
      %sub3A_657 = arith.subi %add3A_649, %sub3A_656 : i32
      %dma_wait3A_658 = arith.constant 0 : i32
      %dma_wait3A_659 = tpu.memref_slice %arg5[%sub3A_657, %mul3A_2, %dma_wait3A_658] : memref<50x4096x128xf32, #tpu.memory_space<hbm>> -> memref<1x128x128xf32, #tpu.memory_space<hbm>>
      %dma_wait3A_660 = tpu.memref_squeeze %dma_wait3A_659 : memref<1x128x128xf32, #tpu.memory_space<hbm>> -> memref<128x128xf32, #tpu.memory_space<hbm>>
      %dma_wait3A_661 = arith.constant 0 : i32
      %dma_wait3A_662 = tpu.memref_slice %arg5[%sub3A_657, %mul3A_2, %dma_wait3A_661] : memref<50x4096x128xf32, #tpu.memory_space<hbm>> -> memref<1x128x128xf32, #tpu.memory_space<hbm>>
      %dma_wait3A_663 = tpu.memref_squeeze %dma_wait3A_662 : memref<1x128x128xf32, #tpu.memory_space<hbm>> -> memref<128x128xf32, #tpu.memory_space<hbm>>
      tpu.wait_dma2 semaphore(%arg19 : memref<!tpu.dma_semaphore, #tpu.memory_space<semaphore_mem>>) src(%arg13 : memref<128x128xf32, #tpu.memory_space<vmem>>) dst(%dma_wait3A_663 : memref<128x128xf32, #tpu.memory_space<hbm>>)
      %get3A_664 = arith.index_cast %add3A_649 : i32 to index
      %get3A_665 = arith.constant 0 : index
      %get3A_666 = tpu.vector_load %arg6[%get3A_664, %get3A_665] {strides = array<i32>} : memref<50x128xf32, #tpu.memory_space<vmem>>, vector<1x16xf32>,
      %get3A_667 = vector.shape_cast %get3A_666 : vector<1x16xf32> to vector<16xf32>
      %get3A_668 = arith.index_cast %add3A_649 : i32 to index
      %get3A_669 = arith.constant 16 : index
      %get3A_670 = tpu.vector_load %arg6[%get3A_668, %get3A_669] {strides = array<i32>} : memref<50x128xf32, #tpu.memory_space<vmem>>, vector<1x16xf32>,
      %get3A_671 = vector.shape_cast %get3A_670 : vector<1x16xf32> to vector<16xf32>
      %get3A_672 = arith.index_cast %add3A_649 : i32 to index
      %get3A_673 = arith.constant 32 : index
      %get3A_674 = tpu.vector_load %arg6[%get3A_672, %get3A_673] {strides = array<i32>} : memref<50x128xf32, #tpu.memory_space<vmem>>, vector<1x16xf32>,
      %get3A_675 = vector.shape_cast %get3A_674 : vector<1x16xf32> to vector<16xf32>
      %get3A_676 = arith.index_cast %add3A_649 : i32 to index
      %get3A_677 = arith.constant 48 : index
      %get3A_678 = tpu.vector_load %arg6[%get3A_676, %get3A_677] {strides = array<i32>} : memref<50x128xf32, #tpu.memory_space<vmem>>, vector<1x16xf32>,
      %get3A_679 = vector.shape_cast %get3A_678 : vector<1x16xf32> to vector<16xf32>
      %get3A_680 = arith.index_cast %add3A_649 : i32 to index
      %get3A_681 = arith.constant 64 : index
      %get3A_682 = tpu.vector_load %arg6[%get3A_680, %get3A_681] {strides = array<i32>} : memref<50x128xf32, #tpu.memory_space<vmem>>, vector<1x16xf32>,
      %get3A_683 = vector.shape_cast %get3A_682 : vector<1x16xf32> to vector<16xf32>
      %get3A_684 = arith.index_cast %add3A_649 : i32 to index
      %get3A_685 = arith.constant 80 : index
      %get3A_686 = tpu.vector_load %arg6[%get3A_684, %get3A_685] {strides = array<i32>} : memref<50x128xf32, #tpu.memory_space<vmem>>, vector<1x16xf32>,
      %get3A_687 = vector.shape_cast %get3A_686 : vector<1x16xf32> to vector<16xf32>
      %get3A_688 = arith.index_cast %add3A_649 : i32 to index
      %get3A_689 = arith.constant 96 : index
      %get3A_690 = tpu.vector_load %arg6[%get3A_688, %get3A_689] {strides = array<i32>} : memref<50x128xf32, #tpu.memory_space<vmem>>, vector<1x16xf32>,
      %get3A_691 = vector.shape_cast %get3A_690 : vector<1x16xf32> to vector<16xf32>
      %get3A_692 = arith.index_cast %add3A_649 : i32 to index
      %get3A_693 = arith.constant 112 : index
      %get3A_694 = tpu.vector_load %arg6[%get3A_692, %get3A_693] {strides = array<i32>} : memref<50x128xf32, #tpu.memory_space<vmem>>, vector<1x16xf32>,
      %get3A_695 = vector.shape_cast %get3A_694 : vector<1x16xf32> to vector<16xf32>
      %parallel_loop3A_696 = arith.constant 0 : i32
      %parallel_loop3A_697 = arith.constant 128 : i32
      %parallel_loop3A_698 = arith.constant 1 : i32
      scf.for %parallel_loop3A_713 = %parallel_loop3A_696 to %parallel_loop3A_697 step %parallel_loop3A_698  : i32 {
        %parallel_loop3A_714 = arith.index_cast %parallel_loop3A_713 : i32 to index
        %parallel_loop3A_715 = arith.constant 0 : index
        %parallel_loop3A_716 = tpu.vector_load %arg9[%parallel_loop3A_714, %parallel_loop3A_715] {strides = array<i32>} : memref<128x128xf32, #tpu.memory_space<vmem>>, vector<1x16xf32>,
        %parallel_loop3A_717 = vector.shape_cast %parallel_loop3A_716 : vector<1x16xf32> to vector<16xf32>
        %parallel_loop3A_718 = arith.addf %parallel_loop3A_717, %get3A_667 : vector<16xf32>
        %parallel_loop3A_719 = arith.index_cast %parallel_loop3A_713 : i32 to index
        %parallel_loop3A_720 = arith.constant 0 : index
        %parallel_loop3A_721 = tpu.vector_load %arg13[%parallel_loop3A_719, %parallel_loop3A_720] {strides = array<i32>} : memref<128x128xf32, #tpu.memory_space<vmem>>, vector<1x16xf32>,
        %parallel_loop3A_722 = vector.shape_cast %parallel_loop3A_721 : vector<1x16xf32> to vector<16xf32>
        %parallel_loop3A_723 = vector.shape_cast %parallel_loop3A_718 : vector<16xf32> to vector<1x16xf32>
        tpu.vector_store %arg13[%parallel_loop3A_719, %parallel_loop3A_720], %parallel_loop3A_723 {strides = array<i32>} : memref<128x128xf32, #tpu.memory_space<vmem>>, vector<1x16xf32>,
        %parallel_loop3A_724 = arith.index_cast %parallel_loop3A_713 : i32 to index
        %parallel_loop3A_725 = arith.constant 16 : index
        %parallel_loop3A_726 = tpu.vector_load %arg9[%parallel_loop3A_724, %parallel_loop3A_725] {strides = array<i32>} : memref<128x128xf32, #tpu.memory_space<vmem>>, vector<1x16xf32>,
        %parallel_loop3A_727 = vector.shape_cast %parallel_loop3A_726 : vector<1x16xf32> to vector<16xf32>
        %parallel_loop3A_728 = arith.addf %parallel_loop3A_727, %get3A_671 : vector<16xf32>
        %parallel_loop3A_729 = arith.index_cast %parallel_loop3A_713 : i32 to index
        %parallel_loop3A_730 = arith.constant 16 : index
        %parallel_loop3A_731 = tpu.vector_load %arg13[%parallel_loop3A_729, %parallel_loop3A_730] {strides = array<i32>} : memref<128x128xf32, #tpu.memory_space<vmem>>, vector<1x16xf32>,
        %parallel_loop3A_732 = vector.shape_cast %parallel_loop3A_731 : vector<1x16xf32> to vector<16xf32>
        %parallel_loop3A_733 = vector.shape_cast %parallel_loop3A_728 : vector<16xf32> to vector<1x16xf32>
        tpu.vector_store %arg13[%parallel_loop3A_729, %parallel_loop3A_730], %parallel_loop3A_733 {strides = array<i32>} : memref<128x128xf32, #tpu.memory_space<vmem>>, vector<1x16xf32>,
        %parallel_loop3A_734 = arith.index_cast %parallel_loop3A_713 : i32 to index
        %parallel_loop3A_735 = arith.constant 32 : index
        %parallel_loop3A_736 = tpu.vector_load %arg9[%parallel_loop3A_734, %parallel_loop3A_735] {strides = array<i32>} : memref<128x128xf32, #tpu.memory_space<vmem>>, vector<1x16xf32>,
        %parallel_loop3A_737 = vector.shape_cast %parallel_loop3A_736 : vector<1x16xf32> to vector<16xf32>
        %parallel_loop3A_738 = arith.addf %parallel_loop3A_737, %get3A_675 : vector<16xf32>
        %parallel_loop3A_739 = arith.index_cast %parallel_loop3A_713 : i32 to index
        %parallel_loop3A_740 = arith.constant 32 : index
        %parallel_loop3A_741 = tpu.vector_load %arg13[%parallel_loop3A_739, %parallel_loop3A_740] {strides = array<i32>} : memref<128x128xf32, #tpu.memory_space<vmem>>, vector<1x16xf32>,
        %parallel_loop3A_742 = vector.shape_cast %parallel_loop3A_741 : vector<1x16xf32> to vector<16xf32>
        %parallel_loop3A_743 = vector.shape_cast %parallel_loop3A_738 : vector<16xf32> to vector<1x16xf32>
        tpu.vector_store %arg13[%parallel_loop3A_739, %parallel_loop3A_740], %parallel_loop3A_743 {strides = array<i32>} : memref<128x128xf32, #tpu.memory_space<vmem>>, vector<1x16xf32>,
        %parallel_loop3A_744 = arith.index_cast %parallel_loop3A_713 : i32 to index
        %parallel_loop3A_745 = arith.constant 48 : index
        %parallel_loop3A_746 = tpu.vector_load %arg9[%parallel_loop3A_744, %parallel_loop3A_745] {strides = array<i32>} : memref<128x128xf32, #tpu.memory_space<vmem>>, vector<1x16xf32>,
        %parallel_loop3A_747 = vector.shape_cast %parallel_loop3A_746 : vector<1x16xf32> to vector<16xf32>
        %parallel_loop3A_748 = arith.addf %parallel_loop3A_747, %get3A_679 : vector<16xf32>
        %parallel_loop3A_749 = arith.index_cast %parallel_loop3A_713 : i32 to index
        %parallel_loop3A_750 = arith.constant 48 : index
        %parallel_loop3A_751 = tpu.vector_load %arg13[%parallel_loop3A_749, %parallel_loop3A_750] {strides = array<i32>} : memref<128x128xf32, #tpu.memory_space<vmem>>, vector<1x16xf32>,
        %parallel_loop3A_752 = vector.shape_cast %parallel_loop3A_751 : vector<1x16xf32> to vector<16xf32>
        %parallel_loop3A_753 = vector.shape_cast %parallel_loop3A_748 : vector<16xf32> to vector<1x16xf32>
        tpu.vector_store %arg13[%parallel_loop3A_749, %parallel_loop3A_750], %parallel_loop3A_753 {strides = array<i32>} : memref<128x128xf32, #tpu.memory_space<vmem>>, vector<1x16xf32>,
        %parallel_loop3A_754 = arith.index_cast %parallel_loop3A_713 : i32 to index
        %parallel_loop3A_755 = arith.constant 64 : index
        %parallel_loop3A_756 = tpu.vector_load %arg9[%parallel_loop3A_754, %parallel_loop3A_755] {strides = array<i32>} : memref<128x128xf32, #tpu.memory_space<vmem>>, vector<1x16xf32>,
        %parallel_loop3A_757 = vector.shape_cast %parallel_loop3A_756 : vector<1x16xf32> to vector<16xf32>
        %parallel_loop3A_758 = arith.addf %parallel_loop3A_757, %get3A_683 : vector<16xf32>
        %parallel_loop3A_759 = arith.index_cast %parallel_loop3A_713 : i32 to index
        %parallel_loop3A_760 = arith.constant 64 : index
        %parallel_loop3A_761 = tpu.vector_load %arg13[%parallel_loop3A_759, %parallel_loop3A_760] {strides = array<i32>} : memref<128x128xf32, #tpu.memory_space<vmem>>, vector<1x16xf32>,
        %parallel_loop3A_762 = vector.shape_cast %parallel_loop3A_761 : vector<1x16xf32> to vector<16xf32>
        %parallel_loop3A_763 = vector.shape_cast %parallel_loop3A_758 : vector<16xf32> to vector<1x16xf32>
        tpu.vector_store %arg13[%parallel_loop3A_759, %parallel_loop3A_760], %parallel_loop3A_763 {strides = array<i32>} : memref<128x128xf32, #tpu.memory_space<vmem>>, vector<1x16xf32>,
        %parallel_loop3A_764 = arith.index_cast %parallel_loop3A_713 : i32 to index
        %parallel_loop3A_765 = arith.constant 80 : index
        %parallel_loop3A_766 = tpu.vector_load %arg9[%parallel_loop3A_764, %parallel_loop3A_765] {strides = array<i32>} : memref<128x128xf32, #tpu.memory_space<vmem>>, vector<1x16xf32>,
        %parallel_loop3A_767 = vector.shape_cast %parallel_loop3A_766 : vector<1x16xf32> to vector<16xf32>
        %parallel_loop3A_768 = arith.addf %parallel_loop3A_767, %get3A_687 : vector<16xf32>
        %parallel_loop3A_769 = arith.index_cast %parallel_loop3A_713 : i32 to index
        %parallel_loop3A_770 = arith.constant 80 : index
        %parallel_loop3A_771 = tpu.vector_load %arg13[%parallel_loop3A_769, %parallel_loop3A_770] {strides = array<i32>} : memref<128x128xf32, #tpu.memory_space<vmem>>, vector<1x16xf32>,
        %parallel_loop3A_772 = vector.shape_cast %parallel_loop3A_771 : vector<1x16xf32> to vector<16xf32>
        %parallel_loop3A_773 = vector.shape_cast %parallel_loop3A_768 : vector<16xf32> to vector<1x16xf32>
        tpu.vector_store %arg13[%parallel_loop3A_769, %parallel_loop3A_770], %parallel_loop3A_773 {strides = array<i32>} : memref<128x128xf32, #tpu.memory_space<vmem>>, vector<1x16xf32>,
        %parallel_loop3A_774 = arith.index_cast %parallel_loop3A_713 : i32 to index
        %parallel_loop3A_775 = arith.constant 96 : index
        %parallel_loop3A_776 = tpu.vector_load %arg9[%parallel_loop3A_774, %parallel_loop3A_775] {strides = array<i32>} : memref<128x128xf32, #tpu.memory_space<vmem>>, vector<1x16xf32>,
        %parallel_loop3A_777 = vector.shape_cast %parallel_loop3A_776 : vector<1x16xf32> to vector<16xf32>
        %parallel_loop3A_778 = arith.addf %parallel_loop3A_777, %get3A_691 : vector<16xf32>
        %parallel_loop3A_779 = arith.index_cast %parallel_loop3A_713 : i32 to index
        %parallel_loop3A_780 = arith.constant 96 : index
        %parallel_loop3A_781 = tpu.vector_load %arg13[%parallel_loop3A_779, %parallel_loop3A_780] {strides = array<i32>} : memref<128x128xf32, #tpu.memory_space<vmem>>, vector<1x16xf32>,
        %parallel_loop3A_782 = vector.shape_cast %parallel_loop3A_781 : vector<1x16xf32> to vector<16xf32>
        %parallel_loop3A_783 = vector.shape_cast %parallel_loop3A_778 : vector<16xf32> to vector<1x16xf32>
        tpu.vector_store %arg13[%parallel_loop3A_779, %parallel_loop3A_780], %parallel_loop3A_783 {strides = array<i32>} : memref<128x128xf32, #tpu.memory_space<vmem>>, vector<1x16xf32>,
        %parallel_loop3A_784 = arith.index_cast %parallel_loop3A_713 : i32 to index
        %parallel_loop3A_785 = arith.constant 112 : index
        %parallel_loop3A_786 = tpu.vector_load %arg9[%parallel_loop3A_784, %parallel_loop3A_785] {strides = array<i32>} : memref<128x128xf32, #tpu.memory_space<vmem>>, vector<1x16xf32>,
        %parallel_loop3A_787 = vector.shape_cast %parallel_loop3A_786 : vector<1x16xf32> to vector<16xf32>
        %parallel_loop3A_788 = arith.addf %parallel_loop3A_787, %get3A_695 : vector<16xf32>
        %parallel_loop3A_789 = arith.index_cast %parallel_loop3A_713 : i32 to index
        %parallel_loop3A_790 = arith.constant 112 : index
        %parallel_loop3A_791 = tpu.vector_load %arg13[%parallel_loop3A_789, %parallel_loop3A_790] {strides = array<i32>} : memref<128x128xf32, #tpu.memory_space<vmem>>, vector<1x16xf32>,
        %parallel_loop3A_792 = vector.shape_cast %parallel_loop3A_791 : vector<1x16xf32> to vector<16xf32>
        %parallel_loop3A_793 = vector.shape_cast %parallel_loop3A_788 : vector<16xf32> to vector<1x16xf32>
        tpu.vector_store %arg13[%parallel_loop3A_789, %parallel_loop3A_790], %parallel_loop3A_793 {strides = array<i32>} : memref<128x128xf32, #tpu.memory_space<vmem>>, vector<1x16xf32>,
      } {sc.loop_unroll_factor = 4 : i64, sc.parallel_access}
      %dma_start3A_699 = arith.constant 0 : i32
      %dma_start3A_700 = tpu.memref_slice %arg5[%add3A_649, %mul3A_2, %dma_start3A_699] : memref<50x4096x128xf32, #tpu.memory_space<hbm>> -> memref<1x128x128xf32, #tpu.memory_space<hbm>>
      %dma_start3A_701 = tpu.memref_squeeze %dma_start3A_700 : memref<1x128x128xf32, #tpu.memory_space<hbm>> -> memref<128x128xf32, #tpu.memory_space<hbm>>
      %dma_start3A_702 = arith.constant 0 : i32
      %dma_start3A_703 = tpu.memref_slice %arg5[%add3A_649, %mul3A_2, %dma_start3A_702] : memref<50x4096x128xf32, #tpu.memory_space<hbm>> -> memref<1x128x128xf32, #tpu.memory_space<hbm>>
      %dma_start3A_704 = tpu.memref_squeeze %dma_start3A_703 : memref<1x128x128xf32, #tpu.memory_space<hbm>> -> memref<128x128xf32, #tpu.memory_space<hbm>>
      tpu.enqueue_dma source(%arg13 : memref<128x128xf32, #tpu.memory_space<vmem>>) target(%dma_start3A_704 : memref<128x128xf32, #tpu.memory_space<hbm>>) target_semaphore(%arg19 : memref<!tpu.dma_semaphore, #tpu.memory_space<semaphore_mem>>)
      %add3A_705 = arith.constant 4 : i32
      %add3A_706 = arith.addi %add3A_649, %add3A_705 : i32
      %dma_start3A_707 = arith.constant 0 : i32
      %dma_start3A_708 = tpu.memref_slice %arg7[%add3A_706, %dma_start3A_707] : memref<50x128xi32, #tpu.memory_space<vmem>> -> memref<1x128xi32, #tpu.memory_space<vmem>>
      %dma_start3A_709 = tpu.memref_squeeze %dma_start3A_708 : memref<1x128xi32, #tpu.memory_space<vmem>> -> memref<128xi32, #tpu.memory_space<vmem>>
      %dma_start3A_710 = arith.constant 0 : i32
      %dma_start3A_711 = arith.constant 0 : i32
      %dma_start3A_712 = tpu.memref_slice %arg3[%dma_start3A_710, %dma_start3A_711] : memref<100000x128xf32, #tpu.memory_space<hbm>> -> memref<100000x128xf32, #tpu.memory_space<hbm>>
      tpu.enqueue_indirect_dma source(%dma_start3A_712 : memref<100000x128xf32, #tpu.memory_space<hbm>>) target(%arg9 : memref<128x128xf32, #tpu.memory_space<vmem>>) offsets(%dma_start3A_709 : memref<128xi32, #tpu.memory_space<vmem>>) semaphore(%arg15 : memref<!tpu.dma_semaphore, #tpu.memory_space<semaphore_mem>>)
    }
    %scan3A_178 = arith.constant 11 : i32
    %dma_wait3A_179 = arith.constant 46 : i32
    %dma_wait3A_180 = arith.constant 0 : i32
    %dma_wait3A_181 = tpu.memref_slice %arg7[%dma_wait3A_179, %dma_wait3A_180] : memref<50x128xi32, #tpu.memory_space<vmem>> -> memref<1x128xi32, #tpu.memory_space<vmem>>
    %dma_wait3A_182 = tpu.memref_squeeze %dma_wait3A_181 : memref<1x128xi32, #tpu.memory_space<vmem>> -> memref<128xi32, #tpu.memory_space<vmem>>
    %dma_wait3A_183 = arith.constant 0 : i32
    %dma_wait3A_184 = arith.constant 0 : i32
    %dma_wait3A_185 = tpu.memref_slice %arg3[%dma_wait3A_183, %dma_wait3A_184] : memref<100000x128xf32, #tpu.memory_space<hbm>> -> memref<100000x128xf32, #tpu.memory_space<hbm>>
    tpu.wait_indirect_dma semaphore(%arg16 : memref<!tpu.dma_semaphore, #tpu.memory_space<semaphore_mem>>) src(%dma_wait3A_185 : memref<100000x128xf32, #tpu.memory_space<hbm>>) dst(%arg10 : memref<128x128xf32, #tpu.memory_space<vmem>>)
    %dma_wait3A_186 = arith.constant 44 : i32
    %dma_wait3A_187 = arith.constant 0 : i32
    %dma_wait3A_188 = tpu.memref_slice %arg5[%dma_wait3A_186, %mul3A_2, %dma_wait3A_187] : memref<50x4096x128xf32, #tpu.memory_space<hbm>> -> memref<1x128x128xf32, #tpu.memory_space<hbm>>
    %dma_wait3A_189 = tpu.memref_squeeze %dma_wait3A_188 : memref<1x128x128xf32, #tpu.memory_space<hbm>> -> memref<128x128xf32, #tpu.memory_space<hbm>>
    %dma_wait3A_190 = arith.constant 0 : i32
    %dma_wait3A_191 = tpu.memref_slice %arg5[%dma_wait3A_186, %mul3A_2, %dma_wait3A_190] : memref<50x4096x128xf32, #tpu.memory_space<hbm>> -> memref<1x128x128xf32, #tpu.memory_space<hbm>>
    %dma_wait3A_192 = tpu.memref_squeeze %dma_wait3A_191 : memref<1x128x128xf32, #tpu.memory_space<hbm>> -> memref<128x128xf32, #tpu.memory_space<hbm>>
    tpu.wait_dma2 semaphore(%arg18 : memref<!tpu.dma_semaphore, #tpu.memory_space<semaphore_mem>>) src(%arg12 : memref<128x128xf32, #tpu.memory_space<vmem>>) dst(%dma_wait3A_192 : memref<128x128xf32, #tpu.memory_space<hbm>>)
    %get3A_193 = arith.constant 46 : i32
    %get3A_194 = arith.index_cast %get3A_193 : i32 to index
    %get3A_195 = arith.constant 0 : index
    %get3A_196 = tpu.vector_load %arg6[%get3A_194, %get3A_195] {strides = array<i32>} : memref<50x128xf32, #tpu.memory_space<vmem>>, vector<1x16xf32>,
    %get3A_197 = vector.shape_cast %get3A_196 : vector<1x16xf32> to vector<16xf32>
    %get3A_198 = arith.constant 46 : i32
    %get3A_199 = arith.index_cast %get3A_198 : i32 to index
    %get3A_200 = arith.constant 16 : index
    %get3A_201 = tpu.vector_load %arg6[%get3A_199, %get3A_200] {strides = array<i32>} : memref<50x128xf32, #tpu.memory_space<vmem>>, vector<1x16xf32>,
    %get3A_202 = vector.shape_cast %get3A_201 : vector<1x16xf32> to vector<16xf32>
    %get3A_203 = arith.constant 46 : i32
    %get3A_204 = arith.index_cast %get3A_203 : i32 to index
    %get3A_205 = arith.constant 32 : index
    %get3A_206 = tpu.vector_load %arg6[%get3A_204, %get3A_205] {strides = array<i32>} : memref<50x128xf32, #tpu.memory_space<vmem>>, vector<1x16xf32>,
    %get3A_207 = vector.shape_cast %get3A_206 : vector<1x16xf32> to vector<16xf32>
    %get3A_208 = arith.constant 46 : i32
    %get3A_209 = arith.index_cast %get3A_208 : i32 to index
    %get3A_210 = arith.constant 48 : index
    %get3A_211 = tpu.vector_load %arg6[%get3A_209, %get3A_210] {strides = array<i32>} : memref<50x128xf32, #tpu.memory_space<vmem>>, vector<1x16xf32>,
    %get3A_212 = vector.shape_cast %get3A_211 : vector<1x16xf32> to vector<16xf32>
    %get3A_213 = arith.constant 46 : i32
    %get3A_214 = arith.index_cast %get3A_213 : i32 to index
    %get3A_215 = arith.constant 64 : index
    %get3A_216 = tpu.vector_load %arg6[%get3A_214, %get3A_215] {strides = array<i32>} : memref<50x128xf32, #tpu.memory_space<vmem>>, vector<1x16xf32>,
    %get3A_217 = vector.shape_cast %get3A_216 : vector<1x16xf32> to vector<16xf32>
    %get3A_218 = arith.constant 46 : i32
    %get3A_219 = arith.index_cast %get3A_218 : i32 to index
    %get3A_220 = arith.constant 80 : index
    %get3A_221 = tpu.vector_load %arg6[%get3A_219, %get3A_220] {strides = array<i32>} : memref<50x128xf32, #tpu.memory_space<vmem>>, vector<1x16xf32>,
    %get3A_222 = vector.shape_cast %get3A_221 : vector<1x16xf32> to vector<16xf32>
    %get3A_223 = arith.constant 46 : i32
    %get3A_224 = arith.index_cast %get3A_223 : i32 to index
    %get3A_225 = arith.constant 96 : index
    %get3A_226 = tpu.vector_load %arg6[%get3A_224, %get3A_225] {strides = array<i32>} : memref<50x128xf32, #tpu.memory_space<vmem>>, vector<1x16xf32>,
    %get3A_227 = vector.shape_cast %get3A_226 : vector<1x16xf32> to vector<16xf32>
    %get3A_228 = arith.constant 46 : i32
    %get3A_229 = arith.index_cast %get3A_228 : i32 to index
    %get3A_230 = arith.constant 112 : index
    %get3A_231 = tpu.vector_load %arg6[%get3A_229, %get3A_230] {strides = array<i32>} : memref<50x128xf32, #tpu.memory_space<vmem>>, vector<1x16xf32>,
    %get3A_232 = vector.shape_cast %get3A_231 : vector<1x16xf32> to vector<16xf32>
    %parallel_loop3A_233 = arith.constant 0 : i32
    %parallel_loop3A_234 = arith.constant 128 : i32
    %parallel_loop3A_235 = arith.constant 1 : i32
    scf.for %parallel_loop3A_449 = %parallel_loop3A_233 to %parallel_loop3A_234 step %parallel_loop3A_235  : i32 {
      %parallel_loop3A_450 = arith.index_cast %parallel_loop3A_449 : i32 to index
      %parallel_loop3A_451 = arith.constant 0 : index
      %parallel_loop3A_452 = tpu.vector_load %arg10[%parallel_loop3A_450, %parallel_loop3A_451] {strides = array<i32>} : memref<128x128xf32, #tpu.memory_space<vmem>>, vector<1x16xf32>,
      %parallel_loop3A_453 = vector.shape_cast %parallel_loop3A_452 : vector<1x16xf32> to vector<16xf32>
      %parallel_loop3A_454 = arith.addf %parallel_loop3A_453, %get3A_197 : vector<16xf32>
      %parallel_loop3A_455 = arith.index_cast %parallel_loop3A_449 : i32 to index
      %parallel_loop3A_456 = arith.constant 0 : index
      %parallel_loop3A_457 = tpu.vector_load %arg12[%parallel_loop3A_455, %parallel_loop3A_456] {strides = array<i32>} : memref<128x128xf32, #tpu.memory_space<vmem>>, vector<1x16xf32>,
      %parallel_loop3A_458 = vector.shape_cast %parallel_loop3A_457 : vector<1x16xf32> to vector<16xf32>
      %parallel_loop3A_459 = vector.shape_cast %parallel_loop3A_454 : vector<16xf32> to vector<1x16xf32>
      tpu.vector_store %arg12[%parallel_loop3A_455, %parallel_loop3A_456], %parallel_loop3A_459 {strides = array<i32>} : memref<128x128xf32, #tpu.memory_space<vmem>>, vector<1x16xf32>,
      %parallel_loop3A_460 = arith.index_cast %parallel_loop3A_449 : i32 to index
      %parallel_loop3A_461 = arith.constant 16 : index
      %parallel_loop3A_462 = tpu.vector_load %arg10[%parallel_loop3A_460, %parallel_loop3A_461] {strides = array<i32>} : memref<128x128xf32, #tpu.memory_space<vmem>>, vector<1x16xf32>,
      %parallel_loop3A_463 = vector.shape_cast %parallel_loop3A_462 : vector<1x16xf32> to vector<16xf32>
      %parallel_loop3A_464 = arith.addf %parallel_loop3A_463, %get3A_202 : vector<16xf32>
      %parallel_loop3A_465 = arith.index_cast %parallel_loop3A_449 : i32 to index
      %parallel_loop3A_466 = arith.constant 16 : index
      %parallel_loop3A_467 = tpu.vector_load %arg12[%parallel_loop3A_465, %parallel_loop3A_466] {strides = array<i32>} : memref<128x128xf32, #tpu.memory_space<vmem>>, vector<1x16xf32>,
      %parallel_loop3A_468 = vector.shape_cast %parallel_loop3A_467 : vector<1x16xf32> to vector<16xf32>
      %parallel_loop3A_469 = vector.shape_cast %parallel_loop3A_464 : vector<16xf32> to vector<1x16xf32>
      tpu.vector_store %arg12[%parallel_loop3A_465, %parallel_loop3A_466], %parallel_loop3A_469 {strides = array<i32>} : memref<128x128xf32, #tpu.memory_space<vmem>>, vector<1x16xf32>,
      %parallel_loop3A_470 = arith.index_cast %parallel_loop3A_449 : i32 to index
      %parallel_loop3A_471 = arith.constant 32 : index
      %parallel_loop3A_472 = tpu.vector_load %arg10[%parallel_loop3A_470, %parallel_loop3A_471] {strides = array<i32>} : memref<128x128xf32, #tpu.memory_space<vmem>>, vector<1x16xf32>,
      %parallel_loop3A_473 = vector.shape_cast %parallel_loop3A_472 : vector<1x16xf32> to vector<16xf32>
      %parallel_loop3A_474 = arith.addf %parallel_loop3A_473, %get3A_207 : vector<16xf32>
      %parallel_loop3A_475 = arith.index_cast %parallel_loop3A_449 : i32 to index
      %parallel_loop3A_476 = arith.constant 32 : index
      %parallel_loop3A_477 = tpu.vector_load %arg12[%parallel_loop3A_475, %parallel_loop3A_476] {strides = array<i32>} : memref<128x128xf32, #tpu.memory_space<vmem>>, vector<1x16xf32>,
      %parallel_loop3A_478 = vector.shape_cast %parallel_loop3A_477 : vector<1x16xf32> to vector<16xf32>
      %parallel_loop3A_479 = vector.shape_cast %parallel_loop3A_474 : vector<16xf32> to vector<1x16xf32>
      tpu.vector_store %arg12[%parallel_loop3A_475, %parallel_loop3A_476], %parallel_loop3A_479 {strides = array<i32>} : memref<128x128xf32, #tpu.memory_space<vmem>>, vector<1x16xf32>,
      %parallel_loop3A_480 = arith.index_cast %parallel_loop3A_449 : i32 to index
      %parallel_loop3A_481 = arith.constant 48 : index
      %parallel_loop3A_482 = tpu.vector_load %arg10[%parallel_loop3A_480, %parallel_loop3A_481] {strides = array<i32>} : memref<128x128xf32, #tpu.memory_space<vmem>>, vector<1x16xf32>,
      %parallel_loop3A_483 = vector.shape_cast %parallel_loop3A_482 : vector<1x16xf32> to vector<16xf32>
      %parallel_loop3A_484 = arith.addf %parallel_loop3A_483, %get3A_212 : vector<16xf32>
      %parallel_loop3A_485 = arith.index_cast %parallel_loop3A_449 : i32 to index
      %parallel_loop3A_486 = arith.constant 48 : index
      %parallel_loop3A_487 = tpu.vector_load %arg12[%parallel_loop3A_485, %parallel_loop3A_486] {strides = array<i32>} : memref<128x128xf32, #tpu.memory_space<vmem>>, vector<1x16xf32>,
      %parallel_loop3A_488 = vector.shape_cast %parallel_loop3A_487 : vector<1x16xf32> to vector<16xf32>
      %parallel_loop3A_489 = vector.shape_cast %parallel_loop3A_484 : vector<16xf32> to vector<1x16xf32>
      tpu.vector_store %arg12[%parallel_loop3A_485, %parallel_loop3A_486], %parallel_loop3A_489 {strides = array<i32>} : memref<128x128xf32, #tpu.memory_space<vmem>>, vector<1x16xf32>,
      %parallel_loop3A_490 = arith.index_cast %parallel_loop3A_449 : i32 to index
      %parallel_loop3A_491 = arith.constant 64 : index
      %parallel_loop3A_492 = tpu.vector_load %arg10[%parallel_loop3A_490, %parallel_loop3A_491] {strides = array<i32>} : memref<128x128xf32, #tpu.memory_space<vmem>>, vector<1x16xf32>,
      %parallel_loop3A_493 = vector.shape_cast %parallel_loop3A_492 : vector<1x16xf32> to vector<16xf32>
      %parallel_loop3A_494 = arith.addf %parallel_loop3A_493, %get3A_217 : vector<16xf32>
      %parallel_loop3A_495 = arith.index_cast %parallel_loop3A_449 : i32 to index
      %parallel_loop3A_496 = arith.constant 64 : index
      %parallel_loop3A_497 = tpu.vector_load %arg12[%parallel_loop3A_495, %parallel_loop3A_496] {strides = array<i32>} : memref<128x128xf32, #tpu.memory_space<vmem>>, vector<1x16xf32>,
      %parallel_loop3A_498 = vector.shape_cast %parallel_loop3A_497 : vector<1x16xf32> to vector<16xf32>
      %parallel_loop3A_499 = vector.shape_cast %parallel_loop3A_494 : vector<16xf32> to vector<1x16xf32>
      tpu.vector_store %arg12[%parallel_loop3A_495, %parallel_loop3A_496], %parallel_loop3A_499 {strides = array<i32>} : memref<128x128xf32, #tpu.memory_space<vmem>>, vector<1x16xf32>,
      %parallel_loop3A_500 = arith.index_cast %parallel_loop3A_449 : i32 to index
      %parallel_loop3A_501 = arith.constant 80 : index
      %parallel_loop3A_502 = tpu.vector_load %arg10[%parallel_loop3A_500, %parallel_loop3A_501] {strides = array<i32>} : memref<128x128xf32, #tpu.memory_space<vmem>>, vector<1x16xf32>,
      %parallel_loop3A_503 = vector.shape_cast %parallel_loop3A_502 : vector<1x16xf32> to vector<16xf32>
      %parallel_loop3A_504 = arith.addf %parallel_loop3A_503, %get3A_222 : vector<16xf32>
      %parallel_loop3A_505 = arith.index_cast %parallel_loop3A_449 : i32 to index
      %parallel_loop3A_506 = arith.constant 80 : index
      %parallel_loop3A_507 = tpu.vector_load %arg12[%parallel_loop3A_505, %parallel_loop3A_506] {strides = array<i32>} : memref<128x128xf32, #tpu.memory_space<vmem>>, vector<1x16xf32>,
      %parallel_loop3A_508 = vector.shape_cast %parallel_loop3A_507 : vector<1x16xf32> to vector<16xf32>
      %parallel_loop3A_509 = vector.shape_cast %parallel_loop3A_504 : vector<16xf32> to vector<1x16xf32>
      tpu.vector_store %arg12[%parallel_loop3A_505, %parallel_loop3A_506], %parallel_loop3A_509 {strides = array<i32>} : memref<128x128xf32, #tpu.memory_space<vmem>>, vector<1x16xf32>,
      %parallel_loop3A_510 = arith.index_cast %parallel_loop3A_449 : i32 to index
      %parallel_loop3A_511 = arith.constant 96 : index
      %parallel_loop3A_512 = tpu.vector_load %arg10[%parallel_loop3A_510, %parallel_loop3A_511] {strides = array<i32>} : memref<128x128xf32, #tpu.memory_space<vmem>>, vector<1x16xf32>,
      %parallel_loop3A_513 = vector.shape_cast %parallel_loop3A_512 : vector<1x16xf32> to vector<16xf32>
      %parallel_loop3A_514 = arith.addf %parallel_loop3A_513, %get3A_227 : vector<16xf32>
      %parallel_loop3A_515 = arith.index_cast %parallel_loop3A_449 : i32 to index
      %parallel_loop3A_516 = arith.constant 96 : index
      %parallel_loop3A_517 = tpu.vector_load %arg12[%parallel_loop3A_515, %parallel_loop3A_516] {strides = array<i32>} : memref<128x128xf32, #tpu.memory_space<vmem>>, vector<1x16xf32>,
      %parallel_loop3A_518 = vector.shape_cast %parallel_loop3A_517 : vector<1x16xf32> to vector<16xf32>
      %parallel_loop3A_519 = vector.shape_cast %parallel_loop3A_514 : vector<16xf32> to vector<1x16xf32>
      tpu.vector_store %arg12[%parallel_loop3A_515, %parallel_loop3A_516], %parallel_loop3A_519 {strides = array<i32>} : memref<128x128xf32, #tpu.memory_space<vmem>>, vector<1x16xf32>,
      %parallel_loop3A_520 = arith.index_cast %parallel_loop3A_449 : i32 to index
      %parallel_loop3A_521 = arith.constant 112 : index
      %parallel_loop3A_522 = tpu.vector_load %arg10[%parallel_loop3A_520, %parallel_loop3A_521] {strides = array<i32>} : memref<128x128xf32, #tpu.memory_space<vmem>>, vector<1x16xf32>,
      %parallel_loop3A_523 = vector.shape_cast %parallel_loop3A_522 : vector<1x16xf32> to vector<16xf32>
      %parallel_loop3A_524 = arith.addf %parallel_loop3A_523, %get3A_232 : vector<16xf32>
      %parallel_loop3A_525 = arith.index_cast %parallel_loop3A_449 : i32 to index
      %parallel_loop3A_526 = arith.constant 112 : index
      %parallel_loop3A_527 = tpu.vector_load %arg12[%parallel_loop3A_525, %parallel_loop3A_526] {strides = array<i32>} : memref<128x128xf32, #tpu.memory_space<vmem>>, vector<1x16xf32>,
      %parallel_loop3A_528 = vector.shape_cast %parallel_loop3A_527 : vector<1x16xf32> to vector<16xf32>
      %parallel_loop3A_529 = vector.shape_cast %parallel_loop3A_524 : vector<16xf32> to vector<1x16xf32>
      tpu.vector_store %arg12[%parallel_loop3A_525, %parallel_loop3A_526], %parallel_loop3A_529 {strides = array<i32>} : memref<128x128xf32, #tpu.memory_space<vmem>>, vector<1x16xf32>,
    } {sc.loop_unroll_factor = 4 : i64, sc.parallel_access}
    %dma_start3A_236 = arith.constant 46 : i32
    %dma_start3A_237 = arith.constant 0 : i32
    %dma_start3A_238 = tpu.memref_slice %arg5[%dma_start3A_236, %mul3A_2, %dma_start3A_237] : memref<50x4096x128xf32, #tpu.memory_space<hbm>> -> memref<1x128x128xf32, #tpu.memory_space<hbm>>
    %dma_start3A_239 = tpu.memref_squeeze %dma_start3A_238 : memref<1x128x128xf32, #tpu.memory_space<hbm>> -> memref<128x128xf32, #tpu.memory_space<hbm>>
    %dma_start3A_240 = arith.constant 0 : i32
    %dma_start3A_241 = tpu.memref_slice %arg5[%dma_start3A_236, %mul3A_2, %dma_start3A_240] : memref<50x4096x128xf32, #tpu.memory_space<hbm>> -> memref<1x128x128xf32, #tpu.memory_space<hbm>>
    %dma_start3A_242 = tpu.memref_squeeze %dma_start3A_241 : memref<1x128x128xf32, #tpu.memory_space<hbm>> -> memref<128x128xf32, #tpu.memory_space<hbm>>
    tpu.enqueue_dma source(%arg12 : memref<128x128xf32, #tpu.memory_space<vmem>>) target(%dma_start3A_242 : memref<128x128xf32, #tpu.memory_space<hbm>>) target_semaphore(%arg18 : memref<!tpu.dma_semaphore, #tpu.memory_space<semaphore_mem>>)
    %dma_wait3A_243 = arith.constant 47 : i32
    %dma_wait3A_244 = arith.constant 0 : i32
    %dma_wait3A_245 = tpu.memref_slice %arg7[%dma_wait3A_243, %dma_wait3A_244] : memref<50x128xi32, #tpu.memory_space<vmem>> -> memref<1x128xi32, #tpu.memory_space<vmem>>
    %dma_wait3A_246 = tpu.memref_squeeze %dma_wait3A_245 : memref<1x128xi32, #tpu.memory_space<vmem>> -> memref<128xi32, #tpu.memory_space<vmem>>
    %dma_wait3A_247 = arith.constant 0 : i32
    %dma_wait3A_248 = arith.constant 0 : i32
    %dma_wait3A_249 = tpu.memref_slice %arg3[%dma_wait3A_247, %dma_wait3A_248] : memref<100000x128xf32, #tpu.memory_space<hbm>> -> memref<100000x128xf32, #tpu.memory_space<hbm>>
    tpu.wait_indirect_dma semaphore(%arg17 : memref<!tpu.dma_semaphore, #tpu.memory_space<semaphore_mem>>) src(%dma_wait3A_249 : memref<100000x128xf32, #tpu.memory_space<hbm>>) dst(%arg11 : memref<128x128xf32, #tpu.memory_space<vmem>>)
    %dma_wait3A_250 = arith.constant 45 : i32
    %dma_wait3A_251 = arith.constant 0 : i32
    %dma_wait3A_252 = tpu.memref_slice %arg5[%dma_wait3A_250, %mul3A_2, %dma_wait3A_251] : memref<50x4096x128xf32, #tpu.memory_space<hbm>> -> memref<1x128x128xf32, #tpu.memory_space<hbm>>
    %dma_wait3A_253 = tpu.memref_squeeze %dma_wait3A_252 : memref<1x128x128xf32, #tpu.memory_space<hbm>> -> memref<128x128xf32, #tpu.memory_space<hbm>>
    %dma_wait3A_254 = arith.constant 0 : i32
    %dma_wait3A_255 = tpu.memref_slice %arg5[%dma_wait3A_250, %mul3A_2, %dma_wait3A_254] : memref<50x4096x128xf32, #tpu.memory_space<hbm>> -> memref<1x128x128xf32, #tpu.memory_space<hbm>>
    %dma_wait3A_256 = tpu.memref_squeeze %dma_wait3A_255 : memref<1x128x128xf32, #tpu.memory_space<hbm>> -> memref<128x128xf32, #tpu.memory_space<hbm>>
    tpu.wait_dma2 semaphore(%arg19 : memref<!tpu.dma_semaphore, #tpu.memory_space<semaphore_mem>>) src(%arg13 : memref<128x128xf32, #tpu.memory_space<vmem>>) dst(%dma_wait3A_256 : memref<128x128xf32, #tpu.memory_space<hbm>>)
    %get3A_257 = arith.constant 47 : i32
    %get3A_258 = arith.index_cast %get3A_257 : i32 to index
    %get3A_259 = arith.constant 0 : index
    %get3A_260 = tpu.vector_load %arg6[%get3A_258, %get3A_259] {strides = array<i32>} : memref<50x128xf32, #tpu.memory_space<vmem>>, vector<1x16xf32>,
    %get3A_261 = vector.shape_cast %get3A_260 : vector<1x16xf32> to vector<16xf32>
    %get3A_262 = arith.constant 47 : i32
    %get3A_263 = arith.index_cast %get3A_262 : i32 to index
    %get3A_264 = arith.constant 16 : index
    %get3A_265 = tpu.vector_load %arg6[%get3A_263, %get3A_264] {strides = array<i32>} : memref<50x128xf32, #tpu.memory_space<vmem>>, vector<1x16xf32>,
    %get3A_266 = vector.shape_cast %get3A_265 : vector<1x16xf32> to vector<16xf32>
    %get3A_267 = arith.constant 47 : i32
    %get3A_268 = arith.index_cast %get3A_267 : i32 to index
    %get3A_269 = arith.constant 32 : index
    %get3A_270 = tpu.vector_load %arg6[%get3A_268, %get3A_269] {strides = array<i32>} : memref<50x128xf32, #tpu.memory_space<vmem>>, vector<1x16xf32>,
    %get3A_271 = vector.shape_cast %get3A_270 : vector<1x16xf32> to vector<16xf32>
    %get3A_272 = arith.constant 47 : i32
    %get3A_273 = arith.index_cast %get3A_272 : i32 to index
    %get3A_274 = arith.constant 48 : index
    %get3A_275 = tpu.vector_load %arg6[%get3A_273, %get3A_274] {strides = array<i32>} : memref<50x128xf32, #tpu.memory_space<vmem>>, vector<1x16xf32>,
    %get3A_276 = vector.shape_cast %get3A_275 : vector<1x16xf32> to vector<16xf32>
    %get3A_277 = arith.constant 47 : i32
    %get3A_278 = arith.index_cast %get3A_277 : i32 to index
    %get3A_279 = arith.constant 64 : index
    %get3A_280 = tpu.vector_load %arg6[%get3A_278, %get3A_279] {strides = array<i32>} : memref<50x128xf32, #tpu.memory_space<vmem>>, vector<1x16xf32>,
    %get3A_281 = vector.shape_cast %get3A_280 : vector<1x16xf32> to vector<16xf32>
    %get3A_282 = arith.constant 47 : i32
    %get3A_283 = arith.index_cast %get3A_282 : i32 to index
    %get3A_284 = arith.constant 80 : index
    %get3A_285 = tpu.vector_load %arg6[%get3A_283, %get3A_284] {strides = array<i32>} : memref<50x128xf32, #tpu.memory_space<vmem>>, vector<1x16xf32>,
    %get3A_286 = vector.shape_cast %get3A_285 : vector<1x16xf32> to vector<16xf32>
    %get3A_287 = arith.constant 47 : i32
    %get3A_288 = arith.index_cast %get3A_287 : i32 to index
    %get3A_289 = arith.constant 96 : index
    %get3A_290 = tpu.vector_load %arg6[%get3A_288, %get3A_289] {strides = array<i32>} : memref<50x128xf32, #tpu.memory_space<vmem>>, vector<1x16xf32>,
    %get3A_291 = vector.shape_cast %get3A_290 : vector<1x16xf32> to vector<16xf32>
    %get3A_292 = arith.constant 47 : i32
    %get3A_293 = arith.index_cast %get3A_292 : i32 to index
    %get3A_294 = arith.constant 112 : index
    %get3A_295 = tpu.vector_load %arg6[%get3A_293, %get3A_294] {strides = array<i32>} : memref<50x128xf32, #tpu.memory_space<vmem>>, vector<1x16xf32>,
    %get3A_296 = vector.shape_cast %get3A_295 : vector<1x16xf32> to vector<16xf32>
    %parallel_loop3A_297 = arith.constant 0 : i32
    %parallel_loop3A_298 = arith.constant 128 : i32
    %parallel_loop3A_299 = arith.constant 1 : i32
    scf.for %parallel_loop3A_449 = %parallel_loop3A_297 to %parallel_loop3A_298 step %parallel_loop3A_299  : i32 {
      %parallel_loop3A_450 = arith.index_cast %parallel_loop3A_449 : i32 to index
      %parallel_loop3A_451 = arith.constant 0 : index
      %parallel_loop3A_452 = tpu.vector_load %arg11[%parallel_loop3A_450, %parallel_loop3A_451] {strides = array<i32>} : memref<128x128xf32, #tpu.memory_space<vmem>>, vector<1x16xf32>,
      %parallel_loop3A_453 = vector.shape_cast %parallel_loop3A_452 : vector<1x16xf32> to vector<16xf32>
      %parallel_loop3A_454 = arith.addf %parallel_loop3A_453, %get3A_261 : vector<16xf32>
      %parallel_loop3A_455 = arith.index_cast %parallel_loop3A_449 : i32 to index
      %parallel_loop3A_456 = arith.constant 0 : index
      %parallel_loop3A_457 = tpu.vector_load %arg13[%parallel_loop3A_455, %parallel_loop3A_456] {strides = array<i32>} : memref<128x128xf32, #tpu.memory_space<vmem>>, vector<1x16xf32>,
      %parallel_loop3A_458 = vector.shape_cast %parallel_loop3A_457 : vector<1x16xf32> to vector<16xf32>
      %parallel_loop3A_459 = vector.shape_cast %parallel_loop3A_454 : vector<16xf32> to vector<1x16xf32>
      tpu.vector_store %arg13[%parallel_loop3A_455, %parallel_loop3A_456], %parallel_loop3A_459 {strides = array<i32>} : memref<128x128xf32, #tpu.memory_space<vmem>>, vector<1x16xf32>,
      %parallel_loop3A_460 = arith.index_cast %parallel_loop3A_449 : i32 to index
      %parallel_loop3A_461 = arith.constant 16 : index
      %parallel_loop3A_462 = tpu.vector_load %arg11[%parallel_loop3A_460, %parallel_loop3A_461] {strides = array<i32>} : memref<128x128xf32, #tpu.memory_space<vmem>>, vector<1x16xf32>,
      %parallel_loop3A_463 = vector.shape_cast %parallel_loop3A_462 : vector<1x16xf32> to vector<16xf32>
      %parallel_loop3A_464 = arith.addf %parallel_loop3A_463, %get3A_266 : vector<16xf32>
      %parallel_loop3A_465 = arith.index_cast %parallel_loop3A_449 : i32 to index
      %parallel_loop3A_466 = arith.constant 16 : index
      %parallel_loop3A_467 = tpu.vector_load %arg13[%parallel_loop3A_465, %parallel_loop3A_466] {strides = array<i32>} : memref<128x128xf32, #tpu.memory_space<vmem>>, vector<1x16xf32>,
      %parallel_loop3A_468 = vector.shape_cast %parallel_loop3A_467 : vector<1x16xf32> to vector<16xf32>
      %parallel_loop3A_469 = vector.shape_cast %parallel_loop3A_464 : vector<16xf32> to vector<1x16xf32>
      tpu.vector_store %arg13[%parallel_loop3A_465, %parallel_loop3A_466], %parallel_loop3A_469 {strides = array<i32>} : memref<128x128xf32, #tpu.memory_space<vmem>>, vector<1x16xf32>,
      %parallel_loop3A_470 = arith.index_cast %parallel_loop3A_449 : i32 to index
      %parallel_loop3A_471 = arith.constant 32 : index
      %parallel_loop3A_472 = tpu.vector_load %arg11[%parallel_loop3A_470, %parallel_loop3A_471] {strides = array<i32>} : memref<128x128xf32, #tpu.memory_space<vmem>>, vector<1x16xf32>,
      %parallel_loop3A_473 = vector.shape_cast %parallel_loop3A_472 : vector<1x16xf32> to vector<16xf32>
      %parallel_loop3A_474 = arith.addf %parallel_loop3A_473, %get3A_271 : vector<16xf32>
      %parallel_loop3A_475 = arith.index_cast %parallel_loop3A_449 : i32 to index
      %parallel_loop3A_476 = arith.constant 32 : index
      %parallel_loop3A_477 = tpu.vector_load %arg13[%parallel_loop3A_475, %parallel_loop3A_476] {strides = array<i32>} : memref<128x128xf32, #tpu.memory_space<vmem>>, vector<1x16xf32>,
      %parallel_loop3A_478 = vector.shape_cast %parallel_loop3A_477 : vector<1x16xf32> to vector<16xf32>
      %parallel_loop3A_479 = vector.shape_cast %parallel_loop3A_474 : vector<16xf32> to vector<1x16xf32>
      tpu.vector_store %arg13[%parallel_loop3A_475, %parallel_loop3A_476], %parallel_loop3A_479 {strides = array<i32>} : memref<128x128xf32, #tpu.memory_space<vmem>>, vector<1x16xf32>,
      %parallel_loop3A_480 = arith.index_cast %parallel_loop3A_449 : i32 to index
      %parallel_loop3A_481 = arith.constant 48 : index
      %parallel_loop3A_482 = tpu.vector_load %arg11[%parallel_loop3A_480, %parallel_loop3A_481] {strides = array<i32>} : memref<128x128xf32, #tpu.memory_space<vmem>>, vector<1x16xf32>,
      %parallel_loop3A_483 = vector.shape_cast %parallel_loop3A_482 : vector<1x16xf32> to vector<16xf32>
      %parallel_loop3A_484 = arith.addf %parallel_loop3A_483, %get3A_276 : vector<16xf32>
      %parallel_loop3A_485 = arith.index_cast %parallel_loop3A_449 : i32 to index
      %parallel_loop3A_486 = arith.constant 48 : index
      %parallel_loop3A_487 = tpu.vector_load %arg13[%parallel_loop3A_485, %parallel_loop3A_486] {strides = array<i32>} : memref<128x128xf32, #tpu.memory_space<vmem>>, vector<1x16xf32>,
      %parallel_loop3A_488 = vector.shape_cast %parallel_loop3A_487 : vector<1x16xf32> to vector<16xf32>
      %parallel_loop3A_489 = vector.shape_cast %parallel_loop3A_484 : vector<16xf32> to vector<1x16xf32>
      tpu.vector_store %arg13[%parallel_loop3A_485, %parallel_loop3A_486], %parallel_loop3A_489 {strides = array<i32>} : memref<128x128xf32, #tpu.memory_space<vmem>>, vector<1x16xf32>,
      %parallel_loop3A_490 = arith.index_cast %parallel_loop3A_449 : i32 to index
      %parallel_loop3A_491 = arith.constant 64 : index
      %parallel_loop3A_492 = tpu.vector_load %arg11[%parallel_loop3A_490, %parallel_loop3A_491] {strides = array<i32>} : memref<128x128xf32, #tpu.memory_space<vmem>>, vector<1x16xf32>,
      %parallel_loop3A_493 = vector.shape_cast %parallel_loop3A_492 : vector<1x16xf32> to vector<16xf32>
      %parallel_loop3A_494 = arith.addf %parallel_loop3A_493, %get3A_281 : vector<16xf32>
      %parallel_loop3A_495 = arith.index_cast %parallel_loop3A_449 : i32 to index
      %parallel_loop3A_496 = arith.constant 64 : index
      %parallel_loop3A_497 = tpu.vector_load %arg13[%parallel_loop3A_495, %parallel_loop3A_496] {strides = array<i32>} : memref<128x128xf32, #tpu.memory_space<vmem>>, vector<1x16xf32>,
      %parallel_loop3A_498 = vector.shape_cast %parallel_loop3A_497 : vector<1x16xf32> to vector<16xf32>
      %parallel_loop3A_499 = vector.shape_cast %parallel_loop3A_494 : vector<16xf32> to vector<1x16xf32>
      tpu.vector_store %arg13[%parallel_loop3A_495, %parallel_loop3A_496], %parallel_loop3A_499 {strides = array<i32>} : memref<128x128xf32, #tpu.memory_space<vmem>>, vector<1x16xf32>,
      %parallel_loop3A_500 = arith.index_cast %parallel_loop3A_449 : i32 to index
      %parallel_loop3A_501 = arith.constant 80 : index
      %parallel_loop3A_502 = tpu.vector_load %arg11[%parallel_loop3A_500, %parallel_loop3A_501] {strides = array<i32>} : memref<128x128xf32, #tpu.memory_space<vmem>>, vector<1x16xf32>,
      %parallel_loop3A_503 = vector.shape_cast %parallel_loop3A_502 : vector<1x16xf32> to vector<16xf32>
      %parallel_loop3A_504 = arith.addf %parallel_loop3A_503, %get3A_286 : vector<16xf32>
      %parallel_loop3A_505 = arith.index_cast %parallel_loop3A_449 : i32 to index
      %parallel_loop3A_506 = arith.constant 80 : index
      %parallel_loop3A_507 = tpu.vector_load %arg13[%parallel_loop3A_505, %parallel_loop3A_506] {strides = array<i32>} : memref<128x128xf32, #tpu.memory_space<vmem>>, vector<1x16xf32>,
      %parallel_loop3A_508 = vector.shape_cast %parallel_loop3A_507 : vector<1x16xf32> to vector<16xf32>
      %parallel_loop3A_509 = vector.shape_cast %parallel_loop3A_504 : vector<16xf32> to vector<1x16xf32>
      tpu.vector_store %arg13[%parallel_loop3A_505, %parallel_loop3A_506], %parallel_loop3A_509 {strides = array<i32>} : memref<128x128xf32, #tpu.memory_space<vmem>>, vector<1x16xf32>,
      %parallel_loop3A_510 = arith.index_cast %parallel_loop3A_449 : i32 to index
      %parallel_loop3A_511 = arith.constant 96 : index
      %parallel_loop3A_512 = tpu.vector_load %arg11[%parallel_loop3A_510, %parallel_loop3A_511] {strides = array<i32>} : memref<128x128xf32, #tpu.memory_space<vmem>>, vector<1x16xf32>,
      %parallel_loop3A_513 = vector.shape_cast %parallel_loop3A_512 : vector<1x16xf32> to vector<16xf32>
      %parallel_loop3A_514 = arith.addf %parallel_loop3A_513, %get3A_291 : vector<16xf32>
      %parallel_loop3A_515 = arith.index_cast %parallel_loop3A_449 : i32 to index
      %parallel_loop3A_516 = arith.constant 96 : index
      %parallel_loop3A_517 = tpu.vector_load %arg13[%parallel_loop3A_515, %parallel_loop3A_516] {strides = array<i32>} : memref<128x128xf32, #tpu.memory_space<vmem>>, vector<1x16xf32>,
      %parallel_loop3A_518 = vector.shape_cast %parallel_loop3A_517 : vector<1x16xf32> to vector<16xf32>
      %parallel_loop3A_519 = vector.shape_cast %parallel_loop3A_514 : vector<16xf32> to vector<1x16xf32>
      tpu.vector_store %arg13[%parallel_loop3A_515, %parallel_loop3A_516], %parallel_loop3A_519 {strides = array<i32>} : memref<128x128xf32, #tpu.memory_space<vmem>>, vector<1x16xf32>,
      %parallel_loop3A_520 = arith.index_cast %parallel_loop3A_449 : i32 to index
      %parallel_loop3A_521 = arith.constant 112 : index
      %parallel_loop3A_522 = tpu.vector_load %arg11[%parallel_loop3A_520, %parallel_loop3A_521] {strides = array<i32>} : memref<128x128xf32, #tpu.memory_space<vmem>>, vector<1x16xf32>,
      %parallel_loop3A_523 = vector.shape_cast %parallel_loop3A_522 : vector<1x16xf32> to vector<16xf32>
      %parallel_loop3A_524 = arith.addf %parallel_loop3A_523, %get3A_296 : vector<16xf32>
      %parallel_loop3A_525 = arith.index_cast %parallel_loop3A_449 : i32 to index
      %parallel_loop3A_526 = arith.constant 112 : index
      %parallel_loop3A_527 = tpu.vector_load %arg13[%parallel_loop3A_525, %parallel_loop3A_526] {strides = array<i32>} : memref<128x128xf32, #tpu.memory_space<vmem>>, vector<1x16xf32>,
      %parallel_loop3A_528 = vector.shape_cast %parallel_loop3A_527 : vector<1x16xf32> to vector<16xf32>
      %parallel_loop3A_529 = vector.shape_cast %parallel_loop3A_524 : vector<16xf32> to vector<1x16xf32>
      tpu.vector_store %arg13[%parallel_loop3A_525, %parallel_loop3A_526], %parallel_loop3A_529 {strides = array<i32>} : memref<128x128xf32, #tpu.memory_space<vmem>>, vector<1x16xf32>,
    } {sc.loop_unroll_factor = 4 : i64, sc.parallel_access}
    %dma_start3A_300 = arith.constant 47 : i32
    %dma_start3A_301 = arith.constant 0 : i32
    %dma_start3A_302 = tpu.memref_slice %arg5[%dma_start3A_300, %mul3A_2, %dma_start3A_301] : memref<50x4096x128xf32, #tpu.memory_space<hbm>> -> memref<1x128x128xf32, #tpu.memory_space<hbm>>
    %dma_start3A_303 = tpu.memref_squeeze %dma_start3A_302 : memref<1x128x128xf32, #tpu.memory_space<hbm>> -> memref<128x128xf32, #tpu.memory_space<hbm>>
    %dma_start3A_304 = arith.constant 0 : i32
    %dma_start3A_305 = tpu.memref_slice %arg5[%dma_start3A_300, %mul3A_2, %dma_start3A_304] : memref<50x4096x128xf32, #tpu.memory_space<hbm>> -> memref<1x128x128xf32, #tpu.memory_space<hbm>>
    %dma_start3A_306 = tpu.memref_squeeze %dma_start3A_305 : memref<1x128x128xf32, #tpu.memory_space<hbm>> -> memref<128x128xf32, #tpu.memory_space<hbm>>
    tpu.enqueue_dma source(%arg13 : memref<128x128xf32, #tpu.memory_space<vmem>>) target(%dma_start3A_306 : memref<128x128xf32, #tpu.memory_space<hbm>>) target_semaphore(%arg19 : memref<!tpu.dma_semaphore, #tpu.memory_space<semaphore_mem>>)
    %dma_wait3A_307 = arith.constant 48 : i32
    %dma_wait3A_308 = arith.constant 0 : i32
    %dma_wait3A_309 = tpu.memref_slice %arg7[%dma_wait3A_307, %dma_wait3A_308] : memref<50x128xi32, #tpu.memory_space<vmem>> -> memref<1x128xi32, #tpu.memory_space<vmem>>
    %dma_wait3A_310 = tpu.memref_squeeze %dma_wait3A_309 : memref<1x128xi32, #tpu.memory_space<vmem>> -> memref<128xi32, #tpu.memory_space<vmem>>
    %dma_wait3A_311 = arith.constant 0 : i32
    %dma_wait3A_312 = arith.constant 0 : i32
    %dma_wait3A_313 = tpu.memref_slice %arg3[%dma_wait3A_311, %dma_wait3A_312] : memref<100000x128xf32, #tpu.memory_space<hbm>> -> memref<100000x128xf32, #tpu.memory_space<hbm>>
    tpu.wait_indirect_dma semaphore(%arg14 : memref<!tpu.dma_semaphore, #tpu.memory_space<semaphore_mem>>) src(%dma_wait3A_313 : memref<100000x128xf32, #tpu.memory_space<hbm>>) dst(%arg8 : memref<128x128xf32, #tpu.memory_space<vmem>>)
    %dma_wait3A_314 = arith.constant 46 : i32
    %dma_wait3A_315 = arith.constant 0 : i32
    %dma_wait3A_316 = tpu.memref_slice %arg5[%dma_wait3A_314, %mul3A_2, %dma_wait3A_315] : memref<50x4096x128xf32, #tpu.memory_space<hbm>> -> memref<1x128x128xf32, #tpu.memory_space<hbm>>
    %dma_wait3A_317 = tpu.memref_squeeze %dma_wait3A_316 : memref<1x128x128xf32, #tpu.memory_space<hbm>> -> memref<128x128xf32, #tpu.memory_space<hbm>>
    %dma_wait3A_318 = arith.constant 0 : i32
    %dma_wait3A_319 = tpu.memref_slice %arg5[%dma_wait3A_314, %mul3A_2, %dma_wait3A_318] : memref<50x4096x128xf32, #tpu.memory_space<hbm>> -> memref<1x128x128xf32, #tpu.memory_space<hbm>>
    %dma_wait3A_320 = tpu.memref_squeeze %dma_wait3A_319 : memref<1x128x128xf32, #tpu.memory_space<hbm>> -> memref<128x128xf32, #tpu.memory_space<hbm>>
    tpu.wait_dma2 semaphore(%arg18 : memref<!tpu.dma_semaphore, #tpu.memory_space<semaphore_mem>>) src(%arg12 : memref<128x128xf32, #tpu.memory_space<vmem>>) dst(%dma_wait3A_320 : memref<128x128xf32, #tpu.memory_space<hbm>>)
    %get3A_321 = arith.constant 48 : i32
    %get3A_322 = arith.index_cast %get3A_321 : i32 to index
    %get3A_323 = arith.constant 0 : index
    %get3A_324 = tpu.vector_load %arg6[%get3A_322, %get3A_323] {strides = array<i32>} : memref<50x128xf32, #tpu.memory_space<vmem>>, vector<1x16xf32>,
    %get3A_325 = vector.shape_cast %get3A_324 : vector<1x16xf32> to vector<16xf32>
    %get3A_326 = arith.constant 48 : i32
    %get3A_327 = arith.index_cast %get3A_326 : i32 to index
    %get3A_328 = arith.constant 16 : index
    %get3A_329 = tpu.vector_load %arg6[%get3A_327, %get3A_328] {strides = array<i32>} : memref<50x128xf32, #tpu.memory_space<vmem>>, vector<1x16xf32>,
    %get3A_330 = vector.shape_cast %get3A_329 : vector<1x16xf32> to vector<16xf32>
    %get3A_331 = arith.constant 48 : i32
    %get3A_332 = arith.index_cast %get3A_331 : i32 to index
    %get3A_333 = arith.constant 32 : index
    %get3A_334 = tpu.vector_load %arg6[%get3A_332, %get3A_333] {strides = array<i32>} : memref<50x128xf32, #tpu.memory_space<vmem>>, vector<1x16xf32>,
    %get3A_335 = vector.shape_cast %get3A_334 : vector<1x16xf32> to vector<16xf32>
    %get3A_336 = arith.constant 48 : i32
    %get3A_337 = arith.index_cast %get3A_336 : i32 to index
    %get3A_338 = arith.constant 48 : index
    %get3A_339 = tpu.vector_load %arg6[%get3A_337, %get3A_338] {strides = array<i32>} : memref<50x128xf32, #tpu.memory_space<vmem>>, vector<1x16xf32>,
    %get3A_340 = vector.shape_cast %get3A_339 : vector<1x16xf32> to vector<16xf32>
    %get3A_341 = arith.constant 48 : i32
    %get3A_342 = arith.index_cast %get3A_341 : i32 to index
    %get3A_343 = arith.constant 64 : index
    %get3A_344 = tpu.vector_load %arg6[%get3A_342, %get3A_343] {strides = array<i32>} : memref<50x128xf32, #tpu.memory_space<vmem>>, vector<1x16xf32>,
    %get3A_345 = vector.shape_cast %get3A_344 : vector<1x16xf32> to vector<16xf32>
    %get3A_346 = arith.constant 48 : i32
    %get3A_347 = arith.index_cast %get3A_346 : i32 to index
    %get3A_348 = arith.constant 80 : index
    %get3A_349 = tpu.vector_load %arg6[%get3A_347, %get3A_348] {strides = array<i32>} : memref<50x128xf32, #tpu.memory_space<vmem>>, vector<1x16xf32>,
    %get3A_350 = vector.shape_cast %get3A_349 : vector<1x16xf32> to vector<16xf32>
    %get3A_351 = arith.constant 48 : i32
    %get3A_352 = arith.index_cast %get3A_351 : i32 to index
    %get3A_353 = arith.constant 96 : index
    %get3A_354 = tpu.vector_load %arg6[%get3A_352, %get3A_353] {strides = array<i32>} : memref<50x128xf32, #tpu.memory_space<vmem>>, vector<1x16xf32>,
    %get3A_355 = vector.shape_cast %get3A_354 : vector<1x16xf32> to vector<16xf32>
    %get3A_356 = arith.constant 48 : i32
    %get3A_357 = arith.index_cast %get3A_356 : i32 to index
    %get3A_358 = arith.constant 112 : index
    %get3A_359 = tpu.vector_load %arg6[%get3A_357, %get3A_358] {strides = array<i32>} : memref<50x128xf32, #tpu.memory_space<vmem>>, vector<1x16xf32>,
    %get3A_360 = vector.shape_cast %get3A_359 : vector<1x16xf32> to vector<16xf32>
    %parallel_loop3A_361 = arith.constant 0 : i32
    %parallel_loop3A_362 = arith.constant 128 : i32
    %parallel_loop3A_363 = arith.constant 1 : i32
    scf.for %parallel_loop3A_449 = %parallel_loop3A_361 to %parallel_loop3A_362 step %parallel_loop3A_363  : i32 {
      %parallel_loop3A_450 = arith.index_cast %parallel_loop3A_449 : i32 to index
      %parallel_loop3A_451 = arith.constant 0 : index
      %parallel_loop3A_452 = tpu.vector_load %arg8[%parallel_loop3A_450, %parallel_loop3A_451] {strides = array<i32>} : memref<128x128xf32, #tpu.memory_space<vmem>>, vector<1x16xf32>,
      %parallel_loop3A_453 = vector.shape_cast %parallel_loop3A_452 : vector<1x16xf32> to vector<16xf32>
      %parallel_loop3A_454 = arith.addf %parallel_loop3A_453, %get3A_325 : vector<16xf32>
      %parallel_loop3A_455 = arith.index_cast %parallel_loop3A_449 : i32 to index
      %parallel_loop3A_456 = arith.constant 0 : index
      %parallel_loop3A_457 = tpu.vector_load %arg12[%parallel_loop3A_455, %parallel_loop3A_456] {strides = array<i32>} : memref<128x128xf32, #tpu.memory_space<vmem>>, vector<1x16xf32>,
      %parallel_loop3A_458 = vector.shape_cast %parallel_loop3A_457 : vector<1x16xf32> to vector<16xf32>
      %parallel_loop3A_459 = vector.shape_cast %parallel_loop3A_454 : vector<16xf32> to vector<1x16xf32>
      tpu.vector_store %arg12[%parallel_loop3A_455, %parallel_loop3A_456], %parallel_loop3A_459 {strides = array<i32>} : memref<128x128xf32, #tpu.memory_space<vmem>>, vector<1x16xf32>,
      %parallel_loop3A_460 = arith.index_cast %parallel_loop3A_449 : i32 to index
      %parallel_loop3A_461 = arith.constant 16 : index
      %parallel_loop3A_462 = tpu.vector_load %arg8[%parallel_loop3A_460, %parallel_loop3A_461] {strides = array<i32>} : memref<128x128xf32, #tpu.memory_space<vmem>>, vector<1x16xf32>,
      %parallel_loop3A_463 = vector.shape_cast %parallel_loop3A_462 : vector<1x16xf32> to vector<16xf32>
      %parallel_loop3A_464 = arith.addf %parallel_loop3A_463, %get3A_330 : vector<16xf32>
      %parallel_loop3A_465 = arith.index_cast %parallel_loop3A_449 : i32 to index
      %parallel_loop3A_466 = arith.constant 16 : index
      %parallel_loop3A_467 = tpu.vector_load %arg12[%parallel_loop3A_465, %parallel_loop3A_466] {strides = array<i32>} : memref<128x128xf32, #tpu.memory_space<vmem>>, vector<1x16xf32>,
      %parallel_loop3A_468 = vector.shape_cast %parallel_loop3A_467 : vector<1x16xf32> to vector<16xf32>
      %parallel_loop3A_469 = vector.shape_cast %parallel_loop3A_464 : vector<16xf32> to vector<1x16xf32>
      tpu.vector_store %arg12[%parallel_loop3A_465, %parallel_loop3A_466], %parallel_loop3A_469 {strides = array<i32>} : memref<128x128xf32, #tpu.memory_space<vmem>>, vector<1x16xf32>,
      %parallel_loop3A_470 = arith.index_cast %parallel_loop3A_449 : i32 to index
      %parallel_loop3A_471 = arith.constant 32 : index
      %parallel_loop3A_472 = tpu.vector_load %arg8[%parallel_loop3A_470, %parallel_loop3A_471] {strides = array<i32>} : memref<128x128xf32, #tpu.memory_space<vmem>>, vector<1x16xf32>,
      %parallel_loop3A_473 = vector.shape_cast %parallel_loop3A_472 : vector<1x16xf32> to vector<16xf32>
      %parallel_loop3A_474 = arith.addf %parallel_loop3A_473, %get3A_335 : vector<16xf32>
      %parallel_loop3A_475 = arith.index_cast %parallel_loop3A_449 : i32 to index
      %parallel_loop3A_476 = arith.constant 32 : index
      %parallel_loop3A_477 = tpu.vector_load %arg12[%parallel_loop3A_475, %parallel_loop3A_476] {strides = array<i32>} : memref<128x128xf32, #tpu.memory_space<vmem>>, vector<1x16xf32>,
      %parallel_loop3A_478 = vector.shape_cast %parallel_loop3A_477 : vector<1x16xf32> to vector<16xf32>
      %parallel_loop3A_479 = vector.shape_cast %parallel_loop3A_474 : vector<16xf32> to vector<1x16xf32>
      tpu.vector_store %arg12[%parallel_loop3A_475, %parallel_loop3A_476], %parallel_loop3A_479 {strides = array<i32>} : memref<128x128xf32, #tpu.memory_space<vmem>>, vector<1x16xf32>,
      %parallel_loop3A_480 = arith.index_cast %parallel_loop3A_449 : i32 to index
      %parallel_loop3A_481 = arith.constant 48 : index
      %parallel_loop3A_482 = tpu.vector_load %arg8[%parallel_loop3A_480, %parallel_loop3A_481] {strides = array<i32>} : memref<128x128xf32, #tpu.memory_space<vmem>>, vector<1x16xf32>,
      %parallel_loop3A_483 = vector.shape_cast %parallel_loop3A_482 : vector<1x16xf32> to vector<16xf32>
      %parallel_loop3A_484 = arith.addf %parallel_loop3A_483, %get3A_340 : vector<16xf32>
      %parallel_loop3A_485 = arith.index_cast %parallel_loop3A_449 : i32 to index
      %parallel_loop3A_486 = arith.constant 48 : index
      %parallel_loop3A_487 = tpu.vector_load %arg12[%parallel_loop3A_485, %parallel_loop3A_486] {strides = array<i32>} : memref<128x128xf32, #tpu.memory_space<vmem>>, vector<1x16xf32>,
      %parallel_loop3A_488 = vector.shape_cast %parallel_loop3A_487 : vector<1x16xf32> to vector<16xf32>
      %parallel_loop3A_489 = vector.shape_cast %parallel_loop3A_484 : vector<16xf32> to vector<1x16xf32>
      tpu.vector_store %arg12[%parallel_loop3A_485, %parallel_loop3A_486], %parallel_loop3A_489 {strides = array<i32>} : memref<128x128xf32, #tpu.memory_space<vmem>>, vector<1x16xf32>,
      %parallel_loop3A_490 = arith.index_cast %parallel_loop3A_449 : i32 to index
      %parallel_loop3A_491 = arith.constant 64 : index
      %parallel_loop3A_492 = tpu.vector_load %arg8[%parallel_loop3A_490, %parallel_loop3A_491] {strides = array<i32>} : memref<128x128xf32, #tpu.memory_space<vmem>>, vector<1x16xf32>,
      %parallel_loop3A_493 = vector.shape_cast %parallel_loop3A_492 : vector<1x16xf32> to vector<16xf32>
      %parallel_loop3A_494 = arith.addf %parallel_loop3A_493, %get3A_345 : vector<16xf32>
      %parallel_loop3A_495 = arith.index_cast %parallel_loop3A_449 : i32 to index
      %parallel_loop3A_496 = arith.constant 64 : index
      %parallel_loop3A_497 = tpu.vector_load %arg12[%parallel_loop3A_495, %parallel_loop3A_496] {strides = array<i32>} : memref<128x128xf32, #tpu.memory_space<vmem>>, vector<1x16xf32>,
      %parallel_loop3A_498 = vector.shape_cast %parallel_loop3A_497 : vector<1x16xf32> to vector<16xf32>
      %parallel_loop3A_499 = vector.shape_cast %parallel_loop3A_494 : vector<16xf32> to vector<1x16xf32>
      tpu.vector_store %arg12[%parallel_loop3A_495, %parallel_loop3A_496], %parallel_loop3A_499 {strides = array<i32>} : memref<128x128xf32, #tpu.memory_space<vmem>>, vector<1x16xf32>,
      %parallel_loop3A_500 = arith.index_cast %parallel_loop3A_449 : i32 to index
      %parallel_loop3A_501 = arith.constant 80 : index
      %parallel_loop3A_502 = tpu.vector_load %arg8[%parallel_loop3A_500, %parallel_loop3A_501] {strides = array<i32>} : memref<128x128xf32, #tpu.memory_space<vmem>>, vector<1x16xf32>,
      %parallel_loop3A_503 = vector.shape_cast %parallel_loop3A_502 : vector<1x16xf32> to vector<16xf32>
      %parallel_loop3A_504 = arith.addf %parallel_loop3A_503, %get3A_350 : vector<16xf32>
      %parallel_loop3A_505 = arith.index_cast %parallel_loop3A_449 : i32 to index
      %parallel_loop3A_506 = arith.constant 80 : index
      %parallel_loop3A_507 = tpu.vector_load %arg12[%parallel_loop3A_505, %parallel_loop3A_506] {strides = array<i32>} : memref<128x128xf32, #tpu.memory_space<vmem>>, vector<1x16xf32>,
      %parallel_loop3A_508 = vector.shape_cast %parallel_loop3A_507 : vector<1x16xf32> to vector<16xf32>
      %parallel_loop3A_509 = vector.shape_cast %parallel_loop3A_504 : vector<16xf32> to vector<1x16xf32>
      tpu.vector_store %arg12[%parallel_loop3A_505, %parallel_loop3A_506], %parallel_loop3A_509 {strides = array<i32>} : memref<128x128xf32, #tpu.memory_space<vmem>>, vector<1x16xf32>,
      %parallel_loop3A_510 = arith.index_cast %parallel_loop3A_449 : i32 to index
      %parallel_loop3A_511 = arith.constant 96 : index
      %parallel_loop3A_512 = tpu.vector_load %arg8[%parallel_loop3A_510, %parallel_loop3A_511] {strides = array<i32>} : memref<128x128xf32, #tpu.memory_space<vmem>>, vector<1x16xf32>,
      %parallel_loop3A_513 = vector.shape_cast %parallel_loop3A_512 : vector<1x16xf32> to vector<16xf32>
      %parallel_loop3A_514 = arith.addf %parallel_loop3A_513, %get3A_355 : vector<16xf32>
      %parallel_loop3A_515 = arith.index_cast %parallel_loop3A_449 : i32 to index
      %parallel_loop3A_516 = arith.constant 96 : index
      %parallel_loop3A_517 = tpu.vector_load %arg12[%parallel_loop3A_515, %parallel_loop3A_516] {strides = array<i32>} : memref<128x128xf32, #tpu.memory_space<vmem>>, vector<1x16xf32>,
      %parallel_loop3A_518 = vector.shape_cast %parallel_loop3A_517 : vector<1x16xf32> to vector<16xf32>
      %parallel_loop3A_519 = vector.shape_cast %parallel_loop3A_514 : vector<16xf32> to vector<1x16xf32>
      tpu.vector_store %arg12[%parallel_loop3A_515, %parallel_loop3A_516], %parallel_loop3A_519 {strides = array<i32>} : memref<128x128xf32, #tpu.memory_space<vmem>>, vector<1x16xf32>,
      %parallel_loop3A_520 = arith.index_cast %parallel_loop3A_449 : i32 to index
      %parallel_loop3A_521 = arith.constant 112 : index
      %parallel_loop3A_522 = tpu.vector_load %arg8[%parallel_loop3A_520, %parallel_loop3A_521] {strides = array<i32>} : memref<128x128xf32, #tpu.memory_space<vmem>>, vector<1x16xf32>,
      %parallel_loop3A_523 = vector.shape_cast %parallel_loop3A_522 : vector<1x16xf32> to vector<16xf32>
      %parallel_loop3A_524 = arith.addf %parallel_loop3A_523, %get3A_360 : vector<16xf32>
      %parallel_loop3A_525 = arith.index_cast %parallel_loop3A_449 : i32 to index
      %parallel_loop3A_526 = arith.constant 112 : index
      %parallel_loop3A_527 = tpu.vector_load %arg12[%parallel_loop3A_525, %parallel_loop3A_526] {strides = array<i32>} : memref<128x128xf32, #tpu.memory_space<vmem>>, vector<1x16xf32>,
      %parallel_loop3A_528 = vector.shape_cast %parallel_loop3A_527 : vector<1x16xf32> to vector<16xf32>
      %parallel_loop3A_529 = vector.shape_cast %parallel_loop3A_524 : vector<16xf32> to vector<1x16xf32>
      tpu.vector_store %arg12[%parallel_loop3A_525, %parallel_loop3A_526], %parallel_loop3A_529 {strides = array<i32>} : memref<128x128xf32, #tpu.memory_space<vmem>>, vector<1x16xf32>,
    } {sc.loop_unroll_factor = 4 : i64, sc.parallel_access}
    %dma_start3A_364 = arith.constant 48 : i32
    %dma_start3A_365 = arith.constant 0 : i32
    %dma_start3A_366 = tpu.memref_slice %arg5[%dma_start3A_364, %mul3A_2, %dma_start3A_365] : memref<50x4096x128xf32, #tpu.memory_space<hbm>> -> memref<1x128x128xf32, #tpu.memory_space<hbm>>
    %dma_start3A_367 = tpu.memref_squeeze %dma_start3A_366 : memref<1x128x128xf32, #tpu.memory_space<hbm>> -> memref<128x128xf32, #tpu.memory_space<hbm>>
    %dma_start3A_368 = arith.constant 0 : i32
    %dma_start3A_369 = tpu.memref_slice %arg5[%dma_start3A_364, %mul3A_2, %dma_start3A_368] : memref<50x4096x128xf32, #tpu.memory_space<hbm>> -> memref<1x128x128xf32, #tpu.memory_space<hbm>>
    %dma_start3A_370 = tpu.memref_squeeze %dma_start3A_369 : memref<1x128x128xf32, #tpu.memory_space<hbm>> -> memref<128x128xf32, #tpu.memory_space<hbm>>
    tpu.enqueue_dma source(%arg12 : memref<128x128xf32, #tpu.memory_space<vmem>>) target(%dma_start3A_370 : memref<128x128xf32, #tpu.memory_space<hbm>>) target_semaphore(%arg18 : memref<!tpu.dma_semaphore, #tpu.memory_space<semaphore_mem>>)
    %dma_wait3A_371 = arith.constant 49 : i32
    %dma_wait3A_372 = arith.constant 0 : i32
    %dma_wait3A_373 = tpu.memref_slice %arg7[%dma_wait3A_371, %dma_wait3A_372] : memref<50x128xi32, #tpu.memory_space<vmem>> -> memref<1x128xi32, #tpu.memory_space<vmem>>
    %dma_wait3A_374 = tpu.memref_squeeze %dma_wait3A_373 : memref<1x128xi32, #tpu.memory_space<vmem>> -> memref<128xi32, #tpu.memory_space<vmem>>
    %dma_wait3A_375 = arith.constant 0 : i32
    %dma_wait3A_376 = arith.constant 0 : i32
    %dma_wait3A_377 = tpu.memref_slice %arg3[%dma_wait3A_375, %dma_wait3A_376] : memref<100000x128xf32, #tpu.memory_space<hbm>> -> memref<100000x128xf32, #tpu.memory_space<hbm>>
    tpu.wait_indirect_dma semaphore(%arg15 : memref<!tpu.dma_semaphore, #tpu.memory_space<semaphore_mem>>) src(%dma_wait3A_377 : memref<100000x128xf32, #tpu.memory_space<hbm>>) dst(%arg9 : memref<128x128xf32, #tpu.memory_space<vmem>>)
    %dma_wait3A_378 = arith.constant 47 : i32
    %dma_wait3A_379 = arith.constant 0 : i32
    %dma_wait3A_380 = tpu.memref_slice %arg5[%dma_wait3A_378, %mul3A_2, %dma_wait3A_379] : memref<50x4096x128xf32, #tpu.memory_space<hbm>> -> memref<1x128x128xf32, #tpu.memory_space<hbm>>
    %dma_wait3A_381 = tpu.memref_squeeze %dma_wait3A_380 : memref<1x128x128xf32, #tpu.memory_space<hbm>> -> memref<128x128xf32, #tpu.memory_space<hbm>>
    %dma_wait3A_382 = arith.constant 0 : i32
    %dma_wait3A_383 = tpu.memref_slice %arg5[%dma_wait3A_378, %mul3A_2, %dma_wait3A_382] : memref<50x4096x128xf32, #tpu.memory_space<hbm>> -> memref<1x128x128xf32, #tpu.memory_space<hbm>>
    %dma_wait3A_384 = tpu.memref_squeeze %dma_wait3A_383 : memref<1x128x128xf32, #tpu.memory_space<hbm>> -> memref<128x128xf32, #tpu.memory_space<hbm>>
    tpu.wait_dma2 semaphore(%arg19 : memref<!tpu.dma_semaphore, #tpu.memory_space<semaphore_mem>>) src(%arg13 : memref<128x128xf32, #tpu.memory_space<vmem>>) dst(%dma_wait3A_384 : memref<128x128xf32, #tpu.memory_space<hbm>>)
    %get3A_385 = arith.constant 49 : i32
    %get3A_386 = arith.index_cast %get3A_385 : i32 to index
    %get3A_387 = arith.constant 0 : index
    %get3A_388 = tpu.vector_load %arg6[%get3A_386, %get3A_387] {strides = array<i32>} : memref<50x128xf32, #tpu.memory_space<vmem>>, vector<1x16xf32>,
    %get3A_389 = vector.shape_cast %get3A_388 : vector<1x16xf32> to vector<16xf32>
    %get3A_390 = arith.constant 49 : i32
    %get3A_391 = arith.index_cast %get3A_390 : i32 to index
    %get3A_392 = arith.constant 16 : index
    %get3A_393 = tpu.vector_load %arg6[%get3A_391, %get3A_392] {strides = array<i32>} : memref<50x128xf32, #tpu.memory_space<vmem>>, vector<1x16xf32>,
    %get3A_394 = vector.shape_cast %get3A_393 : vector<1x16xf32> to vector<16xf32>
    %get3A_395 = arith.constant 49 : i32
    %get3A_396 = arith.index_cast %get3A_395 : i32 to index
    %get3A_397 = arith.constant 32 : index
    %get3A_398 = tpu.vector_load %arg6[%get3A_396, %get3A_397] {strides = array<i32>} : memref<50x128xf32, #tpu.memory_space<vmem>>, vector<1x16xf32>,
    %get3A_399 = vector.shape_cast %get3A_398 : vector<1x16xf32> to vector<16xf32>
    %get3A_400 = arith.constant 49 : i32
    %get3A_401 = arith.index_cast %get3A_400 : i32 to index
    %get3A_402 = arith.constant 48 : index
    %get3A_403 = tpu.vector_load %arg6[%get3A_401, %get3A_402] {strides = array<i32>} : memref<50x128xf32, #tpu.memory_space<vmem>>, vector<1x16xf32>,
    %get3A_404 = vector.shape_cast %get3A_403 : vector<1x16xf32> to vector<16xf32>
    %get3A_405 = arith.constant 49 : i32
    %get3A_406 = arith.index_cast %get3A_405 : i32 to index
    %get3A_407 = arith.constant 64 : index
    %get3A_408 = tpu.vector_load %arg6[%get3A_406, %get3A_407] {strides = array<i32>} : memref<50x128xf32, #tpu.memory_space<vmem>>, vector<1x16xf32>,
    %get3A_409 = vector.shape_cast %get3A_408 : vector<1x16xf32> to vector<16xf32>
    %get3A_410 = arith.constant 49 : i32
    %get3A_411 = arith.index_cast %get3A_410 : i32 to index
    %get3A_412 = arith.constant 80 : index
    %get3A_413 = tpu.vector_load %arg6[%get3A_411, %get3A_412] {strides = array<i32>} : memref<50x128xf32, #tpu.memory_space<vmem>>, vector<1x16xf32>,
    %get3A_414 = vector.shape_cast %get3A_413 : vector<1x16xf32> to vector<16xf32>
    %get3A_415 = arith.constant 49 : i32
    %get3A_416 = arith.index_cast %get3A_415 : i32 to index
    %get3A_417 = arith.constant 96 : index
    %get3A_418 = tpu.vector_load %arg6[%get3A_416, %get3A_417] {strides = array<i32>} : memref<50x128xf32, #tpu.memory_space<vmem>>, vector<1x16xf32>,
    %get3A_419 = vector.shape_cast %get3A_418 : vector<1x16xf32> to vector<16xf32>
    %get3A_420 = arith.constant 49 : i32
    %get3A_421 = arith.index_cast %get3A_420 : i32 to index
    %get3A_422 = arith.constant 112 : index
    %get3A_423 = tpu.vector_load %arg6[%get3A_421, %get3A_422] {strides = array<i32>} : memref<50x128xf32, #tpu.memory_space<vmem>>, vector<1x16xf32>,
    %get3A_424 = vector.shape_cast %get3A_423 : vector<1x16xf32> to vector<16xf32>
    %parallel_loop3A_425 = arith.constant 0 : i32
    %parallel_loop3A_426 = arith.constant 128 : i32
    %parallel_loop3A_427 = arith.constant 1 : i32
    scf.for %parallel_loop3A_449 = %parallel_loop3A_425 to %parallel_loop3A_426 step %parallel_loop3A_427  : i32 {
      %parallel_loop3A_450 = arith.index_cast %parallel_loop3A_449 : i32 to index
      %parallel_loop3A_451 = arith.constant 0 : index
      %parallel_loop3A_452 = tpu.vector_load %arg9[%parallel_loop3A_450, %parallel_loop3A_451] {strides = array<i32>} : memref<128x128xf32, #tpu.memory_space<vmem>>, vector<1x16xf32>,
      %parallel_loop3A_453 = vector.shape_cast %parallel_loop3A_452 : vector<1x16xf32> to vector<16xf32>
      %parallel_loop3A_454 = arith.addf %parallel_loop3A_453, %get3A_389 : vector<16xf32>
      %parallel_loop3A_455 = arith.index_cast %parallel_loop3A_449 : i32 to index
      %parallel_loop3A_456 = arith.constant 0 : index
      %parallel_loop3A_457 = tpu.vector_load %arg13[%parallel_loop3A_455, %parallel_loop3A_456] {strides = array<i32>} : memref<128x128xf32, #tpu.memory_space<vmem>>, vector<1x16xf32>,
      %parallel_loop3A_458 = vector.shape_cast %parallel_loop3A_457 : vector<1x16xf32> to vector<16xf32>
      %parallel_loop3A_459 = vector.shape_cast %parallel_loop3A_454 : vector<16xf32> to vector<1x16xf32>
      tpu.vector_store %arg13[%parallel_loop3A_455, %parallel_loop3A_456], %parallel_loop3A_459 {strides = array<i32>} : memref<128x128xf32, #tpu.memory_space<vmem>>, vector<1x16xf32>,
      %parallel_loop3A_460 = arith.index_cast %parallel_loop3A_449 : i32 to index
      %parallel_loop3A_461 = arith.constant 16 : index
      %parallel_loop3A_462 = tpu.vector_load %arg9[%parallel_loop3A_460, %parallel_loop3A_461] {strides = array<i32>} : memref<128x128xf32, #tpu.memory_space<vmem>>, vector<1x16xf32>,
      %parallel_loop3A_463 = vector.shape_cast %parallel_loop3A_462 : vector<1x16xf32> to vector<16xf32>
      %parallel_loop3A_464 = arith.addf %parallel_loop3A_463, %get3A_394 : vector<16xf32>
      %parallel_loop3A_465 = arith.index_cast %parallel_loop3A_449 : i32 to index
      %parallel_loop3A_466 = arith.constant 16 : index
      %parallel_loop3A_467 = tpu.vector_load %arg13[%parallel_loop3A_465, %parallel_loop3A_466] {strides = array<i32>} : memref<128x128xf32, #tpu.memory_space<vmem>>, vector<1x16xf32>,
      %parallel_loop3A_468 = vector.shape_cast %parallel_loop3A_467 : vector<1x16xf32> to vector<16xf32>
      %parallel_loop3A_469 = vector.shape_cast %parallel_loop3A_464 : vector<16xf32> to vector<1x16xf32>
      tpu.vector_store %arg13[%parallel_loop3A_465, %parallel_loop3A_466], %parallel_loop3A_469 {strides = array<i32>} : memref<128x128xf32, #tpu.memory_space<vmem>>, vector<1x16xf32>,
      %parallel_loop3A_470 = arith.index_cast %parallel_loop3A_449 : i32 to index
      %parallel_loop3A_471 = arith.constant 32 : index
      %parallel_loop3A_472 = tpu.vector_load %arg9[%parallel_loop3A_470, %parallel_loop3A_471] {strides = array<i32>} : memref<128x128xf32, #tpu.memory_space<vmem>>, vector<1x16xf32>,
      %parallel_loop3A_473 = vector.shape_cast %parallel_loop3A_472 : vector<1x16xf32> to vector<16xf32>
      %parallel_loop3A_474 = arith.addf %parallel_loop3A_473, %get3A_399 : vector<16xf32>
      %parallel_loop3A_475 = arith.index_cast %parallel_loop3A_449 : i32 to index
      %parallel_loop3A_476 = arith.constant 32 : index
      %parallel_loop3A_477 = tpu.vector_load %arg13[%parallel_loop3A_475, %parallel_loop3A_476] {strides = array<i32>} : memref<128x128xf32, #tpu.memory_space<vmem>>, vector<1x16xf32>,
      %parallel_loop3A_478 = vector.shape_cast %parallel_loop3A_477 : vector<1x16xf32> to vector<16xf32>
      %parallel_loop3A_479 = vector.shape_cast %parallel_loop3A_474 : vector<16xf32> to vector<1x16xf32>
      tpu.vector_store %arg13[%parallel_loop3A_475, %parallel_loop3A_476], %parallel_loop3A_479 {strides = array<i32>} : memref<128x128xf32, #tpu.memory_space<vmem>>, vector<1x16xf32>,
      %parallel_loop3A_480 = arith.index_cast %parallel_loop3A_449 : i32 to index
      %parallel_loop3A_481 = arith.constant 48 : index
      %parallel_loop3A_482 = tpu.vector_load %arg9[%parallel_loop3A_480, %parallel_loop3A_481] {strides = array<i32>} : memref<128x128xf32, #tpu.memory_space<vmem>>, vector<1x16xf32>,
      %parallel_loop3A_483 = vector.shape_cast %parallel_loop3A_482 : vector<1x16xf32> to vector<16xf32>
      %parallel_loop3A_484 = arith.addf %parallel_loop3A_483, %get3A_404 : vector<16xf32>
      %parallel_loop3A_485 = arith.index_cast %parallel_loop3A_449 : i32 to index
      %parallel_loop3A_486 = arith.constant 48 : index
      %parallel_loop3A_487 = tpu.vector_load %arg13[%parallel_loop3A_485, %parallel_loop3A_486] {strides = array<i32>} : memref<128x128xf32, #tpu.memory_space<vmem>>, vector<1x16xf32>,
      %parallel_loop3A_488 = vector.shape_cast %parallel_loop3A_487 : vector<1x16xf32> to vector<16xf32>
      %parallel_loop3A_489 = vector.shape_cast %parallel_loop3A_484 : vector<16xf32> to vector<1x16xf32>
      tpu.vector_store %arg13[%parallel_loop3A_485, %parallel_loop3A_486], %parallel_loop3A_489 {strides = array<i32>} : memref<128x128xf32, #tpu.memory_space<vmem>>, vector<1x16xf32>,
      %parallel_loop3A_490 = arith.index_cast %parallel_loop3A_449 : i32 to index
      %parallel_loop3A_491 = arith.constant 64 : index
      %parallel_loop3A_492 = tpu.vector_load %arg9[%parallel_loop3A_490, %parallel_loop3A_491] {strides = array<i32>} : memref<128x128xf32, #tpu.memory_space<vmem>>, vector<1x16xf32>,
      %parallel_loop3A_493 = vector.shape_cast %parallel_loop3A_492 : vector<1x16xf32> to vector<16xf32>
      %parallel_loop3A_494 = arith.addf %parallel_loop3A_493, %get3A_409 : vector<16xf32>
      %parallel_loop3A_495 = arith.index_cast %parallel_loop3A_449 : i32 to index
      %parallel_loop3A_496 = arith.constant 64 : index
      %parallel_loop3A_497 = tpu.vector_load %arg13[%parallel_loop3A_495, %parallel_loop3A_496] {strides = array<i32>} : memref<128x128xf32, #tpu.memory_space<vmem>>, vector<1x16xf32>,
      %parallel_loop3A_498 = vector.shape_cast %parallel_loop3A_497 : vector<1x16xf32> to vector<16xf32>
      %parallel_loop3A_499 = vector.shape_cast %parallel_loop3A_494 : vector<16xf32> to vector<1x16xf32>
      tpu.vector_store %arg13[%parallel_loop3A_495, %parallel_loop3A_496], %parallel_loop3A_499 {strides = array<i32>} : memref<128x128xf32, #tpu.memory_space<vmem>>, vector<1x16xf32>,
      %parallel_loop3A_500 = arith.index_cast %parallel_loop3A_449 : i32 to index
      %parallel_loop3A_501 = arith.constant 80 : index
      %parallel_loop3A_502 = tpu.vector_load %arg9[%parallel_loop3A_500, %parallel_loop3A_501] {strides = array<i32>} : memref<128x128xf32, #tpu.memory_space<vmem>>, vector<1x16xf32>,
      %parallel_loop3A_503 = vector.shape_cast %parallel_loop3A_502 : vector<1x16xf32> to vector<16xf32>
      %parallel_loop3A_504 = arith.addf %parallel_loop3A_503, %get3A_414 : vector<16xf32>
      %parallel_loop3A_505 = arith.index_cast %parallel_loop3A_449 : i32 to index
      %parallel_loop3A_506 = arith.constant 80 : index
      %parallel_loop3A_507 = tpu.vector_load %arg13[%parallel_loop3A_505, %parallel_loop3A_506] {strides = array<i32>} : memref<128x128xf32, #tpu.memory_space<vmem>>, vector<1x16xf32>,
      %parallel_loop3A_508 = vector.shape_cast %parallel_loop3A_507 : vector<1x16xf32> to vector<16xf32>
      %parallel_loop3A_509 = vector.shape_cast %parallel_loop3A_504 : vector<16xf32> to vector<1x16xf32>
      tpu.vector_store %arg13[%parallel_loop3A_505, %parallel_loop3A_506], %parallel_loop3A_509 {strides = array<i32>} : memref<128x128xf32, #tpu.memory_space<vmem>>, vector<1x16xf32>,
      %parallel_loop3A_510 = arith.index_cast %parallel_loop3A_449 : i32 to index
      %parallel_loop3A_511 = arith.constant 96 : index
      %parallel_loop3A_512 = tpu.vector_load %arg9[%parallel_loop3A_510, %parallel_loop3A_511] {strides = array<i32>} : memref<128x128xf32, #tpu.memory_space<vmem>>, vector<1x16xf32>,
      %parallel_loop3A_513 = vector.shape_cast %parallel_loop3A_512 : vector<1x16xf32> to vector<16xf32>
      %parallel_loop3A_514 = arith.addf %parallel_loop3A_513, %get3A_419 : vector<16xf32>
      %parallel_loop3A_515 = arith.index_cast %parallel_loop3A_449 : i32 to index
      %parallel_loop3A_516 = arith.constant 96 : index
      %parallel_loop3A_517 = tpu.vector_load %arg13[%parallel_loop3A_515, %parallel_loop3A_516] {strides = array<i32>} : memref<128x128xf32, #tpu.memory_space<vmem>>, vector<1x16xf32>,
      %parallel_loop3A_518 = vector.shape_cast %parallel_loop3A_517 : vector<1x16xf32> to vector<16xf32>
      %parallel_loop3A_519 = vector.shape_cast %parallel_loop3A_514 : vector<16xf32> to vector<1x16xf32>
      tpu.vector_store %arg13[%parallel_loop3A_515, %parallel_loop3A_516], %parallel_loop3A_519 {strides = array<i32>} : memref<128x128xf32, #tpu.memory_space<vmem>>, vector<1x16xf32>,
      %parallel_loop3A_520 = arith.index_cast %parallel_loop3A_449 : i32 to index
      %parallel_loop3A_521 = arith.constant 112 : index
      %parallel_loop3A_522 = tpu.vector_load %arg9[%parallel_loop3A_520, %parallel_loop3A_521] {strides = array<i32>} : memref<128x128xf32, #tpu.memory_space<vmem>>, vector<1x16xf32>,
      %parallel_loop3A_523 = vector.shape_cast %parallel_loop3A_522 : vector<1x16xf32> to vector<16xf32>
      %parallel_loop3A_524 = arith.addf %parallel_loop3A_523, %get3A_424 : vector<16xf32>
      %parallel_loop3A_525 = arith.index_cast %parallel_loop3A_449 : i32 to index
      %parallel_loop3A_526 = arith.constant 112 : index
      %parallel_loop3A_527 = tpu.vector_load %arg13[%parallel_loop3A_525, %parallel_loop3A_526] {strides = array<i32>} : memref<128x128xf32, #tpu.memory_space<vmem>>, vector<1x16xf32>,
      %parallel_loop3A_528 = vector.shape_cast %parallel_loop3A_527 : vector<1x16xf32> to vector<16xf32>
      %parallel_loop3A_529 = vector.shape_cast %parallel_loop3A_524 : vector<16xf32> to vector<1x16xf32>
      tpu.vector_store %arg13[%parallel_loop3A_525, %parallel_loop3A_526], %parallel_loop3A_529 {strides = array<i32>} : memref<128x128xf32, #tpu.memory_space<vmem>>, vector<1x16xf32>,
    } {sc.loop_unroll_factor = 4 : i64, sc.parallel_access}
    %dma_start3A_428 = arith.constant 49 : i32
    %dma_start3A_429 = arith.constant 0 : i32
    %dma_start3A_430 = tpu.memref_slice %arg5[%dma_start3A_428, %mul3A_2, %dma_start3A_429] : memref<50x4096x128xf32, #tpu.memory_space<hbm>> -> memref<1x128x128xf32, #tpu.memory_space<hbm>>
    %dma_start3A_431 = tpu.memref_squeeze %dma_start3A_430 : memref<1x128x128xf32, #tpu.memory_space<hbm>> -> memref<128x128xf32, #tpu.memory_space<hbm>>
    %dma_start3A_432 = arith.constant 0 : i32
    %dma_start3A_433 = tpu.memref_slice %arg5[%dma_start3A_428, %mul3A_2, %dma_start3A_432] : memref<50x4096x128xf32, #tpu.memory_space<hbm>> -> memref<1x128x128xf32, #tpu.memory_space<hbm>>
    %dma_start3A_434 = tpu.memref_squeeze %dma_start3A_433 : memref<1x128x128xf32, #tpu.memory_space<hbm>> -> memref<128x128xf32, #tpu.memory_space<hbm>>
    tpu.enqueue_dma source(%arg13 : memref<128x128xf32, #tpu.memory_space<vmem>>) target(%dma_start3A_434 : memref<128x128xf32, #tpu.memory_space<hbm>>) target_semaphore(%arg19 : memref<!tpu.dma_semaphore, #tpu.memory_space<semaphore_mem>>)
    %dma_wait3A_435 = arith.constant 48 : i32
    %dma_wait3A_436 = arith.constant 0 : i32
    %dma_wait3A_437 = tpu.memref_slice %arg5[%dma_wait3A_435, %mul3A_2, %dma_wait3A_436] : memref<50x4096x128xf32, #tpu.memory_space<hbm>> -> memref<1x128x128xf32, #tpu.memory_space<hbm>>
    %dma_wait3A_438 = tpu.memref_squeeze %dma_wait3A_437 : memref<1x128x128xf32, #tpu.memory_space<hbm>> -> memref<128x128xf32, #tpu.memory_space<hbm>>
    %dma_wait3A_439 = arith.constant 0 : i32
    %dma_wait3A_440 = tpu.memref_slice %arg5[%dma_wait3A_435, %mul3A_2, %dma_wait3A_439] : memref<50x4096x128xf32, #tpu.memory_space<hbm>> -> memref<1x128x128xf32, #tpu.memory_space<hbm>>
    %dma_wait3A_441 = tpu.memref_squeeze %dma_wait3A_440 : memref<1x128x128xf32, #tpu.memory_space<hbm>> -> memref<128x128xf32, #tpu.memory_space<hbm>>
    tpu.wait_dma2 semaphore(%arg18 : memref<!tpu.dma_semaphore, #tpu.memory_space<semaphore_mem>>) src(%arg12 : memref<128x128xf32, #tpu.memory_space<vmem>>) dst(%dma_wait3A_441 : memref<128x128xf32, #tpu.memory_space<hbm>>)
    %dma_wait3A_442 = arith.constant 49 : i32
    %dma_wait3A_443 = arith.constant 0 : i32
    %dma_wait3A_444 = tpu.memref_slice %arg5[%dma_wait3A_442, %mul3A_2, %dma_wait3A_443] : memref<50x4096x128xf32, #tpu.memory_space<hbm>> -> memref<1x128x128xf32, #tpu.memory_space<hbm>>
    %dma_wait3A_445 = tpu.memref_squeeze %dma_wait3A_444 : memref<1x128x128xf32, #tpu.memory_space<hbm>> -> memref<128x128xf32, #tpu.memory_space<hbm>>
    %dma_wait3A_446 = arith.constant 0 : i32
    %dma_wait3A_447 = tpu.memref_slice %arg5[%dma_wait3A_442, %mul3A_2, %dma_wait3A_446] : memref<50x4096x128xf32, #tpu.memory_space<hbm>> -> memref<1x128x128xf32, #tpu.memory_space<hbm>>
    %dma_wait3A_448 = tpu.memref_squeeze %dma_wait3A_447 : memref<1x128x128xf32, #tpu.memory_space<hbm>> -> memref<128x128xf32, #tpu.memory_space<hbm>>
    tpu.wait_dma2 semaphore(%arg19 : memref<!tpu.dma_semaphore, #tpu.memory_space<semaphore_mem>>) src(%arg13 : memref<128x128xf32, #tpu.memory_space<vmem>>) dst(%dma_wait3A_448 : memref<128x128xf32, #tpu.memory_space<hbm>>)
    return
  }
}

</mosaic_0001>

<sc_bundles>
// kernel: kernel.3.cloned.1.call-start
scs
__scs_entry_jumppad:
0x0: {  	(pc) =	sbr.rel $0x88, $3  }
0x1: {  	(tag) =	ssettag $0x0;
	lr =	simm.s32 $0x1  }
0x2: {  	[smem:$0x3F9F] =	sst lr;
	_ =	strace $0xD0000000  }
0x3: {  	_ = 	snop  }
0x4: {  	_ = 	snop  }
0x5: {  	_ = 	snop  }
0x6: {  	_ = 	snop  }
0x7: {  	_ = 	snop  }
__scs_overlays_trampoline_lowered:
0x8: {  	[smem:$0x3FAE] =	sst s0  }
0x9: {  	[smem:$0x3FAF] =	sst s1  }
0xa: {  	[smem:$0x3FB0] =	sst s2  }
0xb: {  	[smem:$0x3FB1] =	sst s3  }
0xc: {  	[smem:$0x3FB2] =	sst s4  }
0xd: {  	[smem:$0x3FB3] =	sst s5  }
0xe: {  	[smem:$0x3FB4] =	sst s6  }
0xf: {  	[smem:$0x3FB5] =	sst s7  }
0x10: {  	[smem:$0x3FB6] =	sst s8  }
0x11: {  	[smem:$0x3FB7] =	sst s9;
	s0 =	simm.s32 @!p0 $0x0  }
0x12: {  	s1 =	sld [smem:$0x3F9D];
	s0 =	simm.s32 @p0 $0x1  }
0x13: {  	[smem:$0x3FB8] =	sst s0;
	s0 =	simm.s32 @!p1 $0x0  }
0x14: {  	s2 =	sld [smem:$0x3F9C];
	s0 =	simm.s32 @p1 $0x1  }
0x15: {  	[smem:$0x3FB9] =	sst s0;
	s0 =	simm.s32 @!p2 $0x0  }
0x16: {  	s3 =	sld [smem:$0x3FDB];
	s0 =	simm.s32 @p2 $0x1  }
0x17: {  	s4 =	simm.s32 $0x1BF5;
	[smem:$0x3FBB] =	sst s0  }
0x18: {  	s0 =	sld [smem:$0x3F9E];
	_ =	swait.ge [sflag:s4], $0x0  }
0x19: {  	s7 =	sld [smem:$0x3F9F]  }
0x1a: {  	s8 =	sadd.s32 $0xFFFFE003, lr  }
0x1b: {  	s9 =	sadd.s32 $0xFFFFFEF7, lr;
	s5 =	simm.s32 $0xFFFFFFFF;
	p2 =	slt.u32 s8, $0xFFFFF086  }
0x1c: {  	p1 =	slt.u32 s9, $0xF7A;
	s5 =	simm.s32 @!p2 $0x0  }
0x1d: {  	s5 =	simm.s32 @p1 $0x1;
	p0 =	seq.s32 s7, s2  }
0x1e: {  	s7 =	smul.u32 @!p0 $0xF7A, s2;
	p2 =	seq.s32 @!p0 s5, $0x0  }
0x1f: {  	s9 =	smul.u32 $0xF7A, s1;
	s8 =	simm.s32 @!p0 $0x1BF5;
	p2 =	por !p2, p0  }
0x20: {  	[sflag:s8] =	ssyncset.s32 @!p0 $0xFFFFF086;
	s6 =	sadd.s32 @!p0 s3, s7;
	s7 =	simm.s32 @!p0 $0x108  }
0x21: {  	s3 =	sadd.s32 s3, s9;
	s6 =	sadd.s32 @!p0 $0x88, s6;
	s7 =	simm.s32 @p2 $0x1082  }
0x22: {  	[simem:s7], [sflag:s8] =	dma.local @!p0 [hbm:s6], $0xF7A  }
0x23: {  	s9 =	sor.u32 $0xD0000000, s2;
	s6 =	simm.s32 $0x108;
	_ =	swait.ge @!p0 [sflag:s8], $0x0  }
0x24: {  	s3 =	sadd.s32 $0x88, s3;
	s6 =	simm.s32 @!p1 $0x1082;
	[sflag:s4] =	ssyncset.s32 $0xFFFFF086  }
0x25: {  	[simem:s6], [sflag:s4] =	dma.local [hbm:s3], $0xF7A  }
0x26: {  	[smem:$0x3F9F] =	sst s1;
	(tag) =	ssettag s2;
	_ =	strace s9  }
0x27: {  	s1 =	sld [smem:$0x3FAF]  }
0x28: {  	s2 =	sld [smem:$0x3FB0]  }
0x29: {  	s4 =	sld [smem:$0x3FB2]  }
0x2a: {  	p0 =	seq.s32 s5, $0x0;
	s5 =	sld [smem:$0x3FB3]  }
0x2b: {  	s6 =	sld [smem:$0x3FB4]  }
0x2c: {  	s7 =	sld [smem:$0x3FB5]  }
0x2d: {  	s3 =	simm.s32 $0x108;
	s8 =	sld [smem:$0x3FB6]  }
0x2e: {  	s3 =	simm.s32 @!p0 $0x1082;
	s9 =	sld [smem:$0x3FB7]  }
0x2f: {  	lr =	sadd.s32 s0, s3;
	s0 =	sld [smem:$0x3FAE]  }
0x30: {  	s3 =	sld [smem:$0x3FB1]  }
0x31: {  	[smem:$0x3FBA] =	sst s10  }
0x32: {  	s10 =	sld [smem:$0x3FB8];
	_ =	sdelay $0x3  }
0x33: {  	p0 =	seq.s32 s10, $0x1;
	s10 =	sld [smem:$0x3FBA];
	_ =	sdelay $0x3  }
0x34: {  	[smem:$0x3FBA] =	sst s10  }
0x35: {  	s10 =	sld [smem:$0x3FB9];
	_ =	sdelay $0x3  }
0x36: {  	p1 =	seq.s32 s10, $0x1;
	s10 =	sld [smem:$0x3FBA];
	_ =	sdelay $0x3  }
0x37: {  	[smem:$0x3FBA] =	sst s10  }
0x38: {  	s10 =	sld [smem:$0x3FBB]  }
0x39: {  	_ = 	snop;
	(pc) =	sbr.ind lr, $3  }
0x3a: {  	_ = 	snop  }
0x3b: {  	_ = 	snop  }
0x3c: {  	p2 =	seq.s32 s10, $0x1;
	s10 =	sld [smem:$0x3FBA]  }
0x3d: {  	_ =	shalt  }
0x3e: {  	_ =	shalt  }
0x3f: {  	_ =	shalt  }
0x40: {  	_ =	shalt  }
0x41: {  	_ =	shalt  }
0x42: {  	_ =	shalt  }
0x43: {  	_ =	shalt  }
0x44: {  	_ =	shalt  }
0x45: {  	_ =	shalt  }
0x46: {  	_ =	shalt  }
0x47: {  	_ =	shalt  }
0x48: {  	_ =	shalt  }
0x49: {  	_ =	shalt  }
0x4a: {  	_ =	shalt  }
0x4b: {  	_ =	shalt  }
0x4c: {  	_ =	shalt  }
0x4d: {  	_ =	shalt  }
0x4e: {  	_ =	shalt  }
0x4f: {  	_ =	shalt  }
0x50: {  	_ =	shalt  }
0x51: {  	_ =	shalt  }
0x52: {  	_ =	shalt  }
0x53: {  	_ =	shalt  }
0x54: {  	_ =	shalt  }
0x55: {  	_ =	shalt  }
0x56: {  	_ =	shalt  }
0x57: {  	_ =	shalt  }
0x58: {  	_ =	shalt  }
0x59: {  	_ =	shalt  }
0x5a: {  	_ =	shalt  }
0x5b: {  	_ =	shalt  }
0x5c: {  	_ =	shalt  }
0x5d: {  	_ =	shalt  }
0x5e: {  	_ =	shalt  }
0x5f: {  	_ =	shalt  }
0x60: {  	_ =	shalt  }
0x61: {  	_ =	shalt  }
0x62: {  	_ =	shalt  }
0x63: {  	_ =	shalt  }
0x64: {  	_ =	shalt  }
0x65: {  	_ =	shalt  }
0x66: {  	_ =	shalt  }
0x67: {  	_ =	shalt  }
0x68: {  	_ =	shalt  }
0x69: {  	_ =	shalt  }
0x6a: {  	_ =	shalt  }
0x6b: {  	_ =	shalt  }
0x6c: {  	_ =	shalt  }
0x6d: {  	_ =	shalt  }
0x6e: {  	_ =	shalt  }
0x6f: {  	_ =	shalt  }
0x70: {  	_ =	shalt  }
0x71: {  	_ =	shalt  }
0x72: {  	_ =	shalt  }
0x73: {  	_ =	shalt  }
0x74: {  	_ =	shalt  }
0x75: {  	_ =	shalt  }
0x76: {  	_ =	shalt  }
0x77: {  	_ =	shalt  }
0x78: {  	_ =	shalt  }
0x79: {  	_ =	shalt  }
0x7a: {  	_ =	shalt  }
0x7b: {  	_ =	shalt  }
0x7c: {  	_ =	shalt  }
0x7d: {  	_ =	shalt  }
0x7e: {  	_ =	shalt  }
0x7f: {  	_ =	shalt  }
0x80: {  	_ =	shalt  }
0x81: {  	_ =	shalt  }
0x82: {  	_ =	shalt  }
0x83: {  	_ =	shalt  }
0x84: {  	_ =	shalt  }
0x85: {  	_ =	shalt  }
0x86: {  	_ =	shalt  }
0x87: {  	_ =	shalt  }
.Lfunc_end0:
.L_simem_size_0:
called_computation_lowered:
.L_overlay_start_0:
0x88: {  	s2 =	sld [smem:$0x3FD9]  }
0x89: {  	s3 =	sld [smem:$0x3FFE];
	_ =	sdelay $0x1  }
0x8a: {  	s1 =	srdreg.scid  }
0x8b: {  	s0 =	sand.u32 $0x1, s1  }
0x8c: {  	s17 =	sshll.u32 s0, $0xA;
	s2 =	sadd.s32 s3, s2  }
0x8d: {  	s2 =	sadd.s32 s2, s17  }
0x8e: {  	[smem:$0x3FC6] =	sst s2  }
0x8f: {  	_ = 	snop  }
0x90: {  	s2 =	sld [smem:$0x3FC9]  }
0x91: {  	s18 =	sld [smem:$0x3FC8]  }
0x92: {  	s4 =	sld [smem:$0x3FD0];
	(tm) =	ssettm $0x1  }
0x93: {  	s5 =	sld [smem:$0x3FFB];
	_ =	sdelay $0x3  }
0x94: {  	_ =	strace s5  }
0x95: {  	s5 =	sld [smem:$0x3FFC];
	_ =	sdelay $0x3  }
0x96: {  	_ =	strace s5  }
0x97: {  	s5 =	sld [smem:$0x3FFD];
	_ =	sdelay $0x3  }
0x98: {  	_ =	strace s5  }
0x99: {  	_ =	strace $0x8FFFFFFF  }
0x9a: {  	s19 =	sld [smem:$0x3FDB];
	_ =	sdelay $0x1  }
0x9b: {  	s6 =	simm.s32 $_scs_section_size  }
0x9c: {  	s7 =	simm.s32 $_size__tile_overlayer_lowered;
	s8 =	simm.s32 $_tile_overlayer_lowered  }
0x9d: {  	s22 =	simm.s32 $0x1BFF;
	s21 =	sshll.u32 s8, $0x1;
	s5 =	sadd.s32 s6, s19  }
0x9e: {  	s9 =	simm.s32 $0x0;
	s20 =	sshll.u32 s7, $0x1;
	s7 =	sadd.s32 s21, s5  }
0x9f: {  	[timem:s9], [sflag:s22] =	dma.local [hbm:s7], s20  }
0xa0: {  	_ =	swait.ge [sflag:s22], s20  }
0xa1: {  	s6 =	ssub.s32 $0x0, s20;
	[sflag:s22] =	ssyncset.done $0x0  }
0xa2: {  	[sflag:s22] =	ssyncadd.s32 s6;
	_ =	sdelay $0x1  }
0xa3: {  	s23 =	simm.s32 $0x1B8B  }
0xa4: {  	_ =	swait.ge [sflag:s23], $0x1  }
0xa5: {  	[sflag:s23] =	ssyncset.done $0x0  }
0xa6: {  	s25 =	simm.s32 $0x1B8E;
	s24 =	sld [smem:$0x3FFE];
	[sflag:s23] =	ssyncadd.s32 $0xFFFFFFFF  }
0xa7: {  	s26 =	simm.s32 $execute0_lowered;
	[smem:$0x3FD2] =	sst s25  }
0xa8: {  	s7 =	sshll.u32 s26, $0x1;
	_ =	strace $0x80000046;
	[dreg:$0x1] =	wrdreg $0xFFFFFFFF  }
0xa9: {  	s28 =	simm.s32 $_size_execute0_lowered;
	s5 =	sadd.s32 s5, s7;
	[dreg:$0x0] =	wrdreg $0x0  }
0xaa: {  	s7 =	sshll.u32 s28, $0x1;
	[dreg:$0x2] =	wrdreg s5  }
0xab: {  	[dreg:$0x3] =	wrdreg s7  }
0xac: {  	[dreg:$0x4] =	wrdreg $0xC0  }
0xad: {  	_ =	task [dreg:s9], $0x5FFFF  }
0xae: {  	[dreg:$0x1] =	wrdreg $0xFFFFFFFF  }
0xaf: {  	[dreg:$0x0] =	wrdreg $0x60  }
0xb0: {  	[dreg:$0x2] =	wrdreg s2  }
0xb1: {  	[dreg:$0x3] =	wrdreg s18  }
0xb2: {  	[dreg:$0x4] =	wrdreg s24  }
0xb3: {  	[dreg:$0x5] =	wrdreg s4  }
0xb4: {  	[dreg:$0x6] =	wrdreg $0x9  }
0xb5: {  	_ =	task.clear_ibuf [dreg:s9], $0x7FFFF;
	_ =	strace $0x90000046  }
0xb6: {  	s29 =	simm.s32 $0x9;
	_ =	strace $0x80000048  }
0xb7: {  	_ =	swait.ge [sflag:s29], $0x1  }
0xb8: {  	[sflag:s29] =	ssyncadd.s32 $0xFFFFFFFF  }
0xb9: {  	_ =	strace $0x90000048  }
0xba: {  	_ =	sfence  }
0xbb: {  	s30 =	sld [smem:$0x0];
	_ =	sdelay $0x2  }
0xbc: {  	s31 =	sshll.u32 s1, $0xD;
	s1 =	sshrl.u32 s1, $0x2  }
0xbd: {  	s3 =	sand.u32 $0x4000, s31;
	s1 =	sadd.s32 s1, s30  }
0xbe: {  	s0 =	sor.u32 s3, s0;
	s1 =	sshll.u32 s1, $0x11  }
0xbf: {  	s0 =	sor.u32 s1, s0  }
0xc0: {  	s0 =	sadd.s32 $0x8F2B, s0  }
0xc1: {  	[sflag:s0] =	ssyncadd.remote.s32 $0x1  }
0xc2: {  	_ =	sfence.sel $0xFFFF  }
0xc3: {  	[dreg:$0x0] =	wrdreg $0xFFFFFFFF;
	(pc) =	sbr.abs _section_cstart, $3  }
0xc4: {  	[dreg:$0x1] =	wrdreg $0xFFFFFFFF  }
0xc5: {  	_ =	task.clear_ibuf [dreg:s9], $0x2FFFF;
	_ =	strace $0x9FFFFFFF  }
0xc6: {  	(tm) =	ssettm $0x7FFFFFFF  }
0xc7: {  	_ =	shalt  }
tec
execute0_lowered:
.L_overlay_start_1:
0x0: {  	(tag) =	ssettag $0x1  }
0x1: {  	s0 =	rddreg [dreg:$0x0]  }
0x2: {  	s1 =	rddreg [dreg:$0x1]  }
0x3: {  	s3 =	rddreg [dreg:$0x2]  }
0x4: {  	s2 =	rddreg [dreg:$0x3];
	s4 =	simm.s32 $0x0  }
0x5: {  	s5 =	srdreg.scid;
	s6 =	stileid.u32;
	s29 =	simm.s32 $0xB800  }
0x6: {  	s31 =	simm.s32 $0xF800;
	s30 =	simm.s32 $0x3;
	s28 =	simm.s32 $0x0  }
0x7: {  	[smem:$0x7FF] =	sst s4;
	s5 =	sand.u32 $0x1, s5;
	s6 =	sshll.u32 s6, $0x8  }
0x8: {  	s3 =	sadd.s32 $0x400, s3;
	_ =	strace $0x80000047;
	s7 =	sshll.u32 s5, $0x7  }
0x9: {  	[dreg:$0x5] =	wrdreg s3;
	s17 =	ssub.s32 $0x2, s5;
	s18 =	sor.u32 s7, s6  }
0xa: {  	s19 =	sshrl.u32 s17, $0x1;
	s7 =	sadd.s32 s0, s18;
	s20 =	sshll.u32 s18, $0x4  }
0xb: {  	s3 =	ssub.s32 s17, s19;
	s9 =	sshll.u32 s18, $0x7;
	s17 =	simm.s32 $0x7  }
0xc: {  	[dreg:$0x6] =	wrdreg s7;
	s8 =	sadd.s32 s2, s20;
	s25 =	smax.u32 s3, $0x1  }
0xd: {  	s18 =	simm.s32 $0x1;
	s0 =	sadd.s32 $0x10000, s8;
	[dreg:$0xc] =	wrdreg s25  }
0xe: {  	s19 =	simm.s32 $0x13800;
	s21 =	sadd.s32 $0x2E0000, s8;
	[dreg:$0x7] =	wrdreg s0  }
0xf: {  	s7 =	sadd.s32 $0x1000, s7;
	s22 =	sadd.s32 $0x2F0000, s8;
	[dreg:$0x8] =	wrdreg s21  }
0x10: {  	s3 =	simm.s32 $0x6;
	s23 =	sadd.s32 $0x300000, s8;
	[dreg:$0x9] =	wrdreg s22  }
0x11: {  	s20 =	simm.s32 $0x4;
	s24 =	sadd.s32 $0x310000, s8;
	[dreg:$0xa] =	wrdreg s23  }
0x12: {  	s26 =	sadd.s32 $0x5000, s7;
	s25 =	simm.s32 $0x17800;
	[dreg:$0xb] =	wrdreg s24  }
0x13: {  	[dreg:$0xd] =	wrdreg s26;
	s23 =	simm.s32 $0x80;
	s24 =	simm.s32 $0x3800  }
0x14: {  	s26 =	simm.s32 $0x7800;
	s0 =	simm.s32 $0x5;
	s22 =	simm.s32 $0x2  }
.LBB2_1:
0x15: {  	s5 =	rddreg [dreg:$0x6];
	s6 =	simm.s32 $0x1C00  }
0x16: {  	[tilespmem:s6], [sflag:$0x7] =	stream.linear.gather [hbm4b:s5+s4], $0x400, $0x38;
	[tilespmem:$0x1B800] =	vst v63  }
0x17: {  	_ =	swait.ge [sflag:s17], $0x400  }
0x18: {  	[sflag:s17] =	ssyncset.done $0x0  }
0x19: {  	s11 =	rddreg [dreg:$0x5];
	[sflag:s17] =	ssyncadd.s32 $0xFFFFFC00  }
0x1a: {  	[tilespmem:s4], [sflag:$0x5] =	stream.linear.gather [hbm4b:s11+s4], $0x1900, $0x38;
	[tilespmem:$0x1B800] =	vst v63  }
0x1b: {  	s12 =	simm.s32 $0x400;
	s10 =	simm.s32 $0x8000;
	s11 =	simm.s32 $0x2000  }
0x1c: {  	[tilespmem:s11], [sflag:$0x6] =	stream.strided.gather [hbm4b:s7+s12], $0x1400, s10, s12, $0x38;
	[tilespmem:$0x1B800] =	vst v63  }
0x1d: {  	s14 =	simm.s32 $0x3400;
	s13 =	rddreg [dreg:$0xd]  }
0x1e: {  	[tilespmem:s14], [sflag:$0x6] =	stream.linear.gather [hbm4b:s13+s4], $0x100, $0x38;
	[tilespmem:$0x1B800] =	vst v63  }
0x1f: {  	_ = 	snop  }
0x20: {  	[tilespmem:s24], [sflag:$0x1] =	stream.indirect.gather [hbm4b:s1+s23], $0x80, s6, s23, $0xb8;
	[tilespmem:$0x1B800] =	vst v63  }
0x21: {  	s15 =	simm.s32 $0x1C80  }
0x22: {  	[tilespmem:s26], [sflag:$0x2] =	stream.indirect.gather [hbm4b:s1+s23], $0x80, s15, s23, $0xb8;
	[tilespmem:$0x1B800] =	vst v63  }
0x23: {  	s16 =	simm.s32 $0x1D00  }
0x24: {  	[tilespmem:s29], [sflag:$0x3] =	stream.indirect.gather [hbm4b:s1+s23], $0x80, s16, s23, $0xb8;
	[tilespmem:$0x1B800] =	vst v63  }
0x25: {  	s21 =	simm.s32 $0x1D80  }
0x26: {  	[tilespmem:s31], [sflag:$0x4] =	stream.indirect.gather [hbm4b:s1+s23], $0x80, s21, s23, $0xb8;
	[tilespmem:$0x1B800] =	vst v63  }
0x27: {  	_ =	swait.ge [sflag:s0], $0x1900  }
0x28: {  	[sflag:s0] =	ssyncset.done $0x0  }
0x29: {  	[sflag:s0] =	ssyncadd.s32 $0xFFFFE700  }
0x2a: {  	_ =	swait.ge [sflag:s3], $0x1500  }
0x2b: {  	[sflag:s3] =	ssyncset.done $0x0  }
0x2c: {  	[sflag:s3] =	ssyncadd.s32 $0xFFFFEB00  }
0x2d: {  	_ =	swait.ge [sflag:s18], $0x4000  }
0x2e: {  	[sflag:s18] =	ssyncset.done $0x0  }
0x2f: {  	[sflag:s18] =	ssyncadd.s32 $0xFFFFC000  }
0x30: {  	v4 =	vld [tilespmem:$0x0]  }
0x31: {  	v6 =	vld [tilespmem:$0x10]  }
0x32: {  	v7 =	vld [tilespmem:$0x20]  }
0x33: {  	s13 =	simm.s32 $0x3900;
	v5 =	vld [tilespmem:$0x30]  }
0x34: {  	v8 =	vld [tilespmem:s13+$0x80]  }
0x35: {  	v3 =	vld [tilespmem:$0x40]  }
0x36: {  	v2 =	vld [tilespmem:$0x50]  }
0x37: {  	v1 =	vld [tilespmem:$0x60]  }
0x38: {  	v9 =	vld [tilespmem:s13+$0xFFFFFF00]  }
0x39: {  	v10 =	vld [tilespmem:s13+$0xFFFFFF80];
	v8 =	vadd.f32 v8, v4  }
0x3a: {  	s5 =	simm.s32 $0x13900;
	v11 =	vld [tilespmem:s13+$0x0]  }
0x3b: {  	v0 =	vld [tilespmem:$0x70];
	[tilespmem:s5+$0x80] =	vst v8  }
0x3c: {  	v8 =	vld [tilespmem:s13+$0x90]  }
0x3d: {  	v9 =	vadd.f32 v9, v4  }
0x3e: {  	v10 =	vadd.f32 v10, v4  }
0x3f: {  	v11 =	vadd.f32 v11, v4;
	[tilespmem:s5+$0xFFFFFF00] =	vst v9  }
0x40: {  	[tilespmem:s5+$0xFFFFFF80] =	vst v10;
	v9 =	vld [tilespmem:s13+$0xFFFFFF10]  }
0x41: {  	[tilespmem:s5+$0x0] =	vst v11;
	v10 =	vld [tilespmem:s13+$0xFFFFFF90];
	v8 =	vadd.f32 v8, v6  }
0x42: {  	v11 =	vld [tilespmem:s13+$0x10]  }
0x43: {  	[tilespmem:s5+$0x90] =	vst v8  }
0x44: {  	v8 =	vld [tilespmem:s13+$0xA0]  }
0x45: {  	v9 =	vadd.f32 v9, v6  }
0x46: {  	v10 =	vadd.f32 v10, v6  }
0x47: {  	v11 =	vadd.f32 v11, v6;
	[tilespmem:s5+$0xFFFFFF10] =	vst v9  }
0x48: {  	[tilespmem:s5+$0xFFFFFF90] =	vst v10;
	v9 =	vld [tilespmem:s13+$0xFFFFFF20]  }
0x49: {  	[tilespmem:s5+$0x10] =	vst v11;
	v10 =	vld [tilespmem:s13+$0xFFFFFFA0];
	v8 =	vadd.f32 v8, v7  }
0x4a: {  	v11 =	vld [tilespmem:s13+$0x20]  }
0x4b: {  	[tilespmem:s5+$0xA0] =	vst v8  }
0x4c: {  	v8 =	vld [tilespmem:s13+$0xB0]  }
0x4d: {  	v9 =	vadd.f32 v9, v7  }
0x4e: {  	v10 =	vadd.f32 v10, v7  }
0x4f: {  	v11 =	vadd.f32 v11, v7;
	[tilespmem:s5+$0xFFFFFF20] =	vst v9  }
0x50: {  	[tilespmem:s5+$0xFFFFFFA0] =	vst v10;
	v9 =	vld [tilespmem:s13+$0xFFFFFF30]  }
0x51: {  	[tilespmem:s5+$0x20] =	vst v11;
	v10 =	vld [tilespmem:s13+$0xFFFFFFB0];
	v8 =	vadd.f32 v8, v5  }
0x52: {  	s10 =	simm.s32 $0x3B00;
	v11 =	vld [tilespmem:s13+$0x30]  }
0x53: {  	[tilespmem:s5+$0xB0] =	vst v8;
	v8 =	vld [tilespmem:s10+$0x80]  }
0x54: {  	v12 =	vld [tilespmem:s13+$0xC0]  }
0x55: {  	v13 =	vld [tilespmem:s10+$0xFFFFFF80];
	v9 =	vadd.f32 v9, v5  }
0x56: {  	v14 =	vld [tilespmem:s10+$0x0];
	v10 =	vadd.f32 v10, v5  }
0x57: {  	v11 =	vadd.f32 v11, v5;
	[tilespmem:s5+$0xFFFFFF30] =	vst v9;
	v9 =	vld [tilespmem:s10+$0xFFFFFF00]  }
0x58: {  	[tilespmem:s5+$0xFFFFFFB0] =	vst v10;
	v10 =	vld [tilespmem:s13+$0xFFFFFF40];
	v8 =	vadd.f32 v8, v4  }
0x59: {  	s11 =	simm.s32 $0x13B00;
	[tilespmem:s5+$0x30] =	vst v11;
	v11 =	vld [tilespmem:s13+$0xFFFFFFC0];
	v12 =	vadd.f32 v12, v3  }
0x5a: {  	v13 =	vadd.f32 v13, v4;
	[tilespmem:s11+$0x80] =	vst v8;
	v8 =	vld [tilespmem:s13+$0x40]  }
0x5b: {  	v14 =	vadd.f32 v14, v4;
	v15 =	vld [tilespmem:s10+$0x90];
	[tilespmem:s5+$0xC0] =	vst v12  }
0x5c: {  	[tilespmem:s11+$0xFFFFFF80] =	vst v13;
	v9 =	vadd.f32 v9, v4;
	v12 =	vld [tilespmem:s13+$0xD0]  }
0x5d: {  	[tilespmem:s11+$0x0] =	vst v14;
	v13 =	vld [tilespmem:s10+$0xFFFFFF90];
	v10 =	vadd.f32 v10, v3  }
0x5e: {  	v11 =	vadd.f32 v11, v3;
	[tilespmem:s11+$0xFFFFFF00] =	vst v9;
	v9 =	vld [tilespmem:s10+$0x10]  }
0x5f: {  	v14 =	vld [tilespmem:s10+$0xFFFFFF10];
	[tilespmem:s5+$0xFFFFFF40] =	vst v10;
	v8 =	vadd.f32 v8, v3  }
0x60: {  	[tilespmem:s5+$0xFFFFFFC0] =	vst v11;
	v10 =	vadd.f32 v15, v6;
	v15 =	vld [tilespmem:s13+$0xFFFFFF50]  }
0x61: {  	v11 =	vld [tilespmem:s13+$0xFFFFFFD0];
	[tilespmem:s5+$0x40] =	vst v8;
	v8 =	vadd.f32 v12, v2  }
0x62: {  	v12 =	vadd.f32 v13, v6;
	[tilespmem:s11+$0x90] =	vst v10;
	v10 =	vld [tilespmem:s13+$0x50]  }
0x63: {  	v9 =	vadd.f32 v9, v6;
	v13 =	vld [tilespmem:s10+$0xA0];
	[tilespmem:s5+$0xD0] =	vst v8  }
0x64: {  	v8 =	vadd.f32 v14, v6;
	[tilespmem:s11+$0xFFFFFF90] =	vst v12;
	v12 =	vld [tilespmem:s13+$0xE0]  }
0x65: {  	[tilespmem:s11+$0x10] =	vst v9;
	v14 =	vld [tilespmem:s10+$0xFFFFFFA0];
	v9 =	vadd.f32 v15, v2  }
0x66: {  	v11 =	vadd.f32 v11, v2;
	[tilespmem:s11+$0xFFFFFF10] =	vst v8;
	v8 =	vld [tilespmem:s10+$0x20]  }
0x67: {  	v15 =	vld [tilespmem:s10+$0xFFFFFF20];
	[tilespmem:s5+$0xFFFFFF50] =	vst v9;
	v9 =	vadd.f32 v10, v2  }
0x68: {  	[tilespmem:s5+$0xFFFFFFD0] =	vst v11;
	v10 =	vadd.f32 v13, v7;
	v13 =	vld [tilespmem:s13+$0xFFFFFF60]  }
0x69: {  	v11 =	vld [tilespmem:s13+$0xFFFFFFE0];
	[tilespmem:s5+$0x50] =	vst v9;
	v9 =	vadd.f32 v12, v1  }
0x6a: {  	v12 =	vadd.f32 v14, v7;
	[tilespmem:s11+$0xA0] =	vst v10;
	v10 =	vld [tilespmem:s13+$0x60]  }
0x6b: {  	v8 =	vadd.f32 v8, v7;
	v14 =	vld [tilespmem:s10+$0xB0];
	[tilespmem:s5+$0xE0] =	vst v9  }
0x6c: {  	v9 =	vadd.f32 v15, v7;
	[tilespmem:s11+$0xFFFFFFA0] =	vst v12;
	v15 =	vld [tilespmem:s13+$0xF0]  }
0x6d: {  	v16 =	vld [tilespmem:s10+$0xFFFFFFB0];
	[tilespmem:s11+$0x20] =	vst v8;
	v8 =	vadd.f32 v13, v1  }
0x6e: {  	v11 =	vadd.f32 v11, v1;
	[tilespmem:s11+$0xFFFFFF20] =	vst v9;
	v12 =	vld [tilespmem:s10+$0x30]  }
0x6f: {  	v13 =	vld [tilespmem:s10+$0xFFFFFF30];
	[tilespmem:s5+$0xFFFFFF60] =	vst v8;
	v10 =	vadd.f32 v10, v1  }
0x70: {  	[tilespmem:s5+$0xFFFFFFE0] =	vst v11;
	v17 =	vadd.f32 v14, v5;
	v9 =	vld [tilespmem:s13+$0xFFFFFF70]  }
0x71: {  	v8 =	vld [tilespmem:s13+$0xFFFFFFF0];
	[tilespmem:s5+$0x60] =	vst v10;
	v11 =	vadd.f32 v15, v0  }
0x72: {  	s12 =	simm.s32 $0x4;
	s6 =	simm.s32 $0x3D00;
	v14 =	vadd.f32 v16, v5;
	[tilespmem:s11+$0xB0] =	vst v17;
	v10 =	vld [tilespmem:s13+$0x70]  }
.LBB2_2:
0x73: {  	v15 =	vld [tilespmem:s6+$0x80];
	v12 =	vadd.f32 v12, v5;
	[tilespmem:s5+$0xF0] =	vst v11  }
0x74: {  	s12 =	sadd.s32 $0x4, s12;
	v11 =	vadd.f32 v13, v5;
	[tilespmem:s11+$0xFFFFFFB0] =	vst v14;
	v13 =	vld [tilespmem:s10+$0xC0]  }
0x75: {  	p0 =	slt.u32 s12, $0x7C;
	v14 =	vld [tilespmem:s6+$0xFFFFFF80];
	[tilespmem:s11+$0x30] =	vst v12;
	v9 =	vadd.f32 v9, v0  }
0x76: {  	v12 =	vld [tilespmem:s6+$0x0];
	[tilespmem:s11+$0xFFFFFF30] =	vst v11;
	v8 =	vadd.f32 v8, v0  }
0x77: {  	v11 =	vld [tilespmem:s6+$0xFFFFFF00];
	[tilespmem:s5+$0xFFFFFF70] =	vst v9;
	v9 =	vadd.f32 v10, v0  }
0x78: {  	v10 =	vadd.f32 v15, v4;
	v15 =	vld [tilespmem:s10+$0xFFFFFF40];
	[tilespmem:s5+$0xFFFFFFF0] =	vst v8  }
0x79: {  	v8 =	vld [tilespmem:s10+$0xFFFFFFC0];
	v13 =	vadd.f32 v13, v3;
	[tilespmem:s5+$0x70] =	vst v9;
	s5 =	smov.u32 s11;
	s11 =	sadd.s32 $0x200, s11  }
0x7a: {  	v9 =	vadd.f32 v14, v4;
	[tilespmem:s11+$0x80] =	vst v10;
	v10 =	vld [tilespmem:s10+$0x40]  }
0x7b: {  	v12 =	vadd.f32 v12, v4;
	v14 =	vld [tilespmem:s6+$0x90];
	[tilespmem:s5+$0xC0] =	vst v13  }
0x7c: {  	v11 =	vadd.f32 v11, v4;
	[tilespmem:s11+$0xFFFFFF80] =	vst v9;
	v9 =	vld [tilespmem:s10+$0xD0]  }
0x7d: {  	v13 =	vld [tilespmem:s6+$0xFFFFFF90];
	[tilespmem:s11+$0x0] =	vst v12;
	v12 =	vadd.f32 v15, v3  }
0x7e: {  	[tilespmem:s11+$0xFFFFFF00] =	vst v11;
	v11 =	vld [tilespmem:s6+$0x10];
	v8 =	vadd.f32 v8, v3  }
0x7f: {  	v15 =	vld [tilespmem:s6+$0xFFFFFF10];
	[tilespmem:s5+$0xFFFFFF40] =	vst v12;
	v10 =	vadd.f32 v10, v3  }
0x80: {  	v12 =	vadd.f32 v14, v6;
	v14 =	vld [tilespmem:s10+$0xFFFFFF50];
	[tilespmem:s5+$0xFFFFFFC0] =	vst v8  }
0x81: {  	v8 =	vld [tilespmem:s10+$0xFFFFFFD0];
	[tilespmem:s5+$0x40] =	vst v10;
	v9 =	vadd.f32 v9, v2  }
0x82: {  	v10 =	vadd.f32 v13, v6;
	[tilespmem:s11+$0x90] =	vst v12;
	v12 =	vld [tilespmem:s10+$0x50]  }
0x83: {  	v11 =	vadd.f32 v11, v6;
	v13 =	vld [tilespmem:s6+$0xA0];
	[tilespmem:s5+$0xD0] =	vst v9  }
0x84: {  	v9 =	vadd.f32 v15, v6;
	[tilespmem:s11+$0xFFFFFF90] =	vst v10;
	v10 =	vld [tilespmem:s10+$0xE0]  }
0x85: {  	v15 =	vld [tilespmem:s6+$0xFFFFFFA0];
	[tilespmem:s11+$0x10] =	vst v11;
	v11 =	vadd.f32 v14, v2  }
0x86: {  	[tilespmem:s11+$0xFFFFFF10] =	vst v9;
	v9 =	vld [tilespmem:s6+$0x20];
	v8 =	vadd.f32 v8, v2  }
0x87: {  	v14 =	vld [tilespmem:s6+$0xFFFFFF20];
	[tilespmem:s5+$0xFFFFFF50] =	vst v11;
	v11 =	vadd.f32 v12, v2  }
0x88: {  	v12 =	vadd.f32 v13, v7;
	v13 =	vld [tilespmem:s10+$0xFFFFFF60];
	[tilespmem:s5+$0xFFFFFFD0] =	vst v8  }
0x89: {  	v8 =	vld [tilespmem:s10+$0xFFFFFFE0];
	[tilespmem:s5+$0x50] =	vst v11;
	v10 =	vadd.f32 v10, v1  }
0x8a: {  	v11 =	vadd.f32 v15, v7;
	[tilespmem:s11+$0xA0] =	vst v12;
	v15 =	vld [tilespmem:s10+$0x60]  }
0x8b: {  	v9 =	vadd.f32 v9, v7;
	v16 =	vld [tilespmem:s6+$0xB0];
	[tilespmem:s5+$0xE0] =	vst v10  }
0x8c: {  	v10 =	vadd.f32 v14, v7;
	[tilespmem:s11+$0xFFFFFFA0] =	vst v11;
	v11 =	vld [tilespmem:s10+$0xF0]  }
0x8d: {  	v14 =	vld [tilespmem:s6+$0xFFFFFFB0];
	[tilespmem:s11+$0x20] =	vst v9;
	v9 =	vadd.f32 v13, v1  }
.Ltmp0:
0x8e: {  	[tilespmem:s11+$0xFFFFFF20] =	vst v10;
	v12 =	vld [tilespmem:s6+$0x30];
	v8 =	vadd.f32 v8, v1;
	(pc) =	sbr.rel @p0 .LBB2_2-.Ltmp0, $4  }
0x8f: {  	v13 =	vld [tilespmem:s6+$0xFFFFFF30];
	[tilespmem:s5+$0xFFFFFF60] =	vst v9;
	v10 =	vadd.f32 v15, v1  }
0x90: {  	v15 =	vadd.f32 v16, v5;
	v9 =	vld [tilespmem:s10+$0xFFFFFF70];
	[tilespmem:s5+$0xFFFFFFE0] =	vst v8  }
0x91: {  	v8 =	vld [tilespmem:s10+$0xFFFFFFF0];
	[tilespmem:s5+$0x60] =	vst v10;
	v11 =	vadd.f32 v11, v0  }
0x92: {  	v14 =	vadd.f32 v14, v5;
	[tilespmem:s11+$0xB0] =	vst v15;
	v10 =	vld [tilespmem:s10+$0x70];
	s10 =	smov.u32 s6;
	s6 =	sadd.s32 $0x200, s6  }
0x93: {  	_ = 	snop  }
0x94: {  	v4 =	vadd.f32 v13, v5  }
0x95: {  	v6 =	vld [tilespmem:s10+$0xC0];
	v5 =	vadd.f32 v12, v5;
	[tilespmem:s11+$0xFFFFFFB0] =	vst v14  }
0x96: {  	[tilespmem:s11+$0xFFFFFF30] =	vst v4  }
0x97: {  	[tilespmem:s11+$0x30] =	vst v5;
	v5 =	vld [tilespmem:s10+$0xFFFFFFC0]  }
0x98: {  	v4 =	vld [tilespmem:s10+$0xFFFFFF40]  }
0x99: {  	v7 =	vld [tilespmem:s10+$0x40]  }
0x9a: {  	v6 =	vadd.f32 v6, v3;
	_ =	sdelay $0x1  }
0x9b: {  	[tilespmem:s11+$0xC0] =	vst v6;
	v5 =	vadd.f32 v5, v3  }
0x9c: {  	v6 =	vld [tilespmem:s10+$0xD0];
	v4 =	vadd.f32 v4, v3  }
0x9d: {  	v3 =	vadd.f32 v7, v3;
	[tilespmem:s11+$0xFFFFFFC0] =	vst v5  }
0x9e: {  	[tilespmem:s11+$0xFFFFFF40] =	vst v4;
	v5 =	vld [tilespmem:s10+$0xFFFFFFD0]  }
0x9f: {  	[tilespmem:s11+$0x40] =	vst v3;
	v4 =	vld [tilespmem:s10+$0xFFFFFF50]  }
0xa0: {  	v3 =	vld [tilespmem:s10+$0x50]  }
0xa1: {  	v6 =	vadd.f32 v6, v2;
	_ =	sdelay $0x1  }
0xa2: {  	[tilespmem:s11+$0xD0] =	vst v6;
	v5 =	vadd.f32 v5, v2  }
0xa3: {  	v6 =	vld [tilespmem:s10+$0xE0];
	v4 =	vadd.f32 v4, v2  }
0xa4: {  	v2 =	vadd.f32 v3, v2;
	[tilespmem:s11+$0xFFFFFFD0] =	vst v5  }
0xa5: {  	[tilespmem:s11+$0xFFFFFF50] =	vst v4;
	v4 =	vld [tilespmem:s10+$0xFFFFFFE0]  }
0xa6: {  	[tilespmem:s11+$0x50] =	vst v2;
	v3 =	vld [tilespmem:s10+$0xFFFFFF60]  }
0xa7: {  	v2 =	vld [tilespmem:s10+$0x60]  }
0xa8: {  	v5 =	vadd.f32 v6, v1;
	_ =	sdelay $0x1  }
0xa9: {  	[tilespmem:s11+$0xE0] =	vst v5;
	v4 =	vadd.f32 v4, v1  }
0xaa: {  	v5 =	vld [tilespmem:s10+$0xF0];
	v3 =	vadd.f32 v3, v1  }
0xab: {  	v1 =	vadd.f32 v2, v1;
	[tilespmem:s11+$0xFFFFFFE0] =	vst v4  }
0xac: {  	[tilespmem:s11+$0xFFFFFF60] =	vst v3;
	v4 =	vld [tilespmem:s10+$0xFFFFFFF0]  }
0xad: {  	[tilespmem:s11+$0x60] =	vst v1;
	v1 =	vadd.f32 v8, v0;
	v2 =	vld [tilespmem:s10+$0xFFFFFF70]  }
0xae: {  	[tilespmem:s5+$0xF0] =	vst v11;
	v3 =	vadd.f32 v9, v0;
	v6 =	vld [tilespmem:s10+$0x70]  }
0xaf: {  	[tilespmem:s5+$0xFFFFFFF0] =	vst v1;
	v1 =	vadd.f32 v5, v0  }
0xb0: {  	[tilespmem:s5+$0xFFFFFF70] =	vst v3;
	v3 =	vadd.f32 v10, v0  }
0xb1: {  	[tilespmem:s11+$0xF0] =	vst v1;
	v1 =	vadd.f32 v4, v0  }
0xb2: {  	[tilespmem:s5+$0x70] =	vst v3;
	v2 =	vadd.f32 v2, v0  }
0xb3: {  	v0 =	vadd.f32 v6, v0;
	[tilespmem:s11+$0xFFFFFFF0] =	vst v1  }
0xb4: {  	[tilespmem:s11+$0xFFFFFF70] =	vst v2  }
0xb5: {  	[tilespmem:s11+$0x70] =	vst v0  }
0xb6: {  	[hbm4b:s8+s4] =	stream.linear.scatter [tilespmem:s19], [sflag:$0x5], $0x4000, $0x38;
	[tilespmem:$0x1B800] =	vst v63  }
0xb7: {  	s21 =	simm.s32 $0x1E00  }
0xb8: {  	[tilespmem:s24], [sflag:$0x1] =	stream.indirect.gather [hbm4b:s1+s23], $0x80, s21, s23, $0xb8;
	[tilespmem:$0x1B800] =	vst v63  }
0xb9: {  	_ =	swait.ge [sflag:s22], $0x4000  }
0xba: {  	[sflag:s22] =	ssyncset.done $0x0  }
0xbb: {  	[sflag:s22] =	ssyncadd.s32 $0xFFFFC000  }
0xbc: {  	v4 =	vld [tilespmem:$0x80]  }
0xbd: {  	v6 =	vld [tilespmem:$0x90]  }
0xbe: {  	v7 =	vld [tilespmem:$0xA0]  }
0xbf: {  	s13 =	simm.s32 $0x7900;
	v5 =	vld [tilespmem:$0xB0]  }
0xc0: {  	v8 =	vld [tilespmem:s13+$0x80]  }
0xc1: {  	v3 =	vld [tilespmem:$0xC0]  }
0xc2: {  	v2 =	vld [tilespmem:$0xD0]  }
0xc3: {  	v1 =	vld [tilespmem:$0xE0]  }
0xc4: {  	v9 =	vld [tilespmem:s13+$0xFFFFFF00]  }
0xc5: {  	v10 =	vld [tilespmem:s13+$0xFFFFFF80];
	v8 =	vadd.f32 v8, v4  }
0xc6: {  	s5 =	simm.s32 $0x17900;
	v11 =	vld [tilespmem:s13+$0x0]  }
0xc7: {  	v0 =	vld [tilespmem:$0xF0];
	[tilespmem:s5+$0x80] =	vst v8  }
0xc8: {  	v8 =	vld [tilespmem:s13+$0x90]  }
0xc9: {  	v9 =	vadd.f32 v9, v4  }
0xca: {  	v10 =	vadd.f32 v10, v4  }
0xcb: {  	v11 =	vadd.f32 v11, v4;
	[tilespmem:s5+$0xFFFFFF00] =	vst v9  }
0xcc: {  	[tilespmem:s5+$0xFFFFFF80] =	vst v10;
	v9 =	vld [tilespmem:s13+$0xFFFFFF10]  }
0xcd: {  	[tilespmem:s5+$0x0] =	vst v11;
	v10 =	vld [tilespmem:s13+$0xFFFFFF90];
	v8 =	vadd.f32 v8, v6  }
0xce: {  	v11 =	vld [tilespmem:s13+$0x10]  }
0xcf: {  	[tilespmem:s5+$0x90] =	vst v8  }
0xd0: {  	v8 =	vld [tilespmem:s13+$0xA0]  }
0xd1: {  	v9 =	vadd.f32 v9, v6  }
0xd2: {  	v10 =	vadd.f32 v10, v6  }
0xd3: {  	v11 =	vadd.f32 v11, v6;
	[tilespmem:s5+$0xFFFFFF10] =	vst v9  }
0xd4: {  	[tilespmem:s5+$0xFFFFFF90] =	vst v10;
	v9 =	vld [tilespmem:s13+$0xFFFFFF20]  }
0xd5: {  	[tilespmem:s5+$0x10] =	vst v11;
	v10 =	vld [tilespmem:s13+$0xFFFFFFA0];
	v8 =	vadd.f32 v8, v7  }
0xd6: {  	v11 =	vld [tilespmem:s13+$0x20]  }
0xd7: {  	[tilespmem:s5+$0xA0] =	vst v8  }
0xd8: {  	v8 =	vld [tilespmem:s13+$0xB0]  }
0xd9: {  	v9 =	vadd.f32 v9, v7  }
0xda: {  	v10 =	vadd.f32 v10, v7  }
0xdb: {  	v11 =	vadd.f32 v11, v7;
	[tilespmem:s5+$0xFFFFFF20] =	vst v9  }
0xdc: {  	[tilespmem:s5+$0xFFFFFFA0] =	vst v10;
	v9 =	vld [tilespmem:s13+$0xFFFFFF30]  }
0xdd: {  	[tilespmem:s5+$0x20] =	vst v11;
	v10 =	vld [tilespmem:s13+$0xFFFFFFB0];
	v8 =	vadd.f32 v8, v5  }
0xde: {  	s10 =	simm.s32 $0x7B00;
	v11 =	vld [tilespmem:s13+$0x30]  }
0xdf: {  	[tilespmem:s5+$0xB0] =	vst v8;
	v8 =	vld [tilespmem:s10+$0x80]  }
0xe0: {  	v12 =	vld [tilespmem:s13+$0xC0]  }
0xe1: {  	v13 =	vld [tilespmem:s10+$0xFFFFFF80];
	v9 =	vadd.f32 v9, v5  }
0xe2: {  	v14 =	vld [tilespmem:s10+$0x0];
	v10 =	vadd.f32 v10, v5  }
0xe3: {  	v11 =	vadd.f32 v11, v5;
	[tilespmem:s5+$0xFFFFFF30] =	vst v9;
	v9 =	vld [tilespmem:s10+$0xFFFFFF00]  }
0xe4: {  	[tilespmem:s5+$0xFFFFFFB0] =	vst v10;
	v10 =	vld [tilespmem:s13+$0xFFFFFF40];
	v8 =	vadd.f32 v8, v4  }
0xe5: {  	s11 =	simm.s32 $0x17B00;
	[tilespmem:s5+$0x30] =	vst v11;
	v11 =	vld [tilespmem:s13+$0xFFFFFFC0];
	v12 =	vadd.f32 v12, v3  }
0xe6: {  	v13 =	vadd.f32 v13, v4;
	[tilespmem:s11+$0x80] =	vst v8;
	v8 =	vld [tilespmem:s13+$0x40]  }
0xe7: {  	v14 =	vadd.f32 v14, v4;
	v15 =	vld [tilespmem:s10+$0x90];
	[tilespmem:s5+$0xC0] =	vst v12  }
0xe8: {  	[tilespmem:s11+$0xFFFFFF80] =	vst v13;
	v9 =	vadd.f32 v9, v4;
	v12 =	vld [tilespmem:s13+$0xD0]  }
0xe9: {  	[tilespmem:s11+$0x0] =	vst v14;
	v13 =	vld [tilespmem:s10+$0xFFFFFF90];
	v10 =	vadd.f32 v10, v3  }
0xea: {  	v11 =	vadd.f32 v11, v3;
	[tilespmem:s11+$0xFFFFFF00] =	vst v9;
	v9 =	vld [tilespmem:s10+$0x10]  }
0xeb: {  	v14 =	vld [tilespmem:s10+$0xFFFFFF10];
	[tilespmem:s5+$0xFFFFFF40] =	vst v10;
	v8 =	vadd.f32 v8, v3  }
0xec: {  	[tilespmem:s5+$0xFFFFFFC0] =	vst v11;
	v10 =	vadd.f32 v15, v6;
	v15 =	vld [tilespmem:s13+$0xFFFFFF50]  }
0xed: {  	v11 =	vld [tilespmem:s13+$0xFFFFFFD0];
	[tilespmem:s5+$0x40] =	vst v8;
	v8 =	vadd.f32 v12, v2  }
0xee: {  	v12 =	vadd.f32 v13, v6;
	[tilespmem:s11+$0x90] =	vst v10;
	v10 =	vld [tilespmem:s13+$0x50]  }
0xef: {  	v9 =	vadd.f32 v9, v6;
	v13 =	vld [tilespmem:s10+$0xA0];
	[tilespmem:s5+$0xD0] =	vst v8  }
0xf0: {  	v8 =	vadd.f32 v14, v6;
	[tilespmem:s11+$0xFFFFFF90] =	vst v12;
	v12 =	vld [tilespmem:s13+$0xE0]  }
0xf1: {  	[tilespmem:s11+$0x10] =	vst v9;
	v14 =	vld [tilespmem:s10+$0xFFFFFFA0];
	v9 =	vadd.f32 v15, v2  }
0xf2: {  	v11 =	vadd.f32 v11, v2;
	[tilespmem:s11+$0xFFFFFF10] =	vst v8;
	v8 =	vld [tilespmem:s10+$0x20]  }
0xf3: {  	v15 =	vld [tilespmem:s10+$0xFFFFFF20];
	[tilespmem:s5+$0xFFFFFF50] =	vst v9;
	v9 =	vadd.f32 v10, v2  }
0xf4: {  	[tilespmem:s5+$0xFFFFFFD0] =	vst v11;
	v10 =	vadd.f32 v13, v7;
	v13 =	vld [tilespmem:s13+$0xFFFFFF60]  }
0xf5: {  	v11 =	vld [tilespmem:s13+$0xFFFFFFE0];
	[tilespmem:s5+$0x50] =	vst v9;
	v9 =	vadd.f32 v12, v1  }
0xf6: {  	v12 =	vadd.f32 v14, v7;
	[tilespmem:s11+$0xA0] =	vst v10;
	v10 =	vld [tilespmem:s13+$0x60]  }
0xf7: {  	v8 =	vadd.f32 v8, v7;
	v14 =	vld [tilespmem:s10+$0xB0];
	[tilespmem:s5+$0xE0] =	vst v9  }
0xf8: {  	v9 =	vadd.f32 v15, v7;
	[tilespmem:s11+$0xFFFFFFA0] =	vst v12;
	v15 =	vld [tilespmem:s13+$0xF0]  }
0xf9: {  	v16 =	vld [tilespmem:s10+$0xFFFFFFB0];
	[tilespmem:s11+$0x20] =	vst v8;
	v8 =	vadd.f32 v13, v1  }
0xfa: {  	v11 =	vadd.f32 v11, v1;
	[tilespmem:s11+$0xFFFFFF20] =	vst v9;
	v12 =	vld [tilespmem:s10+$0x30]  }
0xfb: {  	v13 =	vld [tilespmem:s10+$0xFFFFFF30];
	[tilespmem:s5+$0xFFFFFF60] =	vst v8;
	v10 =	vadd.f32 v10, v1  }
0xfc: {  	[tilespmem:s5+$0xFFFFFFE0] =	vst v11;
	v17 =	vadd.f32 v14, v5;
	v9 =	vld [tilespmem:s13+$0xFFFFFF70]  }
0xfd: {  	v8 =	vld [tilespmem:s13+$0xFFFFFFF0];
	[tilespmem:s5+$0x60] =	vst v10;
	v11 =	vadd.f32 v15, v0  }
0xfe: {  	s12 =	simm.s32 $0x4;
	s14 =	simm.s32 $0x7D00;
	v14 =	vadd.f32 v16, v5;
	[tilespmem:s11+$0xB0] =	vst v17;
	v10 =	vld [tilespmem:s13+$0x70]  }
.LBB2_4:
0xff: {  	v15 =	vld [tilespmem:s14+$0x80];
	v12 =	vadd.f32 v12, v5;
	[tilespmem:s5+$0xF0] =	vst v11  }
0x100: {  	s12 =	sadd.s32 $0x4, s12;
	v11 =	vadd.f32 v13, v5;
	[tilespmem:s11+$0xFFFFFFB0] =	vst v14;
	v13 =	vld [tilespmem:s10+$0xC0]  }
0x101: {  	p0 =	slt.u32 s12, $0x7C;
	v14 =	vld [tilespmem:s14+$0xFFFFFF80];
	[tilespmem:s11+$0x30] =	vst v12;
	v9 =	vadd.f32 v9, v0  }
0x102: {  	v12 =	vld [tilespmem:s14+$0x0];
	[tilespmem:s11+$0xFFFFFF30] =	vst v11;
	v8 =	vadd.f32 v8, v0  }
0x103: {  	v11 =	vld [tilespmem:s14+$0xFFFFFF00];
	[tilespmem:s5+$0xFFFFFF70] =	vst v9;
	v9 =	vadd.f32 v10, v0  }
0x104: {  	v10 =	vadd.f32 v15, v4;
	v15 =	vld [tilespmem:s10+$0xFFFFFF40];
	[tilespmem:s5+$0xFFFFFFF0] =	vst v8  }
0x105: {  	v8 =	vld [tilespmem:s10+$0xFFFFFFC0];
	v13 =	vadd.f32 v13, v3;
	[tilespmem:s5+$0x70] =	vst v9;
	s5 =	smov.u32 s11;
	s11 =	sadd.s32 $0x200, s11  }
0x106: {  	v9 =	vadd.f32 v14, v4;
	[tilespmem:s11+$0x80] =	vst v10;
	v10 =	vld [tilespmem:s10+$0x40]  }
0x107: {  	v12 =	vadd.f32 v12, v4;
	v14 =	vld [tilespmem:s14+$0x90];
	[tilespmem:s5+$0xC0] =	vst v13  }
0x108: {  	v11 =	vadd.f32 v11, v4;
	[tilespmem:s11+$0xFFFFFF80] =	vst v9;
	v9 =	vld [tilespmem:s10+$0xD0]  }
0x109: {  	v13 =	vld [tilespmem:s14+$0xFFFFFF90];
	[tilespmem:s11+$0x0] =	vst v12;
	v12 =	vadd.f32 v15, v3  }
0x10a: {  	[tilespmem:s11+$0xFFFFFF00] =	vst v11;
	v11 =	vld [tilespmem:s14+$0x10];
	v8 =	vadd.f32 v8, v3  }
0x10b: {  	v15 =	vld [tilespmem:s14+$0xFFFFFF10];
	[tilespmem:s5+$0xFFFFFF40] =	vst v12;
	v10 =	vadd.f32 v10, v3  }
0x10c: {  	v12 =	vadd.f32 v14, v6;
	v14 =	vld [tilespmem:s10+$0xFFFFFF50];
	[tilespmem:s5+$0xFFFFFFC0] =	vst v8  }
0x10d: {  	v8 =	vld [tilespmem:s10+$0xFFFFFFD0];
	[tilespmem:s5+$0x40] =	vst v10;
	v9 =	vadd.f32 v9, v2  }
0x10e: {  	v10 =	vadd.f32 v13, v6;
	[tilespmem:s11+$0x90] =	vst v12;
	v12 =	vld [tilespmem:s10+$0x50]  }
0x10f: {  	v11 =	vadd.f32 v11, v6;
	v13 =	vld [tilespmem:s14+$0xA0];
	[tilespmem:s5+$0xD0] =	vst v9  }
0x110: {  	v9 =	vadd.f32 v15, v6;
	[tilespmem:s11+$0xFFFFFF90] =	vst v10;
	v10 =	vld [tilespmem:s10+$0xE0]  }
0x111: {  	v15 =	vld [tilespmem:s14+$0xFFFFFFA0];
	[tilespmem:s11+$0x10] =	vst v11;
	v11 =	vadd.f32 v14, v2  }
0x112: {  	[tilespmem:s11+$0xFFFFFF10] =	vst v9;
	v9 =	vld [tilespmem:s14+$0x20];
	v8 =	vadd.f32 v8, v2  }
0x113: {  	v14 =	vld [tilespmem:s14+$0xFFFFFF20];
	[tilespmem:s5+$0xFFFFFF50] =	vst v11;
	v11 =	vadd.f32 v12, v2  }
0x114: {  	v12 =	vadd.f32 v13, v7;
	v13 =	vld [tilespmem:s10+$0xFFFFFF60];
	[tilespmem:s5+$0xFFFFFFD0] =	vst v8  }
0x115: {  	v8 =	vld [tilespmem:s10+$0xFFFFFFE0];
	[tilespmem:s5+$0x50] =	vst v11;
	v10 =	vadd.f32 v10, v1  }
0x116: {  	v11 =	vadd.f32 v15, v7;
	[tilespmem:s11+$0xA0] =	vst v12;
	v15 =	vld [tilespmem:s10+$0x60]  }
0x117: {  	v9 =	vadd.f32 v9, v7;
	v16 =	vld [tilespmem:s14+$0xB0];
	[tilespmem:s5+$0xE0] =	vst v10  }
0x118: {  	v10 =	vadd.f32 v14, v7;
	[tilespmem:s11+$0xFFFFFFA0] =	vst v11;
	v11 =	vld [tilespmem:s10+$0xF0]  }
0x119: {  	v14 =	vld [tilespmem:s14+$0xFFFFFFB0];
	[tilespmem:s11+$0x20] =	vst v9;
	v9 =	vadd.f32 v13, v1  }
.Ltmp1:
0x11a: {  	[tilespmem:s11+$0xFFFFFF20] =	vst v10;
	v12 =	vld [tilespmem:s14+$0x30];
	v8 =	vadd.f32 v8, v1;
	(pc) =	sbr.rel @p0 .LBB2_4-.Ltmp1, $4  }
0x11b: {  	v13 =	vld [tilespmem:s14+$0xFFFFFF30];
	[tilespmem:s5+$0xFFFFFF60] =	vst v9;
	v10 =	vadd.f32 v15, v1  }
0x11c: {  	v15 =	vadd.f32 v16, v5;
	v9 =	vld [tilespmem:s10+$0xFFFFFF70];
	[tilespmem:s5+$0xFFFFFFE0] =	vst v8  }
0x11d: {  	v8 =	vld [tilespmem:s10+$0xFFFFFFF0];
	[tilespmem:s5+$0x60] =	vst v10;
	v11 =	vadd.f32 v11, v0  }
0x11e: {  	v14 =	vadd.f32 v14, v5;
	[tilespmem:s11+$0xB0] =	vst v15;
	v10 =	vld [tilespmem:s10+$0x70];
	s10 =	smov.u32 s14;
	s14 =	sadd.s32 $0x200, s14  }
0x11f: {  	v48 =	vadd.f32 v12, v5  }
0x120: {  	v6 =	vld [tilespmem:s10+$0xC0];
	v4 =	vadd.f32 v13, v5;
	[tilespmem:s11+$0xFFFFFFB0] =	vst v14  }
0x121: {  	[tilespmem:s11+$0x30] =	vst v48;
	v49 =	vld [tilespmem:s10+$0xFFFFFFC0]  }
0x122: {  	[tilespmem:s11+$0xFFFFFF30] =	vst v4;
	v7 =	vld [tilespmem:s10+$0x40]  }
0x123: {  	v4 =	vld [tilespmem:s10+$0xFFFFFF40];
	_ =	sdelay $0x1  }
0x124: {  	v6 =	vadd.f32 v6, v3  }
0x125: {  	v5 =	vadd.f32 v49, v3  }
0x126: {  	[tilespmem:s11+$0xC0] =	vst v6;
	v50 =	vadd.f32 v7, v3  }
0x127: {  	v6 =	vld [tilespmem:s10+$0xD0];
	v4 =	vadd.f32 v4, v3;
	[tilespmem:s11+$0xFFFFFFC0] =	vst v5  }
0x128: {  	v5 =	vld [tilespmem:s10+$0xFFFFFFD0];
	[tilespmem:s11+$0x40] =	vst v50  }
0x129: {  	[tilespmem:s11+$0xFFFFFF40] =	vst v4;
	v3 =	vld [tilespmem:s10+$0x50]  }
0x12a: {  	v4 =	vld [tilespmem:s10+$0xFFFFFF50];
	_ =	sdelay $0x1  }
0x12b: {  	v6 =	vadd.f32 v6, v2  }
0x12c: {  	v5 =	vadd.f32 v5, v2  }
0x12d: {  	[tilespmem:s11+$0xD0] =	vst v6;
	v51 =	vadd.f32 v3, v2  }
0x12e: {  	v6 =	vld [tilespmem:s10+$0xE0];
	v4 =	vadd.f32 v4, v2;
	[tilespmem:s11+$0xFFFFFFD0] =	vst v5  }
0x12f: {  	v53 =	vld [tilespmem:s10+$0xFFFFFFE0];
	[tilespmem:s11+$0x50] =	vst v51  }
0x130: {  	[tilespmem:s11+$0xFFFFFF50] =	vst v4;
	v2 =	vld [tilespmem:s10+$0x60]  }
0x131: {  	v52 =	vld [tilespmem:s10+$0xFFFFFF60];
	_ =	sdelay $0x1  }
0x132: {  	v54 =	vadd.f32 v6, v1  }
0x133: {  	v4 =	vadd.f32 v53, v1  }
0x134: {  	[tilespmem:s11+$0xE0] =	vst v54;
	v55 =	vadd.f32 v2, v1  }
0x135: {  	v5 =	vld [tilespmem:s10+$0xF0];
	v3 =	vadd.f32 v52, v1;
	[tilespmem:s11+$0xFFFFFFE0] =	vst v4  }
0x136: {  	v4 =	vld [tilespmem:s10+$0xFFFFFFF0];
	[tilespmem:s11+$0x60] =	vst v55  }
0x137: {  	v57 =	vadd.f32 v9, v0;
	[tilespmem:s11+$0xFFFFFF60] =	vst v3;
	v59 =	vld [tilespmem:s10+$0x70]  }
0x138: {  	[tilespmem:s5+$0xF0] =	vst v11;
	v58 =	vadd.f32 v8, v0;
	v56 =	vld [tilespmem:s10+$0xFFFFFF70]  }
0x139: {  	[tilespmem:s5+$0xFFFFFF70] =	vst v57;
	v60 =	vadd.f32 v10, v0  }
0x13a: {  	[tilespmem:s5+$0xFFFFFFF0] =	vst v58;
	v61 =	vadd.f32 v5, v0  }
0x13b: {  	[tilespmem:s5+$0x70] =	vst v60;
	v62 =	vadd.f32 v4, v0  }
0x13c: {  	[tilespmem:s11+$0xF0] =	vst v61;
	v63 =	vadd.f32 v59, v0  }
0x13d: {  	v2 =	vadd.f32 v56, v0;
	[tilespmem:s11+$0xFFFFFFF0] =	vst v62  }
0x13e: {  	[tilespmem:s11+$0x70] =	vst v63  }
0x13f: {  	[tilespmem:s11+$0xFFFFFF70] =	vst v2  }
0x140: {  	s16 =	simm.s32 $0x0;
	s5 =	rddreg [dreg:$0x7]  }
0x141: {  	[hbm4b:s5+s16] =	stream.linear.scatter [tilespmem:s25], [sflag:$0x6], $0x4000, $0x38;
	[tilespmem:$0x1B800] =	vst v63  }
0x142: {  	s21 =	simm.s32 $0x1E80  }
0x143: {  	[tilespmem:s26], [sflag:$0x2] =	stream.indirect.gather [hbm4b:s1+s23], $0x80, s21, s23, $0xb8;
	[tilespmem:$0x1B800] =	vst v63  }
.LBB2_6:
0x144: {  	_ =	swait.ge [sflag:s30], $0x4000  }
0x145: {  	[sflag:s30] =	ssyncset.done $0x0  }
0x146: {  	s5 =	sshll.u32 s16, $0x2;
	[sflag:s30] =	ssyncadd.s32 $0xFFFFC000  }
0x147: {  	s10 =	sor.u32 $0x2, s5;
	_ =	swait.ge [sflag:s0], $0x4000  }
0x148: {  	s6 =	sshll.u32 s10, $0x7;
	[sflag:s0] =	ssyncset.done $0x0  }
0x149: {  	s6 =	sand.u32 $0x3FFFFF00, s6;
	[sflag:s0] =	ssyncadd.s32 $0xFFFFC000  }
0x14a: {  	v4 =	vld [tilespmem:s6+$0x0]  }
0x14b: {  	v6 =	vld [tilespmem:s6+$0x10]  }
0x14c: {  	v7 =	vld [tilespmem:s6+$0x20]  }
0x14d: {  	s15 =	simm.s32 $0xB900;
	v5 =	vld [tilespmem:s6+$0x30]  }
0x14e: {  	v8 =	vld [tilespmem:s15+$0x80]  }
0x14f: {  	v3 =	vld [tilespmem:s6+$0x40]  }
0x150: {  	v2 =	vld [tilespmem:s6+$0x50]  }
0x151: {  	v1 =	vld [tilespmem:s6+$0x60]  }
0x152: {  	v9 =	vld [tilespmem:s15+$0xFFFFFF00]  }
0x153: {  	v10 =	vld [tilespmem:s15+$0xFFFFFF80];
	v8 =	vadd.f32 v8, v4  }
0x154: {  	s11 =	simm.s32 $0x13900;
	v11 =	vld [tilespmem:s15+$0x0]  }
0x155: {  	v0 =	vld [tilespmem:s6+$0x70];
	[tilespmem:s11+$0x80] =	vst v8  }
0x156: {  	v8 =	vld [tilespmem:s15+$0x90]  }
0x157: {  	v9 =	vadd.f32 v9, v4  }
0x158: {  	v10 =	vadd.f32 v10, v4  }
0x159: {  	v11 =	vadd.f32 v11, v4;
	[tilespmem:s11+$0xFFFFFF00] =	vst v9  }
0x15a: {  	[tilespmem:s11+$0xFFFFFF80] =	vst v10;
	v9 =	vld [tilespmem:s15+$0xFFFFFF10]  }
0x15b: {  	[tilespmem:s11+$0x0] =	vst v11;
	v10 =	vld [tilespmem:s15+$0xFFFFFF90];
	v8 =	vadd.f32 v8, v6  }
0x15c: {  	v11 =	vld [tilespmem:s15+$0x10]  }
0x15d: {  	[tilespmem:s11+$0x90] =	vst v8  }
0x15e: {  	v8 =	vld [tilespmem:s15+$0xA0]  }
0x15f: {  	v9 =	vadd.f32 v9, v6  }
0x160: {  	v10 =	vadd.f32 v10, v6  }
0x161: {  	v11 =	vadd.f32 v11, v6;
	[tilespmem:s11+$0xFFFFFF10] =	vst v9  }
0x162: {  	[tilespmem:s11+$0xFFFFFF90] =	vst v10;
	v9 =	vld [tilespmem:s15+$0xFFFFFF20]  }
0x163: {  	[tilespmem:s11+$0x10] =	vst v11;
	v10 =	vld [tilespmem:s15+$0xFFFFFFA0];
	v8 =	vadd.f32 v8, v7  }
0x164: {  	v11 =	vld [tilespmem:s15+$0x20]  }
0x165: {  	[tilespmem:s11+$0xA0] =	vst v8  }
0x166: {  	v8 =	vld [tilespmem:s15+$0xB0]  }
0x167: {  	v9 =	vadd.f32 v9, v7  }
0x168: {  	v10 =	vadd.f32 v10, v7  }
0x169: {  	v11 =	vadd.f32 v11, v7;
	[tilespmem:s11+$0xFFFFFF20] =	vst v9  }
0x16a: {  	[tilespmem:s11+$0xFFFFFFA0] =	vst v10;
	v9 =	vld [tilespmem:s15+$0xFFFFFF30]  }
0x16b: {  	[tilespmem:s11+$0x20] =	vst v11;
	v10 =	vld [tilespmem:s15+$0xFFFFFFB0];
	v8 =	vadd.f32 v8, v5  }
0x16c: {  	s12 =	simm.s32 $0xBB00;
	v11 =	vld [tilespmem:s15+$0x30]  }
0x16d: {  	[tilespmem:s11+$0xB0] =	vst v8;
	v8 =	vld [tilespmem:s12+$0x80]  }
0x16e: {  	v12 =	vld [tilespmem:s15+$0xC0]  }
0x16f: {  	v13 =	vld [tilespmem:s12+$0xFFFFFF80];
	v9 =	vadd.f32 v9, v5  }
0x170: {  	v14 =	vld [tilespmem:s12+$0x0];
	v10 =	vadd.f32 v10, v5  }
0x171: {  	v11 =	vadd.f32 v11, v5;
	[tilespmem:s11+$0xFFFFFF30] =	vst v9;
	v9 =	vld [tilespmem:s12+$0xFFFFFF00]  }
0x172: {  	[tilespmem:s11+$0xFFFFFFB0] =	vst v10;
	v10 =	vld [tilespmem:s15+$0xFFFFFF40];
	v8 =	vadd.f32 v8, v4  }
0x173: {  	s13 =	simm.s32 $0x13B00;
	[tilespmem:s11+$0x30] =	vst v11;
	v11 =	vld [tilespmem:s15+$0xFFFFFFC0];
	v12 =	vadd.f32 v12, v3  }
0x174: {  	v13 =	vadd.f32 v13, v4;
	[tilespmem:s13+$0x80] =	vst v8;
	v8 =	vld [tilespmem:s15+$0x40]  }
0x175: {  	v14 =	vadd.f32 v14, v4;
	v15 =	vld [tilespmem:s12+$0x90];
	[tilespmem:s11+$0xC0] =	vst v12  }
0x176: {  	[tilespmem:s13+$0xFFFFFF80] =	vst v13;
	v9 =	vadd.f32 v9, v4;
	v12 =	vld [tilespmem:s15+$0xD0]  }
0x177: {  	[tilespmem:s13+$0x0] =	vst v14;
	v13 =	vld [tilespmem:s12+$0xFFFFFF90];
	v10 =	vadd.f32 v10, v3  }
0x178: {  	v11 =	vadd.f32 v11, v3;
	[tilespmem:s13+$0xFFFFFF00] =	vst v9;
	v9 =	vld [tilespmem:s12+$0x10]  }
0x179: {  	v14 =	vld [tilespmem:s12+$0xFFFFFF10];
	[tilespmem:s11+$0xFFFFFF40] =	vst v10;
	v8 =	vadd.f32 v8, v3  }
0x17a: {  	[tilespmem:s11+$0xFFFFFFC0] =	vst v11;
	v10 =	vadd.f32 v15, v6;
	v15 =	vld [tilespmem:s15+$0xFFFFFF50]  }
0x17b: {  	v11 =	vld [tilespmem:s15+$0xFFFFFFD0];
	[tilespmem:s11+$0x40] =	vst v8;
	v8 =	vadd.f32 v12, v2  }
0x17c: {  	v12 =	vadd.f32 v13, v6;
	[tilespmem:s13+$0x90] =	vst v10;
	v10 =	vld [tilespmem:s15+$0x50]  }
0x17d: {  	v9 =	vadd.f32 v9, v6;
	v13 =	vld [tilespmem:s12+$0xA0];
	[tilespmem:s11+$0xD0] =	vst v8  }
0x17e: {  	v8 =	vadd.f32 v14, v6;
	[tilespmem:s13+$0xFFFFFF90] =	vst v12;
	v12 =	vld [tilespmem:s15+$0xE0]  }
0x17f: {  	[tilespmem:s13+$0x10] =	vst v9;
	v14 =	vld [tilespmem:s12+$0xFFFFFFA0];
	v9 =	vadd.f32 v15, v2  }
0x180: {  	v11 =	vadd.f32 v11, v2;
	[tilespmem:s13+$0xFFFFFF10] =	vst v8;
	v8 =	vld [tilespmem:s12+$0x20]  }
0x181: {  	v15 =	vld [tilespmem:s12+$0xFFFFFF20];
	[tilespmem:s11+$0xFFFFFF50] =	vst v9;
	v9 =	vadd.f32 v10, v2  }
0x182: {  	[tilespmem:s11+$0xFFFFFFD0] =	vst v11;
	v10 =	vadd.f32 v13, v7;
	v13 =	vld [tilespmem:s15+$0xFFFFFF60]  }
0x183: {  	v11 =	vld [tilespmem:s15+$0xFFFFFFE0];
	[tilespmem:s11+$0x50] =	vst v9;
	v9 =	vadd.f32 v12, v1  }
0x184: {  	v12 =	vadd.f32 v14, v7;
	[tilespmem:s13+$0xA0] =	vst v10;
	v10 =	vld [tilespmem:s15+$0x60]  }
0x185: {  	v8 =	vadd.f32 v8, v7;
	v14 =	vld [tilespmem:s12+$0xB0];
	[tilespmem:s11+$0xE0] =	vst v9  }
0x186: {  	v9 =	vadd.f32 v15, v7;
	[tilespmem:s13+$0xFFFFFFA0] =	vst v12;
	v15 =	vld [tilespmem:s15+$0xF0]  }
0x187: {  	v16 =	vld [tilespmem:s12+$0xFFFFFFB0];
	[tilespmem:s13+$0x20] =	vst v8;
	v8 =	vadd.f32 v13, v1  }
0x188: {  	v11 =	vadd.f32 v11, v1;
	[tilespmem:s13+$0xFFFFFF20] =	vst v9;
	v12 =	vld [tilespmem:s12+$0x30]  }
0x189: {  	v13 =	vld [tilespmem:s12+$0xFFFFFF30];
	[tilespmem:s11+$0xFFFFFF60] =	vst v8;
	v10 =	vadd.f32 v10, v1  }
0x18a: {  	[tilespmem:s11+$0xFFFFFFE0] =	vst v11;
	v17 =	vadd.f32 v14, v5;
	v9 =	vld [tilespmem:s15+$0xFFFFFF70]  }
0x18b: {  	v8 =	vld [tilespmem:s15+$0xFFFFFFF0];
	[tilespmem:s11+$0x60] =	vst v10;
	v11 =	vadd.f32 v15, v0  }
0x18c: {  	s14 =	simm.s32 $0x4;
	s21 =	simm.s32 $0xBD00;
	v14 =	vadd.f32 v16, v5;
	[tilespmem:s13+$0xB0] =	vst v17;
	v10 =	vld [tilespmem:s15+$0x70]  }
.LBB2_7:
0x18d: {  	v15 =	vld [tilespmem:s21+$0x80];
	v12 =	vadd.f32 v12, v5;
	[tilespmem:s11+$0xF0] =	vst v11  }
0x18e: {  	s14 =	sadd.s32 $0x4, s14;
	v11 =	vadd.f32 v13, v5;
	[tilespmem:s13+$0xFFFFFFB0] =	vst v14;
	v13 =	vld [tilespmem:s12+$0xC0]  }
0x18f: {  	p0 =	slt.u32 s14, $0x7C;
	v14 =	vld [tilespmem:s21+$0xFFFFFF80];
	[tilespmem:s13+$0x30] =	vst v12;
	v9 =	vadd.f32 v9, v0  }
0x190: {  	v12 =	vld [tilespmem:s21+$0x0];
	[tilespmem:s13+$0xFFFFFF30] =	vst v11;
	v8 =	vadd.f32 v8, v0  }
0x191: {  	v11 =	vld [tilespmem:s21+$0xFFFFFF00];
	[tilespmem:s11+$0xFFFFFF70] =	vst v9;
	v9 =	vadd.f32 v10, v0  }
0x192: {  	v10 =	vadd.f32 v15, v4;
	v15 =	vld [tilespmem:s12+$0xFFFFFF40];
	[tilespmem:s11+$0xFFFFFFF0] =	vst v8  }
0x193: {  	v8 =	vld [tilespmem:s12+$0xFFFFFFC0];
	v13 =	vadd.f32 v13, v3;
	[tilespmem:s11+$0x70] =	vst v9;
	s11 =	smov.u32 s13;
	s13 =	sadd.s32 $0x200, s13  }
0x194: {  	v9 =	vadd.f32 v14, v4;
	[tilespmem:s13+$0x80] =	vst v10;
	v10 =	vld [tilespmem:s12+$0x40]  }
0x195: {  	v12 =	vadd.f32 v12, v4;
	v14 =	vld [tilespmem:s21+$0x90];
	[tilespmem:s11+$0xC0] =	vst v13  }
0x196: {  	v11 =	vadd.f32 v11, v4;
	[tilespmem:s13+$0xFFFFFF80] =	vst v9;
	v9 =	vld [tilespmem:s12+$0xD0]  }
0x197: {  	v13 =	vld [tilespmem:s21+$0xFFFFFF90];
	[tilespmem:s13+$0x0] =	vst v12;
	v12 =	vadd.f32 v15, v3  }
0x198: {  	[tilespmem:s13+$0xFFFFFF00] =	vst v11;
	v11 =	vld [tilespmem:s21+$0x10];
	v8 =	vadd.f32 v8, v3  }
0x199: {  	v15 =	vld [tilespmem:s21+$0xFFFFFF10];
	[tilespmem:s11+$0xFFFFFF40] =	vst v12;
	v10 =	vadd.f32 v10, v3  }
0x19a: {  	v12 =	vadd.f32 v14, v6;
	v14 =	vld [tilespmem:s12+$0xFFFFFF50];
	[tilespmem:s11+$0xFFFFFFC0] =	vst v8  }
0x19b: {  	v8 =	vld [tilespmem:s12+$0xFFFFFFD0];
	[tilespmem:s11+$0x40] =	vst v10;
	v9 =	vadd.f32 v9, v2  }
0x19c: {  	v10 =	vadd.f32 v13, v6;
	[tilespmem:s13+$0x90] =	vst v12;
	v12 =	vld [tilespmem:s12+$0x50]  }
0x19d: {  	v11 =	vadd.f32 v11, v6;
	v13 =	vld [tilespmem:s21+$0xA0];
	[tilespmem:s11+$0xD0] =	vst v9  }
0x19e: {  	v9 =	vadd.f32 v15, v6;
	[tilespmem:s13+$0xFFFFFF90] =	vst v10;
	v10 =	vld [tilespmem:s12+$0xE0]  }
0x19f: {  	v15 =	vld [tilespmem:s21+$0xFFFFFFA0];
	[tilespmem:s13+$0x10] =	vst v11;
	v11 =	vadd.f32 v14, v2  }
0x1a0: {  	[tilespmem:s13+$0xFFFFFF10] =	vst v9;
	v9 =	vld [tilespmem:s21+$0x20];
	v8 =	vadd.f32 v8, v2  }
0x1a1: {  	v14 =	vld [tilespmem:s21+$0xFFFFFF20];
	[tilespmem:s11+$0xFFFFFF50] =	vst v11;
	v11 =	vadd.f32 v12, v2  }
0x1a2: {  	v12 =	vadd.f32 v13, v7;
	v13 =	vld [tilespmem:s12+$0xFFFFFF60];
	[tilespmem:s11+$0xFFFFFFD0] =	vst v8  }
0x1a3: {  	v8 =	vld [tilespmem:s12+$0xFFFFFFE0];
	[tilespmem:s11+$0x50] =	vst v11;
	v10 =	vadd.f32 v10, v1  }
0x1a4: {  	v11 =	vadd.f32 v15, v7;
	[tilespmem:s13+$0xA0] =	vst v12;
	v15 =	vld [tilespmem:s12+$0x60]  }
0x1a5: {  	v9 =	vadd.f32 v9, v7;
	v16 =	vld [tilespmem:s21+$0xB0];
	[tilespmem:s11+$0xE0] =	vst v10  }
0x1a6: {  	v10 =	vadd.f32 v14, v7;
	[tilespmem:s13+$0xFFFFFFA0] =	vst v11;
	v11 =	vld [tilespmem:s12+$0xF0]  }
0x1a7: {  	v14 =	vld [tilespmem:s21+$0xFFFFFFB0];
	[tilespmem:s13+$0x20] =	vst v9;
	v9 =	vadd.f32 v13, v1  }
.Ltmp2:
0x1a8: {  	[tilespmem:s13+$0xFFFFFF20] =	vst v10;
	v12 =	vld [tilespmem:s21+$0x30];
	v8 =	vadd.f32 v8, v1;
	(pc) =	sbr.rel @p0 .LBB2_7-.Ltmp2, $4  }
0x1a9: {  	v13 =	vld [tilespmem:s21+$0xFFFFFF30];
	[tilespmem:s11+$0xFFFFFF60] =	vst v9;
	v10 =	vadd.f32 v15, v1  }
0x1aa: {  	v15 =	vadd.f32 v16, v5;
	v9 =	vld [tilespmem:s12+$0xFFFFFF70];
	[tilespmem:s11+$0xFFFFFFE0] =	vst v8  }
0x1ab: {  	v8 =	vld [tilespmem:s12+$0xFFFFFFF0];
	[tilespmem:s11+$0x60] =	vst v10;
	v11 =	vadd.f32 v11, v0  }
0x1ac: {  	v14 =	vadd.f32 v14, v5;
	[tilespmem:s13+$0xB0] =	vst v15;
	v10 =	vld [tilespmem:s12+$0x70];
	s12 =	smov.u32 s21;
	s21 =	sadd.s32 $0x200, s21  }
0x1ad: {  	_ = 	snop  }
0x1ae: {  	v4 =	vadd.f32 v13, v5  }
0x1af: {  	v6 =	vld [tilespmem:s12+$0xC0];
	v5 =	vadd.f32 v12, v5;
	[tilespmem:s13+$0xFFFFFFB0] =	vst v14  }
0x1b0: {  	[tilespmem:s13+$0xFFFFFF30] =	vst v4  }
0x1b1: {  	[tilespmem:s13+$0x30] =	vst v5;
	v5 =	vld [tilespmem:s12+$0xFFFFFFC0]  }
0x1b2: {  	v4 =	vld [tilespmem:s12+$0xFFFFFF40]  }
0x1b3: {  	v7 =	vld [tilespmem:s12+$0x40]  }
0x1b4: {  	v6 =	vadd.f32 v6, v3;
	_ =	sdelay $0x1  }
0x1b5: {  	[tilespmem:s13+$0xC0] =	vst v6;
	v5 =	vadd.f32 v5, v3  }
0x1b6: {  	v6 =	vld [tilespmem:s12+$0xD0];
	v4 =	vadd.f32 v4, v3  }
0x1b7: {  	v3 =	vadd.f32 v7, v3;
	[tilespmem:s13+$0xFFFFFFC0] =	vst v5  }
0x1b8: {  	[tilespmem:s13+$0xFFFFFF40] =	vst v4;
	v5 =	vld [tilespmem:s12+$0xFFFFFFD0]  }
0x1b9: {  	[tilespmem:s13+$0x40] =	vst v3;
	v4 =	vld [tilespmem:s12+$0xFFFFFF50]  }
0x1ba: {  	v3 =	vld [tilespmem:s12+$0x50]  }
0x1bb: {  	v6 =	vadd.f32 v6, v2;
	_ =	sdelay $0x1  }
0x1bc: {  	[tilespmem:s13+$0xD0] =	vst v6;
	v5 =	vadd.f32 v5, v2  }
0x1bd: {  	v6 =	vld [tilespmem:s12+$0xE0];
	v4 =	vadd.f32 v4, v2  }
0x1be: {  	v2 =	vadd.f32 v3, v2;
	[tilespmem:s13+$0xFFFFFFD0] =	vst v5  }
0x1bf: {  	[tilespmem:s13+$0xFFFFFF50] =	vst v4;
	v4 =	vld [tilespmem:s12+$0xFFFFFFE0]  }
0x1c0: {  	[tilespmem:s13+$0x50] =	vst v2;
	v3 =	vld [tilespmem:s12+$0xFFFFFF60]  }
0x1c1: {  	v2 =	vld [tilespmem:s12+$0x60]  }
0x1c2: {  	v5 =	vadd.f32 v6, v1;
	_ =	sdelay $0x1  }
0x1c3: {  	[tilespmem:s13+$0xE0] =	vst v5;
	v4 =	vadd.f32 v4, v1  }
0x1c4: {  	v5 =	vld [tilespmem:s12+$0xF0];
	v3 =	vadd.f32 v3, v1  }
0x1c5: {  	v1 =	vadd.f32 v2, v1;
	[tilespmem:s13+$0xFFFFFFE0] =	vst v4  }
0x1c6: {  	[tilespmem:s13+$0xFFFFFF60] =	vst v3;
	v4 =	vld [tilespmem:s12+$0xFFFFFFF0]  }
0x1c7: {  	[tilespmem:s13+$0x60] =	vst v1;
	v1 =	vadd.f32 v8, v0;
	v2 =	vld [tilespmem:s12+$0xFFFFFF70]  }
0x1c8: {  	[tilespmem:s11+$0xF0] =	vst v11;
	v3 =	vadd.f32 v9, v0;
	v6 =	vld [tilespmem:s12+$0x70]  }
0x1c9: {  	[tilespmem:s11+$0xFFFFFFF0] =	vst v1;
	v1 =	vadd.f32 v5, v0  }
0x1ca: {  	[tilespmem:s11+$0xFFFFFF70] =	vst v3;
	v3 =	vadd.f32 v10, v0  }
0x1cb: {  	[tilespmem:s13+$0xF0] =	vst v1;
	v1 =	vadd.f32 v4, v0  }
0x1cc: {  	s6 =	sshll.u32 s10, $0x13;
	[tilespmem:s11+$0x70] =	vst v3;
	v2 =	vadd.f32 v2, v0  }
0x1cd: {  	s6 =	sor.u32 s9, s6;
	v0 =	vadd.f32 v6, v0;
	[tilespmem:s13+$0xFFFFFFF0] =	vst v1  }
0x1ce: {  	s15 =	sshll.u32 s16, $0x9;
	s6 =	sshrl.u32 s6, $0x3;
	[tilespmem:s13+$0xFFFFFF70] =	vst v2  }
0x1cf: {  	s10 =	sand.u32 $0x3FFFFE00, s15;
	s6 =	sadd.s32 s2, s6;
	[tilespmem:s13+$0x70] =	vst v0  }
0x1d0: {  	[hbm4b:s6+s4] =	stream.linear.scatter [tilespmem:s19], [sflag:$0x5], $0x4000, $0x38;
	[tilespmem:$0x1B800] =	vst v63  }
0x1d1: {  	s6 =	sadd.s32 $0x1F00, s10  }
0x1d2: {  	[tilespmem:s29], [sflag:$0x3] =	stream.indirect.gather [hbm4b:s1+s23], $0x80, s6, s23, $0xb8;
	[tilespmem:$0x1B800] =	vst v63  }
0x1d3: {  	_ =	swait.ge [sflag:s20], $0x4000  }
0x1d4: {  	[sflag:s20] =	ssyncset.done $0x0  }
0x1d5: {  	[sflag:s20] =	ssyncadd.s32 $0xFFFFC000  }
0x1d6: {  	s11 =	sor.u32 $0x3, s5;
	_ =	swait.ge [sflag:s3], $0x4000  }
0x1d7: {  	s21 =	sshll.u32 s11, $0x7;
	[sflag:s3] =	ssyncset.done $0x0  }
0x1d8: {  	s6 =	sand.u32 $0x3FFFFF80, s21;
	[sflag:s3] =	ssyncadd.s32 $0xFFFFC000  }
0x1d9: {  	v4 =	vld [tilespmem:s6+$0x0]  }
0x1da: {  	v6 =	vld [tilespmem:s6+$0x10]  }
0x1db: {  	v7 =	vld [tilespmem:s6+$0x20]  }
0x1dc: {  	s21 =	simm.s32 $0xF900;
	v5 =	vld [tilespmem:s6+$0x30]  }
0x1dd: {  	v8 =	vld [tilespmem:s21+$0x80]  }
0x1de: {  	v3 =	vld [tilespmem:s6+$0x40]  }
0x1df: {  	v2 =	vld [tilespmem:s6+$0x50]  }
0x1e0: {  	v1 =	vld [tilespmem:s6+$0x60]  }
0x1e1: {  	v9 =	vld [tilespmem:s21+$0xFFFFFF00]  }
0x1e2: {  	v10 =	vld [tilespmem:s21+$0xFFFFFF80];
	v8 =	vadd.f32 v8, v4  }
0x1e3: {  	s12 =	simm.s32 $0x17900;
	v11 =	vld [tilespmem:s21+$0x0]  }
0x1e4: {  	v0 =	vld [tilespmem:s6+$0x70];
	[tilespmem:s12+$0x80] =	vst v8  }
0x1e5: {  	v8 =	vld [tilespmem:s21+$0x90]  }
0x1e6: {  	v9 =	vadd.f32 v9, v4  }
0x1e7: {  	v10 =	vadd.f32 v10, v4  }
0x1e8: {  	v11 =	vadd.f32 v11, v4;
	[tilespmem:s12+$0xFFFFFF00] =	vst v9  }
0x1e9: {  	[tilespmem:s12+$0xFFFFFF80] =	vst v10;
	v9 =	vld [tilespmem:s21+$0xFFFFFF10]  }
0x1ea: {  	[tilespmem:s12+$0x0] =	vst v11;
	v10 =	vld [tilespmem:s21+$0xFFFFFF90];
	v8 =	vadd.f32 v8, v6  }
0x1eb: {  	v11 =	vld [tilespmem:s21+$0x10]  }
0x1ec: {  	[tilespmem:s12+$0x90] =	vst v8  }
0x1ed: {  	v8 =	vld [tilespmem:s21+$0xA0]  }
0x1ee: {  	v9 =	vadd.f32 v9, v6  }
0x1ef: {  	v10 =	vadd.f32 v10, v6  }
0x1f0: {  	v11 =	vadd.f32 v11, v6;
	[tilespmem:s12+$0xFFFFFF10] =	vst v9  }
0x1f1: {  	[tilespmem:s12+$0xFFFFFF90] =	vst v10;
	v9 =	vld [tilespmem:s21+$0xFFFFFF20]  }
0x1f2: {  	[tilespmem:s12+$0x10] =	vst v11;
	v10 =	vld [tilespmem:s21+$0xFFFFFFA0];
	v8 =	vadd.f32 v8, v7  }
0x1f3: {  	v11 =	vld [tilespmem:s21+$0x20]  }
0x1f4: {  	[tilespmem:s12+$0xA0] =	vst v8  }
0x1f5: {  	v8 =	vld [tilespmem:s21+$0xB0]  }
0x1f6: {  	v9 =	vadd.f32 v9, v7  }
0x1f7: {  	v10 =	vadd.f32 v10, v7  }
0x1f8: {  	v11 =	vadd.f32 v11, v7;
	[tilespmem:s12+$0xFFFFFF20] =	vst v9  }
0x1f9: {  	[tilespmem:s12+$0xFFFFFFA0] =	vst v10;
	v9 =	vld [tilespmem:s21+$0xFFFFFF30]  }
0x1fa: {  	[tilespmem:s12+$0x20] =	vst v11;
	v10 =	vld [tilespmem:s21+$0xFFFFFFB0];
	v8 =	vadd.f32 v8, v5  }
0x1fb: {  	s13 =	simm.s32 $0xFB00;
	v11 =	vld [tilespmem:s21+$0x30]  }
0x1fc: {  	[tilespmem:s12+$0xB0] =	vst v8;
	v8 =	vld [tilespmem:s13+$0x80]  }
0x1fd: {  	v12 =	vld [tilespmem:s21+$0xC0]  }
0x1fe: {  	v13 =	vld [tilespmem:s13+$0xFFFFFF80];
	v9 =	vadd.f32 v9, v5  }
0x1ff: {  	v14 =	vld [tilespmem:s13+$0x0];
	v10 =	vadd.f32 v10, v5  }
0x200: {  	v11 =	vadd.f32 v11, v5;
	[tilespmem:s12+$0xFFFFFF30] =	vst v9;
	v9 =	vld [tilespmem:s13+$0xFFFFFF00]  }
0x201: {  	[tilespmem:s12+$0xFFFFFFB0] =	vst v10;
	v10 =	vld [tilespmem:s21+$0xFFFFFF40];
	v8 =	vadd.f32 v8, v4  }
0x202: {  	s14 =	simm.s32 $0x17B00;
	[tilespmem:s12+$0x30] =	vst v11;
	v11 =	vld [tilespmem:s21+$0xFFFFFFC0];
	v12 =	vadd.f32 v12, v3  }
0x203: {  	v13 =	vadd.f32 v13, v4;
	[tilespmem:s14+$0x80] =	vst v8;
	v8 =	vld [tilespmem:s21+$0x40]  }
0x204: {  	v14 =	vadd.f32 v14, v4;
	v15 =	vld [tilespmem:s13+$0x90];
	[tilespmem:s12+$0xC0] =	vst v12  }
0x205: {  	[tilespmem:s14+$0xFFFFFF80] =	vst v13;
	v9 =	vadd.f32 v9, v4;
	v12 =	vld [tilespmem:s21+$0xD0]  }
0x206: {  	[tilespmem:s14+$0x0] =	vst v14;
	v13 =	vld [tilespmem:s13+$0xFFFFFF90];
	v10 =	vadd.f32 v10, v3  }
0x207: {  	v11 =	vadd.f32 v11, v3;
	[tilespmem:s14+$0xFFFFFF00] =	vst v9;
	v9 =	vld [tilespmem:s13+$0x10]  }
0x208: {  	v14 =	vld [tilespmem:s13+$0xFFFFFF10];
	[tilespmem:s12+$0xFFFFFF40] =	vst v10;
	v8 =	vadd.f32 v8, v3  }
0x209: {  	[tilespmem:s12+$0xFFFFFFC0] =	vst v11;
	v10 =	vadd.f32 v15, v6;
	v15 =	vld [tilespmem:s21+$0xFFFFFF50]  }
0x20a: {  	v11 =	vld [tilespmem:s21+$0xFFFFFFD0];
	[tilespmem:s12+$0x40] =	vst v8;
	v8 =	vadd.f32 v12, v2  }
0x20b: {  	v12 =	vadd.f32 v13, v6;
	[tilespmem:s14+$0x90] =	vst v10;
	v10 =	vld [tilespmem:s21+$0x50]  }
0x20c: {  	v9 =	vadd.f32 v9, v6;
	v13 =	vld [tilespmem:s13+$0xA0];
	[tilespmem:s12+$0xD0] =	vst v8  }
0x20d: {  	v8 =	vadd.f32 v14, v6;
	[tilespmem:s14+$0xFFFFFF90] =	vst v12;
	v12 =	vld [tilespmem:s21+$0xE0]  }
0x20e: {  	[tilespmem:s14+$0x10] =	vst v9;
	v14 =	vld [tilespmem:s13+$0xFFFFFFA0];
	v9 =	vadd.f32 v15, v2  }
0x20f: {  	v11 =	vadd.f32 v11, v2;
	[tilespmem:s14+$0xFFFFFF10] =	vst v8;
	v8 =	vld [tilespmem:s13+$0x20]  }
0x210: {  	v15 =	vld [tilespmem:s13+$0xFFFFFF20];
	[tilespmem:s12+$0xFFFFFF50] =	vst v9;
	v9 =	vadd.f32 v10, v2  }
0x211: {  	[tilespmem:s12+$0xFFFFFFD0] =	vst v11;
	v10 =	vadd.f32 v13, v7;
	v13 =	vld [tilespmem:s21+$0xFFFFFF60]  }
0x212: {  	v11 =	vld [tilespmem:s21+$0xFFFFFFE0];
	[tilespmem:s12+$0x50] =	vst v9;
	v9 =	vadd.f32 v12, v1  }
0x213: {  	v12 =	vadd.f32 v14, v7;
	[tilespmem:s14+$0xA0] =	vst v10;
	v10 =	vld [tilespmem:s21+$0x60]  }
0x214: {  	v8 =	vadd.f32 v8, v7;
	v14 =	vld [tilespmem:s13+$0xB0];
	[tilespmem:s12+$0xE0] =	vst v9  }
0x215: {  	v9 =	vadd.f32 v15, v7;
	[tilespmem:s14+$0xFFFFFFA0] =	vst v12;
	v15 =	vld [tilespmem:s21+$0xF0]  }
0x216: {  	v16 =	vld [tilespmem:s13+$0xFFFFFFB0];
	[tilespmem:s14+$0x20] =	vst v8;
	v8 =	vadd.f32 v13, v1  }
0x217: {  	v11 =	vadd.f32 v11, v1;
	[tilespmem:s14+$0xFFFFFF20] =	vst v9;
	v12 =	vld [tilespmem:s13+$0x30]  }
0x218: {  	v13 =	vld [tilespmem:s13+$0xFFFFFF30];
	[tilespmem:s12+$0xFFFFFF60] =	vst v8;
	v10 =	vadd.f32 v10, v1  }
0x219: {  	[tilespmem:s12+$0xFFFFFFE0] =	vst v11;
	v17 =	vadd.f32 v14, v5;
	v9 =	vld [tilespmem:s21+$0xFFFFFF70]  }
0x21a: {  	v8 =	vld [tilespmem:s21+$0xFFFFFFF0];
	[tilespmem:s12+$0x60] =	vst v10;
	v11 =	vadd.f32 v15, v0  }
0x21b: {  	s15 =	simm.s32 $0x4;
	s6 =	simm.s32 $0xFD00;
	v14 =	vadd.f32 v16, v5;
	[tilespmem:s14+$0xB0] =	vst v17;
	v10 =	vld [tilespmem:s21+$0x70]  }
.LBB2_9:
0x21c: {  	v15 =	vld [tilespmem:s6+$0x80];
	v12 =	vadd.f32 v12, v5;
	[tilespmem:s12+$0xF0] =	vst v11  }
0x21d: {  	s15 =	sadd.s32 $0x4, s15;
	v11 =	vadd.f32 v13, v5;
	[tilespmem:s14+$0xFFFFFFB0] =	vst v14;
	v13 =	vld [tilespmem:s13+$0xC0]  }
0x21e: {  	p0 =	slt.u32 s15, $0x7C;
	v14 =	vld [tilespmem:s6+$0xFFFFFF80];
	[tilespmem:s14+$0x30] =	vst v12;
	v9 =	vadd.f32 v9, v0  }
0x21f: {  	v12 =	vld [tilespmem:s6+$0x0];
	[tilespmem:s14+$0xFFFFFF30] =	vst v11;
	v8 =	vadd.f32 v8, v0  }
0x220: {  	v11 =	vld [tilespmem:s6+$0xFFFFFF00];
	[tilespmem:s12+$0xFFFFFF70] =	vst v9;
	v9 =	vadd.f32 v10, v0  }
0x221: {  	v10 =	vadd.f32 v15, v4;
	v15 =	vld [tilespmem:s13+$0xFFFFFF40];
	[tilespmem:s12+$0xFFFFFFF0] =	vst v8  }
0x222: {  	v8 =	vld [tilespmem:s13+$0xFFFFFFC0];
	v13 =	vadd.f32 v13, v3;
	[tilespmem:s12+$0x70] =	vst v9;
	s12 =	smov.u32 s14;
	s14 =	sadd.s32 $0x200, s14  }
0x223: {  	v9 =	vadd.f32 v14, v4;
	[tilespmem:s14+$0x80] =	vst v10;
	v10 =	vld [tilespmem:s13+$0x40]  }
0x224: {  	v12 =	vadd.f32 v12, v4;
	v14 =	vld [tilespmem:s6+$0x90];
	[tilespmem:s12+$0xC0] =	vst v13  }
0x225: {  	v11 =	vadd.f32 v11, v4;
	[tilespmem:s14+$0xFFFFFF80] =	vst v9;
	v9 =	vld [tilespmem:s13+$0xD0]  }
0x226: {  	v13 =	vld [tilespmem:s6+$0xFFFFFF90];
	[tilespmem:s14+$0x0] =	vst v12;
	v12 =	vadd.f32 v15, v3  }
0x227: {  	[tilespmem:s14+$0xFFFFFF00] =	vst v11;
	v11 =	vld [tilespmem:s6+$0x10];
	v8 =	vadd.f32 v8, v3  }
0x228: {  	v15 =	vld [tilespmem:s6+$0xFFFFFF10];
	[tilespmem:s12+$0xFFFFFF40] =	vst v12;
	v10 =	vadd.f32 v10, v3  }
0x229: {  	v12 =	vadd.f32 v14, v6;
	v14 =	vld [tilespmem:s13+$0xFFFFFF50];
	[tilespmem:s12+$0xFFFFFFC0] =	vst v8  }
0x22a: {  	v8 =	vld [tilespmem:s13+$0xFFFFFFD0];
	[tilespmem:s12+$0x40] =	vst v10;
	v9 =	vadd.f32 v9, v2  }
0x22b: {  	v10 =	vadd.f32 v13, v6;
	[tilespmem:s14+$0x90] =	vst v12;
	v12 =	vld [tilespmem:s13+$0x50]  }
0x22c: {  	v11 =	vadd.f32 v11, v6;
	v13 =	vld [tilespmem:s6+$0xA0];
	[tilespmem:s12+$0xD0] =	vst v9  }
0x22d: {  	v9 =	vadd.f32 v15, v6;
	[tilespmem:s14+$0xFFFFFF90] =	vst v10;
	v10 =	vld [tilespmem:s13+$0xE0]  }
0x22e: {  	v15 =	vld [tilespmem:s6+$0xFFFFFFA0];
	[tilespmem:s14+$0x10] =	vst v11;
	v11 =	vadd.f32 v14, v2  }
0x22f: {  	[tilespmem:s14+$0xFFFFFF10] =	vst v9;
	v9 =	vld [tilespmem:s6+$0x20];
	v8 =	vadd.f32 v8, v2  }
0x230: {  	v14 =	vld [tilespmem:s6+$0xFFFFFF20];
	[tilespmem:s12+$0xFFFFFF50] =	vst v11;
	v11 =	vadd.f32 v12, v2  }
0x231: {  	v12 =	vadd.f32 v13, v7;
	v13 =	vld [tilespmem:s13+$0xFFFFFF60];
	[tilespmem:s12+$0xFFFFFFD0] =	vst v8  }
0x232: {  	v8 =	vld [tilespmem:s13+$0xFFFFFFE0];
	[tilespmem:s12+$0x50] =	vst v11;
	v10 =	vadd.f32 v10, v1  }
0x233: {  	v11 =	vadd.f32 v15, v7;
	[tilespmem:s14+$0xA0] =	vst v12;
	v15 =	vld [tilespmem:s13+$0x60]  }
0x234: {  	v9 =	vadd.f32 v9, v7;
	v16 =	vld [tilespmem:s6+$0xB0];
	[tilespmem:s12+$0xE0] =	vst v10  }
0x235: {  	v10 =	vadd.f32 v14, v7;
	[tilespmem:s14+$0xFFFFFFA0] =	vst v11;
	v11 =	vld [tilespmem:s13+$0xF0]  }
0x236: {  	v14 =	vld [tilespmem:s6+$0xFFFFFFB0];
	[tilespmem:s14+$0x20] =	vst v9;
	v9 =	vadd.f32 v13, v1  }
.Ltmp3:
0x237: {  	[tilespmem:s14+$0xFFFFFF20] =	vst v10;
	v12 =	vld [tilespmem:s6+$0x30];
	v8 =	vadd.f32 v8, v1;
	(pc) =	sbr.rel @p0 .LBB2_9-.Ltmp3, $4  }
0x238: {  	v13 =	vld [tilespmem:s6+$0xFFFFFF30];
	[tilespmem:s12+$0xFFFFFF60] =	vst v9;
	v10 =	vadd.f32 v15, v1  }
0x239: {  	v15 =	vadd.f32 v16, v5;
	v9 =	vld [tilespmem:s13+$0xFFFFFF70];
	[tilespmem:s12+$0xFFFFFFE0] =	vst v8  }
0x23a: {  	v8 =	vld [tilespmem:s13+$0xFFFFFFF0];
	[tilespmem:s12+$0x60] =	vst v10;
	v11 =	vadd.f32 v11, v0  }
0x23b: {  	v14 =	vadd.f32 v14, v5;
	[tilespmem:s14+$0xB0] =	vst v15;
	v10 =	vld [tilespmem:s13+$0x70];
	s13 =	smov.u32 s6;
	s6 =	sadd.s32 $0x200, s6  }
0x23c: {  	_ = 	snop  }
0x23d: {  	v4 =	vadd.f32 v13, v5  }
0x23e: {  	v6 =	vld [tilespmem:s13+$0xC0];
	v5 =	vadd.f32 v12, v5;
	[tilespmem:s14+$0xFFFFFFB0] =	vst v14  }
0x23f: {  	[tilespmem:s14+$0xFFFFFF30] =	vst v4  }
0x240: {  	[tilespmem:s14+$0x30] =	vst v5;
	v5 =	vld [tilespmem:s13+$0xFFFFFFC0]  }
0x241: {  	v4 =	vld [tilespmem:s13+$0xFFFFFF40]  }
0x242: {  	v7 =	vld [tilespmem:s13+$0x40]  }
0x243: {  	v6 =	vadd.f32 v6, v3;
	_ =	sdelay $0x1  }
0x244: {  	[tilespmem:s14+$0xC0] =	vst v6;
	v5 =	vadd.f32 v5, v3  }
0x245: {  	v6 =	vld [tilespmem:s13+$0xD0];
	v4 =	vadd.f32 v4, v3  }
0x246: {  	v3 =	vadd.f32 v7, v3;
	[tilespmem:s14+$0xFFFFFFC0] =	vst v5  }
0x247: {  	[tilespmem:s14+$0xFFFFFF40] =	vst v4;
	v5 =	vld [tilespmem:s13+$0xFFFFFFD0]  }
0x248: {  	[tilespmem:s14+$0x40] =	vst v3;
	v4 =	vld [tilespmem:s13+$0xFFFFFF50]  }
0x249: {  	v3 =	vld [tilespmem:s13+$0x50]  }
0x24a: {  	v6 =	vadd.f32 v6, v2;
	_ =	sdelay $0x1  }
0x24b: {  	[tilespmem:s14+$0xD0] =	vst v6;
	v5 =	vadd.f32 v5, v2  }
0x24c: {  	v6 =	vld [tilespmem:s13+$0xE0];
	v4 =	vadd.f32 v4, v2  }
0x24d: {  	v2 =	vadd.f32 v3, v2;
	[tilespmem:s14+$0xFFFFFFD0] =	vst v5  }
0x24e: {  	[tilespmem:s14+$0xFFFFFF50] =	vst v4;
	v4 =	vld [tilespmem:s13+$0xFFFFFFE0]  }
0x24f: {  	[tilespmem:s14+$0x50] =	vst v2;
	v3 =	vld [tilespmem:s13+$0xFFFFFF60]  }
0x250: {  	v2 =	vld [tilespmem:s13+$0x60]  }
0x251: {  	v5 =	vadd.f32 v6, v1;
	_ =	sdelay $0x1  }
0x252: {  	[tilespmem:s14+$0xE0] =	vst v5;
	v4 =	vadd.f32 v4, v1  }
0x253: {  	v5 =	vld [tilespmem:s13+$0xF0];
	v3 =	vadd.f32 v3, v1  }
0x254: {  	v1 =	vadd.f32 v2, v1;
	[tilespmem:s14+$0xFFFFFFE0] =	vst v4  }
0x255: {  	[tilespmem:s14+$0xFFFFFF60] =	vst v3;
	v4 =	vld [tilespmem:s13+$0xFFFFFFF0]  }
0x256: {  	[tilespmem:s14+$0x60] =	vst v1;
	v1 =	vadd.f32 v8, v0;
	v2 =	vld [tilespmem:s13+$0xFFFFFF70]  }
0x257: {  	[tilespmem:s12+$0xF0] =	vst v11;
	v3 =	vadd.f32 v9, v0;
	v6 =	vld [tilespmem:s13+$0x70]  }
0x258: {  	[tilespmem:s12+$0xFFFFFFF0] =	vst v1;
	v1 =	vadd.f32 v5, v0  }
0x259: {  	[tilespmem:s12+$0xFFFFFF70] =	vst v3;
	v3 =	vadd.f32 v10, v0  }
0x25a: {  	[tilespmem:s14+$0xF0] =	vst v1;
	v1 =	vadd.f32 v4, v0  }
0x25b: {  	s6 =	sshll.u32 s11, $0x13;
	[tilespmem:s12+$0x70] =	vst v3;
	v2 =	vadd.f32 v2, v0  }
0x25c: {  	s6 =	sor.u32 s9, s6;
	v0 =	vadd.f32 v6, v0;
	[tilespmem:s14+$0xFFFFFFF0] =	vst v1  }
0x25d: {  	s6 =	sshrl.u32 s6, $0x3;
	[tilespmem:s14+$0xFFFFFF70] =	vst v2  }
0x25e: {  	s6 =	sadd.s32 s2, s6;
	[tilespmem:s14+$0x70] =	vst v0  }
0x25f: {  	[hbm4b:s6+s4] =	stream.linear.scatter [tilespmem:s25], [sflag:$0x6], $0x4000, $0x38;
	[tilespmem:$0x1B800] =	vst v63  }
0x260: {  	s15 =	sadd.s32 $0x1F80, s10  }
0x261: {  	[tilespmem:s31], [sflag:$0x4] =	stream.indirect.gather [hbm4b:s1+s23], $0x80, s15, s23, $0xb8;
	[tilespmem:$0x1B800] =	vst v63  }
0x262: {  	_ =	swait.ge [sflag:s18], $0x4000  }
0x263: {  	[sflag:s18] =	ssyncset.done $0x0  }
0x264: {  	[sflag:s18] =	ssyncadd.s32 $0xFFFFC000  }
0x265: {  	s11 =	sadd.s32 $0x4, s5;
	_ =	swait.ge [sflag:s0], $0x4000  }
0x266: {  	s21 =	sshll.u32 s11, $0x7;
	[sflag:s0] =	ssyncset.done $0x0  }
0x267: {  	s6 =	sand.u32 $0x3FFFFF80, s21;
	[sflag:s0] =	ssyncadd.s32 $0xFFFFC000  }
0x268: {  	v4 =	vld [tilespmem:s6+$0x0]  }
0x269: {  	v6 =	vld [tilespmem:s6+$0x10]  }
0x26a: {  	v7 =	vld [tilespmem:s6+$0x20]  }
0x26b: {  	s21 =	simm.s32 $0x3900;
	v5 =	vld [tilespmem:s6+$0x30]  }
0x26c: {  	v8 =	vld [tilespmem:s21+$0x80]  }
0x26d: {  	v3 =	vld [tilespmem:s6+$0x40]  }
0x26e: {  	v2 =	vld [tilespmem:s6+$0x50]  }
0x26f: {  	v1 =	vld [tilespmem:s6+$0x60]  }
0x270: {  	v9 =	vld [tilespmem:s21+$0xFFFFFF00]  }
0x271: {  	v10 =	vld [tilespmem:s21+$0xFFFFFF80];
	v8 =	vadd.f32 v8, v4  }
0x272: {  	s12 =	simm.s32 $0x13900;
	v11 =	vld [tilespmem:s21+$0x0]  }
0x273: {  	v0 =	vld [tilespmem:s6+$0x70];
	[tilespmem:s12+$0x80] =	vst v8  }
0x274: {  	v8 =	vld [tilespmem:s21+$0x90]  }
0x275: {  	v9 =	vadd.f32 v9, v4  }
0x276: {  	v10 =	vadd.f32 v10, v4  }
0x277: {  	v11 =	vadd.f32 v11, v4;
	[tilespmem:s12+$0xFFFFFF00] =	vst v9  }
0x278: {  	[tilespmem:s12+$0xFFFFFF80] =	vst v10;
	v9 =	vld [tilespmem:s21+$0xFFFFFF10]  }
0x279: {  	[tilespmem:s12+$0x0] =	vst v11;
	v10 =	vld [tilespmem:s21+$0xFFFFFF90];
	v8 =	vadd.f32 v8, v6  }
0x27a: {  	v11 =	vld [tilespmem:s21+$0x10]  }
0x27b: {  	[tilespmem:s12+$0x90] =	vst v8  }
0x27c: {  	v8 =	vld [tilespmem:s21+$0xA0]  }
0x27d: {  	v9 =	vadd.f32 v9, v6  }
0x27e: {  	v10 =	vadd.f32 v10, v6  }
0x27f: {  	v11 =	vadd.f32 v11, v6;
	[tilespmem:s12+$0xFFFFFF10] =	vst v9  }
0x280: {  	[tilespmem:s12+$0xFFFFFF90] =	vst v10;
	v9 =	vld [tilespmem:s21+$0xFFFFFF20]  }
0x281: {  	[tilespmem:s12+$0x10] =	vst v11;
	v10 =	vld [tilespmem:s21+$0xFFFFFFA0];
	v8 =	vadd.f32 v8, v7  }
0x282: {  	v11 =	vld [tilespmem:s21+$0x20]  }
0x283: {  	[tilespmem:s12+$0xA0] =	vst v8  }
0x284: {  	v8 =	vld [tilespmem:s21+$0xB0]  }
0x285: {  	v9 =	vadd.f32 v9, v7  }
0x286: {  	v10 =	vadd.f32 v10, v7  }
0x287: {  	v11 =	vadd.f32 v11, v7;
	[tilespmem:s12+$0xFFFFFF20] =	vst v9  }
0x288: {  	[tilespmem:s12+$0xFFFFFFA0] =	vst v10;
	v9 =	vld [tilespmem:s21+$0xFFFFFF30]  }
0x289: {  	[tilespmem:s12+$0x20] =	vst v11;
	v10 =	vld [tilespmem:s21+$0xFFFFFFB0];
	v8 =	vadd.f32 v8, v5  }
0x28a: {  	s13 =	simm.s32 $0x3B00;
	v11 =	vld [tilespmem:s21+$0x30]  }
0x28b: {  	[tilespmem:s12+$0xB0] =	vst v8;
	v8 =	vld [tilespmem:s13+$0x80]  }
0x28c: {  	v12 =	vld [tilespmem:s21+$0xC0]  }
0x28d: {  	v13 =	vld [tilespmem:s13+$0xFFFFFF80];
	v9 =	vadd.f32 v9, v5  }
0x28e: {  	v14 =	vld [tilespmem:s13+$0x0];
	v10 =	vadd.f32 v10, v5  }
0x28f: {  	v11 =	vadd.f32 v11, v5;
	[tilespmem:s12+$0xFFFFFF30] =	vst v9;
	v9 =	vld [tilespmem:s13+$0xFFFFFF00]  }
0x290: {  	[tilespmem:s12+$0xFFFFFFB0] =	vst v10;
	v10 =	vld [tilespmem:s21+$0xFFFFFF40];
	v8 =	vadd.f32 v8, v4  }
0x291: {  	s14 =	simm.s32 $0x13B00;
	[tilespmem:s12+$0x30] =	vst v11;
	v11 =	vld [tilespmem:s21+$0xFFFFFFC0];
	v12 =	vadd.f32 v12, v3  }
0x292: {  	v13 =	vadd.f32 v13, v4;
	[tilespmem:s14+$0x80] =	vst v8;
	v8 =	vld [tilespmem:s21+$0x40]  }
0x293: {  	v14 =	vadd.f32 v14, v4;
	v15 =	vld [tilespmem:s13+$0x90];
	[tilespmem:s12+$0xC0] =	vst v12  }
0x294: {  	[tilespmem:s14+$0xFFFFFF80] =	vst v13;
	v9 =	vadd.f32 v9, v4;
	v12 =	vld [tilespmem:s21+$0xD0]  }
0x295: {  	[tilespmem:s14+$0x0] =	vst v14;
	v13 =	vld [tilespmem:s13+$0xFFFFFF90];
	v10 =	vadd.f32 v10, v3  }
0x296: {  	v11 =	vadd.f32 v11, v3;
	[tilespmem:s14+$0xFFFFFF00] =	vst v9;
	v9 =	vld [tilespmem:s13+$0x10]  }
0x297: {  	v14 =	vld [tilespmem:s13+$0xFFFFFF10];
	[tilespmem:s12+$0xFFFFFF40] =	vst v10;
	v8 =	vadd.f32 v8, v3  }
0x298: {  	[tilespmem:s12+$0xFFFFFFC0] =	vst v11;
	v10 =	vadd.f32 v15, v6;
	v15 =	vld [tilespmem:s21+$0xFFFFFF50]  }
0x299: {  	v11 =	vld [tilespmem:s21+$0xFFFFFFD0];
	[tilespmem:s12+$0x40] =	vst v8;
	v8 =	vadd.f32 v12, v2  }
0x29a: {  	v12 =	vadd.f32 v13, v6;
	[tilespmem:s14+$0x90] =	vst v10;
	v10 =	vld [tilespmem:s21+$0x50]  }
0x29b: {  	v9 =	vadd.f32 v9, v6;
	v13 =	vld [tilespmem:s13+$0xA0];
	[tilespmem:s12+$0xD0] =	vst v8  }
0x29c: {  	v8 =	vadd.f32 v14, v6;
	[tilespmem:s14+$0xFFFFFF90] =	vst v12;
	v12 =	vld [tilespmem:s21+$0xE0]  }
0x29d: {  	[tilespmem:s14+$0x10] =	vst v9;
	v14 =	vld [tilespmem:s13+$0xFFFFFFA0];
	v9 =	vadd.f32 v15, v2  }
0x29e: {  	v11 =	vadd.f32 v11, v2;
	[tilespmem:s14+$0xFFFFFF10] =	vst v8;
	v8 =	vld [tilespmem:s13+$0x20]  }
0x29f: {  	v15 =	vld [tilespmem:s13+$0xFFFFFF20];
	[tilespmem:s12+$0xFFFFFF50] =	vst v9;
	v9 =	vadd.f32 v10, v2  }
0x2a0: {  	[tilespmem:s12+$0xFFFFFFD0] =	vst v11;
	v10 =	vadd.f32 v13, v7;
	v13 =	vld [tilespmem:s21+$0xFFFFFF60]  }
0x2a1: {  	v11 =	vld [tilespmem:s21+$0xFFFFFFE0];
	[tilespmem:s12+$0x50] =	vst v9;
	v9 =	vadd.f32 v12, v1  }
0x2a2: {  	v12 =	vadd.f32 v14, v7;
	[tilespmem:s14+$0xA0] =	vst v10;
	v10 =	vld [tilespmem:s21+$0x60]  }
0x2a3: {  	v8 =	vadd.f32 v8, v7;
	v14 =	vld [tilespmem:s13+$0xB0];
	[tilespmem:s12+$0xE0] =	vst v9  }
0x2a4: {  	v9 =	vadd.f32 v15, v7;
	[tilespmem:s14+$0xFFFFFFA0] =	vst v12;
	v15 =	vld [tilespmem:s21+$0xF0]  }
0x2a5: {  	v16 =	vld [tilespmem:s13+$0xFFFFFFB0];
	[tilespmem:s14+$0x20] =	vst v8;
	v8 =	vadd.f32 v13, v1  }
0x2a6: {  	v11 =	vadd.f32 v11, v1;
	[tilespmem:s14+$0xFFFFFF20] =	vst v9;
	v12 =	vld [tilespmem:s13+$0x30]  }
0x2a7: {  	v13 =	vld [tilespmem:s13+$0xFFFFFF30];
	[tilespmem:s12+$0xFFFFFF60] =	vst v8;
	v10 =	vadd.f32 v10, v1  }
0x2a8: {  	[tilespmem:s12+$0xFFFFFFE0] =	vst v11;
	v17 =	vadd.f32 v14, v5;
	v9 =	vld [tilespmem:s21+$0xFFFFFF70]  }
0x2a9: {  	v8 =	vld [tilespmem:s21+$0xFFFFFFF0];
	[tilespmem:s12+$0x60] =	vst v10;
	v11 =	vadd.f32 v15, v0  }
0x2aa: {  	s15 =	simm.s32 $0x4;
	s6 =	simm.s32 $0x3D00;
	v14 =	vadd.f32 v16, v5;
	[tilespmem:s14+$0xB0] =	vst v17;
	v10 =	vld [tilespmem:s21+$0x70]  }
.LBB2_11:
0x2ab: {  	v15 =	vld [tilespmem:s6+$0x80];
	v12 =	vadd.f32 v12, v5;
	[tilespmem:s12+$0xF0] =	vst v11  }
0x2ac: {  	s15 =	sadd.s32 $0x4, s15;
	v11 =	vadd.f32 v13, v5;
	[tilespmem:s14+$0xFFFFFFB0] =	vst v14;
	v13 =	vld [tilespmem:s13+$0xC0]  }
0x2ad: {  	p0 =	slt.u32 s15, $0x7C;
	v14 =	vld [tilespmem:s6+$0xFFFFFF80];
	[tilespmem:s14+$0x30] =	vst v12;
	v9 =	vadd.f32 v9, v0  }
0x2ae: {  	v12 =	vld [tilespmem:s6+$0x0];
	[tilespmem:s14+$0xFFFFFF30] =	vst v11;
	v8 =	vadd.f32 v8, v0  }
0x2af: {  	v11 =	vld [tilespmem:s6+$0xFFFFFF00];
	[tilespmem:s12+$0xFFFFFF70] =	vst v9;
	v9 =	vadd.f32 v10, v0  }
0x2b0: {  	v10 =	vadd.f32 v15, v4;
	v15 =	vld [tilespmem:s13+$0xFFFFFF40];
	[tilespmem:s12+$0xFFFFFFF0] =	vst v8  }
0x2b1: {  	v8 =	vld [tilespmem:s13+$0xFFFFFFC0];
	v13 =	vadd.f32 v13, v3;
	[tilespmem:s12+$0x70] =	vst v9;
	s12 =	smov.u32 s14;
	s14 =	sadd.s32 $0x200, s14  }
0x2b2: {  	v9 =	vadd.f32 v14, v4;
	[tilespmem:s14+$0x80] =	vst v10;
	v10 =	vld [tilespmem:s13+$0x40]  }
0x2b3: {  	v12 =	vadd.f32 v12, v4;
	v14 =	vld [tilespmem:s6+$0x90];
	[tilespmem:s12+$0xC0] =	vst v13  }
0x2b4: {  	v11 =	vadd.f32 v11, v4;
	[tilespmem:s14+$0xFFFFFF80] =	vst v9;
	v9 =	vld [tilespmem:s13+$0xD0]  }
0x2b5: {  	v13 =	vld [tilespmem:s6+$0xFFFFFF90];
	[tilespmem:s14+$0x0] =	vst v12;
	v12 =	vadd.f32 v15, v3  }
0x2b6: {  	[tilespmem:s14+$0xFFFFFF00] =	vst v11;
	v11 =	vld [tilespmem:s6+$0x10];
	v8 =	vadd.f32 v8, v3  }
0x2b7: {  	v15 =	vld [tilespmem:s6+$0xFFFFFF10];
	[tilespmem:s12+$0xFFFFFF40] =	vst v12;
	v10 =	vadd.f32 v10, v3  }
0x2b8: {  	v12 =	vadd.f32 v14, v6;
	v14 =	vld [tilespmem:s13+$0xFFFFFF50];
	[tilespmem:s12+$0xFFFFFFC0] =	vst v8  }
0x2b9: {  	v8 =	vld [tilespmem:s13+$0xFFFFFFD0];
	[tilespmem:s12+$0x40] =	vst v10;
	v9 =	vadd.f32 v9, v2  }
0x2ba: {  	v10 =	vadd.f32 v13, v6;
	[tilespmem:s14+$0x90] =	vst v12;
	v12 =	vld [tilespmem:s13+$0x50]  }
0x2bb: {  	v11 =	vadd.f32 v11, v6;
	v13 =	vld [tilespmem:s6+$0xA0];
	[tilespmem:s12+$0xD0] =	vst v9  }
0x2bc: {  	v9 =	vadd.f32 v15, v6;
	[tilespmem:s14+$0xFFFFFF90] =	vst v10;
	v10 =	vld [tilespmem:s13+$0xE0]  }
0x2bd: {  	v15 =	vld [tilespmem:s6+$0xFFFFFFA0];
	[tilespmem:s14+$0x10] =	vst v11;
	v11 =	vadd.f32 v14, v2  }
0x2be: {  	[tilespmem:s14+$0xFFFFFF10] =	vst v9;
	v9 =	vld [tilespmem:s6+$0x20];
	v8 =	vadd.f32 v8, v2  }
0x2bf: {  	v14 =	vld [tilespmem:s6+$0xFFFFFF20];
	[tilespmem:s12+$0xFFFFFF50] =	vst v11;
	v11 =	vadd.f32 v12, v2  }
0x2c0: {  	v12 =	vadd.f32 v13, v7;
	v13 =	vld [tilespmem:s13+$0xFFFFFF60];
	[tilespmem:s12+$0xFFFFFFD0] =	vst v8  }
0x2c1: {  	v8 =	vld [tilespmem:s13+$0xFFFFFFE0];
	[tilespmem:s12+$0x50] =	vst v11;
	v10 =	vadd.f32 v10, v1  }
0x2c2: {  	v11 =	vadd.f32 v15, v7;
	[tilespmem:s14+$0xA0] =	vst v12;
	v15 =	vld [tilespmem:s13+$0x60]  }
0x2c3: {  	v9 =	vadd.f32 v9, v7;
	v16 =	vld [tilespmem:s6+$0xB0];
	[tilespmem:s12+$0xE0] =	vst v10  }
0x2c4: {  	v10 =	vadd.f32 v14, v7;
	[tilespmem:s14+$0xFFFFFFA0] =	vst v11;
	v11 =	vld [tilespmem:s13+$0xF0]  }
0x2c5: {  	v14 =	vld [tilespmem:s6+$0xFFFFFFB0];
	[tilespmem:s14+$0x20] =	vst v9;
	v9 =	vadd.f32 v13, v1  }
.Ltmp4:
0x2c6: {  	[tilespmem:s14+$0xFFFFFF20] =	vst v10;
	v12 =	vld [tilespmem:s6+$0x30];
	v8 =	vadd.f32 v8, v1;
	(pc) =	sbr.rel @p0 .LBB2_11-.Ltmp4, $4  }
0x2c7: {  	v13 =	vld [tilespmem:s6+$0xFFFFFF30];
	[tilespmem:s12+$0xFFFFFF60] =	vst v9;
	v10 =	vadd.f32 v15, v1  }
0x2c8: {  	v15 =	vadd.f32 v16, v5;
	v9 =	vld [tilespmem:s13+$0xFFFFFF70];
	[tilespmem:s12+$0xFFFFFFE0] =	vst v8  }
0x2c9: {  	v8 =	vld [tilespmem:s13+$0xFFFFFFF0];
	[tilespmem:s12+$0x60] =	vst v10;
	v11 =	vadd.f32 v11, v0  }
0x2ca: {  	v14 =	vadd.f32 v14, v5;
	[tilespmem:s14+$0xB0] =	vst v15;
	v10 =	vld [tilespmem:s13+$0x70];
	s13 =	smov.u32 s6;
	s6 =	sadd.s32 $0x200, s6  }
0x2cb: {  	_ = 	snop  }
0x2cc: {  	v4 =	vadd.f32 v13, v5  }
0x2cd: {  	v6 =	vld [tilespmem:s13+$0xC0];
	v5 =	vadd.f32 v12, v5;
	[tilespmem:s14+$0xFFFFFFB0] =	vst v14  }
0x2ce: {  	[tilespmem:s14+$0xFFFFFF30] =	vst v4  }
0x2cf: {  	[tilespmem:s14+$0x30] =	vst v5;
	v5 =	vld [tilespmem:s13+$0xFFFFFFC0]  }
0x2d0: {  	v4 =	vld [tilespmem:s13+$0xFFFFFF40]  }
0x2d1: {  	v7 =	vld [tilespmem:s13+$0x40]  }
0x2d2: {  	v6 =	vadd.f32 v6, v3;
	_ =	sdelay $0x1  }
0x2d3: {  	[tilespmem:s14+$0xC0] =	vst v6;
	v5 =	vadd.f32 v5, v3  }
0x2d4: {  	v6 =	vld [tilespmem:s13+$0xD0];
	v4 =	vadd.f32 v4, v3  }
0x2d5: {  	v3 =	vadd.f32 v7, v3;
	[tilespmem:s14+$0xFFFFFFC0] =	vst v5  }
0x2d6: {  	[tilespmem:s14+$0xFFFFFF40] =	vst v4;
	v5 =	vld [tilespmem:s13+$0xFFFFFFD0]  }
0x2d7: {  	[tilespmem:s14+$0x40] =	vst v3;
	v4 =	vld [tilespmem:s13+$0xFFFFFF50]  }
0x2d8: {  	v3 =	vld [tilespmem:s13+$0x50]  }
0x2d9: {  	v6 =	vadd.f32 v6, v2;
	_ =	sdelay $0x1  }
0x2da: {  	[tilespmem:s14+$0xD0] =	vst v6;
	v5 =	vadd.f32 v5, v2  }
0x2db: {  	v6 =	vld [tilespmem:s13+$0xE0];
	v4 =	vadd.f32 v4, v2  }
0x2dc: {  	v2 =	vadd.f32 v3, v2;
	[tilespmem:s14+$0xFFFFFFD0] =	vst v5  }
0x2dd: {  	[tilespmem:s14+$0xFFFFFF50] =	vst v4;
	v4 =	vld [tilespmem:s13+$0xFFFFFFE0]  }
0x2de: {  	[tilespmem:s14+$0x50] =	vst v2;
	v3 =	vld [tilespmem:s13+$0xFFFFFF60]  }
0x2df: {  	v2 =	vld [tilespmem:s13+$0x60]  }
0x2e0: {  	v5 =	vadd.f32 v6, v1;
	_ =	sdelay $0x1  }
0x2e1: {  	[tilespmem:s14+$0xE0] =	vst v5;
	v4 =	vadd.f32 v4, v1  }
0x2e2: {  	v5 =	vld [tilespmem:s13+$0xF0];
	v3 =	vadd.f32 v3, v1  }
0x2e3: {  	v1 =	vadd.f32 v2, v1;
	[tilespmem:s14+$0xFFFFFFE0] =	vst v4  }
0x2e4: {  	[tilespmem:s14+$0xFFFFFF60] =	vst v3;
	v4 =	vld [tilespmem:s13+$0xFFFFFFF0]  }
0x2e5: {  	[tilespmem:s14+$0x60] =	vst v1;
	v1 =	vadd.f32 v8, v0;
	v2 =	vld [tilespmem:s13+$0xFFFFFF70]  }
0x2e6: {  	[tilespmem:s12+$0xF0] =	vst v11;
	v3 =	vadd.f32 v9, v0;
	v6 =	vld [tilespmem:s13+$0x70]  }
0x2e7: {  	[tilespmem:s12+$0xFFFFFFF0] =	vst v1;
	v1 =	vadd.f32 v5, v0  }
0x2e8: {  	[tilespmem:s12+$0xFFFFFF70] =	vst v3;
	v3 =	vadd.f32 v10, v0  }
0x2e9: {  	[tilespmem:s14+$0xF0] =	vst v1;
	v1 =	vadd.f32 v4, v0  }
0x2ea: {  	s6 =	sshll.u32 s11, $0x13;
	[tilespmem:s12+$0x70] =	vst v3;
	v2 =	vadd.f32 v2, v0  }
0x2eb: {  	s6 =	sor.u32 s9, s6;
	v0 =	vadd.f32 v6, v0;
	[tilespmem:s14+$0xFFFFFFF0] =	vst v1  }
0x2ec: {  	s6 =	sshrl.u32 s6, $0x3;
	[tilespmem:s14+$0xFFFFFF70] =	vst v2  }
0x2ed: {  	s6 =	sadd.s32 s2, s6;
	[tilespmem:s14+$0x70] =	vst v0  }
0x2ee: {  	[hbm4b:s6+s4] =	stream.linear.scatter [tilespmem:s19], [sflag:$0x5], $0x4000, $0x38;
	[tilespmem:$0x1B800] =	vst v63  }
0x2ef: {  	s15 =	sadd.s32 $0x2000, s10  }
0x2f0: {  	[tilespmem:s24], [sflag:$0x1] =	stream.indirect.gather [hbm4b:s1+s23], $0x80, s15, s23, $0xb8;
	[tilespmem:$0x1B800] =	vst v63  }
0x2f1: {  	_ =	swait.ge [sflag:s22], $0x4000  }
0x2f2: {  	[sflag:s22] =	ssyncset.done $0x0  }
0x2f3: {  	[sflag:s22] =	ssyncadd.s32 $0xFFFFC000  }
0x2f4: {  	s5 =	sadd.s32 $0x5, s5;
	_ =	swait.ge [sflag:s3], $0x4000  }
0x2f5: {  	s21 =	sshll.u32 s5, $0x7;
	[sflag:s3] =	ssyncset.done $0x0  }
0x2f6: {  	s6 =	sand.u32 $0x3FFFFF80, s21;
	[sflag:s3] =	ssyncadd.s32 $0xFFFFC000  }
0x2f7: {  	v4 =	vld [tilespmem:s6+$0x0]  }
0x2f8: {  	v6 =	vld [tilespmem:s6+$0x10]  }
0x2f9: {  	v7 =	vld [tilespmem:s6+$0x20]  }
0x2fa: {  	s15 =	simm.s32 $0x7900;
	v5 =	vld [tilespmem:s6+$0x30]  }
0x2fb: {  	v8 =	vld [tilespmem:s15+$0x80]  }
0x2fc: {  	v3 =	vld [tilespmem:s6+$0x40]  }
0x2fd: {  	v2 =	vld [tilespmem:s6+$0x50]  }
0x2fe: {  	v1 =	vld [tilespmem:s6+$0x60]  }
0x2ff: {  	v9 =	vld [tilespmem:s15+$0xFFFFFF00]  }
0x300: {  	v10 =	vld [tilespmem:s15+$0xFFFFFF80];
	v8 =	vadd.f32 v8, v4  }
0x301: {  	s11 =	simm.s32 $0x17900;
	v11 =	vld [tilespmem:s15+$0x0]  }
0x302: {  	v0 =	vld [tilespmem:s6+$0x70];
	[tilespmem:s11+$0x80] =	vst v8  }
0x303: {  	v8 =	vld [tilespmem:s15+$0x90]  }
0x304: {  	v9 =	vadd.f32 v9, v4  }
0x305: {  	v10 =	vadd.f32 v10, v4  }
0x306: {  	v11 =	vadd.f32 v11, v4;
	[tilespmem:s11+$0xFFFFFF00] =	vst v9  }
0x307: {  	[tilespmem:s11+$0xFFFFFF80] =	vst v10;
	v9 =	vld [tilespmem:s15+$0xFFFFFF10]  }
0x308: {  	[tilespmem:s11+$0x0] =	vst v11;
	v10 =	vld [tilespmem:s15+$0xFFFFFF90];
	v8 =	vadd.f32 v8, v6  }
0x309: {  	v11 =	vld [tilespmem:s15+$0x10]  }
0x30a: {  	[tilespmem:s11+$0x90] =	vst v8  }
0x30b: {  	v8 =	vld [tilespmem:s15+$0xA0]  }
0x30c: {  	v9 =	vadd.f32 v9, v6  }
0x30d: {  	v10 =	vadd.f32 v10, v6  }
0x30e: {  	v11 =	vadd.f32 v11, v6;
	[tilespmem:s11+$0xFFFFFF10] =	vst v9  }
0x30f: {  	[tilespmem:s11+$0xFFFFFF90] =	vst v10;
	v9 =	vld [tilespmem:s15+$0xFFFFFF20]  }
0x310: {  	[tilespmem:s11+$0x10] =	vst v11;
	v10 =	vld [tilespmem:s15+$0xFFFFFFA0];
	v8 =	vadd.f32 v8, v7  }
0x311: {  	v11 =	vld [tilespmem:s15+$0x20]  }
0x312: {  	[tilespmem:s11+$0xA0] =	vst v8  }
0x313: {  	v8 =	vld [tilespmem:s15+$0xB0]  }
0x314: {  	v9 =	vadd.f32 v9, v7  }
0x315: {  	v10 =	vadd.f32 v10, v7  }
0x316: {  	v11 =	vadd.f32 v11, v7;
	[tilespmem:s11+$0xFFFFFF20] =	vst v9  }
0x317: {  	[tilespmem:s11+$0xFFFFFFA0] =	vst v10;
	v9 =	vld [tilespmem:s15+$0xFFFFFF30]  }
0x318: {  	[tilespmem:s11+$0x20] =	vst v11;
	v10 =	vld [tilespmem:s15+$0xFFFFFFB0];
	v8 =	vadd.f32 v8, v5  }
0x319: {  	s12 =	simm.s32 $0x7B00;
	v11 =	vld [tilespmem:s15+$0x30]  }
0x31a: {  	[tilespmem:s11+$0xB0] =	vst v8;
	v8 =	vld [tilespmem:s12+$0x80]  }
0x31b: {  	v12 =	vld [tilespmem:s15+$0xC0]  }
0x31c: {  	v13 =	vld [tilespmem:s12+$0xFFFFFF80];
	v9 =	vadd.f32 v9, v5  }
0x31d: {  	v14 =	vld [tilespmem:s12+$0x0];
	v10 =	vadd.f32 v10, v5  }
0x31e: {  	v11 =	vadd.f32 v11, v5;
	[tilespmem:s11+$0xFFFFFF30] =	vst v9;
	v9 =	vld [tilespmem:s12+$0xFFFFFF00]  }
0x31f: {  	[tilespmem:s11+$0xFFFFFFB0] =	vst v10;
	v10 =	vld [tilespmem:s15+$0xFFFFFF40];
	v8 =	vadd.f32 v8, v4  }
0x320: {  	s13 =	simm.s32 $0x17B00;
	[tilespmem:s11+$0x30] =	vst v11;
	v11 =	vld [tilespmem:s15+$0xFFFFFFC0];
	v12 =	vadd.f32 v12, v3  }
0x321: {  	v13 =	vadd.f32 v13, v4;
	[tilespmem:s13+$0x80] =	vst v8;
	v8 =	vld [tilespmem:s15+$0x40]  }
0x322: {  	v14 =	vadd.f32 v14, v4;
	v15 =	vld [tilespmem:s12+$0x90];
	[tilespmem:s11+$0xC0] =	vst v12  }
0x323: {  	[tilespmem:s13+$0xFFFFFF80] =	vst v13;
	v9 =	vadd.f32 v9, v4;
	v12 =	vld [tilespmem:s15+$0xD0]  }
0x324: {  	[tilespmem:s13+$0x0] =	vst v14;
	v13 =	vld [tilespmem:s12+$0xFFFFFF90];
	v10 =	vadd.f32 v10, v3  }
0x325: {  	v11 =	vadd.f32 v11, v3;
	[tilespmem:s13+$0xFFFFFF00] =	vst v9;
	v9 =	vld [tilespmem:s12+$0x10]  }
0x326: {  	v14 =	vld [tilespmem:s12+$0xFFFFFF10];
	[tilespmem:s11+$0xFFFFFF40] =	vst v10;
	v8 =	vadd.f32 v8, v3  }
0x327: {  	[tilespmem:s11+$0xFFFFFFC0] =	vst v11;
	v10 =	vadd.f32 v15, v6;
	v15 =	vld [tilespmem:s15+$0xFFFFFF50]  }
0x328: {  	v11 =	vld [tilespmem:s15+$0xFFFFFFD0];
	[tilespmem:s11+$0x40] =	vst v8;
	v8 =	vadd.f32 v12, v2  }
0x329: {  	v12 =	vadd.f32 v13, v6;
	[tilespmem:s13+$0x90] =	vst v10;
	v10 =	vld [tilespmem:s15+$0x50]  }
0x32a: {  	v9 =	vadd.f32 v9, v6;
	v13 =	vld [tilespmem:s12+$0xA0];
	[tilespmem:s11+$0xD0] =	vst v8  }
0x32b: {  	v8 =	vadd.f32 v14, v6;
	[tilespmem:s13+$0xFFFFFF90] =	vst v12;
	v12 =	vld [tilespmem:s15+$0xE0]  }
0x32c: {  	[tilespmem:s13+$0x10] =	vst v9;
	v14 =	vld [tilespmem:s12+$0xFFFFFFA0];
	v9 =	vadd.f32 v15, v2  }
0x32d: {  	v11 =	vadd.f32 v11, v2;
	[tilespmem:s13+$0xFFFFFF10] =	vst v8;
	v8 =	vld [tilespmem:s12+$0x20]  }
0x32e: {  	v15 =	vld [tilespmem:s12+$0xFFFFFF20];
	[tilespmem:s11+$0xFFFFFF50] =	vst v9;
	v9 =	vadd.f32 v10, v2  }
0x32f: {  	[tilespmem:s11+$0xFFFFFFD0] =	vst v11;
	v10 =	vadd.f32 v13, v7;
	v13 =	vld [tilespmem:s15+$0xFFFFFF60]  }
0x330: {  	v11 =	vld [tilespmem:s15+$0xFFFFFFE0];
	[tilespmem:s11+$0x50] =	vst v9;
	v9 =	vadd.f32 v12, v1  }
0x331: {  	v12 =	vadd.f32 v14, v7;
	[tilespmem:s13+$0xA0] =	vst v10;
	v10 =	vld [tilespmem:s15+$0x60]  }
0x332: {  	v8 =	vadd.f32 v8, v7;
	v14 =	vld [tilespmem:s12+$0xB0];
	[tilespmem:s11+$0xE0] =	vst v9  }
0x333: {  	v9 =	vadd.f32 v15, v7;
	[tilespmem:s13+$0xFFFFFFA0] =	vst v12;
	v15 =	vld [tilespmem:s15+$0xF0]  }
0x334: {  	v16 =	vld [tilespmem:s12+$0xFFFFFFB0];
	[tilespmem:s13+$0x20] =	vst v8;
	v8 =	vadd.f32 v13, v1  }
0x335: {  	v11 =	vadd.f32 v11, v1;
	[tilespmem:s13+$0xFFFFFF20] =	vst v9;
	v12 =	vld [tilespmem:s12+$0x30]  }
0x336: {  	v13 =	vld [tilespmem:s12+$0xFFFFFF30];
	[tilespmem:s11+$0xFFFFFF60] =	vst v8;
	v10 =	vadd.f32 v10, v1  }
0x337: {  	[tilespmem:s11+$0xFFFFFFE0] =	vst v11;
	v17 =	vadd.f32 v14, v5;
	v9 =	vld [tilespmem:s15+$0xFFFFFF70]  }
0x338: {  	v8 =	vld [tilespmem:s15+$0xFFFFFFF0];
	[tilespmem:s11+$0x60] =	vst v10;
	v11 =	vadd.f32 v15, v0  }
0x339: {  	s14 =	simm.s32 $0x4;
	s6 =	simm.s32 $0x7D00;
	v14 =	vadd.f32 v16, v5;
	[tilespmem:s13+$0xB0] =	vst v17;
	v10 =	vld [tilespmem:s15+$0x70]  }
.LBB2_13:
0x33a: {  	v15 =	vld [tilespmem:s6+$0x80];
	v12 =	vadd.f32 v12, v5;
	[tilespmem:s11+$0xF0] =	vst v11  }
0x33b: {  	s14 =	sadd.s32 $0x4, s14;
	v11 =	vadd.f32 v13, v5;
	[tilespmem:s13+$0xFFFFFFB0] =	vst v14;
	v13 =	vld [tilespmem:s12+$0xC0]  }
0x33c: {  	p0 =	slt.u32 s14, $0x7C;
	v14 =	vld [tilespmem:s6+$0xFFFFFF80];
	[tilespmem:s13+$0x30] =	vst v12;
	v9 =	vadd.f32 v9, v0  }
0x33d: {  	v12 =	vld [tilespmem:s6+$0x0];
	[tilespmem:s13+$0xFFFFFF30] =	vst v11;
	v8 =	vadd.f32 v8, v0  }
0x33e: {  	v11 =	vld [tilespmem:s6+$0xFFFFFF00];
	[tilespmem:s11+$0xFFFFFF70] =	vst v9;
	v9 =	vadd.f32 v10, v0  }
0x33f: {  	v10 =	vadd.f32 v15, v4;
	v15 =	vld [tilespmem:s12+$0xFFFFFF40];
	[tilespmem:s11+$0xFFFFFFF0] =	vst v8  }
0x340: {  	v8 =	vld [tilespmem:s12+$0xFFFFFFC0];
	v13 =	vadd.f32 v13, v3;
	[tilespmem:s11+$0x70] =	vst v9;
	s11 =	smov.u32 s13;
	s13 =	sadd.s32 $0x200, s13  }
0x341: {  	v9 =	vadd.f32 v14, v4;
	[tilespmem:s13+$0x80] =	vst v10;
	v10 =	vld [tilespmem:s12+$0x40]  }
0x342: {  	v12 =	vadd.f32 v12, v4;
	v14 =	vld [tilespmem:s6+$0x90];
	[tilespmem:s11+$0xC0] =	vst v13  }
0x343: {  	v11 =	vadd.f32 v11, v4;
	[tilespmem:s13+$0xFFFFFF80] =	vst v9;
	v9 =	vld [tilespmem:s12+$0xD0]  }
0x344: {  	v13 =	vld [tilespmem:s6+$0xFFFFFF90];
	[tilespmem:s13+$0x0] =	vst v12;
	v12 =	vadd.f32 v15, v3  }
0x345: {  	[tilespmem:s13+$0xFFFFFF00] =	vst v11;
	v11 =	vld [tilespmem:s6+$0x10];
	v8 =	vadd.f32 v8, v3  }
0x346: {  	v15 =	vld [tilespmem:s6+$0xFFFFFF10];
	[tilespmem:s11+$0xFFFFFF40] =	vst v12;
	v10 =	vadd.f32 v10, v3  }
0x347: {  	v12 =	vadd.f32 v14, v6;
	v14 =	vld [tilespmem:s12+$0xFFFFFF50];
	[tilespmem:s11+$0xFFFFFFC0] =	vst v8  }
0x348: {  	v8 =	vld [tilespmem:s12+$0xFFFFFFD0];
	[tilespmem:s11+$0x40] =	vst v10;
	v9 =	vadd.f32 v9, v2  }
0x349: {  	v10 =	vadd.f32 v13, v6;
	[tilespmem:s13+$0x90] =	vst v12;
	v12 =	vld [tilespmem:s12+$0x50]  }
0x34a: {  	v11 =	vadd.f32 v11, v6;
	v13 =	vld [tilespmem:s6+$0xA0];
	[tilespmem:s11+$0xD0] =	vst v9  }
0x34b: {  	v9 =	vadd.f32 v15, v6;
	[tilespmem:s13+$0xFFFFFF90] =	vst v10;
	v10 =	vld [tilespmem:s12+$0xE0]  }
0x34c: {  	v15 =	vld [tilespmem:s6+$0xFFFFFFA0];
	[tilespmem:s13+$0x10] =	vst v11;
	v11 =	vadd.f32 v14, v2  }
0x34d: {  	[tilespmem:s13+$0xFFFFFF10] =	vst v9;
	v9 =	vld [tilespmem:s6+$0x20];
	v8 =	vadd.f32 v8, v2  }
0x34e: {  	v14 =	vld [tilespmem:s6+$0xFFFFFF20];
	[tilespmem:s11+$0xFFFFFF50] =	vst v11;
	v11 =	vadd.f32 v12, v2  }
0x34f: {  	v12 =	vadd.f32 v13, v7;
	v13 =	vld [tilespmem:s12+$0xFFFFFF60];
	[tilespmem:s11+$0xFFFFFFD0] =	vst v8  }
0x350: {  	v8 =	vld [tilespmem:s12+$0xFFFFFFE0];
	[tilespmem:s11+$0x50] =	vst v11;
	v10 =	vadd.f32 v10, v1  }
0x351: {  	v11 =	vadd.f32 v15, v7;
	[tilespmem:s13+$0xA0] =	vst v12;
	v15 =	vld [tilespmem:s12+$0x60]  }
0x352: {  	v9 =	vadd.f32 v9, v7;
	v16 =	vld [tilespmem:s6+$0xB0];
	[tilespmem:s11+$0xE0] =	vst v10  }
0x353: {  	v10 =	vadd.f32 v14, v7;
	[tilespmem:s13+$0xFFFFFFA0] =	vst v11;
	v11 =	vld [tilespmem:s12+$0xF0]  }
0x354: {  	v14 =	vld [tilespmem:s6+$0xFFFFFFB0];
	[tilespmem:s13+$0x20] =	vst v9;
	v9 =	vadd.f32 v13, v1  }
.Ltmp5:
0x355: {  	[tilespmem:s13+$0xFFFFFF20] =	vst v10;
	v12 =	vld [tilespmem:s6+$0x30];
	v8 =	vadd.f32 v8, v1;
	(pc) =	sbr.rel @p0 .LBB2_13-.Ltmp5, $4  }
0x356: {  	v13 =	vld [tilespmem:s6+$0xFFFFFF30];
	[tilespmem:s11+$0xFFFFFF60] =	vst v9;
	v10 =	vadd.f32 v15, v1  }
0x357: {  	v15 =	vadd.f32 v16, v5;
	v9 =	vld [tilespmem:s12+$0xFFFFFF70];
	[tilespmem:s11+$0xFFFFFFE0] =	vst v8  }
0x358: {  	v8 =	vld [tilespmem:s12+$0xFFFFFFF0];
	[tilespmem:s11+$0x60] =	vst v10;
	v11 =	vadd.f32 v11, v0  }
0x359: {  	v14 =	vadd.f32 v14, v5;
	[tilespmem:s13+$0xB0] =	vst v15;
	v10 =	vld [tilespmem:s12+$0x70];
	s12 =	smov.u32 s6;
	s6 =	sadd.s32 $0x200, s6  }
0x35a: {  	v48 =	vadd.f32 v12, v5  }
0x35b: {  	v6 =	vld [tilespmem:s12+$0xC0];
	v4 =	vadd.f32 v13, v5;
	[tilespmem:s13+$0xFFFFFFB0] =	vst v14  }
0x35c: {  	[tilespmem:s13+$0x30] =	vst v48;
	v49 =	vld [tilespmem:s12+$0xFFFFFFC0]  }
0x35d: {  	[tilespmem:s13+$0xFFFFFF30] =	vst v4;
	v7 =	vld [tilespmem:s12+$0x40]  }
0x35e: {  	v4 =	vld [tilespmem:s12+$0xFFFFFF40];
	_ =	sdelay $0x1  }
0x35f: {  	v6 =	vadd.f32 v6, v3  }
0x360: {  	v5 =	vadd.f32 v49, v3  }
0x361: {  	[tilespmem:s13+$0xC0] =	vst v6;
	v50 =	vadd.f32 v7, v3  }
0x362: {  	v6 =	vld [tilespmem:s12+$0xD0];
	v4 =	vadd.f32 v4, v3;
	[tilespmem:s13+$0xFFFFFFC0] =	vst v5  }
0x363: {  	v5 =	vld [tilespmem:s12+$0xFFFFFFD0];
	[tilespmem:s13+$0x40] =	vst v50  }
0x364: {  	[tilespmem:s13+$0xFFFFFF40] =	vst v4;
	v3 =	vld [tilespmem:s12+$0x50]  }
0x365: {  	v4 =	vld [tilespmem:s12+$0xFFFFFF50];
	_ =	sdelay $0x1  }
0x366: {  	v6 =	vadd.f32 v6, v2  }
0x367: {  	v5 =	vadd.f32 v5, v2  }
0x368: {  	[tilespmem:s13+$0xD0] =	vst v6;
	v51 =	vadd.f32 v3, v2  }
0x369: {  	v6 =	vld [tilespmem:s12+$0xE0];
	v4 =	vadd.f32 v4, v2;
	[tilespmem:s13+$0xFFFFFFD0] =	vst v5  }
0x36a: {  	v53 =	vld [tilespmem:s12+$0xFFFFFFE0];
	[tilespmem:s13+$0x50] =	vst v51  }
0x36b: {  	[tilespmem:s13+$0xFFFFFF50] =	vst v4;
	v2 =	vld [tilespmem:s12+$0x60]  }
0x36c: {  	v52 =	vld [tilespmem:s12+$0xFFFFFF60];
	_ =	sdelay $0x1  }
0x36d: {  	v54 =	vadd.f32 v6, v1  }
0x36e: {  	v4 =	vadd.f32 v53, v1  }
0x36f: {  	[tilespmem:s13+$0xE0] =	vst v54;
	v55 =	vadd.f32 v2, v1  }
0x370: {  	v5 =	vld [tilespmem:s12+$0xF0];
	v3 =	vadd.f32 v52, v1;
	[tilespmem:s13+$0xFFFFFFE0] =	vst v4  }
0x371: {  	v4 =	vld [tilespmem:s12+$0xFFFFFFF0];
	[tilespmem:s13+$0x60] =	vst v55  }
0x372: {  	v57 =	vadd.f32 v9, v0;
	[tilespmem:s13+$0xFFFFFF60] =	vst v3;
	v59 =	vld [tilespmem:s12+$0x70]  }
0x373: {  	[tilespmem:s11+$0xF0] =	vst v11;
	v58 =	vadd.f32 v8, v0;
	v56 =	vld [tilespmem:s12+$0xFFFFFF70]  }
0x374: {  	[tilespmem:s11+$0xFFFFFF70] =	vst v57;
	v60 =	vadd.f32 v10, v0  }
0x375: {  	[tilespmem:s11+$0xFFFFFFF0] =	vst v58;
	v61 =	vadd.f32 v5, v0  }
0x376: {  	[tilespmem:s11+$0x70] =	vst v60;
	v62 =	vadd.f32 v4, v0  }
0x377: {  	s5 =	sshll.u32 s5, $0x13;
	s16 =	sadd.s32 $0x1, s16;
	[tilespmem:s13+$0xF0] =	vst v61;
	v63 =	vadd.f32 v59, v0  }
0x378: {  	s5 =	sor.u32 s9, s5;
	p0 =	sne.s32 s16, $0xB;
	v2 =	vadd.f32 v56, v0;
	[tilespmem:s13+$0xFFFFFFF0] =	vst v62  }
.Ltmp6:
0x379: {  	s5 =	sshrl.u32 s5, $0x3;
	[tilespmem:s13+$0x70] =	vst v63;
	(pc) =	sbr.rel @p0 .LBB2_6-.Ltmp6, $4  }
0x37a: {  	s5 =	sadd.s32 s2, s5;
	[tilespmem:s13+$0xFFFFFF70] =	vst v2  }
0x37b: {  	[hbm4b:s5+s4] =	stream.linear.scatter [tilespmem:s25], [sflag:$0x6], $0x4000, $0x38;
	[tilespmem:$0x1B800] =	vst v63  }
0x37c: {  	s21 =	sadd.s32 $0x2080, s10  }
0x37d: {  	[tilespmem:s26], [sflag:$0x2] =	stream.indirect.gather [hbm4b:s1+s23], $0x80, s21, s23, $0xb8;
	[tilespmem:$0x1B800] =	vst v63  }
0x37e: {  	_ =	swait.ge [sflag:s30], $0x4000  }
0x37f: {  	[sflag:s30] =	ssyncset.done $0x0  }
0x380: {  	[sflag:s30] =	ssyncadd.s32 $0xFFFFC000  }
0x381: {  	_ =	swait.ge [sflag:s0], $0x4000  }
0x382: {  	[sflag:s0] =	ssyncset.done $0x0  }
0x383: {  	[sflag:s0] =	ssyncadd.s32 $0xFFFFC000  }
0x384: {  	v4 =	vld [tilespmem:$0x1700]  }
0x385: {  	v6 =	vld [tilespmem:$0x1710]  }
0x386: {  	v7 =	vld [tilespmem:$0x1720]  }
0x387: {  	s13 =	simm.s32 $0xB900;
	v5 =	vld [tilespmem:$0x1730]  }
0x388: {  	v8 =	vld [tilespmem:s13+$0x80]  }
0x389: {  	v3 =	vld [tilespmem:$0x1740]  }
0x38a: {  	v2 =	vld [tilespmem:$0x1750]  }
0x38b: {  	v1 =	vld [tilespmem:$0x1760]  }
0x38c: {  	v9 =	vld [tilespmem:s13+$0xFFFFFF00]  }
0x38d: {  	v10 =	vld [tilespmem:s13+$0xFFFFFF80];
	v8 =	vadd.f32 v8, v4  }
0x38e: {  	s5 =	simm.s32 $0x13900;
	v11 =	vld [tilespmem:s13+$0x0]  }
0x38f: {  	v0 =	vld [tilespmem:$0x1770];
	[tilespmem:s5+$0x80] =	vst v8  }
0x390: {  	v8 =	vld [tilespmem:s13+$0x90]  }
0x391: {  	v9 =	vadd.f32 v9, v4  }
0x392: {  	v10 =	vadd.f32 v10, v4  }
0x393: {  	v11 =	vadd.f32 v11, v4;
	[tilespmem:s5+$0xFFFFFF00] =	vst v9  }
0x394: {  	[tilespmem:s5+$0xFFFFFF80] =	vst v10;
	v9 =	vld [tilespmem:s13+$0xFFFFFF10]  }
0x395: {  	[tilespmem:s5+$0x0] =	vst v11;
	v10 =	vld [tilespmem:s13+$0xFFFFFF90];
	v8 =	vadd.f32 v8, v6  }
0x396: {  	v11 =	vld [tilespmem:s13+$0x10]  }
0x397: {  	[tilespmem:s5+$0x90] =	vst v8  }
0x398: {  	v8 =	vld [tilespmem:s13+$0xA0]  }
0x399: {  	v9 =	vadd.f32 v9, v6  }
0x39a: {  	v10 =	vadd.f32 v10, v6  }
0x39b: {  	v11 =	vadd.f32 v11, v6;
	[tilespmem:s5+$0xFFFFFF10] =	vst v9  }
0x39c: {  	[tilespmem:s5+$0xFFFFFF90] =	vst v10;
	v9 =	vld [tilespmem:s13+$0xFFFFFF20]  }
0x39d: {  	[tilespmem:s5+$0x10] =	vst v11;
	v10 =	vld [tilespmem:s13+$0xFFFFFFA0];
	v8 =	vadd.f32 v8, v7  }
0x39e: {  	v11 =	vld [tilespmem:s13+$0x20]  }
0x39f: {  	[tilespmem:s5+$0xA0] =	vst v8  }
0x3a0: {  	v8 =	vld [tilespmem:s13+$0xB0]  }
0x3a1: {  	v9 =	vadd.f32 v9, v7  }
0x3a2: {  	v10 =	vadd.f32 v10, v7  }
0x3a3: {  	v11 =	vadd.f32 v11, v7;
	[tilespmem:s5+$0xFFFFFF20] =	vst v9  }
0x3a4: {  	[tilespmem:s5+$0xFFFFFFA0] =	vst v10;
	v9 =	vld [tilespmem:s13+$0xFFFFFF30]  }
0x3a5: {  	[tilespmem:s5+$0x20] =	vst v11;
	v10 =	vld [tilespmem:s13+$0xFFFFFFB0];
	v8 =	vadd.f32 v8, v5  }
0x3a6: {  	s10 =	simm.s32 $0xBB00;
	v11 =	vld [tilespmem:s13+$0x30]  }
0x3a7: {  	[tilespmem:s5+$0xB0] =	vst v8;
	v8 =	vld [tilespmem:s10+$0x80]  }
0x3a8: {  	v12 =	vld [tilespmem:s13+$0xC0]  }
0x3a9: {  	v13 =	vld [tilespmem:s10+$0xFFFFFF80];
	v9 =	vadd.f32 v9, v5  }
0x3aa: {  	v14 =	vld [tilespmem:s10+$0x0];
	v10 =	vadd.f32 v10, v5  }
0x3ab: {  	v11 =	vadd.f32 v11, v5;
	[tilespmem:s5+$0xFFFFFF30] =	vst v9;
	v9 =	vld [tilespmem:s10+$0xFFFFFF00]  }
0x3ac: {  	[tilespmem:s5+$0xFFFFFFB0] =	vst v10;
	v10 =	vld [tilespmem:s13+$0xFFFFFF40];
	v8 =	vadd.f32 v8, v4  }
0x3ad: {  	s11 =	simm.s32 $0x13B00;
	[tilespmem:s5+$0x30] =	vst v11;
	v11 =	vld [tilespmem:s13+$0xFFFFFFC0];
	v12 =	vadd.f32 v12, v3  }
0x3ae: {  	v13 =	vadd.f32 v13, v4;
	[tilespmem:s11+$0x80] =	vst v8;
	v8 =	vld [tilespmem:s13+$0x40]  }
0x3af: {  	v14 =	vadd.f32 v14, v4;
	v15 =	vld [tilespmem:s10+$0x90];
	[tilespmem:s5+$0xC0] =	vst v12  }
0x3b0: {  	[tilespmem:s11+$0xFFFFFF80] =	vst v13;
	v9 =	vadd.f32 v9, v4;
	v12 =	vld [tilespmem:s13+$0xD0]  }
0x3b1: {  	[tilespmem:s11+$0x0] =	vst v14;
	v13 =	vld [tilespmem:s10+$0xFFFFFF90];
	v10 =	vadd.f32 v10, v3  }
0x3b2: {  	v11 =	vadd.f32 v11, v3;
	[tilespmem:s11+$0xFFFFFF00] =	vst v9;
	v9 =	vld [tilespmem:s10+$0x10]  }
0x3b3: {  	v14 =	vld [tilespmem:s10+$0xFFFFFF10];
	[tilespmem:s5+$0xFFFFFF40] =	vst v10;
	v8 =	vadd.f32 v8, v3  }
0x3b4: {  	[tilespmem:s5+$0xFFFFFFC0] =	vst v11;
	v10 =	vadd.f32 v15, v6;
	v15 =	vld [tilespmem:s13+$0xFFFFFF50]  }
0x3b5: {  	v11 =	vld [tilespmem:s13+$0xFFFFFFD0];
	[tilespmem:s5+$0x40] =	vst v8;
	v8 =	vadd.f32 v12, v2  }
0x3b6: {  	v12 =	vadd.f32 v13, v6;
	[tilespmem:s11+$0x90] =	vst v10;
	v10 =	vld [tilespmem:s13+$0x50]  }
0x3b7: {  	v9 =	vadd.f32 v9, v6;
	v13 =	vld [tilespmem:s10+$0xA0];
	[tilespmem:s5+$0xD0] =	vst v8  }
0x3b8: {  	v8 =	vadd.f32 v14, v6;
	[tilespmem:s11+$0xFFFFFF90] =	vst v12;
	v12 =	vld [tilespmem:s13+$0xE0]  }
0x3b9: {  	[tilespmem:s11+$0x10] =	vst v9;
	v14 =	vld [tilespmem:s10+$0xFFFFFFA0];
	v9 =	vadd.f32 v15, v2  }
0x3ba: {  	v11 =	vadd.f32 v11, v2;
	[tilespmem:s11+$0xFFFFFF10] =	vst v8;
	v8 =	vld [tilespmem:s10+$0x20]  }
0x3bb: {  	v15 =	vld [tilespmem:s10+$0xFFFFFF20];
	[tilespmem:s5+$0xFFFFFF50] =	vst v9;
	v9 =	vadd.f32 v10, v2  }
0x3bc: {  	[tilespmem:s5+$0xFFFFFFD0] =	vst v11;
	v10 =	vadd.f32 v13, v7;
	v13 =	vld [tilespmem:s13+$0xFFFFFF60]  }
0x3bd: {  	v11 =	vld [tilespmem:s13+$0xFFFFFFE0];
	[tilespmem:s5+$0x50] =	vst v9;
	v9 =	vadd.f32 v12, v1  }
0x3be: {  	v12 =	vadd.f32 v14, v7;
	[tilespmem:s11+$0xA0] =	vst v10;
	v10 =	vld [tilespmem:s13+$0x60]  }
0x3bf: {  	v8 =	vadd.f32 v8, v7;
	v14 =	vld [tilespmem:s10+$0xB0];
	[tilespmem:s5+$0xE0] =	vst v9  }
0x3c0: {  	v9 =	vadd.f32 v15, v7;
	[tilespmem:s11+$0xFFFFFFA0] =	vst v12;
	v15 =	vld [tilespmem:s13+$0xF0]  }
0x3c1: {  	v16 =	vld [tilespmem:s10+$0xFFFFFFB0];
	[tilespmem:s11+$0x20] =	vst v8;
	v8 =	vadd.f32 v13, v1  }
0x3c2: {  	v11 =	vadd.f32 v11, v1;
	[tilespmem:s11+$0xFFFFFF20] =	vst v9;
	v12 =	vld [tilespmem:s10+$0x30]  }
0x3c3: {  	v13 =	vld [tilespmem:s10+$0xFFFFFF30];
	[tilespmem:s5+$0xFFFFFF60] =	vst v8;
	v10 =	vadd.f32 v10, v1  }
0x3c4: {  	[tilespmem:s5+$0xFFFFFFE0] =	vst v11;
	v17 =	vadd.f32 v14, v5;
	v9 =	vld [tilespmem:s13+$0xFFFFFF70]  }
0x3c5: {  	v8 =	vld [tilespmem:s13+$0xFFFFFFF0];
	[tilespmem:s5+$0x60] =	vst v10;
	v11 =	vadd.f32 v15, v0  }
0x3c6: {  	s12 =	simm.s32 $0x4;
	s6 =	simm.s32 $0xBD00;
	v14 =	vadd.f32 v16, v5;
	[tilespmem:s11+$0xB0] =	vst v17;
	v10 =	vld [tilespmem:s13+$0x70]  }
.LBB2_16:
0x3c7: {  	v15 =	vld [tilespmem:s6+$0x80];
	v12 =	vadd.f32 v12, v5;
	[tilespmem:s5+$0xF0] =	vst v11  }
0x3c8: {  	s12 =	sadd.s32 $0x4, s12;
	v11 =	vadd.f32 v13, v5;
	[tilespmem:s11+$0xFFFFFFB0] =	vst v14;
	v13 =	vld [tilespmem:s10+$0xC0]  }
0x3c9: {  	p0 =	slt.u32 s12, $0x7C;
	v14 =	vld [tilespmem:s6+$0xFFFFFF80];
	[tilespmem:s11+$0x30] =	vst v12;
	v9 =	vadd.f32 v9, v0  }
0x3ca: {  	v12 =	vld [tilespmem:s6+$0x0];
	[tilespmem:s11+$0xFFFFFF30] =	vst v11;
	v8 =	vadd.f32 v8, v0  }
0x3cb: {  	v11 =	vld [tilespmem:s6+$0xFFFFFF00];
	[tilespmem:s5+$0xFFFFFF70] =	vst v9;
	v9 =	vadd.f32 v10, v0  }
0x3cc: {  	v10 =	vadd.f32 v15, v4;
	v15 =	vld [tilespmem:s10+$0xFFFFFF40];
	[tilespmem:s5+$0xFFFFFFF0] =	vst v8  }
0x3cd: {  	v8 =	vld [tilespmem:s10+$0xFFFFFFC0];
	v13 =	vadd.f32 v13, v3;
	[tilespmem:s5+$0x70] =	vst v9;
	s5 =	smov.u32 s11;
	s11 =	sadd.s32 $0x200, s11  }
0x3ce: {  	v9 =	vadd.f32 v14, v4;
	[tilespmem:s11+$0x80] =	vst v10;
	v10 =	vld [tilespmem:s10+$0x40]  }
0x3cf: {  	v12 =	vadd.f32 v12, v4;
	v14 =	vld [tilespmem:s6+$0x90];
	[tilespmem:s5+$0xC0] =	vst v13  }
0x3d0: {  	v11 =	vadd.f32 v11, v4;
	[tilespmem:s11+$0xFFFFFF80] =	vst v9;
	v9 =	vld [tilespmem:s10+$0xD0]  }
0x3d1: {  	v13 =	vld [tilespmem:s6+$0xFFFFFF90];
	[tilespmem:s11+$0x0] =	vst v12;
	v12 =	vadd.f32 v15, v3  }
0x3d2: {  	[tilespmem:s11+$0xFFFFFF00] =	vst v11;
	v11 =	vld [tilespmem:s6+$0x10];
	v8 =	vadd.f32 v8, v3  }
0x3d3: {  	v15 =	vld [tilespmem:s6+$0xFFFFFF10];
	[tilespmem:s5+$0xFFFFFF40] =	vst v12;
	v10 =	vadd.f32 v10, v3  }
0x3d4: {  	v12 =	vadd.f32 v14, v6;
	v14 =	vld [tilespmem:s10+$0xFFFFFF50];
	[tilespmem:s5+$0xFFFFFFC0] =	vst v8  }
0x3d5: {  	v8 =	vld [tilespmem:s10+$0xFFFFFFD0];
	[tilespmem:s5+$0x40] =	vst v10;
	v9 =	vadd.f32 v9, v2  }
0x3d6: {  	v10 =	vadd.f32 v13, v6;
	[tilespmem:s11+$0x90] =	vst v12;
	v12 =	vld [tilespmem:s10+$0x50]  }
0x3d7: {  	v11 =	vadd.f32 v11, v6;
	v13 =	vld [tilespmem:s6+$0xA0];
	[tilespmem:s5+$0xD0] =	vst v9  }
0x3d8: {  	v9 =	vadd.f32 v15, v6;
	[tilespmem:s11+$0xFFFFFF90] =	vst v10;
	v10 =	vld [tilespmem:s10+$0xE0]  }
0x3d9: {  	v15 =	vld [tilespmem:s6+$0xFFFFFFA0];
	[tilespmem:s11+$0x10] =	vst v11;
	v11 =	vadd.f32 v14, v2  }
0x3da: {  	[tilespmem:s11+$0xFFFFFF10] =	vst v9;
	v9 =	vld [tilespmem:s6+$0x20];
	v8 =	vadd.f32 v8, v2  }
0x3db: {  	v14 =	vld [tilespmem:s6+$0xFFFFFF20];
	[tilespmem:s5+$0xFFFFFF50] =	vst v11;
	v11 =	vadd.f32 v12, v2  }
0x3dc: {  	v12 =	vadd.f32 v13, v7;
	v13 =	vld [tilespmem:s10+$0xFFFFFF60];
	[tilespmem:s5+$0xFFFFFFD0] =	vst v8  }
0x3dd: {  	v8 =	vld [tilespmem:s10+$0xFFFFFFE0];
	[tilespmem:s5+$0x50] =	vst v11;
	v10 =	vadd.f32 v10, v1  }
0x3de: {  	v11 =	vadd.f32 v15, v7;
	[tilespmem:s11+$0xA0] =	vst v12;
	v15 =	vld [tilespmem:s10+$0x60]  }
0x3df: {  	v9 =	vadd.f32 v9, v7;
	v16 =	vld [tilespmem:s6+$0xB0];
	[tilespmem:s5+$0xE0] =	vst v10  }
0x3e0: {  	v10 =	vadd.f32 v14, v7;
	[tilespmem:s11+$0xFFFFFFA0] =	vst v11;
	v11 =	vld [tilespmem:s10+$0xF0]  }
0x3e1: {  	v14 =	vld [tilespmem:s6+$0xFFFFFFB0];
	[tilespmem:s11+$0x20] =	vst v9;
	v9 =	vadd.f32 v13, v1  }
.Ltmp7:
0x3e2: {  	[tilespmem:s11+$0xFFFFFF20] =	vst v10;
	v12 =	vld [tilespmem:s6+$0x30];
	v8 =	vadd.f32 v8, v1;
	(pc) =	sbr.rel @p0 .LBB2_16-.Ltmp7, $4  }
0x3e3: {  	v13 =	vld [tilespmem:s6+$0xFFFFFF30];
	[tilespmem:s5+$0xFFFFFF60] =	vst v9;
	v10 =	vadd.f32 v15, v1  }
0x3e4: {  	v15 =	vadd.f32 v16, v5;
	v9 =	vld [tilespmem:s10+$0xFFFFFF70];
	[tilespmem:s5+$0xFFFFFFE0] =	vst v8  }
0x3e5: {  	v8 =	vld [tilespmem:s10+$0xFFFFFFF0];
	[tilespmem:s5+$0x60] =	vst v10;
	v11 =	vadd.f32 v11, v0  }
0x3e6: {  	v14 =	vadd.f32 v14, v5;
	[tilespmem:s11+$0xB0] =	vst v15;
	v10 =	vld [tilespmem:s10+$0x70];
	s10 =	smov.u32 s6;
	s6 =	sadd.s32 $0x200, s6  }
0x3e7: {  	_ = 	snop  }
0x3e8: {  	v4 =	vadd.f32 v13, v5  }
0x3e9: {  	v6 =	vld [tilespmem:s10+$0xC0];
	v5 =	vadd.f32 v12, v5;
	[tilespmem:s11+$0xFFFFFFB0] =	vst v14  }
0x3ea: {  	[tilespmem:s11+$0xFFFFFF30] =	vst v4  }
0x3eb: {  	[tilespmem:s11+$0x30] =	vst v5;
	v5 =	vld [tilespmem:s10+$0xFFFFFFC0]  }
0x3ec: {  	v4 =	vld [tilespmem:s10+$0xFFFFFF40]  }
0x3ed: {  	v7 =	vld [tilespmem:s10+$0x40]  }
0x3ee: {  	v6 =	vadd.f32 v6, v3;
	_ =	sdelay $0x1  }
0x3ef: {  	[tilespmem:s11+$0xC0] =	vst v6;
	v5 =	vadd.f32 v5, v3  }
0x3f0: {  	v6 =	vld [tilespmem:s10+$0xD0];
	v4 =	vadd.f32 v4, v3  }
0x3f1: {  	v3 =	vadd.f32 v7, v3;
	[tilespmem:s11+$0xFFFFFFC0] =	vst v5  }
0x3f2: {  	[tilespmem:s11+$0xFFFFFF40] =	vst v4;
	v5 =	vld [tilespmem:s10+$0xFFFFFFD0]  }
0x3f3: {  	[tilespmem:s11+$0x40] =	vst v3;
	v4 =	vld [tilespmem:s10+$0xFFFFFF50]  }
0x3f4: {  	v3 =	vld [tilespmem:s10+$0x50]  }
0x3f5: {  	v6 =	vadd.f32 v6, v2;
	_ =	sdelay $0x1  }
0x3f6: {  	[tilespmem:s11+$0xD0] =	vst v6;
	v5 =	vadd.f32 v5, v2  }
0x3f7: {  	v6 =	vld [tilespmem:s10+$0xE0];
	v4 =	vadd.f32 v4, v2  }
0x3f8: {  	v2 =	vadd.f32 v3, v2;
	[tilespmem:s11+$0xFFFFFFD0] =	vst v5  }
0x3f9: {  	[tilespmem:s11+$0xFFFFFF50] =	vst v4;
	v4 =	vld [tilespmem:s10+$0xFFFFFFE0]  }
0x3fa: {  	[tilespmem:s11+$0x50] =	vst v2;
	v3 =	vld [tilespmem:s10+$0xFFFFFF60]  }
0x3fb: {  	v2 =	vld [tilespmem:s10+$0x60]  }
0x3fc: {  	v5 =	vadd.f32 v6, v1;
	_ =	sdelay $0x1  }
0x3fd: {  	[tilespmem:s11+$0xE0] =	vst v5;
	v4 =	vadd.f32 v4, v1  }
0x3fe: {  	v5 =	vld [tilespmem:s10+$0xF0];
	v3 =	vadd.f32 v3, v1  }
0x3ff: {  	v1 =	vadd.f32 v2, v1;
	[tilespmem:s11+$0xFFFFFFE0] =	vst v4  }
0x400: {  	[tilespmem:s11+$0xFFFFFF60] =	vst v3;
	v4 =	vld [tilespmem:s10+$0xFFFFFFF0]  }
0x401: {  	[tilespmem:s11+$0x60] =	vst v1;
	v1 =	vadd.f32 v8, v0;
	v2 =	vld [tilespmem:s10+$0xFFFFFF70]  }
0x402: {  	[tilespmem:s5+$0xF0] =	vst v11;
	v3 =	vadd.f32 v9, v0;
	v6 =	vld [tilespmem:s10+$0x70]  }
0x403: {  	[tilespmem:s5+$0xFFFFFFF0] =	vst v1;
	v1 =	vadd.f32 v5, v0  }
0x404: {  	[tilespmem:s5+$0xFFFFFF70] =	vst v3;
	v3 =	vadd.f32 v10, v0  }
0x405: {  	[tilespmem:s11+$0xF0] =	vst v1;
	v1 =	vadd.f32 v4, v0  }
0x406: {  	[tilespmem:s5+$0x70] =	vst v3;
	v2 =	vadd.f32 v2, v0  }
0x407: {  	v0 =	vadd.f32 v6, v0;
	[tilespmem:s11+$0xFFFFFFF0] =	vst v1  }
0x408: {  	[tilespmem:s11+$0xFFFFFF70] =	vst v2  }
0x409: {  	[tilespmem:s11+$0x70] =	vst v0  }
0x40a: {  	s5 =	rddreg [dreg:$0x8]  }
0x40b: {  	[hbm4b:s5+s4] =	stream.linear.scatter [tilespmem:s19], [sflag:$0x5], $0x4000, $0x38;
	[tilespmem:$0x1B800] =	vst v63  }
0x40c: {  	_ =	swait.ge [sflag:s20], $0x4000  }
0x40d: {  	[sflag:s20] =	ssyncset.done $0x0  }
0x40e: {  	[sflag:s20] =	ssyncadd.s32 $0xFFFFC000  }
0x40f: {  	_ =	swait.ge [sflag:s3], $0x4000  }
0x410: {  	[sflag:s3] =	ssyncset.done $0x0  }
0x411: {  	[sflag:s3] =	ssyncadd.s32 $0xFFFFC000  }
0x412: {  	v4 =	vld [tilespmem:$0x1780]  }
0x413: {  	v6 =	vld [tilespmem:$0x1790]  }
0x414: {  	v7 =	vld [tilespmem:$0x17A0]  }
0x415: {  	s13 =	simm.s32 $0xF900;
	v5 =	vld [tilespmem:$0x17B0]  }
0x416: {  	v8 =	vld [tilespmem:s13+$0x80]  }
0x417: {  	v3 =	vld [tilespmem:$0x17C0]  }
0x418: {  	v2 =	vld [tilespmem:$0x17D0]  }
0x419: {  	v1 =	vld [tilespmem:$0x17E0]  }
0x41a: {  	v9 =	vld [tilespmem:s13+$0xFFFFFF00]  }
0x41b: {  	v10 =	vld [tilespmem:s13+$0xFFFFFF80];
	v8 =	vadd.f32 v8, v4  }
0x41c: {  	s5 =	simm.s32 $0x17900;
	v11 =	vld [tilespmem:s13+$0x0]  }
0x41d: {  	v0 =	vld [tilespmem:$0x17F0];
	[tilespmem:s5+$0x80] =	vst v8  }
0x41e: {  	v8 =	vld [tilespmem:s13+$0x90]  }
0x41f: {  	v9 =	vadd.f32 v9, v4  }
0x420: {  	v10 =	vadd.f32 v10, v4  }
0x421: {  	v11 =	vadd.f32 v11, v4;
	[tilespmem:s5+$0xFFFFFF00] =	vst v9  }
0x422: {  	[tilespmem:s5+$0xFFFFFF80] =	vst v10;
	v9 =	vld [tilespmem:s13+$0xFFFFFF10]  }
0x423: {  	[tilespmem:s5+$0x0] =	vst v11;
	v10 =	vld [tilespmem:s13+$0xFFFFFF90];
	v8 =	vadd.f32 v8, v6  }
0x424: {  	v11 =	vld [tilespmem:s13+$0x10]  }
0x425: {  	[tilespmem:s5+$0x90] =	vst v8  }
0x426: {  	v8 =	vld [tilespmem:s13+$0xA0]  }
0x427: {  	v9 =	vadd.f32 v9, v6  }
0x428: {  	v10 =	vadd.f32 v10, v6  }
0x429: {  	v11 =	vadd.f32 v11, v6;
	[tilespmem:s5+$0xFFFFFF10] =	vst v9  }
0x42a: {  	[tilespmem:s5+$0xFFFFFF90] =	vst v10;
	v9 =	vld [tilespmem:s13+$0xFFFFFF20]  }
0x42b: {  	[tilespmem:s5+$0x10] =	vst v11;
	v10 =	vld [tilespmem:s13+$0xFFFFFFA0];
	v8 =	vadd.f32 v8, v7  }
0x42c: {  	v11 =	vld [tilespmem:s13+$0x20]  }
0x42d: {  	[tilespmem:s5+$0xA0] =	vst v8  }
0x42e: {  	v8 =	vld [tilespmem:s13+$0xB0]  }
0x42f: {  	v9 =	vadd.f32 v9, v7  }
0x430: {  	v10 =	vadd.f32 v10, v7  }
0x431: {  	v11 =	vadd.f32 v11, v7;
	[tilespmem:s5+$0xFFFFFF20] =	vst v9  }
0x432: {  	[tilespmem:s5+$0xFFFFFFA0] =	vst v10;
	v9 =	vld [tilespmem:s13+$0xFFFFFF30]  }
0x433: {  	[tilespmem:s5+$0x20] =	vst v11;
	v10 =	vld [tilespmem:s13+$0xFFFFFFB0];
	v8 =	vadd.f32 v8, v5  }
0x434: {  	s10 =	simm.s32 $0xFB00;
	v11 =	vld [tilespmem:s13+$0x30]  }
0x435: {  	[tilespmem:s5+$0xB0] =	vst v8;
	v8 =	vld [tilespmem:s10+$0x80]  }
0x436: {  	v12 =	vld [tilespmem:s13+$0xC0]  }
0x437: {  	v13 =	vld [tilespmem:s10+$0xFFFFFF80];
	v9 =	vadd.f32 v9, v5  }
0x438: {  	v14 =	vld [tilespmem:s10+$0x0];
	v10 =	vadd.f32 v10, v5  }
0x439: {  	v11 =	vadd.f32 v11, v5;
	[tilespmem:s5+$0xFFFFFF30] =	vst v9;
	v9 =	vld [tilespmem:s10+$0xFFFFFF00]  }
0x43a: {  	[tilespmem:s5+$0xFFFFFFB0] =	vst v10;
	v10 =	vld [tilespmem:s13+$0xFFFFFF40];
	v8 =	vadd.f32 v8, v4  }
0x43b: {  	s11 =	simm.s32 $0x17B00;
	[tilespmem:s5+$0x30] =	vst v11;
	v11 =	vld [tilespmem:s13+$0xFFFFFFC0];
	v12 =	vadd.f32 v12, v3  }
0x43c: {  	v13 =	vadd.f32 v13, v4;
	[tilespmem:s11+$0x80] =	vst v8;
	v8 =	vld [tilespmem:s13+$0x40]  }
0x43d: {  	v14 =	vadd.f32 v14, v4;
	v15 =	vld [tilespmem:s10+$0x90];
	[tilespmem:s5+$0xC0] =	vst v12  }
0x43e: {  	[tilespmem:s11+$0xFFFFFF80] =	vst v13;
	v9 =	vadd.f32 v9, v4;
	v12 =	vld [tilespmem:s13+$0xD0]  }
0x43f: {  	[tilespmem:s11+$0x0] =	vst v14;
	v13 =	vld [tilespmem:s10+$0xFFFFFF90];
	v10 =	vadd.f32 v10, v3  }
0x440: {  	v11 =	vadd.f32 v11, v3;
	[tilespmem:s11+$0xFFFFFF00] =	vst v9;
	v9 =	vld [tilespmem:s10+$0x10]  }
0x441: {  	v14 =	vld [tilespmem:s10+$0xFFFFFF10];
	[tilespmem:s5+$0xFFFFFF40] =	vst v10;
	v8 =	vadd.f32 v8, v3  }
0x442: {  	[tilespmem:s5+$0xFFFFFFC0] =	vst v11;
	v10 =	vadd.f32 v15, v6;
	v15 =	vld [tilespmem:s13+$0xFFFFFF50]  }
0x443: {  	v11 =	vld [tilespmem:s13+$0xFFFFFFD0];
	[tilespmem:s5+$0x40] =	vst v8;
	v8 =	vadd.f32 v12, v2  }
0x444: {  	v12 =	vadd.f32 v13, v6;
	[tilespmem:s11+$0x90] =	vst v10;
	v10 =	vld [tilespmem:s13+$0x50]  }
0x445: {  	v9 =	vadd.f32 v9, v6;
	v13 =	vld [tilespmem:s10+$0xA0];
	[tilespmem:s5+$0xD0] =	vst v8  }
0x446: {  	v8 =	vadd.f32 v14, v6;
	[tilespmem:s11+$0xFFFFFF90] =	vst v12;
	v12 =	vld [tilespmem:s13+$0xE0]  }
0x447: {  	[tilespmem:s11+$0x10] =	vst v9;
	v14 =	vld [tilespmem:s10+$0xFFFFFFA0];
	v9 =	vadd.f32 v15, v2  }
0x448: {  	v11 =	vadd.f32 v11, v2;
	[tilespmem:s11+$0xFFFFFF10] =	vst v8;
	v8 =	vld [tilespmem:s10+$0x20]  }
0x449: {  	v15 =	vld [tilespmem:s10+$0xFFFFFF20];
	[tilespmem:s5+$0xFFFFFF50] =	vst v9;
	v9 =	vadd.f32 v10, v2  }
0x44a: {  	[tilespmem:s5+$0xFFFFFFD0] =	vst v11;
	v10 =	vadd.f32 v13, v7;
	v13 =	vld [tilespmem:s13+$0xFFFFFF60]  }
0x44b: {  	v11 =	vld [tilespmem:s13+$0xFFFFFFE0];
	[tilespmem:s5+$0x50] =	vst v9;
	v9 =	vadd.f32 v12, v1  }
0x44c: {  	v12 =	vadd.f32 v14, v7;
	[tilespmem:s11+$0xA0] =	vst v10;
	v10 =	vld [tilespmem:s13+$0x60]  }
0x44d: {  	v8 =	vadd.f32 v8, v7;
	v14 =	vld [tilespmem:s10+$0xB0];
	[tilespmem:s5+$0xE0] =	vst v9  }
0x44e: {  	v9 =	vadd.f32 v15, v7;
	[tilespmem:s11+$0xFFFFFFA0] =	vst v12;
	v15 =	vld [tilespmem:s13+$0xF0]  }
0x44f: {  	v16 =	vld [tilespmem:s10+$0xFFFFFFB0];
	[tilespmem:s11+$0x20] =	vst v8;
	v8 =	vadd.f32 v13, v1  }
0x450: {  	v11 =	vadd.f32 v11, v1;
	[tilespmem:s11+$0xFFFFFF20] =	vst v9;
	v12 =	vld [tilespmem:s10+$0x30]  }
0x451: {  	v13 =	vld [tilespmem:s10+$0xFFFFFF30];
	[tilespmem:s5+$0xFFFFFF60] =	vst v8;
	v10 =	vadd.f32 v10, v1  }
0x452: {  	[tilespmem:s5+$0xFFFFFFE0] =	vst v11;
	v17 =	vadd.f32 v14, v5;
	v9 =	vld [tilespmem:s13+$0xFFFFFF70]  }
0x453: {  	v8 =	vld [tilespmem:s13+$0xFFFFFFF0];
	[tilespmem:s5+$0x60] =	vst v10;
	v11 =	vadd.f32 v15, v0  }
0x454: {  	s12 =	simm.s32 $0x4;
	s6 =	simm.s32 $0xFD00;
	v14 =	vadd.f32 v16, v5;
	[tilespmem:s11+$0xB0] =	vst v17;
	v10 =	vld [tilespmem:s13+$0x70]  }
.LBB2_18:
0x455: {  	v15 =	vld [tilespmem:s6+$0x80];
	v12 =	vadd.f32 v12, v5;
	[tilespmem:s5+$0xF0] =	vst v11  }
0x456: {  	s12 =	sadd.s32 $0x4, s12;
	v11 =	vadd.f32 v13, v5;
	[tilespmem:s11+$0xFFFFFFB0] =	vst v14;
	v13 =	vld [tilespmem:s10+$0xC0]  }
0x457: {  	p0 =	slt.u32 s12, $0x7C;
	v14 =	vld [tilespmem:s6+$0xFFFFFF80];
	[tilespmem:s11+$0x30] =	vst v12;
	v9 =	vadd.f32 v9, v0  }
0x458: {  	v12 =	vld [tilespmem:s6+$0x0];
	[tilespmem:s11+$0xFFFFFF30] =	vst v11;
	v8 =	vadd.f32 v8, v0  }
0x459: {  	v11 =	vld [tilespmem:s6+$0xFFFFFF00];
	[tilespmem:s5+$0xFFFFFF70] =	vst v9;
	v9 =	vadd.f32 v10, v0  }
0x45a: {  	v10 =	vadd.f32 v15, v4;
	v15 =	vld [tilespmem:s10+$0xFFFFFF40];
	[tilespmem:s5+$0xFFFFFFF0] =	vst v8  }
0x45b: {  	v8 =	vld [tilespmem:s10+$0xFFFFFFC0];
	v13 =	vadd.f32 v13, v3;
	[tilespmem:s5+$0x70] =	vst v9;
	s5 =	smov.u32 s11;
	s11 =	sadd.s32 $0x200, s11  }
0x45c: {  	v9 =	vadd.f32 v14, v4;
	[tilespmem:s11+$0x80] =	vst v10;
	v10 =	vld [tilespmem:s10+$0x40]  }
0x45d: {  	v12 =	vadd.f32 v12, v4;
	v14 =	vld [tilespmem:s6+$0x90];
	[tilespmem:s5+$0xC0] =	vst v13  }
0x45e: {  	v11 =	vadd.f32 v11, v4;
	[tilespmem:s11+$0xFFFFFF80] =	vst v9;
	v9 =	vld [tilespmem:s10+$0xD0]  }
0x45f: {  	v13 =	vld [tilespmem:s6+$0xFFFFFF90];
	[tilespmem:s11+$0x0] =	vst v12;
	v12 =	vadd.f32 v15, v3  }
0x460: {  	[tilespmem:s11+$0xFFFFFF00] =	vst v11;
	v11 =	vld [tilespmem:s6+$0x10];
	v8 =	vadd.f32 v8, v3  }
0x461: {  	v15 =	vld [tilespmem:s6+$0xFFFFFF10];
	[tilespmem:s5+$0xFFFFFF40] =	vst v12;
	v10 =	vadd.f32 v10, v3  }
0x462: {  	v12 =	vadd.f32 v14, v6;
	v14 =	vld [tilespmem:s10+$0xFFFFFF50];
	[tilespmem:s5+$0xFFFFFFC0] =	vst v8  }
0x463: {  	v8 =	vld [tilespmem:s10+$0xFFFFFFD0];
	[tilespmem:s5+$0x40] =	vst v10;
	v9 =	vadd.f32 v9, v2  }
0x464: {  	v10 =	vadd.f32 v13, v6;
	[tilespmem:s11+$0x90] =	vst v12;
	v12 =	vld [tilespmem:s10+$0x50]  }
0x465: {  	v11 =	vadd.f32 v11, v6;
	v13 =	vld [tilespmem:s6+$0xA0];
	[tilespmem:s5+$0xD0] =	vst v9  }
0x466: {  	v9 =	vadd.f32 v15, v6;
	[tilespmem:s11+$0xFFFFFF90] =	vst v10;
	v10 =	vld [tilespmem:s10+$0xE0]  }
0x467: {  	v15 =	vld [tilespmem:s6+$0xFFFFFFA0];
	[tilespmem:s11+$0x10] =	vst v11;
	v11 =	vadd.f32 v14, v2  }
0x468: {  	[tilespmem:s11+$0xFFFFFF10] =	vst v9;
	v9 =	vld [tilespmem:s6+$0x20];
	v8 =	vadd.f32 v8, v2  }
0x469: {  	v14 =	vld [tilespmem:s6+$0xFFFFFF20];
	[tilespmem:s5+$0xFFFFFF50] =	vst v11;
	v11 =	vadd.f32 v12, v2  }
0x46a: {  	v12 =	vadd.f32 v13, v7;
	v13 =	vld [tilespmem:s10+$0xFFFFFF60];
	[tilespmem:s5+$0xFFFFFFD0] =	vst v8  }
0x46b: {  	v8 =	vld [tilespmem:s10+$0xFFFFFFE0];
	[tilespmem:s5+$0x50] =	vst v11;
	v10 =	vadd.f32 v10, v1  }
0x46c: {  	v11 =	vadd.f32 v15, v7;
	[tilespmem:s11+$0xA0] =	vst v12;
	v15 =	vld [tilespmem:s10+$0x60]  }
0x46d: {  	v9 =	vadd.f32 v9, v7;
	v16 =	vld [tilespmem:s6+$0xB0];
	[tilespmem:s5+$0xE0] =	vst v10  }
0x46e: {  	v10 =	vadd.f32 v14, v7;
	[tilespmem:s11+$0xFFFFFFA0] =	vst v11;
	v11 =	vld [tilespmem:s10+$0xF0]  }
0x46f: {  	v14 =	vld [tilespmem:s6+$0xFFFFFFB0];
	[tilespmem:s11+$0x20] =	vst v9;
	v9 =	vadd.f32 v13, v1  }
.Ltmp8:
0x470: {  	[tilespmem:s11+$0xFFFFFF20] =	vst v10;
	v12 =	vld [tilespmem:s6+$0x30];
	v8 =	vadd.f32 v8, v1;
	(pc) =	sbr.rel @p0 .LBB2_18-.Ltmp8, $4  }
0x471: {  	v13 =	vld [tilespmem:s6+$0xFFFFFF30];
	[tilespmem:s5+$0xFFFFFF60] =	vst v9;
	v10 =	vadd.f32 v15, v1  }
0x472: {  	v15 =	vadd.f32 v16, v5;
	v9 =	vld [tilespmem:s10+$0xFFFFFF70];
	[tilespmem:s5+$0xFFFFFFE0] =	vst v8  }
0x473: {  	v8 =	vld [tilespmem:s10+$0xFFFFFFF0];
	[tilespmem:s5+$0x60] =	vst v10;
	v11 =	vadd.f32 v11, v0  }
0x474: {  	v14 =	vadd.f32 v14, v5;
	[tilespmem:s11+$0xB0] =	vst v15;
	v10 =	vld [tilespmem:s10+$0x70];
	s10 =	smov.u32 s6;
	s6 =	sadd.s32 $0x200, s6  }
0x475: {  	_ = 	snop  }
0x476: {  	v4 =	vadd.f32 v13, v5  }
0x477: {  	v6 =	vld [tilespmem:s10+$0xC0];
	v5 =	vadd.f32 v12, v5;
	[tilespmem:s11+$0xFFFFFFB0] =	vst v14  }
0x478: {  	[tilespmem:s11+$0xFFFFFF30] =	vst v4  }
0x479: {  	[tilespmem:s11+$0x30] =	vst v5;
	v5 =	vld [tilespmem:s10+$0xFFFFFFC0]  }
0x47a: {  	v4 =	vld [tilespmem:s10+$0xFFFFFF40]  }
0x47b: {  	v7 =	vld [tilespmem:s10+$0x40]  }
0x47c: {  	v6 =	vadd.f32 v6, v3;
	_ =	sdelay $0x1  }
0x47d: {  	[tilespmem:s11+$0xC0] =	vst v6;
	v5 =	vadd.f32 v5, v3  }
0x47e: {  	v6 =	vld [tilespmem:s10+$0xD0];
	v4 =	vadd.f32 v4, v3  }
0x47f: {  	v3 =	vadd.f32 v7, v3;
	[tilespmem:s11+$0xFFFFFFC0] =	vst v5  }
0x480: {  	[tilespmem:s11+$0xFFFFFF40] =	vst v4;
	v5 =	vld [tilespmem:s10+$0xFFFFFFD0]  }
0x481: {  	[tilespmem:s11+$0x40] =	vst v3;
	v4 =	vld [tilespmem:s10+$0xFFFFFF50]  }
0x482: {  	v3 =	vld [tilespmem:s10+$0x50]  }
0x483: {  	v6 =	vadd.f32 v6, v2;
	_ =	sdelay $0x1  }
0x484: {  	[tilespmem:s11+$0xD0] =	vst v6;
	v5 =	vadd.f32 v5, v2  }
0x485: {  	v6 =	vld [tilespmem:s10+$0xE0];
	v4 =	vadd.f32 v4, v2  }
0x486: {  	v2 =	vadd.f32 v3, v2;
	[tilespmem:s11+$0xFFFFFFD0] =	vst v5  }
0x487: {  	[tilespmem:s11+$0xFFFFFF50] =	vst v4;
	v4 =	vld [tilespmem:s10+$0xFFFFFFE0]  }
0x488: {  	[tilespmem:s11+$0x50] =	vst v2;
	v3 =	vld [tilespmem:s10+$0xFFFFFF60]  }
0x489: {  	v2 =	vld [tilespmem:s10+$0x60]  }
0x48a: {  	v5 =	vadd.f32 v6, v1;
	_ =	sdelay $0x1  }
0x48b: {  	[tilespmem:s11+$0xE0] =	vst v5;
	v4 =	vadd.f32 v4, v1  }
0x48c: {  	v5 =	vld [tilespmem:s10+$0xF0];
	v3 =	vadd.f32 v3, v1  }
0x48d: {  	v1 =	vadd.f32 v2, v1;
	[tilespmem:s11+$0xFFFFFFE0] =	vst v4  }
0x48e: {  	[tilespmem:s11+$0xFFFFFF60] =	vst v3;
	v4 =	vld [tilespmem:s10+$0xFFFFFFF0]  }
0x48f: {  	[tilespmem:s11+$0x60] =	vst v1;
	v1 =	vadd.f32 v8, v0;
	v2 =	vld [tilespmem:s10+$0xFFFFFF70]  }
0x490: {  	[tilespmem:s5+$0xF0] =	vst v11;
	v3 =	vadd.f32 v9, v0;
	v6 =	vld [tilespmem:s10+$0x70]  }
0x491: {  	[tilespmem:s5+$0xFFFFFFF0] =	vst v1;
	v1 =	vadd.f32 v5, v0  }
0x492: {  	[tilespmem:s5+$0xFFFFFF70] =	vst v3;
	v3 =	vadd.f32 v10, v0  }
0x493: {  	[tilespmem:s11+$0xF0] =	vst v1;
	v1 =	vadd.f32 v4, v0  }
0x494: {  	[tilespmem:s5+$0x70] =	vst v3;
	v2 =	vadd.f32 v2, v0  }
0x495: {  	v0 =	vadd.f32 v6, v0;
	[tilespmem:s11+$0xFFFFFFF0] =	vst v1  }
0x496: {  	[tilespmem:s11+$0xFFFFFF70] =	vst v2  }
0x497: {  	[tilespmem:s11+$0x70] =	vst v0  }
0x498: {  	s5 =	rddreg [dreg:$0x9]  }
0x499: {  	[hbm4b:s5+s4] =	stream.linear.scatter [tilespmem:s25], [sflag:$0x6], $0x4000, $0x38;
	[tilespmem:$0x1B800] =	vst v63  }
0x49a: {  	_ =	swait.ge [sflag:s18], $0x4000  }
0x49b: {  	[sflag:s18] =	ssyncset.done $0x0  }
0x49c: {  	[sflag:s18] =	ssyncadd.s32 $0xFFFFC000  }
0x49d: {  	_ =	swait.ge [sflag:s0], $0x4000  }
0x49e: {  	[sflag:s0] =	ssyncset.done $0x0  }
0x49f: {  	[sflag:s0] =	ssyncadd.s32 $0xFFFFC000  }
0x4a0: {  	v4 =	vld [tilespmem:$0x1800]  }
0x4a1: {  	v6 =	vld [tilespmem:$0x1810]  }
0x4a2: {  	v7 =	vld [tilespmem:$0x1820]  }
0x4a3: {  	s13 =	simm.s32 $0x3900;
	v5 =	vld [tilespmem:$0x1830]  }
0x4a4: {  	v8 =	vld [tilespmem:s13+$0x80]  }
0x4a5: {  	v3 =	vld [tilespmem:$0x1840]  }
0x4a6: {  	v2 =	vld [tilespmem:$0x1850]  }
0x4a7: {  	v1 =	vld [tilespmem:$0x1860]  }
0x4a8: {  	v9 =	vld [tilespmem:s13+$0xFFFFFF00]  }
0x4a9: {  	v10 =	vld [tilespmem:s13+$0xFFFFFF80];
	v8 =	vadd.f32 v8, v4  }
0x4aa: {  	s5 =	simm.s32 $0x13900;
	v11 =	vld [tilespmem:s13+$0x0]  }
0x4ab: {  	v0 =	vld [tilespmem:$0x1870];
	[tilespmem:s5+$0x80] =	vst v8  }
0x4ac: {  	v8 =	vld [tilespmem:s13+$0x90]  }
0x4ad: {  	v9 =	vadd.f32 v9, v4  }
0x4ae: {  	v10 =	vadd.f32 v10, v4  }
0x4af: {  	v11 =	vadd.f32 v11, v4;
	[tilespmem:s5+$0xFFFFFF00] =	vst v9  }
0x4b0: {  	[tilespmem:s5+$0xFFFFFF80] =	vst v10;
	v9 =	vld [tilespmem:s13+$0xFFFFFF10]  }
0x4b1: {  	[tilespmem:s5+$0x0] =	vst v11;
	v10 =	vld [tilespmem:s13+$0xFFFFFF90];
	v8 =	vadd.f32 v8, v6  }
0x4b2: {  	v11 =	vld [tilespmem:s13+$0x10]  }
0x4b3: {  	[tilespmem:s5+$0x90] =	vst v8  }
0x4b4: {  	v8 =	vld [tilespmem:s13+$0xA0]  }
0x4b5: {  	v9 =	vadd.f32 v9, v6  }
0x4b6: {  	v10 =	vadd.f32 v10, v6  }
0x4b7: {  	v11 =	vadd.f32 v11, v6;
	[tilespmem:s5+$0xFFFFFF10] =	vst v9  }
0x4b8: {  	[tilespmem:s5+$0xFFFFFF90] =	vst v10;
	v9 =	vld [tilespmem:s13+$0xFFFFFF20]  }
0x4b9: {  	[tilespmem:s5+$0x10] =	vst v11;
	v10 =	vld [tilespmem:s13+$0xFFFFFFA0];
	v8 =	vadd.f32 v8, v7  }
0x4ba: {  	v11 =	vld [tilespmem:s13+$0x20]  }
0x4bb: {  	[tilespmem:s5+$0xA0] =	vst v8  }
0x4bc: {  	v8 =	vld [tilespmem:s13+$0xB0]  }
0x4bd: {  	v9 =	vadd.f32 v9, v7  }
0x4be: {  	v10 =	vadd.f32 v10, v7  }
0x4bf: {  	v11 =	vadd.f32 v11, v7;
	[tilespmem:s5+$0xFFFFFF20] =	vst v9  }
0x4c0: {  	[tilespmem:s5+$0xFFFFFFA0] =	vst v10;
	v9 =	vld [tilespmem:s13+$0xFFFFFF30]  }
0x4c1: {  	[tilespmem:s5+$0x20] =	vst v11;
	v10 =	vld [tilespmem:s13+$0xFFFFFFB0];
	v8 =	vadd.f32 v8, v5  }
0x4c2: {  	s10 =	simm.s32 $0x3B00;
	v11 =	vld [tilespmem:s13+$0x30]  }
0x4c3: {  	[tilespmem:s5+$0xB0] =	vst v8;
	v8 =	vld [tilespmem:s10+$0x80]  }
0x4c4: {  	v12 =	vld [tilespmem:s13+$0xC0]  }
0x4c5: {  	v13 =	vld [tilespmem:s10+$0xFFFFFF80];
	v9 =	vadd.f32 v9, v5  }
0x4c6: {  	v14 =	vld [tilespmem:s10+$0x0];
	v10 =	vadd.f32 v10, v5  }
0x4c7: {  	v11 =	vadd.f32 v11, v5;
	[tilespmem:s5+$0xFFFFFF30] =	vst v9;
	v9 =	vld [tilespmem:s10+$0xFFFFFF00]  }
0x4c8: {  	[tilespmem:s5+$0xFFFFFFB0] =	vst v10;
	v10 =	vld [tilespmem:s13+$0xFFFFFF40];
	v8 =	vadd.f32 v8, v4  }
0x4c9: {  	s11 =	simm.s32 $0x13B00;
	[tilespmem:s5+$0x30] =	vst v11;
	v11 =	vld [tilespmem:s13+$0xFFFFFFC0];
	v12 =	vadd.f32 v12, v3  }
0x4ca: {  	v13 =	vadd.f32 v13, v4;
	[tilespmem:s11+$0x80] =	vst v8;
	v8 =	vld [tilespmem:s13+$0x40]  }
0x4cb: {  	v14 =	vadd.f32 v14, v4;
	v15 =	vld [tilespmem:s10+$0x90];
	[tilespmem:s5+$0xC0] =	vst v12  }
0x4cc: {  	[tilespmem:s11+$0xFFFFFF80] =	vst v13;
	v9 =	vadd.f32 v9, v4;
	v12 =	vld [tilespmem:s13+$0xD0]  }
0x4cd: {  	[tilespmem:s11+$0x0] =	vst v14;
	v13 =	vld [tilespmem:s10+$0xFFFFFF90];
	v10 =	vadd.f32 v10, v3  }
0x4ce: {  	v11 =	vadd.f32 v11, v3;
	[tilespmem:s11+$0xFFFFFF00] =	vst v9;
	v9 =	vld [tilespmem:s10+$0x10]  }
0x4cf: {  	v14 =	vld [tilespmem:s10+$0xFFFFFF10];
	[tilespmem:s5+$0xFFFFFF40] =	vst v10;
	v8 =	vadd.f32 v8, v3  }
0x4d0: {  	[tilespmem:s5+$0xFFFFFFC0] =	vst v11;
	v10 =	vadd.f32 v15, v6;
	v15 =	vld [tilespmem:s13+$0xFFFFFF50]  }
0x4d1: {  	v11 =	vld [tilespmem:s13+$0xFFFFFFD0];
	[tilespmem:s5+$0x40] =	vst v8;
	v8 =	vadd.f32 v12, v2  }
0x4d2: {  	v12 =	vadd.f32 v13, v6;
	[tilespmem:s11+$0x90] =	vst v10;
	v10 =	vld [tilespmem:s13+$0x50]  }
0x4d3: {  	v9 =	vadd.f32 v9, v6;
	v13 =	vld [tilespmem:s10+$0xA0];
	[tilespmem:s5+$0xD0] =	vst v8  }
0x4d4: {  	v8 =	vadd.f32 v14, v6;
	[tilespmem:s11+$0xFFFFFF90] =	vst v12;
	v12 =	vld [tilespmem:s13+$0xE0]  }
0x4d5: {  	[tilespmem:s11+$0x10] =	vst v9;
	v14 =	vld [tilespmem:s10+$0xFFFFFFA0];
	v9 =	vadd.f32 v15, v2  }
0x4d6: {  	v11 =	vadd.f32 v11, v2;
	[tilespmem:s11+$0xFFFFFF10] =	vst v8;
	v8 =	vld [tilespmem:s10+$0x20]  }
0x4d7: {  	v15 =	vld [tilespmem:s10+$0xFFFFFF20];
	[tilespmem:s5+$0xFFFFFF50] =	vst v9;
	v9 =	vadd.f32 v10, v2  }
0x4d8: {  	[tilespmem:s5+$0xFFFFFFD0] =	vst v11;
	v10 =	vadd.f32 v13, v7;
	v13 =	vld [tilespmem:s13+$0xFFFFFF60]  }
0x4d9: {  	v11 =	vld [tilespmem:s13+$0xFFFFFFE0];
	[tilespmem:s5+$0x50] =	vst v9;
	v9 =	vadd.f32 v12, v1  }
0x4da: {  	v12 =	vadd.f32 v14, v7;
	[tilespmem:s11+$0xA0] =	vst v10;
	v10 =	vld [tilespmem:s13+$0x60]  }
0x4db: {  	v8 =	vadd.f32 v8, v7;
	v14 =	vld [tilespmem:s10+$0xB0];
	[tilespmem:s5+$0xE0] =	vst v9  }
0x4dc: {  	v9 =	vadd.f32 v15, v7;
	[tilespmem:s11+$0xFFFFFFA0] =	vst v12;
	v15 =	vld [tilespmem:s13+$0xF0]  }
0x4dd: {  	v16 =	vld [tilespmem:s10+$0xFFFFFFB0];
	[tilespmem:s11+$0x20] =	vst v8;
	v8 =	vadd.f32 v13, v1  }
0x4de: {  	v11 =	vadd.f32 v11, v1;
	[tilespmem:s11+$0xFFFFFF20] =	vst v9;
	v12 =	vld [tilespmem:s10+$0x30]  }
0x4df: {  	v13 =	vld [tilespmem:s10+$0xFFFFFF30];
	[tilespmem:s5+$0xFFFFFF60] =	vst v8;
	v10 =	vadd.f32 v10, v1  }
0x4e0: {  	[tilespmem:s5+$0xFFFFFFE0] =	vst v11;
	v17 =	vadd.f32 v14, v5;
	v9 =	vld [tilespmem:s13+$0xFFFFFF70]  }
0x4e1: {  	v8 =	vld [tilespmem:s13+$0xFFFFFFF0];
	[tilespmem:s5+$0x60] =	vst v10;
	v11 =	vadd.f32 v15, v0  }
0x4e2: {  	s12 =	simm.s32 $0x4;
	s6 =	simm.s32 $0x3D00;
	v14 =	vadd.f32 v16, v5;
	[tilespmem:s11+$0xB0] =	vst v17;
	v10 =	vld [tilespmem:s13+$0x70]  }
.LBB2_20:
0x4e3: {  	v15 =	vld [tilespmem:s6+$0x80];
	v12 =	vadd.f32 v12, v5;
	[tilespmem:s5+$0xF0] =	vst v11  }
0x4e4: {  	s12 =	sadd.s32 $0x4, s12;
	v11 =	vadd.f32 v13, v5;
	[tilespmem:s11+$0xFFFFFFB0] =	vst v14;
	v13 =	vld [tilespmem:s10+$0xC0]  }
0x4e5: {  	p0 =	slt.u32 s12, $0x7C;
	v14 =	vld [tilespmem:s6+$0xFFFFFF80];
	[tilespmem:s11+$0x30] =	vst v12;
	v9 =	vadd.f32 v9, v0  }
0x4e6: {  	v12 =	vld [tilespmem:s6+$0x0];
	[tilespmem:s11+$0xFFFFFF30] =	vst v11;
	v8 =	vadd.f32 v8, v0  }
0x4e7: {  	v11 =	vld [tilespmem:s6+$0xFFFFFF00];
	[tilespmem:s5+$0xFFFFFF70] =	vst v9;
	v9 =	vadd.f32 v10, v0  }
0x4e8: {  	v10 =	vadd.f32 v15, v4;
	v15 =	vld [tilespmem:s10+$0xFFFFFF40];
	[tilespmem:s5+$0xFFFFFFF0] =	vst v8  }
0x4e9: {  	v8 =	vld [tilespmem:s10+$0xFFFFFFC0];
	v13 =	vadd.f32 v13, v3;
	[tilespmem:s5+$0x70] =	vst v9;
	s5 =	smov.u32 s11;
	s11 =	sadd.s32 $0x200, s11  }
0x4ea: {  	v9 =	vadd.f32 v14, v4;
	[tilespmem:s11+$0x80] =	vst v10;
	v10 =	vld [tilespmem:s10+$0x40]  }
0x4eb: {  	v12 =	vadd.f32 v12, v4;
	v14 =	vld [tilespmem:s6+$0x90];
	[tilespmem:s5+$0xC0] =	vst v13  }
0x4ec: {  	v11 =	vadd.f32 v11, v4;
	[tilespmem:s11+$0xFFFFFF80] =	vst v9;
	v9 =	vld [tilespmem:s10+$0xD0]  }
0x4ed: {  	v13 =	vld [tilespmem:s6+$0xFFFFFF90];
	[tilespmem:s11+$0x0] =	vst v12;
	v12 =	vadd.f32 v15, v3  }
0x4ee: {  	[tilespmem:s11+$0xFFFFFF00] =	vst v11;
	v11 =	vld [tilespmem:s6+$0x10];
	v8 =	vadd.f32 v8, v3  }
0x4ef: {  	v15 =	vld [tilespmem:s6+$0xFFFFFF10];
	[tilespmem:s5+$0xFFFFFF40] =	vst v12;
	v10 =	vadd.f32 v10, v3  }
0x4f0: {  	v12 =	vadd.f32 v14, v6;
	v14 =	vld [tilespmem:s10+$0xFFFFFF50];
	[tilespmem:s5+$0xFFFFFFC0] =	vst v8  }
0x4f1: {  	v8 =	vld [tilespmem:s10+$0xFFFFFFD0];
	[tilespmem:s5+$0x40] =	vst v10;
	v9 =	vadd.f32 v9, v2  }
0x4f2: {  	v10 =	vadd.f32 v13, v6;
	[tilespmem:s11+$0x90] =	vst v12;
	v12 =	vld [tilespmem:s10+$0x50]  }
0x4f3: {  	v11 =	vadd.f32 v11, v6;
	v13 =	vld [tilespmem:s6+$0xA0];
	[tilespmem:s5+$0xD0] =	vst v9  }
0x4f4: {  	v9 =	vadd.f32 v15, v6;
	[tilespmem:s11+$0xFFFFFF90] =	vst v10;
	v10 =	vld [tilespmem:s10+$0xE0]  }
0x4f5: {  	v15 =	vld [tilespmem:s6+$0xFFFFFFA0];
	[tilespmem:s11+$0x10] =	vst v11;
	v11 =	vadd.f32 v14, v2  }
0x4f6: {  	[tilespmem:s11+$0xFFFFFF10] =	vst v9;
	v9 =	vld [tilespmem:s6+$0x20];
	v8 =	vadd.f32 v8, v2  }
0x4f7: {  	v14 =	vld [tilespmem:s6+$0xFFFFFF20];
	[tilespmem:s5+$0xFFFFFF50] =	vst v11;
	v11 =	vadd.f32 v12, v2  }
0x4f8: {  	v12 =	vadd.f32 v13, v7;
	v13 =	vld [tilespmem:s10+$0xFFFFFF60];
	[tilespmem:s5+$0xFFFFFFD0] =	vst v8  }
0x4f9: {  	v8 =	vld [tilespmem:s10+$0xFFFFFFE0];
	[tilespmem:s5+$0x50] =	vst v11;
	v10 =	vadd.f32 v10, v1  }
0x4fa: {  	v11 =	vadd.f32 v15, v7;
	[tilespmem:s11+$0xA0] =	vst v12;
	v15 =	vld [tilespmem:s10+$0x60]  }
0x4fb: {  	v9 =	vadd.f32 v9, v7;
	v16 =	vld [tilespmem:s6+$0xB0];
	[tilespmem:s5+$0xE0] =	vst v10  }
0x4fc: {  	v10 =	vadd.f32 v14, v7;
	[tilespmem:s11+$0xFFFFFFA0] =	vst v11;
	v11 =	vld [tilespmem:s10+$0xF0]  }
0x4fd: {  	v14 =	vld [tilespmem:s6+$0xFFFFFFB0];
	[tilespmem:s11+$0x20] =	vst v9;
	v9 =	vadd.f32 v13, v1  }
.Ltmp9:
0x4fe: {  	[tilespmem:s11+$0xFFFFFF20] =	vst v10;
	v12 =	vld [tilespmem:s6+$0x30];
	v8 =	vadd.f32 v8, v1;
	(pc) =	sbr.rel @p0 .LBB2_20-.Ltmp9, $4  }
0x4ff: {  	v13 =	vld [tilespmem:s6+$0xFFFFFF30];
	[tilespmem:s5+$0xFFFFFF60] =	vst v9;
	v10 =	vadd.f32 v15, v1  }
0x500: {  	v15 =	vadd.f32 v16, v5;
	v9 =	vld [tilespmem:s10+$0xFFFFFF70];
	[tilespmem:s5+$0xFFFFFFE0] =	vst v8  }
0x501: {  	v8 =	vld [tilespmem:s10+$0xFFFFFFF0];
	[tilespmem:s5+$0x60] =	vst v10;
	v11 =	vadd.f32 v11, v0  }
0x502: {  	v14 =	vadd.f32 v14, v5;
	[tilespmem:s11+$0xB0] =	vst v15;
	v10 =	vld [tilespmem:s10+$0x70];
	s10 =	smov.u32 s6;
	s6 =	sadd.s32 $0x200, s6  }
0x503: {  	_ = 	snop  }
0x504: {  	v4 =	vadd.f32 v13, v5  }
0x505: {  	v6 =	vld [tilespmem:s10+$0xC0];
	v5 =	vadd.f32 v12, v5;
	[tilespmem:s11+$0xFFFFFFB0] =	vst v14  }
0x506: {  	[tilespmem:s11+$0xFFFFFF30] =	vst v4  }
0x507: {  	[tilespmem:s11+$0x30] =	vst v5;
	v5 =	vld [tilespmem:s10+$0xFFFFFFC0]  }
0x508: {  	v4 =	vld [tilespmem:s10+$0xFFFFFF40]  }
0x509: {  	v7 =	vld [tilespmem:s10+$0x40]  }
0x50a: {  	v6 =	vadd.f32 v6, v3;
	_ =	sdelay $0x1  }
0x50b: {  	[tilespmem:s11+$0xC0] =	vst v6;
	v5 =	vadd.f32 v5, v3  }
0x50c: {  	v6 =	vld [tilespmem:s10+$0xD0];
	v4 =	vadd.f32 v4, v3  }
0x50d: {  	v3 =	vadd.f32 v7, v3;
	[tilespmem:s11+$0xFFFFFFC0] =	vst v5  }
0x50e: {  	[tilespmem:s11+$0xFFFFFF40] =	vst v4;
	v5 =	vld [tilespmem:s10+$0xFFFFFFD0]  }
0x50f: {  	[tilespmem:s11+$0x40] =	vst v3;
	v4 =	vld [tilespmem:s10+$0xFFFFFF50]  }
0x510: {  	v3 =	vld [tilespmem:s10+$0x50]  }
0x511: {  	v6 =	vadd.f32 v6, v2;
	_ =	sdelay $0x1  }
0x512: {  	[tilespmem:s11+$0xD0] =	vst v6;
	v5 =	vadd.f32 v5, v2  }
0x513: {  	v6 =	vld [tilespmem:s10+$0xE0];
	v4 =	vadd.f32 v4, v2  }
0x514: {  	v2 =	vadd.f32 v3, v2;
	[tilespmem:s11+$0xFFFFFFD0] =	vst v5  }
0x515: {  	[tilespmem:s11+$0xFFFFFF50] =	vst v4;
	v4 =	vld [tilespmem:s10+$0xFFFFFFE0]  }
0x516: {  	[tilespmem:s11+$0x50] =	vst v2;
	v3 =	vld [tilespmem:s10+$0xFFFFFF60]  }
0x517: {  	v2 =	vld [tilespmem:s10+$0x60]  }
0x518: {  	v5 =	vadd.f32 v6, v1;
	_ =	sdelay $0x1  }
0x519: {  	[tilespmem:s11+$0xE0] =	vst v5;
	v4 =	vadd.f32 v4, v1  }
0x51a: {  	v5 =	vld [tilespmem:s10+$0xF0];
	v3 =	vadd.f32 v3, v1  }
0x51b: {  	v1 =	vadd.f32 v2, v1;
	[tilespmem:s11+$0xFFFFFFE0] =	vst v4  }
0x51c: {  	[tilespmem:s11+$0xFFFFFF60] =	vst v3;
	v4 =	vld [tilespmem:s10+$0xFFFFFFF0]  }
0x51d: {  	[tilespmem:s11+$0x60] =	vst v1;
	v1 =	vadd.f32 v8, v0;
	v2 =	vld [tilespmem:s10+$0xFFFFFF70]  }
0x51e: {  	[tilespmem:s5+$0xF0] =	vst v11;
	v3 =	vadd.f32 v9, v0;
	v6 =	vld [tilespmem:s10+$0x70]  }
0x51f: {  	[tilespmem:s5+$0xFFFFFFF0] =	vst v1;
	v1 =	vadd.f32 v5, v0  }
0x520: {  	[tilespmem:s5+$0xFFFFFF70] =	vst v3;
	v3 =	vadd.f32 v10, v0  }
0x521: {  	[tilespmem:s11+$0xF0] =	vst v1;
	v1 =	vadd.f32 v4, v0  }
0x522: {  	[tilespmem:s5+$0x70] =	vst v3;
	v2 =	vadd.f32 v2, v0  }
0x523: {  	v0 =	vadd.f32 v6, v0;
	[tilespmem:s11+$0xFFFFFFF0] =	vst v1  }
0x524: {  	[tilespmem:s11+$0xFFFFFF70] =	vst v2  }
0x525: {  	[tilespmem:s11+$0x70] =	vst v0  }
0x526: {  	s5 =	rddreg [dreg:$0xa]  }
0x527: {  	[hbm4b:s5+s4] =	stream.linear.scatter [tilespmem:s19], [sflag:$0x5], $0x4000, $0x38;
	[tilespmem:$0x1B800] =	vst v63  }
0x528: {  	_ =	swait.ge [sflag:s22], $0x4000  }
0x529: {  	[sflag:s22] =	ssyncset.done $0x0  }
0x52a: {  	[sflag:s22] =	ssyncadd.s32 $0xFFFFC000  }
0x52b: {  	_ =	swait.ge [sflag:s3], $0x4000  }
0x52c: {  	[sflag:s3] =	ssyncset.done $0x0  }
0x52d: {  	[sflag:s3] =	ssyncadd.s32 $0xFFFFC000  }
0x52e: {  	v4 =	vld [tilespmem:$0x1880]  }
0x52f: {  	v6 =	vld [tilespmem:$0x1890]  }
0x530: {  	v7 =	vld [tilespmem:$0x18A0]  }
0x531: {  	s13 =	simm.s32 $0x7900;
	v5 =	vld [tilespmem:$0x18B0]  }
0x532: {  	v8 =	vld [tilespmem:s13+$0x80]  }
0x533: {  	v3 =	vld [tilespmem:$0x18C0]  }
0x534: {  	v2 =	vld [tilespmem:$0x18D0]  }
0x535: {  	v1 =	vld [tilespmem:$0x18E0]  }
0x536: {  	v9 =	vld [tilespmem:s13+$0xFFFFFF00]  }
0x537: {  	v10 =	vld [tilespmem:s13+$0xFFFFFF80];
	v8 =	vadd.f32 v8, v4  }
0x538: {  	s5 =	simm.s32 $0x17900;
	v11 =	vld [tilespmem:s13+$0x0]  }
0x539: {  	v0 =	vld [tilespmem:$0x18F0];
	[tilespmem:s5+$0x80] =	vst v8  }
0x53a: {  	v8 =	vld [tilespmem:s13+$0x90]  }
0x53b: {  	v9 =	vadd.f32 v9, v4  }
0x53c: {  	v10 =	vadd.f32 v10, v4  }
0x53d: {  	v11 =	vadd.f32 v11, v4;
	[tilespmem:s5+$0xFFFFFF00] =	vst v9  }
0x53e: {  	[tilespmem:s5+$0xFFFFFF80] =	vst v10;
	v9 =	vld [tilespmem:s13+$0xFFFFFF10]  }
0x53f: {  	[tilespmem:s5+$0x0] =	vst v11;
	v10 =	vld [tilespmem:s13+$0xFFFFFF90];
	v8 =	vadd.f32 v8, v6  }
0x540: {  	v11 =	vld [tilespmem:s13+$0x10]  }
0x541: {  	[tilespmem:s5+$0x90] =	vst v8  }
0x542: {  	v8 =	vld [tilespmem:s13+$0xA0]  }
0x543: {  	v9 =	vadd.f32 v9, v6  }
0x544: {  	v10 =	vadd.f32 v10, v6  }
0x545: {  	v11 =	vadd.f32 v11, v6;
	[tilespmem:s5+$0xFFFFFF10] =	vst v9  }
0x546: {  	[tilespmem:s5+$0xFFFFFF90] =	vst v10;
	v9 =	vld [tilespmem:s13+$0xFFFFFF20]  }
0x547: {  	[tilespmem:s5+$0x10] =	vst v11;
	v10 =	vld [tilespmem:s13+$0xFFFFFFA0];
	v8 =	vadd.f32 v8, v7  }
0x548: {  	v11 =	vld [tilespmem:s13+$0x20]  }
0x549: {  	[tilespmem:s5+$0xA0] =	vst v8  }
0x54a: {  	v8 =	vld [tilespmem:s13+$0xB0]  }
0x54b: {  	v9 =	vadd.f32 v9, v7  }
0x54c: {  	v10 =	vadd.f32 v10, v7  }
0x54d: {  	v11 =	vadd.f32 v11, v7;
	[tilespmem:s5+$0xFFFFFF20] =	vst v9  }
0x54e: {  	[tilespmem:s5+$0xFFFFFFA0] =	vst v10;
	v9 =	vld [tilespmem:s13+$0xFFFFFF30]  }
0x54f: {  	[tilespmem:s5+$0x20] =	vst v11;
	v10 =	vld [tilespmem:s13+$0xFFFFFFB0];
	v8 =	vadd.f32 v8, v5  }
0x550: {  	s10 =	simm.s32 $0x7B00;
	v11 =	vld [tilespmem:s13+$0x30]  }
0x551: {  	[tilespmem:s5+$0xB0] =	vst v8;
	v8 =	vld [tilespmem:s10+$0x80]  }
0x552: {  	v12 =	vld [tilespmem:s13+$0xC0]  }
0x553: {  	v13 =	vld [tilespmem:s10+$0xFFFFFF80];
	v9 =	vadd.f32 v9, v5  }
0x554: {  	v14 =	vld [tilespmem:s10+$0x0];
	v10 =	vadd.f32 v10, v5  }
0x555: {  	v11 =	vadd.f32 v11, v5;
	[tilespmem:s5+$0xFFFFFF30] =	vst v9;
	v9 =	vld [tilespmem:s10+$0xFFFFFF00]  }
0x556: {  	[tilespmem:s5+$0xFFFFFFB0] =	vst v10;
	v10 =	vld [tilespmem:s13+$0xFFFFFF40];
	v8 =	vadd.f32 v8, v4  }
0x557: {  	s11 =	simm.s32 $0x17B00;
	[tilespmem:s5+$0x30] =	vst v11;
	v11 =	vld [tilespmem:s13+$0xFFFFFFC0];
	v12 =	vadd.f32 v12, v3  }
0x558: {  	v13 =	vadd.f32 v13, v4;
	[tilespmem:s11+$0x80] =	vst v8;
	v8 =	vld [tilespmem:s13+$0x40]  }
0x559: {  	v14 =	vadd.f32 v14, v4;
	v15 =	vld [tilespmem:s10+$0x90];
	[tilespmem:s5+$0xC0] =	vst v12  }
0x55a: {  	[tilespmem:s11+$0xFFFFFF80] =	vst v13;
	v9 =	vadd.f32 v9, v4;
	v12 =	vld [tilespmem:s13+$0xD0]  }
0x55b: {  	[tilespmem:s11+$0x0] =	vst v14;
	v13 =	vld [tilespmem:s10+$0xFFFFFF90];
	v10 =	vadd.f32 v10, v3  }
0x55c: {  	v11 =	vadd.f32 v11, v3;
	[tilespmem:s11+$0xFFFFFF00] =	vst v9;
	v9 =	vld [tilespmem:s10+$0x10]  }
0x55d: {  	v14 =	vld [tilespmem:s10+$0xFFFFFF10];
	[tilespmem:s5+$0xFFFFFF40] =	vst v10;
	v8 =	vadd.f32 v8, v3  }
0x55e: {  	[tilespmem:s5+$0xFFFFFFC0] =	vst v11;
	v10 =	vadd.f32 v15, v6;
	v15 =	vld [tilespmem:s13+$0xFFFFFF50]  }
0x55f: {  	v11 =	vld [tilespmem:s13+$0xFFFFFFD0];
	[tilespmem:s5+$0x40] =	vst v8;
	v8 =	vadd.f32 v12, v2  }
0x560: {  	v12 =	vadd.f32 v13, v6;
	[tilespmem:s11+$0x90] =	vst v10;
	v10 =	vld [tilespmem:s13+$0x50]  }
0x561: {  	v9 =	vadd.f32 v9, v6;
	v13 =	vld [tilespmem:s10+$0xA0];
	[tilespmem:s5+$0xD0] =	vst v8  }
0x562: {  	v8 =	vadd.f32 v14, v6;
	[tilespmem:s11+$0xFFFFFF90] =	vst v12;
	v12 =	vld [tilespmem:s13+$0xE0]  }
0x563: {  	[tilespmem:s11+$0x10] =	vst v9;
	v14 =	vld [tilespmem:s10+$0xFFFFFFA0];
	v9 =	vadd.f32 v15, v2  }
0x564: {  	v11 =	vadd.f32 v11, v2;
	[tilespmem:s11+$0xFFFFFF10] =	vst v8;
	v8 =	vld [tilespmem:s10+$0x20]  }
0x565: {  	v15 =	vld [tilespmem:s10+$0xFFFFFF20];
	[tilespmem:s5+$0xFFFFFF50] =	vst v9;
	v9 =	vadd.f32 v10, v2  }
0x566: {  	[tilespmem:s5+$0xFFFFFFD0] =	vst v11;
	v10 =	vadd.f32 v13, v7;
	v13 =	vld [tilespmem:s13+$0xFFFFFF60]  }
0x567: {  	v11 =	vld [tilespmem:s13+$0xFFFFFFE0];
	[tilespmem:s5+$0x50] =	vst v9;
	v9 =	vadd.f32 v12, v1  }
0x568: {  	v12 =	vadd.f32 v14, v7;
	[tilespmem:s11+$0xA0] =	vst v10;
	v10 =	vld [tilespmem:s13+$0x60]  }
0x569: {  	v8 =	vadd.f32 v8, v7;
	v14 =	vld [tilespmem:s10+$0xB0];
	[tilespmem:s5+$0xE0] =	vst v9  }
0x56a: {  	v9 =	vadd.f32 v15, v7;
	[tilespmem:s11+$0xFFFFFFA0] =	vst v12;
	v15 =	vld [tilespmem:s13+$0xF0]  }
0x56b: {  	v16 =	vld [tilespmem:s10+$0xFFFFFFB0];
	[tilespmem:s11+$0x20] =	vst v8;
	v8 =	vadd.f32 v13, v1  }
0x56c: {  	v11 =	vadd.f32 v11, v1;
	[tilespmem:s11+$0xFFFFFF20] =	vst v9;
	v12 =	vld [tilespmem:s10+$0x30]  }
0x56d: {  	v13 =	vld [tilespmem:s10+$0xFFFFFF30];
	[tilespmem:s5+$0xFFFFFF60] =	vst v8;
	v10 =	vadd.f32 v10, v1  }
0x56e: {  	[tilespmem:s5+$0xFFFFFFE0] =	vst v11;
	v17 =	vadd.f32 v14, v5;
	v9 =	vld [tilespmem:s13+$0xFFFFFF70]  }
0x56f: {  	v8 =	vld [tilespmem:s13+$0xFFFFFFF0];
	[tilespmem:s5+$0x60] =	vst v10;
	v11 =	vadd.f32 v15, v0  }
0x570: {  	s12 =	simm.s32 $0x4;
	s6 =	simm.s32 $0x7D00;
	v14 =	vadd.f32 v16, v5;
	[tilespmem:s11+$0xB0] =	vst v17;
	v10 =	vld [tilespmem:s13+$0x70]  }
.LBB2_22:
0x571: {  	v15 =	vld [tilespmem:s6+$0x80];
	v12 =	vadd.f32 v12, v5;
	[tilespmem:s5+$0xF0] =	vst v11  }
0x572: {  	s12 =	sadd.s32 $0x4, s12;
	v11 =	vadd.f32 v13, v5;
	[tilespmem:s11+$0xFFFFFFB0] =	vst v14;
	v13 =	vld [tilespmem:s10+$0xC0]  }
0x573: {  	p0 =	slt.u32 s12, $0x7C;
	v14 =	vld [tilespmem:s6+$0xFFFFFF80];
	[tilespmem:s11+$0x30] =	vst v12;
	v9 =	vadd.f32 v9, v0  }
0x574: {  	v12 =	vld [tilespmem:s6+$0x0];
	[tilespmem:s11+$0xFFFFFF30] =	vst v11;
	v8 =	vadd.f32 v8, v0  }
0x575: {  	v11 =	vld [tilespmem:s6+$0xFFFFFF00];
	[tilespmem:s5+$0xFFFFFF70] =	vst v9;
	v9 =	vadd.f32 v10, v0  }
0x576: {  	v10 =	vadd.f32 v15, v4;
	v15 =	vld [tilespmem:s10+$0xFFFFFF40];
	[tilespmem:s5+$0xFFFFFFF0] =	vst v8  }
0x577: {  	v8 =	vld [tilespmem:s10+$0xFFFFFFC0];
	v13 =	vadd.f32 v13, v3;
	[tilespmem:s5+$0x70] =	vst v9;
	s5 =	smov.u32 s11;
	s11 =	sadd.s32 $0x200, s11  }
0x578: {  	v9 =	vadd.f32 v14, v4;
	[tilespmem:s11+$0x80] =	vst v10;
	v10 =	vld [tilespmem:s10+$0x40]  }
0x579: {  	v12 =	vadd.f32 v12, v4;
	v14 =	vld [tilespmem:s6+$0x90];
	[tilespmem:s5+$0xC0] =	vst v13  }
0x57a: {  	v11 =	vadd.f32 v11, v4;
	[tilespmem:s11+$0xFFFFFF80] =	vst v9;
	v9 =	vld [tilespmem:s10+$0xD0]  }
0x57b: {  	v13 =	vld [tilespmem:s6+$0xFFFFFF90];
	[tilespmem:s11+$0x0] =	vst v12;
	v12 =	vadd.f32 v15, v3  }
0x57c: {  	[tilespmem:s11+$0xFFFFFF00] =	vst v11;
	v11 =	vld [tilespmem:s6+$0x10];
	v8 =	vadd.f32 v8, v3  }
0x57d: {  	v15 =	vld [tilespmem:s6+$0xFFFFFF10];
	[tilespmem:s5+$0xFFFFFF40] =	vst v12;
	v10 =	vadd.f32 v10, v3  }
0x57e: {  	v12 =	vadd.f32 v14, v6;
	v14 =	vld [tilespmem:s10+$0xFFFFFF50];
	[tilespmem:s5+$0xFFFFFFC0] =	vst v8  }
0x57f: {  	v8 =	vld [tilespmem:s10+$0xFFFFFFD0];
	[tilespmem:s5+$0x40] =	vst v10;
	v9 =	vadd.f32 v9, v2  }
0x580: {  	v10 =	vadd.f32 v13, v6;
	[tilespmem:s11+$0x90] =	vst v12;
	v12 =	vld [tilespmem:s10+$0x50]  }
0x581: {  	v11 =	vadd.f32 v11, v6;
	v13 =	vld [tilespmem:s6+$0xA0];
	[tilespmem:s5+$0xD0] =	vst v9  }
0x582: {  	v9 =	vadd.f32 v15, v6;
	[tilespmem:s11+$0xFFFFFF90] =	vst v10;
	v10 =	vld [tilespmem:s10+$0xE0]  }
0x583: {  	v15 =	vld [tilespmem:s6+$0xFFFFFFA0];
	[tilespmem:s11+$0x10] =	vst v11;
	v11 =	vadd.f32 v14, v2  }
0x584: {  	[tilespmem:s11+$0xFFFFFF10] =	vst v9;
	v9 =	vld [tilespmem:s6+$0x20];
	v8 =	vadd.f32 v8, v2  }
0x585: {  	v14 =	vld [tilespmem:s6+$0xFFFFFF20];
	[tilespmem:s5+$0xFFFFFF50] =	vst v11;
	v11 =	vadd.f32 v12, v2  }
0x586: {  	v12 =	vadd.f32 v13, v7;
	v13 =	vld [tilespmem:s10+$0xFFFFFF60];
	[tilespmem:s5+$0xFFFFFFD0] =	vst v8  }
0x587: {  	v8 =	vld [tilespmem:s10+$0xFFFFFFE0];
	[tilespmem:s5+$0x50] =	vst v11;
	v10 =	vadd.f32 v10, v1  }
0x588: {  	v11 =	vadd.f32 v15, v7;
	[tilespmem:s11+$0xA0] =	vst v12;
	v15 =	vld [tilespmem:s10+$0x60]  }
0x589: {  	v9 =	vadd.f32 v9, v7;
	v16 =	vld [tilespmem:s6+$0xB0];
	[tilespmem:s5+$0xE0] =	vst v10  }
0x58a: {  	v10 =	vadd.f32 v14, v7;
	[tilespmem:s11+$0xFFFFFFA0] =	vst v11;
	v11 =	vld [tilespmem:s10+$0xF0]  }
0x58b: {  	v14 =	vld [tilespmem:s6+$0xFFFFFFB0];
	[tilespmem:s11+$0x20] =	vst v9;
	v9 =	vadd.f32 v13, v1  }
.Ltmp10:
0x58c: {  	[tilespmem:s11+$0xFFFFFF20] =	vst v10;
	v12 =	vld [tilespmem:s6+$0x30];
	v8 =	vadd.f32 v8, v1;
	(pc) =	sbr.rel @p0 .LBB2_22-.Ltmp10, $4  }
0x58d: {  	v13 =	vld [tilespmem:s6+$0xFFFFFF30];
	[tilespmem:s5+$0xFFFFFF60] =	vst v9;
	v10 =	vadd.f32 v15, v1  }
0x58e: {  	v15 =	vadd.f32 v16, v5;
	v9 =	vld [tilespmem:s10+$0xFFFFFF70];
	[tilespmem:s5+$0xFFFFFFE0] =	vst v8  }
0x58f: {  	v8 =	vld [tilespmem:s10+$0xFFFFFFF0];
	[tilespmem:s5+$0x60] =	vst v10;
	v11 =	vadd.f32 v11, v0  }
0x590: {  	v14 =	vadd.f32 v14, v5;
	[tilespmem:s11+$0xB0] =	vst v15;
	v10 =	vld [tilespmem:s10+$0x70];
	s10 =	smov.u32 s6;
	s6 =	sadd.s32 $0x200, s6  }
0x591: {  	v48 =	vadd.f32 v12, v5  }
0x592: {  	v6 =	vld [tilespmem:s10+$0xC0];
	v4 =	vadd.f32 v13, v5;
	[tilespmem:s11+$0xFFFFFFB0] =	vst v14  }
0x593: {  	[tilespmem:s11+$0x30] =	vst v48;
	v49 =	vld [tilespmem:s10+$0xFFFFFFC0]  }
0x594: {  	[tilespmem:s11+$0xFFFFFF30] =	vst v4;
	v7 =	vld [tilespmem:s10+$0x40]  }
0x595: {  	v4 =	vld [tilespmem:s10+$0xFFFFFF40];
	_ =	sdelay $0x1  }
0x596: {  	v6 =	vadd.f32 v6, v3  }
0x597: {  	v5 =	vadd.f32 v49, v3  }
0x598: {  	[tilespmem:s11+$0xC0] =	vst v6;
	v50 =	vadd.f32 v7, v3  }
0x599: {  	v6 =	vld [tilespmem:s10+$0xD0];
	v4 =	vadd.f32 v4, v3;
	[tilespmem:s11+$0xFFFFFFC0] =	vst v5  }
0x59a: {  	v5 =	vld [tilespmem:s10+$0xFFFFFFD0];
	[tilespmem:s11+$0x40] =	vst v50  }
0x59b: {  	[tilespmem:s11+$0xFFFFFF40] =	vst v4;
	v3 =	vld [tilespmem:s10+$0x50]  }
0x59c: {  	v4 =	vld [tilespmem:s10+$0xFFFFFF50];
	_ =	sdelay $0x1  }
0x59d: {  	v6 =	vadd.f32 v6, v2  }
0x59e: {  	v5 =	vadd.f32 v5, v2  }
0x59f: {  	[tilespmem:s11+$0xD0] =	vst v6;
	v51 =	vadd.f32 v3, v2  }
0x5a0: {  	v6 =	vld [tilespmem:s10+$0xE0];
	v4 =	vadd.f32 v4, v2;
	[tilespmem:s11+$0xFFFFFFD0] =	vst v5  }
0x5a1: {  	v53 =	vld [tilespmem:s10+$0xFFFFFFE0];
	[tilespmem:s11+$0x50] =	vst v51  }
0x5a2: {  	[tilespmem:s11+$0xFFFFFF50] =	vst v4;
	v2 =	vld [tilespmem:s10+$0x60]  }
0x5a3: {  	v52 =	vld [tilespmem:s10+$0xFFFFFF60];
	_ =	sdelay $0x1  }
0x5a4: {  	v54 =	vadd.f32 v6, v1  }
0x5a5: {  	v4 =	vadd.f32 v53, v1  }
0x5a6: {  	[tilespmem:s11+$0xE0] =	vst v54;
	v55 =	vadd.f32 v2, v1  }
0x5a7: {  	v5 =	vld [tilespmem:s10+$0xF0];
	v3 =	vadd.f32 v52, v1;
	[tilespmem:s11+$0xFFFFFFE0] =	vst v4  }
0x5a8: {  	v4 =	vld [tilespmem:s10+$0xFFFFFFF0];
	[tilespmem:s11+$0x60] =	vst v55  }
0x5a9: {  	v57 =	vadd.f32 v9, v0;
	[tilespmem:s11+$0xFFFFFF60] =	vst v3;
	v59 =	vld [tilespmem:s10+$0x70]  }
0x5aa: {  	[tilespmem:s5+$0xF0] =	vst v11;
	v58 =	vadd.f32 v8, v0;
	v56 =	vld [tilespmem:s10+$0xFFFFFF70]  }
0x5ab: {  	[tilespmem:s5+$0xFFFFFF70] =	vst v57;
	v60 =	vadd.f32 v10, v0  }
0x5ac: {  	[tilespmem:s5+$0xFFFFFFF0] =	vst v58;
	v61 =	vadd.f32 v5, v0  }
0x5ad: {  	[tilespmem:s5+$0x70] =	vst v60;
	v62 =	vadd.f32 v4, v0  }
0x5ae: {  	[tilespmem:s11+$0xF0] =	vst v61;
	v63 =	vadd.f32 v59, v0  }
0x5af: {  	v2 =	vadd.f32 v56, v0;
	[tilespmem:s11+$0xFFFFFFF0] =	vst v62  }
0x5b0: {  	[tilespmem:s11+$0x70] =	vst v63  }
0x5b1: {  	[tilespmem:s11+$0xFFFFFF70] =	vst v2  }
0x5b2: {  	s5 =	rddreg [dreg:$0xb]  }
0x5b3: {  	[hbm4b:s5+s4] =	stream.linear.scatter [tilespmem:s25], [sflag:$0x6], $0x4000, $0x38;
	[tilespmem:$0x1B800] =	vst v63  }
0x5b4: {  	_ =	swait.ge [sflag:s0], $0x4000  }
0x5b5: {  	[sflag:s0] =	ssyncset.done $0x0  }
0x5b6: {  	[sflag:s0] =	ssyncadd.s32 $0xFFFFC000  }
0x5b7: {  	_ =	swait.ge [sflag:s3], $0x4000  }
0x5b8: {  	s28 =	sadd.s32 $0x1, s28;
	s21 =	rddreg [dreg:$0xc]  }
0x5b9: {  	p0 =	sne.s32 s28, s21  }
.Ltmp11:
0x5ba: {  	_ = 	snop;
	(pc) =	sbr.rel @p0 .LBB2_1-.Ltmp11, $3  }
0x5bb: {  	_ =	sdelay $0x1  }
0x5bc: {  	[sflag:s3] =	ssyncset.done $0x0  }
0x5bd: {  	[sflag:s3] =	ssyncadd.s32 $0xFFFFC000  }
0x5be: {  	_ =	sfence.sel $0x180000  }
0x5bf: {  	[bflag:$0x0] =	sbarrier.arrive $0xFFFF  }
0x5c0: {  	_ =	strace $0x90000047  }
0x5c1: {  	s0 =	stileid.u32;
	[bflag:$0x2] =	sbarrier.arrive $0xFFFF  }
0x5c2: {  	p0 =	sne.s32 s0, $0x0;
	s0 =	rddreg [dreg:$0x4]  }
0x5c3: {  	s0 =	sadd.s32 @!p0 $0x100000, s0  }
0x5c4: {  	[sflag:s0] =	ssyncadd.tile.s32 @!p0 $0x1;
	_ =	shalt  }
.Lfunc_end2:
_tile_overlayer_lowered:
.L_overlay_start_2:
0x5c5: {  	(tag) =	ssettag $0x2  }
0x5c6: {  	s0 =	rddreg [dreg:$0x0];
	s2 =	stileid.u32  }
0x5c7: {  	s1 =	rddreg [dreg:$0x1];
	p0 =	sne.s32 s2, $0x0  }
0x5c8: {  	s3 =	rddreg [dreg:$0x2];
	[bflag:$0x3] =	sbarrier.arrive $0xFFFF;
	s2 =	simm.s32 @!p0 $0x1C07  }
0x5c9: {  	[timem:s3], [sflag:s2] =	dma.local @!p0 [hbm:s0], s1  }
0x5ca: {  	s0 =	simm.s32 @!p0 $0x7  }
0x5cb: {  	_ =	swait.ge @!p0 [sflag:s0], s1  }
0x5cc: {  	s1 =	ssub.s32 @!p0 $0x0, s1;
	[sflag:s0] =	ssyncset.done @!p0 $0x0  }
0x5cd: {  	[sflag:s0] =	ssyncadd.s32 @!p0 s1  }
0x5ce: {  	[bflag:$0x3] =	sbarrier.arrive $0xFFFF  }
0x5cf: {  	_ =	shalt  }

</sc_bundles>
